<compile_context>
chip_gen: v7x
topology: tpu7x:2x2x1
jax: 0.10.2.dev20260603
libtpu: 0.0.44.dev20260713+nightly
codegen_flags: <defaults>
</compile_context>

<pallas_src>
import functools

import jax
import jax.numpy as jnp
from jax import lax
from jax.experimental import pallas as pl
from jax.experimental.pallas import tpu as pltpu
from jax.experimental.pallas import tpu_sc as plsc

N = 10000
E = 320000
D = 128
R = 8

NC = 2
NS = 16
LANE = 128
CH = 80
EPAD = NC * NS * CH * LANE
NPAD = 10112
BN = 1000


def _pre_body(x_ref, w_ref, lw_ref, hw_ref, loop_ref):
    x = x_ref[...]
    for r in range(R):
        hw_ref[:, r, :] = jnp.dot(x, w_ref[r], preferred_element_type=jnp.float32)
    loop_ref[...] = jnp.dot(x, lw_ref[...], preferred_element_type=jnp.float32)


_pre = pl.pallas_call(
    _pre_body,
    grid=(N // BN,),
    in_specs=[
        pl.BlockSpec((BN, D), lambda i: (i, 0)),
        pl.BlockSpec((R, D, D), lambda i: (0, 0, 0)),
        pl.BlockSpec((D, D), lambda i: (0, 0)),
    ],
    out_specs=[
        pl.BlockSpec((BN, R, D), lambda i: (i, 0, 0)),
        pl.BlockSpec((BN, D), lambda i: (i, 0)),
    ],
    out_shape=[
        jax.ShapeDtypeStruct((N, R, D), jnp.float32),
        jax.ShapeDtypeStruct((N, D), jnp.float32),
    ],
)


def _post_body(parts_ref, loop_ref, g_ref, b_ref, bias_ref, o_ref, *, act):
    aggv = parts_ref[0] + parts_ref[1]
    mean = jnp.mean(aggv, axis=-1, keepdims=True)
    xc = aggv - mean
    var = jnp.mean(xc * xc, axis=-1, keepdims=True)
    h = (xc * lax.rsqrt(var + 1e-5) * g_ref[...] + b_ref[...]
         + bias_ref[...] + loop_ref[...])
    o_ref[...] = jnp.maximum(h, 0.0) if act else h


def _make_post(act):
    return pl.pallas_call(
        functools.partial(_post_body, act=act),
        grid=(N // BN,),
        in_specs=[
            pl.BlockSpec((2, BN, D), lambda i: (0, i, 0)),
            pl.BlockSpec((BN, D), lambda i: (i, 0)),
            pl.BlockSpec((1, D), lambda i: (0, 0)),
            pl.BlockSpec((1, D), lambda i: (0, 0)),
            pl.BlockSpec((1, D), lambda i: (0, 0)),
        ],
        out_specs=pl.BlockSpec((BN, D), lambda i: (i, 0)),
        out_shape=jax.ShapeDtypeStruct((N, D), jnp.float32),
    )


_post_act = _make_post(True)
_post_noact = _make_post(False)


def _ln_h(parts_ref, loop_ref, g_ref, b_ref, bias_ref):
    aggv = parts_ref[0] + parts_ref[1]
    mean = jnp.mean(aggv, axis=-1, keepdims=True)
    xc = aggv - mean
    var = jnp.mean(xc * xc, axis=-1, keepdims=True)
    h = (xc * lax.rsqrt(var + 1e-5) * g_ref[...] + b_ref[...]
         + bias_ref[...] + loop_ref[...])
    return jnp.maximum(h, 0.0)


def _bound_hw_body(parts_ref, loop_ref, g_ref, b_ref, bias_ref, w_ref,
                   hw_ref):
    h = _ln_h(parts_ref, loop_ref, g_ref, b_ref, bias_ref)
    for r in range(R):
        hw_ref[:, r, :] = jnp.dot(h, w_ref[r], preferred_element_type=jnp.float32)


def _bound_loop_body(parts_ref, loop_ref, g_ref, b_ref, bias_ref, lw_ref,
                     lo_ref):
    h = _ln_h(parts_ref, loop_ref, g_ref, b_ref, bias_ref)
    lo_ref[...] = jnp.dot(h, lw_ref[...], preferred_element_type=jnp.float32)


_BOUND_SPECS = [
    pl.BlockSpec((2, BN, D), lambda i: (0, i, 0)),
    pl.BlockSpec((BN, D), lambda i: (i, 0)),
    pl.BlockSpec((1, D), lambda i: (0, 0)),
    pl.BlockSpec((1, D), lambda i: (0, 0)),
    pl.BlockSpec((1, D), lambda i: (0, 0)),
]

_bound_hw = pl.pallas_call(
    _bound_hw_body,
    grid=(N // BN,),
    in_specs=_BOUND_SPECS + [pl.BlockSpec((R, D, D), lambda i: (0, 0, 0))],
    out_specs=pl.BlockSpec((BN, R, D), lambda i: (i, 0, 0)),
    out_shape=jax.ShapeDtypeStruct((N, R, D), jnp.float32),
)

_bound_loop = pl.pallas_call(
    _bound_loop_body,
    grid=(N // BN,),
    in_specs=_BOUND_SPECS + [pl.BlockSpec((D, D), lambda i: (0, 0))],
    out_specs=pl.BlockSpec((BN, D), lambda i: (i, 0)),
    out_shape=jax.ShapeDtypeStruct((N, D), jnp.float32),
)


NBUF = 2
RING = 4
RINGD = 8
DLEAD = 5


def _sc_body(hw_hbm, idx_hbm, dst_hbm, zeros_hbm, out_hbm, *rest):
    pos = 0
    islots = rest[pos:pos + RING]; pos += RING
    isems = rest[pos:pos + RING]; pos += RING
    dslots = rest[pos:pos + RINGD]; pos += RINGD
    dsems = rest[pos:pos + RINGD]; pos += RINGD
    bufs = rest[pos:pos + NBUF]; pos += NBUF
    gsems = rest[pos:pos + NBUF]; pos += NBUF
    ssems = rest[pos:pos + NBUF]; pos += NBUF
    agg = rest[pos]
    c = lax.axis_index("c")
    s = lax.axis_index("s")
    zrows = NPAD // NS
    pltpu.sync_copy(zeros_hbm, agg.at[pl.ds(s * zrows, zrows)])

    def load_idx(j, i):
        pltpu.async_copy(idx_hbm.at[c, s, j], islots[i], isems[i])

    def wait_i(i):
        pltpu.make_async_copy(idx_hbm.at[c, s, 0], islots[i], isems[i]).wait()

    def load_dst(j, i):
        pltpu.async_copy(dst_hbm.at[c, s, j], dslots[i], dsems[i])

    def wait_d(i):
        pltpu.make_async_copy(dst_hbm.at[c, s, 0], dslots[i], dsems[i]).wait()

    def gather(i, b):
        pltpu.async_copy(hw_hbm.at[islots[i]], bufs[b], gsems[b])

    def wait_g(b):
        pltpu.make_async_copy(hw_hbm.at[islots[0]], bufs[b], gsems[b]).wait()

    def scatter(i, b):
        pltpu.async_copy(bufs[b], agg.at[dslots[i]], ssems[b], add=True)

    def wait_s(b):
        pltpu.make_async_copy(bufs[b], agg.at[dslots[0]], ssems[b]).wait()

    plsc.subcore_barrier()

    for i in range(RING):
        load_idx(i, i)
    for i in range(DLEAD):
        load_dst(i, i)
    wait_i(0)
    gather(0, 0)

    UN = NBUF * RINGD if RINGD % NBUF else RINGD
    assert UN % NBUF == 0 and UN % RING == 0 and UN % RINGD == 0
    assert CH % UN == 0 and DLEAD < RINGD

    def body(k, carry):
        for u in range(UN):
            j = k * UN + u

            wait_g(u % NBUF)

            @pl.when(j + RING < CH)
            def _():
                load_idx(j + RING, u % RING)

            wait_d(u % RINGD)
            scatter(u % RINGD, u % NBUF)

            @pl.when(j >= NBUF - 1)
            def _():
                wait_s((u + 1) % NBUF)

            @pl.when(j + DLEAD < CH)
            def _():
                load_dst(j + DLEAD, (u + DLEAD) % RINGD)

            @pl.when(j + 1 < CH)
            def _():
                wait_i((u + 1) % RING)
                gather((u + 1) % RING, (u + 1) % NBUF)

        return carry

    lax.fori_loop(0, CH // UN, body, 0)
    for k in range(1, NBUF):
        wait_s(k % NBUF)
    plsc.subcore_barrier()
    orows = NPAD // NS
    pltpu.sync_copy(agg.at[pl.ds(s * orows, orows)],
                    out_hbm.at[c, pl.ds(s * orows, orows)])


@functools.cache
def _get_sc_agg():
    return pl.kernel(
        _sc_body,
        out_type=jax.ShapeDtypeStruct((NC, NPAD, D), jnp.float32),
        mesh=plsc.VectorSubcoreMesh(core_axis_name="c", subcore_axis_name="s",
                                    num_cores=NC, num_subcores=NS),
        scratch_types=(
            [pltpu.VMEM((LANE,), jnp.int32) for _ in range(RING)]
            + [pltpu.SemaphoreType.DMA for _ in range(RING)]
            + [pltpu.VMEM((LANE,), jnp.int32) for _ in range(RINGD)]
            + [pltpu.SemaphoreType.DMA for _ in range(RINGD)]
            + [pltpu.VMEM((LANE, D), jnp.float32) for _ in range(NBUF)]
            + [pltpu.SemaphoreType.DMA for _ in range(2 * NBUF)]
            + [pltpu.VMEM_SHARED((NPAD, D), jnp.float32)]
        ),
    )


def kernel(feat, edge_index, etypes,
           W0, bias0, loopW0, ln_g0, ln_b0,
           W1, bias1, loopW1, ln_g1, ln_b1,
           W2, bias2, loopW2, ln_g2, ln_b2):
    src = edge_index[0]
    dst = edge_index[1]
    flat = src * R + etypes
    nw = NC * NS
    rl = E // nw
    padn = CH * LANE - rl
    karr = jnp.arange(padn, dtype=jnp.int32)
    warr = jnp.arange(nw, dtype=jnp.int32).reshape(nw, 1)
    jpt = (NPAD - N) // NS
    idx_pad = (karr * 331 + warr * 77) % (N * R)
    dst_pad = N + (warr % NS) * jpt + karr % jpt
    flat_p = jnp.concatenate([flat.reshape(nw, rl), idx_pad], axis=1)
    dst_p = jnp.concatenate([dst.reshape(nw, rl), dst_pad], axis=1)
    idx3 = flat_p.reshape(NC, NS, CH, LANE)
    dst3 = dst_p.reshape(NC, NS, CH, LANE)
    zeros = jnp.zeros((NPAD // NS, D), jnp.float32)

    sc = _get_sc_agg()
    r1 = lambda v: v.reshape(1, D)
    hw, loop = _pre(feat, W0, loopW0)
    parts = sc(hw.reshape(N * R, D), idx3, dst3, zeros)
    args0 = (parts, loop, r1(ln_g0), r1(ln_b0), r1(bias0))
    hw = _bound_hw(*args0, W1)
    loop = _bound_loop(*args0, loopW1)
    parts = sc(hw.reshape(N * R, D), idx3, dst3, zeros)
    args1 = (parts, loop, r1(ln_g1), r1(ln_b1), r1(bias1))
    hw = _bound_hw(*args1, W2)
    loop = _bound_loop(*args1, loopW2)
    parts = sc(hw.reshape(N * R, D), idx3, dst3, zeros)
    return _post_noact(parts, loop, r1(ln_g2), r1(ln_b2), r1(bias2))

# --- scband reference (transcript-rebuilt; emitter-appended) ---
"""Pipeline reference for scband-rgcnencoder-83897891160657 (READ-ONLY COPY).

The authoritative reference and input builder live on the scoring server;
editing this copy changes nothing except your own understanding.
"""

import jax, jax.numpy as jnp
import numpy as np

N = 10000
E = 320000
D = 128
R = 8


def setup_inputs(seed: int = 0) -> dict:
    key = jax.random.key(seed)
    ks = jax.random.split(key, 20)
    feat = jax.random.normal(ks[0], (N, D), dtype=jnp.float32)
    edge_index = jax.random.randint(ks[1], (2, E), 0, N, dtype=jnp.int32)
    etypes = jax.random.randint(ks[2], (E,), 0, R, dtype=jnp.int32)
    inp = {"feat": feat, "edge_index": edge_index, "etypes": etypes}
    # 3 RelGraphConv layers (in: D->D relu, hid: D->D relu, out: D->D no act), all with layer_norm, bias, self_loop
    for li in range(3):
        kW, kL = ks[3 + 2 * li], ks[4 + 2 * li]
        inp[f"W{li}"] = jax.random.normal(kW, (R, D, D), dtype=jnp.float32) * 0.05
        inp[f"bias{li}"] = jnp.zeros((D,), dtype=jnp.float32)
        inp[f"loopW{li}"] = jax.random.normal(kL, (D, D), dtype=jnp.float32) * 0.05
        inp[f"ln_g{li}"] = jnp.ones((D,), dtype=jnp.float32)
        inp[f"ln_b{li}"] = jnp.zeros((D,), dtype=jnp.float32)
    return inp


def _rel_graph_conv(feat, src, dst, etypes, W, bias, loopW, ln_g, ln_b, act):
    # message: W_{r(e)} h_{src(e)} ; compute per-node per-relation transform then gather
    hw = jnp.einsum('ni,rio->nro', feat, W)          # [N, R, D_out]
    msg = hw[src, etypes]                            # [E, D_out]
    agg = jax.ops.segment_sum(msg, dst, num_segments=N)  # sum aggregation
    # layer norm (elementwise affine)
    mean = jnp.mean(agg, axis=-1, keepdims=True)
    var = jnp.var(agg, axis=-1, keepdims=True)
    h = (agg - mean) / jnp.sqrt(var + 1e-5) * ln_g + ln_b
    # bias, then self-loop (DGL RelGraphConv order)
    h = h + bias
    h = h + feat @ loopW
    if act:
        h = jax.nn.relu(h)
    # dropout p=0.0 -> identity
    return h


def reference(feat, edge_index, etypes,
              W0, bias0, loopW0, ln_g0, ln_b0,
              W1, bias1, loopW1, ln_g1, ln_b1,
              W2, bias2, loopW2, ln_g2, ln_b2):
    src = edge_index[0]
    dst = edge_index[1]
    h = _rel_graph_conv(feat, src, dst, etypes, W0, bias0, loopW0, ln_g0, ln_b0, True)
    h = _rel_graph_conv(h, src, dst, etypes, W1, bias1, loopW1, ln_g1, ln_b1, True)
    h = _rel_graph_conv(h, src, dst, etypes, W2, bias2, loopW2, ln_g2, ln_b2, False)
    return h

if __name__ == "__main__":
    import jax
    _d = setup_inputs()
    print(jax.jit(kernel)(*tuple(_d.values())))

</pallas_src>

<mosaic_0001>
#map = affine_map<(d0, d1) -> (0, 0)>
#map1 = affine_map<(d0, d1) -> (0, 0, 0, 0)>
#map2 = affine_map<(d0, d1) -> (0, 0, 0)>
module attributes {stable_mosaic.version = 14 : i64} {
  func.func @_sc_body(%arg0: i32, %arg1: i32, %arg2: memref<80000x128xf32, #tpu.memory_space<hbm>>, %arg3: memref<2x16x80x128xi32, #tpu.memory_space<hbm>>, %arg4: memref<2x16x80x128xi32, #tpu.memory_space<hbm>>, %arg5: memref<632x128xf32, #tpu.memory_space<hbm>>, %arg6: memref<2x10112x128xf32, #tpu.memory_space<hbm>>, %arg7: memref<128xi32, #tpu.memory_space<vmem>>, %arg8: memref<128xi32, #tpu.memory_space<vmem>>, %arg9: memref<128xi32, #tpu.memory_space<vmem>>, %arg10: memref<128xi32, #tpu.memory_space<vmem>>, %arg11: memref<!tpu.dma_semaphore, #tpu.memory_space<semaphore_mem>>, %arg12: memref<!tpu.dma_semaphore, #tpu.memory_space<semaphore_mem>>, %arg13: memref<!tpu.dma_semaphore, #tpu.memory_space<semaphore_mem>>, %arg14: memref<!tpu.dma_semaphore, #tpu.memory_space<semaphore_mem>>, %arg15: memref<128xi32, #tpu.memory_space<vmem>>, %arg16: memref<128xi32, #tpu.memory_space<vmem>>, %arg17: memref<128xi32, #tpu.memory_space<vmem>>, %arg18: memref<128xi32, #tpu.memory_space<vmem>>, %arg19: memref<128xi32, #tpu.memory_space<vmem>>, %arg20: memref<128xi32, #tpu.memory_space<vmem>>, %arg21: memref<128xi32, #tpu.memory_space<vmem>>, %arg22: memref<128xi32, #tpu.memory_space<vmem>>, %arg23: memref<!tpu.dma_semaphore, #tpu.memory_space<semaphore_mem>>, %arg24: memref<!tpu.dma_semaphore, #tpu.memory_space<semaphore_mem>>, %arg25: memref<!tpu.dma_semaphore, #tpu.memory_space<semaphore_mem>>, %arg26: memref<!tpu.dma_semaphore, #tpu.memory_space<semaphore_mem>>, %arg27: memref<!tpu.dma_semaphore, #tpu.memory_space<semaphore_mem>>, %arg28: memref<!tpu.dma_semaphore, #tpu.memory_space<semaphore_mem>>, %arg29: memref<!tpu.dma_semaphore, #tpu.memory_space<semaphore_mem>>, %arg30: memref<!tpu.dma_semaphore, #tpu.memory_space<semaphore_mem>>, %arg31: memref<128x128xf32, #tpu.memory_space<vmem>>, %arg32: memref<128x128xf32, #tpu.memory_space<vmem>>, %arg33: memref<!tpu.dma_semaphore, #tpu.memory_space<semaphore_mem>>, %arg34: memref<!tpu.dma_semaphore, #tpu.memory_space<semaphore_mem>>, %arg35: memref<!tpu.dma_semaphore, #tpu.memory_space<semaphore_mem>>, %arg36: memref<!tpu.dma_semaphore, #tpu.memory_space<semaphore_mem>>, %arg37: memref<10112x128xf32, #tpu.memory_space<vmem_shared>>) attributes {dimension_semantics = [#tpu.dimension_semantics<core_parallel>, #tpu.dimension_semantics<subcore_parallel>], iteration_bounds = array<i64: 2, 16>, scalar_prefetch = 0 : i64, scratch_operands = 31 : i64, tpu.core_type = #tpu.core_type<sc_vector_subcore>, window_params = [{transform_indices = #map}, {transform_indices = #map1}, {transform_indices = #map1}, {transform_indices = #map}, {transform_indices = #map2}]} {
    %mul3A = arith.constant 632 : i32
    %mul3A_0 = arith.muli %arg1, %mul3A : i32
    "tpu.region"() ({
      %run_scoped3A = tpu.sem_alloc : memref<!tpu.dma_semaphore, #tpu.memory_space<semaphore_mem>>
      %dma_start3A_85 = arith.constant 0 : i32
      %dma_start3A_86 = tpu.memref_slice %arg37[%mul3A_0, %dma_start3A_85] : memref<10112x128xf32, #tpu.memory_space<vmem_shared>> -> memref<632x128xf32, #tpu.memory_space<vmem_shared>>
      tpu.enqueue_dma source(%arg5 : memref<632x128xf32, #tpu.memory_space<hbm>>) target(%dma_start3A_86 : memref<632x128xf32, #tpu.memory_space<vmem_shared>>) target_semaphore(%run_scoped3A : memref<!tpu.dma_semaphore, #tpu.memory_space<semaphore_mem>>)
      %dma_wait3A_87 = arith.constant 0 : i32
      %dma_wait3A_88 = tpu.memref_slice %arg37[%mul3A_0, %dma_wait3A_87] : memref<10112x128xf32, #tpu.memory_space<vmem_shared>> -> memref<632x128xf32, #tpu.memory_space<vmem_shared>>
      tpu.wait_dma2 semaphore(%run_scoped3A : memref<!tpu.dma_semaphore, #tpu.memory_space<semaphore_mem>>) src(%arg5 : memref<632x128xf32, #tpu.memory_space<hbm>>) dst(%dma_wait3A_88 : memref<632x128xf32, #tpu.memory_space<vmem_shared>>)
      tpu.yield
    }) : () -> ()
    %barrier3A = arith.constant 0 : index
    tpu.barrier barrier_id(%barrier3A)
    %dma_start3A = arith.constant 0 : i32
    %dma_start3A_1 = arith.constant 0 : i32
    %dma_start3A_2 = tpu.memref_slice %arg3[%arg0, %arg1, %dma_start3A, %dma_start3A_1] : memref<2x16x80x128xi32, #tpu.memory_space<hbm>> -> memref<1x1x1x128xi32, #tpu.memory_space<hbm>>
    %dma_start3A_3 = tpu.memref_squeeze %dma_start3A_2 : memref<1x1x1x128xi32, #tpu.memory_space<hbm>> -> memref<128xi32, #tpu.memory_space<hbm>>
    %dma_start3A_4 = arith.constant 0 : i32
    %dma_start3A_5 = tpu.memref_slice %arg3[%arg0, %arg1, %dma_start3A, %dma_start3A_4] : memref<2x16x80x128xi32, #tpu.memory_space<hbm>> -> memref<1x1x1x128xi32, #tpu.memory_space<hbm>>
    %dma_start3A_6 = tpu.memref_squeeze %dma_start3A_5 : memref<1x1x1x128xi32, #tpu.memory_space<hbm>> -> memref<128xi32, #tpu.memory_space<hbm>>
    tpu.enqueue_dma source(%dma_start3A_6 : memref<128xi32, #tpu.memory_space<hbm>>) target(%arg7 : memref<128xi32, #tpu.memory_space<vmem>>) target_semaphore(%arg11 : memref<!tpu.dma_semaphore, #tpu.memory_space<semaphore_mem>>)
    %dma_start3A_7 = arith.constant 1 : i32
    %dma_start3A_8 = arith.constant 0 : i32
    %dma_start3A_9 = tpu.memref_slice %arg3[%arg0, %arg1, %dma_start3A_7, %dma_start3A_8] : memref<2x16x80x128xi32, #tpu.memory_space<hbm>> -> memref<1x1x1x128xi32, #tpu.memory_space<hbm>>
    %dma_start3A_10 = tpu.memref_squeeze %dma_start3A_9 : memref<1x1x1x128xi32, #tpu.memory_space<hbm>> -> memref<128xi32, #tpu.memory_space<hbm>>
    %dma_start3A_11 = arith.constant 0 : i32
    %dma_start3A_12 = tpu.memref_slice %arg3[%arg0, %arg1, %dma_start3A_7, %dma_start3A_11] : memref<2x16x80x128xi32, #tpu.memory_space<hbm>> -> memref<1x1x1x128xi32, #tpu.memory_space<hbm>>
    %dma_start3A_13 = tpu.memref_squeeze %dma_start3A_12 : memref<1x1x1x128xi32, #tpu.memory_space<hbm>> -> memref<128xi32, #tpu.memory_space<hbm>>
    tpu.enqueue_dma source(%dma_start3A_13 : memref<128xi32, #tpu.memory_space<hbm>>) target(%arg8 : memref<128xi32, #tpu.memory_space<vmem>>) target_semaphore(%arg12 : memref<!tpu.dma_semaphore, #tpu.memory_space<semaphore_mem>>)
    %dma_start3A_14 = arith.constant 2 : i32
    %dma_start3A_15 = arith.constant 0 : i32
    %dma_start3A_16 = tpu.memref_slice %arg3[%arg0, %arg1, %dma_start3A_14, %dma_start3A_15] : memref<2x16x80x128xi32, #tpu.memory_space<hbm>> -> memref<1x1x1x128xi32, #tpu.memory_space<hbm>>
    %dma_start3A_17 = tpu.memref_squeeze %dma_start3A_16 : memref<1x1x1x128xi32, #tpu.memory_space<hbm>> -> memref<128xi32, #tpu.memory_space<hbm>>
    %dma_start3A_18 = arith.constant 0 : i32
    %dma_start3A_19 = tpu.memref_slice %arg3[%arg0, %arg1, %dma_start3A_14, %dma_start3A_18] : memref<2x16x80x128xi32, #tpu.memory_space<hbm>> -> memref<1x1x1x128xi32, #tpu.memory_space<hbm>>
    %dma_start3A_20 = tpu.memref_squeeze %dma_start3A_19 : memref<1x1x1x128xi32, #tpu.memory_space<hbm>> -> memref<128xi32, #tpu.memory_space<hbm>>
    tpu.enqueue_dma source(%dma_start3A_20 : memref<128xi32, #tpu.memory_space<hbm>>) target(%arg9 : memref<128xi32, #tpu.memory_space<vmem>>) target_semaphore(%arg13 : memref<!tpu.dma_semaphore, #tpu.memory_space<semaphore_mem>>)
    %dma_start3A_21 = arith.constant 3 : i32
    %dma_start3A_22 = arith.constant 0 : i32
    %dma_start3A_23 = tpu.memref_slice %arg3[%arg0, %arg1, %dma_start3A_21, %dma_start3A_22] : memref<2x16x80x128xi32, #tpu.memory_space<hbm>> -> memref<1x1x1x128xi32, #tpu.memory_space<hbm>>
    %dma_start3A_24 = tpu.memref_squeeze %dma_start3A_23 : memref<1x1x1x128xi32, #tpu.memory_space<hbm>> -> memref<128xi32, #tpu.memory_space<hbm>>
    %dma_start3A_25 = arith.constant 0 : i32
    %dma_start3A_26 = tpu.memref_slice %arg3[%arg0, %arg1, %dma_start3A_21, %dma_start3A_25] : memref<2x16x80x128xi32, #tpu.memory_space<hbm>> -> memref<1x1x1x128xi32, #tpu.memory_space<hbm>>
    %dma_start3A_27 = tpu.memref_squeeze %dma_start3A_26 : memref<1x1x1x128xi32, #tpu.memory_space<hbm>> -> memref<128xi32, #tpu.memory_space<hbm>>
    tpu.enqueue_dma source(%dma_start3A_27 : memref<128xi32, #tpu.memory_space<hbm>>) target(%arg10 : memref<128xi32, #tpu.memory_space<vmem>>) target_semaphore(%arg14 : memref<!tpu.dma_semaphore, #tpu.memory_space<semaphore_mem>>)
    %dma_start3A_28 = arith.constant 0 : i32
    %dma_start3A_29 = arith.constant 0 : i32
    %dma_start3A_30 = tpu.memref_slice %arg4[%arg0, %arg1, %dma_start3A_28, %dma_start3A_29] : memref<2x16x80x128xi32, #tpu.memory_space<hbm>> -> memref<1x1x1x128xi32, #tpu.memory_space<hbm>>
    %dma_start3A_31 = tpu.memref_squeeze %dma_start3A_30 : memref<1x1x1x128xi32, #tpu.memory_space<hbm>> -> memref<128xi32, #tpu.memory_space<hbm>>
    %dma_start3A_32 = arith.constant 0 : i32
    %dma_start3A_33 = tpu.memref_slice %arg4[%arg0, %arg1, %dma_start3A_28, %dma_start3A_32] : memref<2x16x80x128xi32, #tpu.memory_space<hbm>> -> memref<1x1x1x128xi32, #tpu.memory_space<hbm>>
    %dma_start3A_34 = tpu.memref_squeeze %dma_start3A_33 : memref<1x1x1x128xi32, #tpu.memory_space<hbm>> -> memref<128xi32, #tpu.memory_space<hbm>>
    tpu.enqueue_dma source(%dma_start3A_34 : memref<128xi32, #tpu.memory_space<hbm>>) target(%arg15 : memref<128xi32, #tpu.memory_space<vmem>>) target_semaphore(%arg23 : memref<!tpu.dma_semaphore, #tpu.memory_space<semaphore_mem>>)
    %dma_start3A_35 = arith.constant 1 : i32
    %dma_start3A_36 = arith.constant 0 : i32
    %dma_start3A_37 = tpu.memref_slice %arg4[%arg0, %arg1, %dma_start3A_35, %dma_start3A_36] : memref<2x16x80x128xi32, #tpu.memory_space<hbm>> -> memref<1x1x1x128xi32, #tpu.memory_space<hbm>>
    %dma_start3A_38 = tpu.memref_squeeze %dma_start3A_37 : memref<1x1x1x128xi32, #tpu.memory_space<hbm>> -> memref<128xi32, #tpu.memory_space<hbm>>
    %dma_start3A_39 = arith.constant 0 : i32
    %dma_start3A_40 = tpu.memref_slice %arg4[%arg0, %arg1, %dma_start3A_35, %dma_start3A_39] : memref<2x16x80x128xi32, #tpu.memory_space<hbm>> -> memref<1x1x1x128xi32, #tpu.memory_space<hbm>>
    %dma_start3A_41 = tpu.memref_squeeze %dma_start3A_40 : memref<1x1x1x128xi32, #tpu.memory_space<hbm>> -> memref<128xi32, #tpu.memory_space<hbm>>
    tpu.enqueue_dma source(%dma_start3A_41 : memref<128xi32, #tpu.memory_space<hbm>>) target(%arg16 : memref<128xi32, #tpu.memory_space<vmem>>) target_semaphore(%arg24 : memref<!tpu.dma_semaphore, #tpu.memory_space<semaphore_mem>>)
    %dma_start3A_42 = arith.constant 2 : i32
    %dma_start3A_43 = arith.constant 0 : i32
    %dma_start3A_44 = tpu.memref_slice %arg4[%arg0, %arg1, %dma_start3A_42, %dma_start3A_43] : memref<2x16x80x128xi32, #tpu.memory_space<hbm>> -> memref<1x1x1x128xi32, #tpu.memory_space<hbm>>
    %dma_start3A_45 = tpu.memref_squeeze %dma_start3A_44 : memref<1x1x1x128xi32, #tpu.memory_space<hbm>> -> memref<128xi32, #tpu.memory_space<hbm>>
    %dma_start3A_46 = arith.constant 0 : i32
    %dma_start3A_47 = tpu.memref_slice %arg4[%arg0, %arg1, %dma_start3A_42, %dma_start3A_46] : memref<2x16x80x128xi32, #tpu.memory_space<hbm>> -> memref<1x1x1x128xi32, #tpu.memory_space<hbm>>
    %dma_start3A_48 = tpu.memref_squeeze %dma_start3A_47 : memref<1x1x1x128xi32, #tpu.memory_space<hbm>> -> memref<128xi32, #tpu.memory_space<hbm>>
    tpu.enqueue_dma source(%dma_start3A_48 : memref<128xi32, #tpu.memory_space<hbm>>) target(%arg17 : memref<128xi32, #tpu.memory_space<vmem>>) target_semaphore(%arg25 : memref<!tpu.dma_semaphore, #tpu.memory_space<semaphore_mem>>)
    %dma_start3A_49 = arith.constant 3 : i32
    %dma_start3A_50 = arith.constant 0 : i32
    %dma_start3A_51 = tpu.memref_slice %arg4[%arg0, %arg1, %dma_start3A_49, %dma_start3A_50] : memref<2x16x80x128xi32, #tpu.memory_space<hbm>> -> memref<1x1x1x128xi32, #tpu.memory_space<hbm>>
    %dma_start3A_52 = tpu.memref_squeeze %dma_start3A_51 : memref<1x1x1x128xi32, #tpu.memory_space<hbm>> -> memref<128xi32, #tpu.memory_space<hbm>>
    %dma_start3A_53 = arith.constant 0 : i32
    %dma_start3A_54 = tpu.memref_slice %arg4[%arg0, %arg1, %dma_start3A_49, %dma_start3A_53] : memref<2x16x80x128xi32, #tpu.memory_space<hbm>> -> memref<1x1x1x128xi32, #tpu.memory_space<hbm>>
    %dma_start3A_55 = tpu.memref_squeeze %dma_start3A_54 : memref<1x1x1x128xi32, #tpu.memory_space<hbm>> -> memref<128xi32, #tpu.memory_space<hbm>>
    tpu.enqueue_dma source(%dma_start3A_55 : memref<128xi32, #tpu.memory_space<hbm>>) target(%arg18 : memref<128xi32, #tpu.memory_space<vmem>>) target_semaphore(%arg26 : memref<!tpu.dma_semaphore, #tpu.memory_space<semaphore_mem>>)
    %dma_start3A_56 = arith.constant 4 : i32
    %dma_start3A_57 = arith.constant 0 : i32
    %dma_start3A_58 = tpu.memref_slice %arg4[%arg0, %arg1, %dma_start3A_56, %dma_start3A_57] : memref<2x16x80x128xi32, #tpu.memory_space<hbm>> -> memref<1x1x1x128xi32, #tpu.memory_space<hbm>>
    %dma_start3A_59 = tpu.memref_squeeze %dma_start3A_58 : memref<1x1x1x128xi32, #tpu.memory_space<hbm>> -> memref<128xi32, #tpu.memory_space<hbm>>
    %dma_start3A_60 = arith.constant 0 : i32
    %dma_start3A_61 = tpu.memref_slice %arg4[%arg0, %arg1, %dma_start3A_56, %dma_start3A_60] : memref<2x16x80x128xi32, #tpu.memory_space<hbm>> -> memref<1x1x1x128xi32, #tpu.memory_space<hbm>>
    %dma_start3A_62 = tpu.memref_squeeze %dma_start3A_61 : memref<1x1x1x128xi32, #tpu.memory_space<hbm>> -> memref<128xi32, #tpu.memory_space<hbm>>
    tpu.enqueue_dma source(%dma_start3A_62 : memref<128xi32, #tpu.memory_space<hbm>>) target(%arg19 : memref<128xi32, #tpu.memory_space<vmem>>) target_semaphore(%arg27 : memref<!tpu.dma_semaphore, #tpu.memory_space<semaphore_mem>>)
    %dma_wait3A = arith.constant 0 : i32
    %dma_wait3A_63 = arith.constant 0 : i32
    %dma_wait3A_64 = tpu.memref_slice %arg3[%arg0, %arg1, %dma_wait3A, %dma_wait3A_63] : memref<2x16x80x128xi32, #tpu.memory_space<hbm>> -> memref<1x1x1x128xi32, #tpu.memory_space<hbm>>
    %dma_wait3A_65 = tpu.memref_squeeze %dma_wait3A_64 : memref<1x1x1x128xi32, #tpu.memory_space<hbm>> -> memref<128xi32, #tpu.memory_space<hbm>>
    %dma_wait3A_66 = arith.constant 0 : i32
    %dma_wait3A_67 = tpu.memref_slice %arg3[%arg0, %arg1, %dma_wait3A, %dma_wait3A_66] : memref<2x16x80x128xi32, #tpu.memory_space<hbm>> -> memref<1x1x1x128xi32, #tpu.memory_space<hbm>>
    %dma_wait3A_68 = tpu.memref_squeeze %dma_wait3A_67 : memref<1x1x1x128xi32, #tpu.memory_space<hbm>> -> memref<128xi32, #tpu.memory_space<hbm>>
    tpu.wait_dma2 semaphore(%arg11 : memref<!tpu.dma_semaphore, #tpu.memory_space<semaphore_mem>>) src(%dma_wait3A_68 : memref<128xi32, #tpu.memory_space<hbm>>) dst(%arg7 : memref<128xi32, #tpu.memory_space<vmem>>)
    %dma_start3A_69 = arith.constant 0 : i32
    %dma_start3A_70 = arith.constant 0 : i32
    %dma_start3A_71 = tpu.memref_slice %arg2[%dma_start3A_69, %dma_start3A_70] : memref<80000x128xf32, #tpu.memory_space<hbm>> -> memref<80000x128xf32, #tpu.memory_space<hbm>>
    tpu.enqueue_indirect_dma source(%dma_start3A_71 : memref<80000x128xf32, #tpu.memory_space<hbm>>) target(%arg31 : memref<128x128xf32, #tpu.memory_space<vmem>>) offsets(%arg7 : memref<128xi32, #tpu.memory_space<vmem>>) semaphore(%arg33 : memref<!tpu.dma_semaphore, #tpu.memory_space<semaphore_mem>>)
    %scan3A = arith.constant 0 : i32
    %scan3A_72 = arith.constant 0 : i32
    %scan3A_73 = arith.constant 10 : i32
    %scan3A_74 = arith.addi %scan3A_72, %scan3A_73 : i32
    %scan3A_75 = arith.constant 1 : i32
    scf.for %scan3A_85 = %scan3A_72 to %scan3A_74 step %scan3A_75  : i32 {
      %mul3A_86 = arith.constant 8 : i32
      %mul3A_87 = arith.muli %scan3A_85, %mul3A_86 : i32
      %add3A = arith.constant 0 : i32
      %add3A_88 = arith.addi %mul3A_87, %add3A : i32
      %dma_wait3A_89 = arith.constant 0 : i32
      %dma_wait3A_90 = arith.constant 0 : i32
      %dma_wait3A_91 = tpu.memref_slice %arg2[%dma_wait3A_89, %dma_wait3A_90] : memref<80000x128xf32, #tpu.memory_space<hbm>> -> memref<80000x128xf32, #tpu.memory_space<hbm>>
      tpu.wait_indirect_dma semaphore(%arg33 : memref<!tpu.dma_semaphore, #tpu.memory_space<semaphore_mem>>) src(%dma_wait3A_91 : memref<80000x128xf32, #tpu.memory_space<hbm>>) dst(%arg31 : memref<128x128xf32, #tpu.memory_space<vmem>>)
      %add3A_92 = arith.constant 4 : i32
      %add3A_93 = arith.addi %add3A_88, %add3A_92 : i32
      %lt3A = arith.constant 80 : i32
      %lt3A_94 = arith.cmpi slt, %add3A_93, %lt3A : i32
      %convert_element_type3A = arith.extui %lt3A_94 : i1 to i32
      %cond3A = arith.constant 0 : i32
      %cond3A_95 = arith.cmpi ne, %convert_element_type3A, %cond3A : i32
      scf.if %cond3A_95 {
        %add3A_425 = arith.constant 4 : i32
        %add3A_426 = arith.addi %add3A_88, %add3A_425 : i32
        %dma_start3A_427 = arith.constant 0 : i32
        %dma_start3A_428 = tpu.memref_slice %arg3[%arg0, %arg1, %add3A_426, %dma_start3A_427] : memref<2x16x80x128xi32, #tpu.memory_space<hbm>> -> memref<1x1x1x128xi32, #tpu.memory_space<hbm>>
        %dma_start3A_429 = tpu.memref_squeeze %dma_start3A_428 : memref<1x1x1x128xi32, #tpu.memory_space<hbm>> -> memref<128xi32, #tpu.memory_space<hbm>>
        %dma_start3A_430 = arith.constant 0 : i32
        %dma_start3A_431 = tpu.memref_slice %arg3[%arg0, %arg1, %add3A_426, %dma_start3A_430] : memref<2x16x80x128xi32, #tpu.memory_space<hbm>> -> memref<1x1x1x128xi32, #tpu.memory_space<hbm>>
        %dma_start3A_432 = tpu.memref_squeeze %dma_start3A_431 : memref<1x1x1x128xi32, #tpu.memory_space<hbm>> -> memref<128xi32, #tpu.memory_space<hbm>>
        tpu.enqueue_dma source(%dma_start3A_432 : memref<128xi32, #tpu.memory_space<hbm>>) target(%arg7 : memref<128xi32, #tpu.memory_space<vmem>>) target_semaphore(%arg11 : memref<!tpu.dma_semaphore, #tpu.memory_space<semaphore_mem>>)
      } else {
      }
      %dma_wait3A_96 = arith.constant 0 : i32
      %dma_wait3A_97 = arith.constant 0 : i32
      %dma_wait3A_98 = tpu.memref_slice %arg4[%arg0, %arg1, %dma_wait3A_96, %dma_wait3A_97] : memref<2x16x80x128xi32, #tpu.memory_space<hbm>> -> memref<1x1x1x128xi32, #tpu.memory_space<hbm>>
      %dma_wait3A_99 = tpu.memref_squeeze %dma_wait3A_98 : memref<1x1x1x128xi32, #tpu.memory_space<hbm>> -> memref<128xi32, #tpu.memory_space<hbm>>
      %dma_wait3A_100 = arith.constant 0 : i32
      %dma_wait3A_101 = tpu.memref_slice %arg4[%arg0, %arg1, %dma_wait3A_96, %dma_wait3A_100] : memref<2x16x80x128xi32, #tpu.memory_space<hbm>> -> memref<1x1x1x128xi32, #tpu.memory_space<hbm>>
      %dma_wait3A_102 = tpu.memref_squeeze %dma_wait3A_101 : memref<1x1x1x128xi32, #tpu.memory_space<hbm>> -> memref<128xi32, #tpu.memory_space<hbm>>
      tpu.wait_dma2 semaphore(%arg23 : memref<!tpu.dma_semaphore, #tpu.memory_space<semaphore_mem>>) src(%dma_wait3A_102 : memref<128xi32, #tpu.memory_space<hbm>>) dst(%arg15 : memref<128xi32, #tpu.memory_space<vmem>>)
      %dma_start3A_103 = arith.constant 0 : i32
      %dma_start3A_104 = arith.constant 0 : i32
      %dma_start3A_105 = tpu.memref_slice %arg37[%dma_start3A_103, %dma_start3A_104] : memref<10112x128xf32, #tpu.memory_space<vmem_shared>> -> memref<10112x128xf32, #tpu.memory_space<vmem_shared>>
      tpu.enqueue_indirect_dma source(%arg31 : memref<128x128xf32, #tpu.memory_space<vmem>>) target(%dma_start3A_105 : memref<10112x128xf32, #tpu.memory_space<vmem_shared>>) offsets(%arg15 : memref<128xi32, #tpu.memory_space<vmem>>) semaphore(%arg35 : memref<!tpu.dma_semaphore, #tpu.memory_space<semaphore_mem>>) {add = true}
      %ge3A = arith.constant 1 : i32
      %ge3A_106 = arith.cmpi sge, %add3A_88, %ge3A : i32
      %convert_element_type3A_107 = arith.extui %ge3A_106 : i1 to i32
      %cond3A_108 = arith.constant 0 : i32
      %cond3A_109 = arith.cmpi ne, %convert_element_type3A_107, %cond3A_108 : i32
      scf.if %cond3A_109 {
        %dma_wait3A_425 = arith.constant 0 : i32
        %dma_wait3A_426 = arith.constant 0 : i32
        %dma_wait3A_427 = tpu.memref_slice %arg37[%dma_wait3A_425, %dma_wait3A_426] : memref<10112x128xf32, #tpu.memory_space<vmem_shared>> -> memref<10112x128xf32, #tpu.memory_space<vmem_shared>>
        tpu.wait_indirect_dma semaphore(%arg36 : memref<!tpu.dma_semaphore, #tpu.memory_space<semaphore_mem>>) src(%arg32 : memref<128x128xf32, #tpu.memory_space<vmem>>) dst(%dma_wait3A_427 : memref<10112x128xf32, #tpu.memory_space<vmem_shared>>)
      } else {
      }
      %add3A_110 = arith.constant 5 : i32
      %add3A_111 = arith.addi %add3A_88, %add3A_110 : i32
      %lt3A_112 = arith.constant 80 : i32
      %lt3A_113 = arith.cmpi slt, %add3A_111, %lt3A_112 : i32
      %convert_element_type3A_114 = arith.extui %lt3A_113 : i1 to i32
      %cond3A_115 = arith.constant 0 : i32
      %cond3A_116 = arith.cmpi ne, %convert_element_type3A_114, %cond3A_115 : i32
      scf.if %cond3A_116 {
        %add3A_425 = arith.constant 5 : i32
        %add3A_426 = arith.addi %add3A_88, %add3A_425 : i32
        %dma_start3A_427 = arith.constant 0 : i32
        %dma_start3A_428 = tpu.memref_slice %arg4[%arg0, %arg1, %add3A_426, %dma_start3A_427] : memref<2x16x80x128xi32, #tpu.memory_space<hbm>> -> memref<1x1x1x128xi32, #tpu.memory_space<hbm>>
        %dma_start3A_429 = tpu.memref_squeeze %dma_start3A_428 : memref<1x1x1x128xi32, #tpu.memory_space<hbm>> -> memref<128xi32, #tpu.memory_space<hbm>>
        %dma_start3A_430 = arith.constant 0 : i32
        %dma_start3A_431 = tpu.memref_slice %arg4[%arg0, %arg1, %add3A_426, %dma_start3A_430] : memref<2x16x80x128xi32, #tpu.memory_space<hbm>> -> memref<1x1x1x128xi32, #tpu.memory_space<hbm>>
        %dma_start3A_432 = tpu.memref_squeeze %dma_start3A_431 : memref<1x1x1x128xi32, #tpu.memory_space<hbm>> -> memref<128xi32, #tpu.memory_space<hbm>>
        tpu.enqueue_dma source(%dma_start3A_432 : memref<128xi32, #tpu.memory_space<hbm>>) target(%arg20 : memref<128xi32, #tpu.memory_space<vmem>>) target_semaphore(%arg28 : memref<!tpu.dma_semaphore, #tpu.memory_space<semaphore_mem>>)
      } else {
      }
      %add3A_117 = arith.constant 1 : i32
      %add3A_118 = arith.addi %add3A_88, %add3A_117 : i32
      %lt3A_119 = arith.constant 80 : i32
      %lt3A_120 = arith.cmpi slt, %add3A_118, %lt3A_119 : i32
      %convert_element_type3A_121 = arith.extui %lt3A_120 : i1 to i32
      %cond3A_122 = arith.constant 0 : i32
      %cond3A_123 = arith.cmpi ne, %convert_element_type3A_121, %cond3A_122 : i32
      scf.if %cond3A_123 {
        %dma_wait3A_425 = arith.constant 0 : i32
        %dma_wait3A_426 = arith.constant 0 : i32
        %dma_wait3A_427 = tpu.memref_slice %arg3[%arg0, %arg1, %dma_wait3A_425, %dma_wait3A_426] : memref<2x16x80x128xi32, #tpu.memory_space<hbm>> -> memref<1x1x1x128xi32, #tpu.memory_space<hbm>>
        %dma_wait3A_428 = tpu.memref_squeeze %dma_wait3A_427 : memref<1x1x1x128xi32, #tpu.memory_space<hbm>> -> memref<128xi32, #tpu.memory_space<hbm>>
        %dma_wait3A_429 = arith.constant 0 : i32
        %dma_wait3A_430 = tpu.memref_slice %arg3[%arg0, %arg1, %dma_wait3A_425, %dma_wait3A_429] : memref<2x16x80x128xi32, #tpu.memory_space<hbm>> -> memref<1x1x1x128xi32, #tpu.memory_space<hbm>>
        %dma_wait3A_431 = tpu.memref_squeeze %dma_wait3A_430 : memref<1x1x1x128xi32, #tpu.memory_space<hbm>> -> memref<128xi32, #tpu.memory_space<hbm>>
        tpu.wait_dma2 semaphore(%arg12 : memref<!tpu.dma_semaphore, #tpu.memory_space<semaphore_mem>>) src(%dma_wait3A_431 : memref<128xi32, #tpu.memory_space<hbm>>) dst(%arg8 : memref<128xi32, #tpu.memory_space<vmem>>)
        %dma_start3A_432 = arith.constant 0 : i32
        %dma_start3A_433 = arith.constant 0 : i32
        %dma_start3A_434 = tpu.memref_slice %arg2[%dma_start3A_432, %dma_start3A_433] : memref<80000x128xf32, #tpu.memory_space<hbm>> -> memref<80000x128xf32, #tpu.memory_space<hbm>>
        tpu.enqueue_indirect_dma source(%dma_start3A_434 : memref<80000x128xf32, #tpu.memory_space<hbm>>) target(%arg32 : memref<128x128xf32, #tpu.memory_space<vmem>>) offsets(%arg8 : memref<128xi32, #tpu.memory_space<vmem>>) semaphore(%arg34 : memref<!tpu.dma_semaphore, #tpu.memory_space<semaphore_mem>>)
      } else {
      }
      %mul3A_124 = arith.constant 8 : i32
      %mul3A_125 = arith.muli %scan3A_85, %mul3A_124 : i32
      %add3A_126 = arith.constant 1 : i32
      %add3A_127 = arith.addi %mul3A_125, %add3A_126 : i32
      %dma_wait3A_128 = arith.constant 0 : i32
      %dma_wait3A_129 = arith.constant 0 : i32
      %dma_wait3A_130 = tpu.memref_slice %arg2[%dma_wait3A_128, %dma_wait3A_129] : memref<80000x128xf32, #tpu.memory_space<hbm>> -> memref<80000x128xf32, #tpu.memory_space<hbm>>
      tpu.wait_indirect_dma semaphore(%arg34 : memref<!tpu.dma_semaphore, #tpu.memory_space<semaphore_mem>>) src(%dma_wait3A_130 : memref<80000x128xf32, #tpu.memory_space<hbm>>) dst(%arg32 : memref<128x128xf32, #tpu.memory_space<vmem>>)
      %add3A_131 = arith.constant 4 : i32
      %add3A_132 = arith.addi %add3A_127, %add3A_131 : i32
      %lt3A_133 = arith.constant 80 : i32
      %lt3A_134 = arith.cmpi slt, %add3A_132, %lt3A_133 : i32
      %convert_element_type3A_135 = arith.extui %lt3A_134 : i1 to i32
      %cond3A_136 = arith.constant 0 : i32
      %cond3A_137 = arith.cmpi ne, %convert_element_type3A_135, %cond3A_136 : i32
      scf.if %cond3A_137 {
        %add3A_425 = arith.constant 4 : i32
        %add3A_426 = arith.addi %add3A_127, %add3A_425 : i32
        %dma_start3A_427 = arith.constant 0 : i32
        %dma_start3A_428 = tpu.memref_slice %arg3[%arg0, %arg1, %add3A_426, %dma_start3A_427] : memref<2x16x80x128xi32, #tpu.memory_space<hbm>> -> memref<1x1x1x128xi32, #tpu.memory_space<hbm>>
        %dma_start3A_429 = tpu.memref_squeeze %dma_start3A_428 : memref<1x1x1x128xi32, #tpu.memory_space<hbm>> -> memref<128xi32, #tpu.memory_space<hbm>>
        %dma_start3A_430 = arith.constant 0 : i32
        %dma_start3A_431 = tpu.memref_slice %arg3[%arg0, %arg1, %add3A_426, %dma_start3A_430] : memref<2x16x80x128xi32, #tpu.memory_space<hbm>> -> memref<1x1x1x128xi32, #tpu.memory_space<hbm>>
        %dma_start3A_432 = tpu.memref_squeeze %dma_start3A_431 : memref<1x1x1x128xi32, #tpu.memory_space<hbm>> -> memref<128xi32, #tpu.memory_space<hbm>>
        tpu.enqueue_dma source(%dma_start3A_432 : memref<128xi32, #tpu.memory_space<hbm>>) target(%arg8 : memref<128xi32, #tpu.memory_space<vmem>>) target_semaphore(%arg12 : memref<!tpu.dma_semaphore, #tpu.memory_space<semaphore_mem>>)
      } else {
      }
      %dma_wait3A_138 = arith.constant 0 : i32
      %dma_wait3A_139 = arith.constant 0 : i32
      %dma_wait3A_140 = tpu.memref_slice %arg4[%arg0, %arg1, %dma_wait3A_138, %dma_wait3A_139] : memref<2x16x80x128xi32, #tpu.memory_space<hbm>> -> memref<1x1x1x128xi32, #tpu.memory_space<hbm>>
      %dma_wait3A_141 = tpu.memref_squeeze %dma_wait3A_140 : memref<1x1x1x128xi32, #tpu.memory_space<hbm>> -> memref<128xi32, #tpu.memory_space<hbm>>
      %dma_wait3A_142 = arith.constant 0 : i32
      %dma_wait3A_143 = tpu.memref_slice %arg4[%arg0, %arg1, %dma_wait3A_138, %dma_wait3A_142] : memref<2x16x80x128xi32, #tpu.memory_space<hbm>> -> memref<1x1x1x128xi32, #tpu.memory_space<hbm>>
      %dma_wait3A_144 = tpu.memref_squeeze %dma_wait3A_143 : memref<1x1x1x128xi32, #tpu.memory_space<hbm>> -> memref<128xi32, #tpu.memory_space<hbm>>
      tpu.wait_dma2 semaphore(%arg24 : memref<!tpu.dma_semaphore, #tpu.memory_space<semaphore_mem>>) src(%dma_wait3A_144 : memref<128xi32, #tpu.memory_space<hbm>>) dst(%arg16 : memref<128xi32, #tpu.memory_space<vmem>>)
      %dma_start3A_145 = arith.constant 0 : i32
      %dma_start3A_146 = arith.constant 0 : i32
      %dma_start3A_147 = tpu.memref_slice %arg37[%dma_start3A_145, %dma_start3A_146] : memref<10112x128xf32, #tpu.memory_space<vmem_shared>> -> memref<10112x128xf32, #tpu.memory_space<vmem_shared>>
      tpu.enqueue_indirect_dma source(%arg32 : memref<128x128xf32, #tpu.memory_space<vmem>>) target(%dma_start3A_147 : memref<10112x128xf32, #tpu.memory_space<vmem_shared>>) offsets(%arg16 : memref<128xi32, #tpu.memory_space<vmem>>) semaphore(%arg36 : memref<!tpu.dma_semaphore, #tpu.memory_space<semaphore_mem>>) {add = true}
      %ge3A_148 = arith.constant 1 : i32
      %ge3A_149 = arith.cmpi sge, %add3A_127, %ge3A_148 : i32
      %convert_element_type3A_150 = arith.extui %ge3A_149 : i1 to i32
      %cond3A_151 = arith.constant 0 : i32
      %cond3A_152 = arith.cmpi ne, %convert_element_type3A_150, %cond3A_151 : i32
      scf.if %cond3A_152 {
        %dma_wait3A_425 = arith.constant 0 : i32
        %dma_wait3A_426 = arith.constant 0 : i32
        %dma_wait3A_427 = tpu.memref_slice %arg37[%dma_wait3A_425, %dma_wait3A_426] : memref<10112x128xf32, #tpu.memory_space<vmem_shared>> -> memref<10112x128xf32, #tpu.memory_space<vmem_shared>>
        tpu.wait_indirect_dma semaphore(%arg35 : memref<!tpu.dma_semaphore, #tpu.memory_space<semaphore_mem>>) src(%arg31 : memref<128x128xf32, #tpu.memory_space<vmem>>) dst(%dma_wait3A_427 : memref<10112x128xf32, #tpu.memory_space<vmem_shared>>)
      } else {
      }
      %add3A_153 = arith.constant 5 : i32
      %add3A_154 = arith.addi %add3A_127, %add3A_153 : i32
      %lt3A_155 = arith.constant 80 : i32
      %lt3A_156 = arith.cmpi slt, %add3A_154, %lt3A_155 : i32
      %convert_element_type3A_157 = arith.extui %lt3A_156 : i1 to i32
      %cond3A_158 = arith.constant 0 : i32
      %cond3A_159 = arith.cmpi ne, %convert_element_type3A_157, %cond3A_158 : i32
      scf.if %cond3A_159 {
        %add3A_425 = arith.constant 5 : i32
        %add3A_426 = arith.addi %add3A_127, %add3A_425 : i32
        %dma_start3A_427 = arith.constant 0 : i32
        %dma_start3A_428 = tpu.memref_slice %arg4[%arg0, %arg1, %add3A_426, %dma_start3A_427] : memref<2x16x80x128xi32, #tpu.memory_space<hbm>> -> memref<1x1x1x128xi32, #tpu.memory_space<hbm>>
        %dma_start3A_429 = tpu.memref_squeeze %dma_start3A_428 : memref<1x1x1x128xi32, #tpu.memory_space<hbm>> -> memref<128xi32, #tpu.memory_space<hbm>>
        %dma_start3A_430 = arith.constant 0 : i32
        %dma_start3A_431 = tpu.memref_slice %arg4[%arg0, %arg1, %add3A_426, %dma_start3A_430] : memref<2x16x80x128xi32, #tpu.memory_space<hbm>> -> memref<1x1x1x128xi32, #tpu.memory_space<hbm>>
        %dma_start3A_432 = tpu.memref_squeeze %dma_start3A_431 : memref<1x1x1x128xi32, #tpu.memory_space<hbm>> -> memref<128xi32, #tpu.memory_space<hbm>>
        tpu.enqueue_dma source(%dma_start3A_432 : memref<128xi32, #tpu.memory_space<hbm>>) target(%arg21 : memref<128xi32, #tpu.memory_space<vmem>>) target_semaphore(%arg29 : memref<!tpu.dma_semaphore, #tpu.memory_space<semaphore_mem>>)
      } else {
      }
      %add3A_160 = arith.constant 1 : i32
      %add3A_161 = arith.addi %add3A_127, %add3A_160 : i32
      %lt3A_162 = arith.constant 80 : i32
      %lt3A_163 = arith.cmpi slt, %add3A_161, %lt3A_162 : i32
      %convert_element_type3A_164 = arith.extui %lt3A_163 : i1 to i32
      %cond3A_165 = arith.constant 0 : i32
      %cond3A_166 = arith.cmpi ne, %convert_element_type3A_164, %cond3A_165 : i32
      scf.if %cond3A_166 {
        %dma_wait3A_425 = arith.constant 0 : i32
        %dma_wait3A_426 = arith.constant 0 : i32
        %dma_wait3A_427 = tpu.memref_slice %arg3[%arg0, %arg1, %dma_wait3A_425, %dma_wait3A_426] : memref<2x16x80x128xi32, #tpu.memory_space<hbm>> -> memref<1x1x1x128xi32, #tpu.memory_space<hbm>>
        %dma_wait3A_428 = tpu.memref_squeeze %dma_wait3A_427 : memref<1x1x1x128xi32, #tpu.memory_space<hbm>> -> memref<128xi32, #tpu.memory_space<hbm>>
        %dma_wait3A_429 = arith.constant 0 : i32
        %dma_wait3A_430 = tpu.memref_slice %arg3[%arg0, %arg1, %dma_wait3A_425, %dma_wait3A_429] : memref<2x16x80x128xi32, #tpu.memory_space<hbm>> -> memref<1x1x1x128xi32, #tpu.memory_space<hbm>>
        %dma_wait3A_431 = tpu.memref_squeeze %dma_wait3A_430 : memref<1x1x1x128xi32, #tpu.memory_space<hbm>> -> memref<128xi32, #tpu.memory_space<hbm>>
        tpu.wait_dma2 semaphore(%arg13 : memref<!tpu.dma_semaphore, #tpu.memory_space<semaphore_mem>>) src(%dma_wait3A_431 : memref<128xi32, #tpu.memory_space<hbm>>) dst(%arg9 : memref<128xi32, #tpu.memory_space<vmem>>)
        %dma_start3A_432 = arith.constant 0 : i32
        %dma_start3A_433 = arith.constant 0 : i32
        %dma_start3A_434 = tpu.memref_slice %arg2[%dma_start3A_432, %dma_start3A_433] : memref<80000x128xf32, #tpu.memory_space<hbm>> -> memref<80000x128xf32, #tpu.memory_space<hbm>>
        tpu.enqueue_indirect_dma source(%dma_start3A_434 : memref<80000x128xf32, #tpu.memory_space<hbm>>) target(%arg31 : memref<128x128xf32, #tpu.memory_space<vmem>>) offsets(%arg9 : memref<128xi32, #tpu.memory_space<vmem>>) semaphore(%arg33 : memref<!tpu.dma_semaphore, #tpu.memory_space<semaphore_mem>>)
      } else {
      }
      %mul3A_167 = arith.constant 8 : i32
      %mul3A_168 = arith.muli %scan3A_85, %mul3A_167 : i32
      %add3A_169 = arith.constant 2 : i32
      %add3A_170 = arith.addi %mul3A_168, %add3A_169 : i32
      %dma_wait3A_171 = arith.constant 0 : i32
      %dma_wait3A_172 = arith.constant 0 : i32
      %dma_wait3A_173 = tpu.memref_slice %arg2[%dma_wait3A_171, %dma_wait3A_172] : memref<80000x128xf32, #tpu.memory_space<hbm>> -> memref<80000x128xf32, #tpu.memory_space<hbm>>
      tpu.wait_indirect_dma semaphore(%arg33 : memref<!tpu.dma_semaphore, #tpu.memory_space<semaphore_mem>>) src(%dma_wait3A_173 : memref<80000x128xf32, #tpu.memory_space<hbm>>) dst(%arg31 : memref<128x128xf32, #tpu.memory_space<vmem>>)
      %add3A_174 = arith.constant 4 : i32
      %add3A_175 = arith.addi %add3A_170, %add3A_174 : i32
      %lt3A_176 = arith.constant 80 : i32
      %lt3A_177 = arith.cmpi slt, %add3A_175, %lt3A_176 : i32
      %convert_element_type3A_178 = arith.extui %lt3A_177 : i1 to i32
      %cond3A_179 = arith.constant 0 : i32
      %cond3A_180 = arith.cmpi ne, %convert_element_type3A_178, %cond3A_179 : i32
      scf.if %cond3A_180 {
        %add3A_425 = arith.constant 4 : i32
        %add3A_426 = arith.addi %add3A_170, %add3A_425 : i32
        %dma_start3A_427 = arith.constant 0 : i32
        %dma_start3A_428 = tpu.memref_slice %arg3[%arg0, %arg1, %add3A_426, %dma_start3A_427] : memref<2x16x80x128xi32, #tpu.memory_space<hbm>> -> memref<1x1x1x128xi32, #tpu.memory_space<hbm>>
        %dma_start3A_429 = tpu.memref_squeeze %dma_start3A_428 : memref<1x1x1x128xi32, #tpu.memory_space<hbm>> -> memref<128xi32, #tpu.memory_space<hbm>>
        %dma_start3A_430 = arith.constant 0 : i32
        %dma_start3A_431 = tpu.memref_slice %arg3[%arg0, %arg1, %add3A_426, %dma_start3A_430] : memref<2x16x80x128xi32, #tpu.memory_space<hbm>> -> memref<1x1x1x128xi32, #tpu.memory_space<hbm>>
        %dma_start3A_432 = tpu.memref_squeeze %dma_start3A_431 : memref<1x1x1x128xi32, #tpu.memory_space<hbm>> -> memref<128xi32, #tpu.memory_space<hbm>>
        tpu.enqueue_dma source(%dma_start3A_432 : memref<128xi32, #tpu.memory_space<hbm>>) target(%arg9 : memref<128xi32, #tpu.memory_space<vmem>>) target_semaphore(%arg13 : memref<!tpu.dma_semaphore, #tpu.memory_space<semaphore_mem>>)
      } else {
      }
      %dma_wait3A_181 = arith.constant 0 : i32
      %dma_wait3A_182 = arith.constant 0 : i32
      %dma_wait3A_183 = tpu.memref_slice %arg4[%arg0, %arg1, %dma_wait3A_181, %dma_wait3A_182] : memref<2x16x80x128xi32, #tpu.memory_space<hbm>> -> memref<1x1x1x128xi32, #tpu.memory_space<hbm>>
      %dma_wait3A_184 = tpu.memref_squeeze %dma_wait3A_183 : memref<1x1x1x128xi32, #tpu.memory_space<hbm>> -> memref<128xi32, #tpu.memory_space<hbm>>
      %dma_wait3A_185 = arith.constant 0 : i32
      %dma_wait3A_186 = tpu.memref_slice %arg4[%arg0, %arg1, %dma_wait3A_181, %dma_wait3A_185] : memref<2x16x80x128xi32, #tpu.memory_space<hbm>> -> memref<1x1x1x128xi32, #tpu.memory_space<hbm>>
      %dma_wait3A_187 = tpu.memref_squeeze %dma_wait3A_186 : memref<1x1x1x128xi32, #tpu.memory_space<hbm>> -> memref<128xi32, #tpu.memory_space<hbm>>
      tpu.wait_dma2 semaphore(%arg25 : memref<!tpu.dma_semaphore, #tpu.memory_space<semaphore_mem>>) src(%dma_wait3A_187 : memref<128xi32, #tpu.memory_space<hbm>>) dst(%arg17 : memref<128xi32, #tpu.memory_space<vmem>>)
      %dma_start3A_188 = arith.constant 0 : i32
      %dma_start3A_189 = arith.constant 0 : i32
      %dma_start3A_190 = tpu.memref_slice %arg37[%dma_start3A_188, %dma_start3A_189] : memref<10112x128xf32, #tpu.memory_space<vmem_shared>> -> memref<10112x128xf32, #tpu.memory_space<vmem_shared>>
      tpu.enqueue_indirect_dma source(%arg31 : memref<128x128xf32, #tpu.memory_space<vmem>>) target(%dma_start3A_190 : memref<10112x128xf32, #tpu.memory_space<vmem_shared>>) offsets(%arg17 : memref<128xi32, #tpu.memory_space<vmem>>) semaphore(%arg35 : memref<!tpu.dma_semaphore, #tpu.memory_space<semaphore_mem>>) {add = true}
      %ge3A_191 = arith.constant 1 : i32
      %ge3A_192 = arith.cmpi sge, %add3A_170, %ge3A_191 : i32
      %convert_element_type3A_193 = arith.extui %ge3A_192 : i1 to i32
      %cond3A_194 = arith.constant 0 : i32
      %cond3A_195 = arith.cmpi ne, %convert_element_type3A_193, %cond3A_194 : i32
      scf.if %cond3A_195 {
        %dma_wait3A_425 = arith.constant 0 : i32
        %dma_wait3A_426 = arith.constant 0 : i32
        %dma_wait3A_427 = tpu.memref_slice %arg37[%dma_wait3A_425, %dma_wait3A_426] : memref<10112x128xf32, #tpu.memory_space<vmem_shared>> -> memref<10112x128xf32, #tpu.memory_space<vmem_shared>>
        tpu.wait_indirect_dma semaphore(%arg36 : memref<!tpu.dma_semaphore, #tpu.memory_space<semaphore_mem>>) src(%arg32 : memref<128x128xf32, #tpu.memory_space<vmem>>) dst(%dma_wait3A_427 : memref<10112x128xf32, #tpu.memory_space<vmem_shared>>)
      } else {
      }
      %add3A_196 = arith.constant 5 : i32
      %add3A_197 = arith.addi %add3A_170, %add3A_196 : i32
      %lt3A_198 = arith.constant 80 : i32
      %lt3A_199 = arith.cmpi slt, %add3A_197, %lt3A_198 : i32
      %convert_element_type3A_200 = arith.extui %lt3A_199 : i1 to i32
      %cond3A_201 = arith.constant 0 : i32
      %cond3A_202 = arith.cmpi ne, %convert_element_type3A_200, %cond3A_201 : i32
      scf.if %cond3A_202 {
        %add3A_425 = arith.constant 5 : i32
        %add3A_426 = arith.addi %add3A_170, %add3A_425 : i32
        %dma_start3A_427 = arith.constant 0 : i32
        %dma_start3A_428 = tpu.memref_slice %arg4[%arg0, %arg1, %add3A_426, %dma_start3A_427] : memref<2x16x80x128xi32, #tpu.memory_space<hbm>> -> memref<1x1x1x128xi32, #tpu.memory_space<hbm>>
        %dma_start3A_429 = tpu.memref_squeeze %dma_start3A_428 : memref<1x1x1x128xi32, #tpu.memory_space<hbm>> -> memref<128xi32, #tpu.memory_space<hbm>>
        %dma_start3A_430 = arith.constant 0 : i32
        %dma_start3A_431 = tpu.memref_slice %arg4[%arg0, %arg1, %add3A_426, %dma_start3A_430] : memref<2x16x80x128xi32, #tpu.memory_space<hbm>> -> memref<1x1x1x128xi32, #tpu.memory_space<hbm>>
        %dma_start3A_432 = tpu.memref_squeeze %dma_start3A_431 : memref<1x1x1x128xi32, #tpu.memory_space<hbm>> -> memref<128xi32, #tpu.memory_space<hbm>>
        tpu.enqueue_dma source(%dma_start3A_432 : memref<128xi32, #tpu.memory_space<hbm>>) target(%arg22 : memref<128xi32, #tpu.memory_space<vmem>>) target_semaphore(%arg30 : memref<!tpu.dma_semaphore, #tpu.memory_space<semaphore_mem>>)
      } else {
      }
      %add3A_203 = arith.constant 1 : i32
      %add3A_204 = arith.addi %add3A_170, %add3A_203 : i32
      %lt3A_205 = arith.constant 80 : i32
      %lt3A_206 = arith.cmpi slt, %add3A_204, %lt3A_205 : i32
      %convert_element_type3A_207 = arith.extui %lt3A_206 : i1 to i32
      %cond3A_208 = arith.constant 0 : i32
      %cond3A_209 = arith.cmpi ne, %convert_element_type3A_207, %cond3A_208 : i32
      scf.if %cond3A_209 {
        %dma_wait3A_425 = arith.constant 0 : i32
        %dma_wait3A_426 = arith.constant 0 : i32
        %dma_wait3A_427 = tpu.memref_slice %arg3[%arg0, %arg1, %dma_wait3A_425, %dma_wait3A_426] : memref<2x16x80x128xi32, #tpu.memory_space<hbm>> -> memref<1x1x1x128xi32, #tpu.memory_space<hbm>>
        %dma_wait3A_428 = tpu.memref_squeeze %dma_wait3A_427 : memref<1x1x1x128xi32, #tpu.memory_space<hbm>> -> memref<128xi32, #tpu.memory_space<hbm>>
        %dma_wait3A_429 = arith.constant 0 : i32
        %dma_wait3A_430 = tpu.memref_slice %arg3[%arg0, %arg1, %dma_wait3A_425, %dma_wait3A_429] : memref<2x16x80x128xi32, #tpu.memory_space<hbm>> -> memref<1x1x1x128xi32, #tpu.memory_space<hbm>>
        %dma_wait3A_431 = tpu.memref_squeeze %dma_wait3A_430 : memref<1x1x1x128xi32, #tpu.memory_space<hbm>> -> memref<128xi32, #tpu.memory_space<hbm>>
        tpu.wait_dma2 semaphore(%arg14 : memref<!tpu.dma_semaphore, #tpu.memory_space<semaphore_mem>>) src(%dma_wait3A_431 : memref<128xi32, #tpu.memory_space<hbm>>) dst(%arg10 : memref<128xi32, #tpu.memory_space<vmem>>)
        %dma_start3A_432 = arith.constant 0 : i32
        %dma_start3A_433 = arith.constant 0 : i32
        %dma_start3A_434 = tpu.memref_slice %arg2[%dma_start3A_432, %dma_start3A_433] : memref<80000x128xf32, #tpu.memory_space<hbm>> -> memref<80000x128xf32, #tpu.memory_space<hbm>>
        tpu.enqueue_indirect_dma source(%dma_start3A_434 : memref<80000x128xf32, #tpu.memory_space<hbm>>) target(%arg32 : memref<128x128xf32, #tpu.memory_space<vmem>>) offsets(%arg10 : memref<128xi32, #tpu.memory_space<vmem>>) semaphore(%arg34 : memref<!tpu.dma_semaphore, #tpu.memory_space<semaphore_mem>>)
      } else {
      }
      %mul3A_210 = arith.constant 8 : i32
      %mul3A_211 = arith.muli %scan3A_85, %mul3A_210 : i32
      %add3A_212 = arith.constant 3 : i32
      %add3A_213 = arith.addi %mul3A_211, %add3A_212 : i32
      %dma_wait3A_214 = arith.constant 0 : i32
      %dma_wait3A_215 = arith.constant 0 : i32
      %dma_wait3A_216 = tpu.memref_slice %arg2[%dma_wait3A_214, %dma_wait3A_215] : memref<80000x128xf32, #tpu.memory_space<hbm>> -> memref<80000x128xf32, #tpu.memory_space<hbm>>
      tpu.wait_indirect_dma semaphore(%arg34 : memref<!tpu.dma_semaphore, #tpu.memory_space<semaphore_mem>>) src(%dma_wait3A_216 : memref<80000x128xf32, #tpu.memory_space<hbm>>) dst(%arg32 : memref<128x128xf32, #tpu.memory_space<vmem>>)
      %add3A_217 = arith.constant 4 : i32
      %add3A_218 = arith.addi %add3A_213, %add3A_217 : i32
      %lt3A_219 = arith.constant 80 : i32
      %lt3A_220 = arith.cmpi slt, %add3A_218, %lt3A_219 : i32
      %convert_element_type3A_221 = arith.extui %lt3A_220 : i1 to i32
      %cond3A_222 = arith.constant 0 : i32
      %cond3A_223 = arith.cmpi ne, %convert_element_type3A_221, %cond3A_222 : i32
      scf.if %cond3A_223 {
        %add3A_425 = arith.constant 4 : i32
        %add3A_426 = arith.addi %add3A_213, %add3A_425 : i32
        %dma_start3A_427 = arith.constant 0 : i32
        %dma_start3A_428 = tpu.memref_slice %arg3[%arg0, %arg1, %add3A_426, %dma_start3A_427] : memref<2x16x80x128xi32, #tpu.memory_space<hbm>> -> memref<1x1x1x128xi32, #tpu.memory_space<hbm>>
        %dma_start3A_429 = tpu.memref_squeeze %dma_start3A_428 : memref<1x1x1x128xi32, #tpu.memory_space<hbm>> -> memref<128xi32, #tpu.memory_space<hbm>>
        %dma_start3A_430 = arith.constant 0 : i32
        %dma_start3A_431 = tpu.memref_slice %arg3[%arg0, %arg1, %add3A_426, %dma_start3A_430] : memref<2x16x80x128xi32, #tpu.memory_space<hbm>> -> memref<1x1x1x128xi32, #tpu.memory_space<hbm>>
        %dma_start3A_432 = tpu.memref_squeeze %dma_start3A_431 : memref<1x1x1x128xi32, #tpu.memory_space<hbm>> -> memref<128xi32, #tpu.memory_space<hbm>>
        tpu.enqueue_dma source(%dma_start3A_432 : memref<128xi32, #tpu.memory_space<hbm>>) target(%arg10 : memref<128xi32, #tpu.memory_space<vmem>>) target_semaphore(%arg14 : memref<!tpu.dma_semaphore, #tpu.memory_space<semaphore_mem>>)
      } else {
      }
      %dma_wait3A_224 = arith.constant 0 : i32
      %dma_wait3A_225 = arith.constant 0 : i32
      %dma_wait3A_226 = tpu.memref_slice %arg4[%arg0, %arg1, %dma_wait3A_224, %dma_wait3A_225] : memref<2x16x80x128xi32, #tpu.memory_space<hbm>> -> memref<1x1x1x128xi32, #tpu.memory_space<hbm>>
      %dma_wait3A_227 = tpu.memref_squeeze %dma_wait3A_226 : memref<1x1x1x128xi32, #tpu.memory_space<hbm>> -> memref<128xi32, #tpu.memory_space<hbm>>
      %dma_wait3A_228 = arith.constant 0 : i32
      %dma_wait3A_229 = tpu.memref_slice %arg4[%arg0, %arg1, %dma_wait3A_224, %dma_wait3A_228] : memref<2x16x80x128xi32, #tpu.memory_space<hbm>> -> memref<1x1x1x128xi32, #tpu.memory_space<hbm>>
      %dma_wait3A_230 = tpu.memref_squeeze %dma_wait3A_229 : memref<1x1x1x128xi32, #tpu.memory_space<hbm>> -> memref<128xi32, #tpu.memory_space<hbm>>
      tpu.wait_dma2 semaphore(%arg26 : memref<!tpu.dma_semaphore, #tpu.memory_space<semaphore_mem>>) src(%dma_wait3A_230 : memref<128xi32, #tpu.memory_space<hbm>>) dst(%arg18 : memref<128xi32, #tpu.memory_space<vmem>>)
      %dma_start3A_231 = arith.constant 0 : i32
      %dma_start3A_232 = arith.constant 0 : i32
      %dma_start3A_233 = tpu.memref_slice %arg37[%dma_start3A_231, %dma_start3A_232] : memref<10112x128xf32, #tpu.memory_space<vmem_shared>> -> memref<10112x128xf32, #tpu.memory_space<vmem_shared>>
      tpu.enqueue_indirect_dma source(%arg32 : memref<128x128xf32, #tpu.memory_space<vmem>>) target(%dma_start3A_233 : memref<10112x128xf32, #tpu.memory_space<vmem_shared>>) offsets(%arg18 : memref<128xi32, #tpu.memory_space<vmem>>) semaphore(%arg36 : memref<!tpu.dma_semaphore, #tpu.memory_space<semaphore_mem>>) {add = true}
      %ge3A_234 = arith.constant 1 : i32
      %ge3A_235 = arith.cmpi sge, %add3A_213, %ge3A_234 : i32
      %convert_element_type3A_236 = arith.extui %ge3A_235 : i1 to i32
      %cond3A_237 = arith.constant 0 : i32
      %cond3A_238 = arith.cmpi ne, %convert_element_type3A_236, %cond3A_237 : i32
      scf.if %cond3A_238 {
        %dma_wait3A_425 = arith.constant 0 : i32
        %dma_wait3A_426 = arith.constant 0 : i32
        %dma_wait3A_427 = tpu.memref_slice %arg37[%dma_wait3A_425, %dma_wait3A_426] : memref<10112x128xf32, #tpu.memory_space<vmem_shared>> -> memref<10112x128xf32, #tpu.memory_space<vmem_shared>>
        tpu.wait_indirect_dma semaphore(%arg35 : memref<!tpu.dma_semaphore, #tpu.memory_space<semaphore_mem>>) src(%arg31 : memref<128x128xf32, #tpu.memory_space<vmem>>) dst(%dma_wait3A_427 : memref<10112x128xf32, #tpu.memory_space<vmem_shared>>)
      } else {
      }
      %add3A_239 = arith.constant 5 : i32
      %add3A_240 = arith.addi %add3A_213, %add3A_239 : i32
      %lt3A_241 = arith.constant 80 : i32
      %lt3A_242 = arith.cmpi slt, %add3A_240, %lt3A_241 : i32
      %convert_element_type3A_243 = arith.extui %lt3A_242 : i1 to i32
      %cond3A_244 = arith.constant 0 : i32
      %cond3A_245 = arith.cmpi ne, %convert_element_type3A_243, %cond3A_244 : i32
      scf.if %cond3A_245 {
        %add3A_425 = arith.constant 5 : i32
        %add3A_426 = arith.addi %add3A_213, %add3A_425 : i32
        %dma_start3A_427 = arith.constant 0 : i32
        %dma_start3A_428 = tpu.memref_slice %arg4[%arg0, %arg1, %add3A_426, %dma_start3A_427] : memref<2x16x80x128xi32, #tpu.memory_space<hbm>> -> memref<1x1x1x128xi32, #tpu.memory_space<hbm>>
        %dma_start3A_429 = tpu.memref_squeeze %dma_start3A_428 : memref<1x1x1x128xi32, #tpu.memory_space<hbm>> -> memref<128xi32, #tpu.memory_space<hbm>>
        %dma_start3A_430 = arith.constant 0 : i32
        %dma_start3A_431 = tpu.memref_slice %arg4[%arg0, %arg1, %add3A_426, %dma_start3A_430] : memref<2x16x80x128xi32, #tpu.memory_space<hbm>> -> memref<1x1x1x128xi32, #tpu.memory_space<hbm>>
        %dma_start3A_432 = tpu.memref_squeeze %dma_start3A_431 : memref<1x1x1x128xi32, #tpu.memory_space<hbm>> -> memref<128xi32, #tpu.memory_space<hbm>>
        tpu.enqueue_dma source(%dma_start3A_432 : memref<128xi32, #tpu.memory_space<hbm>>) target(%arg15 : memref<128xi32, #tpu.memory_space<vmem>>) target_semaphore(%arg23 : memref<!tpu.dma_semaphore, #tpu.memory_space<semaphore_mem>>)
      } else {
      }
      %add3A_246 = arith.constant 1 : i32
      %add3A_247 = arith.addi %add3A_213, %add3A_246 : i32
      %lt3A_248 = arith.constant 80 : i32
      %lt3A_249 = arith.cmpi slt, %add3A_247, %lt3A_248 : i32
      %convert_element_type3A_250 = arith.extui %lt3A_249 : i1 to i32
      %cond3A_251 = arith.constant 0 : i32
      %cond3A_252 = arith.cmpi ne, %convert_element_type3A_250, %cond3A_251 : i32
      scf.if %cond3A_252 {
        %dma_wait3A_425 = arith.constant 0 : i32
        %dma_wait3A_426 = arith.constant 0 : i32
        %dma_wait3A_427 = tpu.memref_slice %arg3[%arg0, %arg1, %dma_wait3A_425, %dma_wait3A_426] : memref<2x16x80x128xi32, #tpu.memory_space<hbm>> -> memref<1x1x1x128xi32, #tpu.memory_space<hbm>>
        %dma_wait3A_428 = tpu.memref_squeeze %dma_wait3A_427 : memref<1x1x1x128xi32, #tpu.memory_space<hbm>> -> memref<128xi32, #tpu.memory_space<hbm>>
        %dma_wait3A_429 = arith.constant 0 : i32
        %dma_wait3A_430 = tpu.memref_slice %arg3[%arg0, %arg1, %dma_wait3A_425, %dma_wait3A_429] : memref<2x16x80x128xi32, #tpu.memory_space<hbm>> -> memref<1x1x1x128xi32, #tpu.memory_space<hbm>>
        %dma_wait3A_431 = tpu.memref_squeeze %dma_wait3A_430 : memref<1x1x1x128xi32, #tpu.memory_space<hbm>> -> memref<128xi32, #tpu.memory_space<hbm>>
        tpu.wait_dma2 semaphore(%arg11 : memref<!tpu.dma_semaphore, #tpu.memory_space<semaphore_mem>>) src(%dma_wait3A_431 : memref<128xi32, #tpu.memory_space<hbm>>) dst(%arg7 : memref<128xi32, #tpu.memory_space<vmem>>)
        %dma_start3A_432 = arith.constant 0 : i32
        %dma_start3A_433 = arith.constant 0 : i32
        %dma_start3A_434 = tpu.memref_slice %arg2[%dma_start3A_432, %dma_start3A_433] : memref<80000x128xf32, #tpu.memory_space<hbm>> -> memref<80000x128xf32, #tpu.memory_space<hbm>>
        tpu.enqueue_indirect_dma source(%dma_start3A_434 : memref<80000x128xf32, #tpu.memory_space<hbm>>) target(%arg31 : memref<128x128xf32, #tpu.memory_space<vmem>>) offsets(%arg7 : memref<128xi32, #tpu.memory_space<vmem>>) semaphore(%arg33 : memref<!tpu.dma_semaphore, #tpu.memory_space<semaphore_mem>>)
      } else {
      }
      %mul3A_253 = arith.constant 8 : i32
      %mul3A_254 = arith.muli %scan3A_85, %mul3A_253 : i32
      %add3A_255 = arith.constant 4 : i32
      %add3A_256 = arith.addi %mul3A_254, %add3A_255 : i32
      %dma_wait3A_257 = arith.constant 0 : i32
      %dma_wait3A_258 = arith.constant 0 : i32
      %dma_wait3A_259 = tpu.memref_slice %arg2[%dma_wait3A_257, %dma_wait3A_258] : memref<80000x128xf32, #tpu.memory_space<hbm>> -> memref<80000x128xf32, #tpu.memory_space<hbm>>
      tpu.wait_indirect_dma semaphore(%arg33 : memref<!tpu.dma_semaphore, #tpu.memory_space<semaphore_mem>>) src(%dma_wait3A_259 : memref<80000x128xf32, #tpu.memory_space<hbm>>) dst(%arg31 : memref<128x128xf32, #tpu.memory_space<vmem>>)
      %add3A_260 = arith.constant 4 : i32
      %add3A_261 = arith.addi %add3A_256, %add3A_260 : i32
      %lt3A_262 = arith.constant 80 : i32
      %lt3A_263 = arith.cmpi slt, %add3A_261, %lt3A_262 : i32
      %convert_element_type3A_264 = arith.extui %lt3A_263 : i1 to i32
      %cond3A_265 = arith.constant 0 : i32
      %cond3A_266 = arith.cmpi ne, %convert_element_type3A_264, %cond3A_265 : i32
      scf.if %cond3A_266 {
        %add3A_425 = arith.constant 4 : i32
        %add3A_426 = arith.addi %add3A_256, %add3A_425 : i32
        %dma_start3A_427 = arith.constant 0 : i32
        %dma_start3A_428 = tpu.memref_slice %arg3[%arg0, %arg1, %add3A_426, %dma_start3A_427] : memref<2x16x80x128xi32, #tpu.memory_space<hbm>> -> memref<1x1x1x128xi32, #tpu.memory_space<hbm>>
        %dma_start3A_429 = tpu.memref_squeeze %dma_start3A_428 : memref<1x1x1x128xi32, #tpu.memory_space<hbm>> -> memref<128xi32, #tpu.memory_space<hbm>>
        %dma_start3A_430 = arith.constant 0 : i32
        %dma_start3A_431 = tpu.memref_slice %arg3[%arg0, %arg1, %add3A_426, %dma_start3A_430] : memref<2x16x80x128xi32, #tpu.memory_space<hbm>> -> memref<1x1x1x128xi32, #tpu.memory_space<hbm>>
        %dma_start3A_432 = tpu.memref_squeeze %dma_start3A_431 : memref<1x1x1x128xi32, #tpu.memory_space<hbm>> -> memref<128xi32, #tpu.memory_space<hbm>>
        tpu.enqueue_dma source(%dma_start3A_432 : memref<128xi32, #tpu.memory_space<hbm>>) target(%arg7 : memref<128xi32, #tpu.memory_space<vmem>>) target_semaphore(%arg11 : memref<!tpu.dma_semaphore, #tpu.memory_space<semaphore_mem>>)
      } else {
      }
      %dma_wait3A_267 = arith.constant 0 : i32
      %dma_wait3A_268 = arith.constant 0 : i32
      %dma_wait3A_269 = tpu.memref_slice %arg4[%arg0, %arg1, %dma_wait3A_267, %dma_wait3A_268] : memref<2x16x80x128xi32, #tpu.memory_space<hbm>> -> memref<1x1x1x128xi32, #tpu.memory_space<hbm>>
      %dma_wait3A_270 = tpu.memref_squeeze %dma_wait3A_269 : memref<1x1x1x128xi32, #tpu.memory_space<hbm>> -> memref<128xi32, #tpu.memory_space<hbm>>
      %dma_wait3A_271 = arith.constant 0 : i32
      %dma_wait3A_272 = tpu.memref_slice %arg4[%arg0, %arg1, %dma_wait3A_267, %dma_wait3A_271] : memref<2x16x80x128xi32, #tpu.memory_space<hbm>> -> memref<1x1x1x128xi32, #tpu.memory_space<hbm>>
      %dma_wait3A_273 = tpu.memref_squeeze %dma_wait3A_272 : memref<1x1x1x128xi32, #tpu.memory_space<hbm>> -> memref<128xi32, #tpu.memory_space<hbm>>
      tpu.wait_dma2 semaphore(%arg27 : memref<!tpu.dma_semaphore, #tpu.memory_space<semaphore_mem>>) src(%dma_wait3A_273 : memref<128xi32, #tpu.memory_space<hbm>>) dst(%arg19 : memref<128xi32, #tpu.memory_space<vmem>>)
      %dma_start3A_274 = arith.constant 0 : i32
      %dma_start3A_275 = arith.constant 0 : i32
      %dma_start3A_276 = tpu.memref_slice %arg37[%dma_start3A_274, %dma_start3A_275] : memref<10112x128xf32, #tpu.memory_space<vmem_shared>> -> memref<10112x128xf32, #tpu.memory_space<vmem_shared>>
      tpu.enqueue_indirect_dma source(%arg31 : memref<128x128xf32, #tpu.memory_space<vmem>>) target(%dma_start3A_276 : memref<10112x128xf32, #tpu.memory_space<vmem_shared>>) offsets(%arg19 : memref<128xi32, #tpu.memory_space<vmem>>) semaphore(%arg35 : memref<!tpu.dma_semaphore, #tpu.memory_space<semaphore_mem>>) {add = true}
      %ge3A_277 = arith.constant 1 : i32
      %ge3A_278 = arith.cmpi sge, %add3A_256, %ge3A_277 : i32
      %convert_element_type3A_279 = arith.extui %ge3A_278 : i1 to i32
      %cond3A_280 = arith.constant 0 : i32
      %cond3A_281 = arith.cmpi ne, %convert_element_type3A_279, %cond3A_280 : i32
      scf.if %cond3A_281 {
        %dma_wait3A_425 = arith.constant 0 : i32
        %dma_wait3A_426 = arith.constant 0 : i32
        %dma_wait3A_427 = tpu.memref_slice %arg37[%dma_wait3A_425, %dma_wait3A_426] : memref<10112x128xf32, #tpu.memory_space<vmem_shared>> -> memref<10112x128xf32, #tpu.memory_space<vmem_shared>>
        tpu.wait_indirect_dma semaphore(%arg36 : memref<!tpu.dma_semaphore, #tpu.memory_space<semaphore_mem>>) src(%arg32 : memref<128x128xf32, #tpu.memory_space<vmem>>) dst(%dma_wait3A_427 : memref<10112x128xf32, #tpu.memory_space<vmem_shared>>)
      } else {
      }
      %add3A_282 = arith.constant 5 : i32
      %add3A_283 = arith.addi %add3A_256, %add3A_282 : i32
      %lt3A_284 = arith.constant 80 : i32
      %lt3A_285 = arith.cmpi slt, %add3A_283, %lt3A_284 : i32
      %convert_element_type3A_286 = arith.extui %lt3A_285 : i1 to i32
      %cond3A_287 = arith.constant 0 : i32
      %cond3A_288 = arith.cmpi ne, %convert_element_type3A_286, %cond3A_287 : i32
      scf.if %cond3A_288 {
        %add3A_425 = arith.constant 5 : i32
        %add3A_426 = arith.addi %add3A_256, %add3A_425 : i32
        %dma_start3A_427 = arith.constant 0 : i32
        %dma_start3A_428 = tpu.memref_slice %arg4[%arg0, %arg1, %add3A_426, %dma_start3A_427] : memref<2x16x80x128xi32, #tpu.memory_space<hbm>> -> memref<1x1x1x128xi32, #tpu.memory_space<hbm>>
        %dma_start3A_429 = tpu.memref_squeeze %dma_start3A_428 : memref<1x1x1x128xi32, #tpu.memory_space<hbm>> -> memref<128xi32, #tpu.memory_space<hbm>>
        %dma_start3A_430 = arith.constant 0 : i32
        %dma_start3A_431 = tpu.memref_slice %arg4[%arg0, %arg1, %add3A_426, %dma_start3A_430] : memref<2x16x80x128xi32, #tpu.memory_space<hbm>> -> memref<1x1x1x128xi32, #tpu.memory_space<hbm>>
        %dma_start3A_432 = tpu.memref_squeeze %dma_start3A_431 : memref<1x1x1x128xi32, #tpu.memory_space<hbm>> -> memref<128xi32, #tpu.memory_space<hbm>>
        tpu.enqueue_dma source(%dma_start3A_432 : memref<128xi32, #tpu.memory_space<hbm>>) target(%arg16 : memref<128xi32, #tpu.memory_space<vmem>>) target_semaphore(%arg24 : memref<!tpu.dma_semaphore, #tpu.memory_space<semaphore_mem>>)
      } else {
      }
      %add3A_289 = arith.constant 1 : i32
      %add3A_290 = arith.addi %add3A_256, %add3A_289 : i32
      %lt3A_291 = arith.constant 80 : i32
      %lt3A_292 = arith.cmpi slt, %add3A_290, %lt3A_291 : i32
      %convert_element_type3A_293 = arith.extui %lt3A_292 : i1 to i32
      %cond3A_294 = arith.constant 0 : i32
      %cond3A_295 = arith.cmpi ne, %convert_element_type3A_293, %cond3A_294 : i32
      scf.if %cond3A_295 {
        %dma_wait3A_425 = arith.constant 0 : i32
        %dma_wait3A_426 = arith.constant 0 : i32
        %dma_wait3A_427 = tpu.memref_slice %arg3[%arg0, %arg1, %dma_wait3A_425, %dma_wait3A_426] : memref<2x16x80x128xi32, #tpu.memory_space<hbm>> -> memref<1x1x1x128xi32, #tpu.memory_space<hbm>>
        %dma_wait3A_428 = tpu.memref_squeeze %dma_wait3A_427 : memref<1x1x1x128xi32, #tpu.memory_space<hbm>> -> memref<128xi32, #tpu.memory_space<hbm>>
        %dma_wait3A_429 = arith.constant 0 : i32
        %dma_wait3A_430 = tpu.memref_slice %arg3[%arg0, %arg1, %dma_wait3A_425, %dma_wait3A_429] : memref<2x16x80x128xi32, #tpu.memory_space<hbm>> -> memref<1x1x1x128xi32, #tpu.memory_space<hbm>>
        %dma_wait3A_431 = tpu.memref_squeeze %dma_wait3A_430 : memref<1x1x1x128xi32, #tpu.memory_space<hbm>> -> memref<128xi32, #tpu.memory_space<hbm>>
        tpu.wait_dma2 semaphore(%arg12 : memref<!tpu.dma_semaphore, #tpu.memory_space<semaphore_mem>>) src(%dma_wait3A_431 : memref<128xi32, #tpu.memory_space<hbm>>) dst(%arg8 : memref<128xi32, #tpu.memory_space<vmem>>)
        %dma_start3A_432 = arith.constant 0 : i32
        %dma_start3A_433 = arith.constant 0 : i32
        %dma_start3A_434 = tpu.memref_slice %arg2[%dma_start3A_432, %dma_start3A_433] : memref<80000x128xf32, #tpu.memory_space<hbm>> -> memref<80000x128xf32, #tpu.memory_space<hbm>>
        tpu.enqueue_indirect_dma source(%dma_start3A_434 : memref<80000x128xf32, #tpu.memory_space<hbm>>) target(%arg32 : memref<128x128xf32, #tpu.memory_space<vmem>>) offsets(%arg8 : memref<128xi32, #tpu.memory_space<vmem>>) semaphore(%arg34 : memref<!tpu.dma_semaphore, #tpu.memory_space<semaphore_mem>>)
      } else {
      }
      %mul3A_296 = arith.constant 8 : i32
      %mul3A_297 = arith.muli %scan3A_85, %mul3A_296 : i32
      %add3A_298 = arith.constant 5 : i32
      %add3A_299 = arith.addi %mul3A_297, %add3A_298 : i32
      %dma_wait3A_300 = arith.constant 0 : i32
      %dma_wait3A_301 = arith.constant 0 : i32
      %dma_wait3A_302 = tpu.memref_slice %arg2[%dma_wait3A_300, %dma_wait3A_301] : memref<80000x128xf32, #tpu.memory_space<hbm>> -> memref<80000x128xf32, #tpu.memory_space<hbm>>
      tpu.wait_indirect_dma semaphore(%arg34 : memref<!tpu.dma_semaphore, #tpu.memory_space<semaphore_mem>>) src(%dma_wait3A_302 : memref<80000x128xf32, #tpu.memory_space<hbm>>) dst(%arg32 : memref<128x128xf32, #tpu.memory_space<vmem>>)
      %add3A_303 = arith.constant 4 : i32
      %add3A_304 = arith.addi %add3A_299, %add3A_303 : i32
      %lt3A_305 = arith.constant 80 : i32
      %lt3A_306 = arith.cmpi slt, %add3A_304, %lt3A_305 : i32
      %convert_element_type3A_307 = arith.extui %lt3A_306 : i1 to i32
      %cond3A_308 = arith.constant 0 : i32
      %cond3A_309 = arith.cmpi ne, %convert_element_type3A_307, %cond3A_308 : i32
      scf.if %cond3A_309 {
        %add3A_425 = arith.constant 4 : i32
        %add3A_426 = arith.addi %add3A_299, %add3A_425 : i32
        %dma_start3A_427 = arith.constant 0 : i32
        %dma_start3A_428 = tpu.memref_slice %arg3[%arg0, %arg1, %add3A_426, %dma_start3A_427] : memref<2x16x80x128xi32, #tpu.memory_space<hbm>> -> memref<1x1x1x128xi32, #tpu.memory_space<hbm>>
        %dma_start3A_429 = tpu.memref_squeeze %dma_start3A_428 : memref<1x1x1x128xi32, #tpu.memory_space<hbm>> -> memref<128xi32, #tpu.memory_space<hbm>>
        %dma_start3A_430 = arith.constant 0 : i32
        %dma_start3A_431 = tpu.memref_slice %arg3[%arg0, %arg1, %add3A_426, %dma_start3A_430] : memref<2x16x80x128xi32, #tpu.memory_space<hbm>> -> memref<1x1x1x128xi32, #tpu.memory_space<hbm>>
        %dma_start3A_432 = tpu.memref_squeeze %dma_start3A_431 : memref<1x1x1x128xi32, #tpu.memory_space<hbm>> -> memref<128xi32, #tpu.memory_space<hbm>>
        tpu.enqueue_dma source(%dma_start3A_432 : memref<128xi32, #tpu.memory_space<hbm>>) target(%arg8 : memref<128xi32, #tpu.memory_space<vmem>>) target_semaphore(%arg12 : memref<!tpu.dma_semaphore, #tpu.memory_space<semaphore_mem>>)
      } else {
      }
      %dma_wait3A_310 = arith.constant 0 : i32
      %dma_wait3A_311 = arith.constant 0 : i32
      %dma_wait3A_312 = tpu.memref_slice %arg4[%arg0, %arg1, %dma_wait3A_310, %dma_wait3A_311] : memref<2x16x80x128xi32, #tpu.memory_space<hbm>> -> memref<1x1x1x128xi32, #tpu.memory_space<hbm>>
      %dma_wait3A_313 = tpu.memref_squeeze %dma_wait3A_312 : memref<1x1x1x128xi32, #tpu.memory_space<hbm>> -> memref<128xi32, #tpu.memory_space<hbm>>
      %dma_wait3A_314 = arith.constant 0 : i32
      %dma_wait3A_315 = tpu.memref_slice %arg4[%arg0, %arg1, %dma_wait3A_310, %dma_wait3A_314] : memref<2x16x80x128xi32, #tpu.memory_space<hbm>> -> memref<1x1x1x128xi32, #tpu.memory_space<hbm>>
      %dma_wait3A_316 = tpu.memref_squeeze %dma_wait3A_315 : memref<1x1x1x128xi32, #tpu.memory_space<hbm>> -> memref<128xi32, #tpu.memory_space<hbm>>
      tpu.wait_dma2 semaphore(%arg28 : memref<!tpu.dma_semaphore, #tpu.memory_space<semaphore_mem>>) src(%dma_wait3A_316 : memref<128xi32, #tpu.memory_space<hbm>>) dst(%arg20 : memref<128xi32, #tpu.memory_space<vmem>>)
      %dma_start3A_317 = arith.constant 0 : i32
      %dma_start3A_318 = arith.constant 0 : i32
      %dma_start3A_319 = tpu.memref_slice %arg37[%dma_start3A_317, %dma_start3A_318] : memref<10112x128xf32, #tpu.memory_space<vmem_shared>> -> memref<10112x128xf32, #tpu.memory_space<vmem_shared>>
      tpu.enqueue_indirect_dma source(%arg32 : memref<128x128xf32, #tpu.memory_space<vmem>>) target(%dma_start3A_319 : memref<10112x128xf32, #tpu.memory_space<vmem_shared>>) offsets(%arg20 : memref<128xi32, #tpu.memory_space<vmem>>) semaphore(%arg36 : memref<!tpu.dma_semaphore, #tpu.memory_space<semaphore_mem>>) {add = true}
      %ge3A_320 = arith.constant 1 : i32
      %ge3A_321 = arith.cmpi sge, %add3A_299, %ge3A_320 : i32
      %convert_element_type3A_322 = arith.extui %ge3A_321 : i1 to i32
      %cond3A_323 = arith.constant 0 : i32
      %cond3A_324 = arith.cmpi ne, %convert_element_type3A_322, %cond3A_323 : i32
      scf.if %cond3A_324 {
        %dma_wait3A_425 = arith.constant 0 : i32
        %dma_wait3A_426 = arith.constant 0 : i32
        %dma_wait3A_427 = tpu.memref_slice %arg37[%dma_wait3A_425, %dma_wait3A_426] : memref<10112x128xf32, #tpu.memory_space<vmem_shared>> -> memref<10112x128xf32, #tpu.memory_space<vmem_shared>>
        tpu.wait_indirect_dma semaphore(%arg35 : memref<!tpu.dma_semaphore, #tpu.memory_space<semaphore_mem>>) src(%arg31 : memref<128x128xf32, #tpu.memory_space<vmem>>) dst(%dma_wait3A_427 : memref<10112x128xf32, #tpu.memory_space<vmem_shared>>)
      } else {
      }
      %add3A_325 = arith.constant 5 : i32
      %add3A_326 = arith.addi %add3A_299, %add3A_325 : i32
      %lt3A_327 = arith.constant 80 : i32
      %lt3A_328 = arith.cmpi slt, %add3A_326, %lt3A_327 : i32
      %convert_element_type3A_329 = arith.extui %lt3A_328 : i1 to i32
      %cond3A_330 = arith.constant 0 : i32
      %cond3A_331 = arith.cmpi ne, %convert_element_type3A_329, %cond3A_330 : i32
      scf.if %cond3A_331 {
        %add3A_425 = arith.constant 5 : i32
        %add3A_426 = arith.addi %add3A_299, %add3A_425 : i32
        %dma_start3A_427 = arith.constant 0 : i32
        %dma_start3A_428 = tpu.memref_slice %arg4[%arg0, %arg1, %add3A_426, %dma_start3A_427] : memref<2x16x80x128xi32, #tpu.memory_space<hbm>> -> memref<1x1x1x128xi32, #tpu.memory_space<hbm>>
        %dma_start3A_429 = tpu.memref_squeeze %dma_start3A_428 : memref<1x1x1x128xi32, #tpu.memory_space<hbm>> -> memref<128xi32, #tpu.memory_space<hbm>>
        %dma_start3A_430 = arith.constant 0 : i32
        %dma_start3A_431 = tpu.memref_slice %arg4[%arg0, %arg1, %add3A_426, %dma_start3A_430] : memref<2x16x80x128xi32, #tpu.memory_space<hbm>> -> memref<1x1x1x128xi32, #tpu.memory_space<hbm>>
        %dma_start3A_432 = tpu.memref_squeeze %dma_start3A_431 : memref<1x1x1x128xi32, #tpu.memory_space<hbm>> -> memref<128xi32, #tpu.memory_space<hbm>>
        tpu.enqueue_dma source(%dma_start3A_432 : memref<128xi32, #tpu.memory_space<hbm>>) target(%arg17 : memref<128xi32, #tpu.memory_space<vmem>>) target_semaphore(%arg25 : memref<!tpu.dma_semaphore, #tpu.memory_space<semaphore_mem>>)
      } else {
      }
      %add3A_332 = arith.constant 1 : i32
      %add3A_333 = arith.addi %add3A_299, %add3A_332 : i32
      %lt3A_334 = arith.constant 80 : i32
      %lt3A_335 = arith.cmpi slt, %add3A_333, %lt3A_334 : i32
      %convert_element_type3A_336 = arith.extui %lt3A_335 : i1 to i32
      %cond3A_337 = arith.constant 0 : i32
      %cond3A_338 = arith.cmpi ne, %convert_element_type3A_336, %cond3A_337 : i32
      scf.if %cond3A_338 {
        %dma_wait3A_425 = arith.constant 0 : i32
        %dma_wait3A_426 = arith.constant 0 : i32
        %dma_wait3A_427 = tpu.memref_slice %arg3[%arg0, %arg1, %dma_wait3A_425, %dma_wait3A_426] : memref<2x16x80x128xi32, #tpu.memory_space<hbm>> -> memref<1x1x1x128xi32, #tpu.memory_space<hbm>>
        %dma_wait3A_428 = tpu.memref_squeeze %dma_wait3A_427 : memref<1x1x1x128xi32, #tpu.memory_space<hbm>> -> memref<128xi32, #tpu.memory_space<hbm>>
        %dma_wait3A_429 = arith.constant 0 : i32
        %dma_wait3A_430 = tpu.memref_slice %arg3[%arg0, %arg1, %dma_wait3A_425, %dma_wait3A_429] : memref<2x16x80x128xi32, #tpu.memory_space<hbm>> -> memref<1x1x1x128xi32, #tpu.memory_space<hbm>>
        %dma_wait3A_431 = tpu.memref_squeeze %dma_wait3A_430 : memref<1x1x1x128xi32, #tpu.memory_space<hbm>> -> memref<128xi32, #tpu.memory_space<hbm>>
        tpu.wait_dma2 semaphore(%arg13 : memref<!tpu.dma_semaphore, #tpu.memory_space<semaphore_mem>>) src(%dma_wait3A_431 : memref<128xi32, #tpu.memory_space<hbm>>) dst(%arg9 : memref<128xi32, #tpu.memory_space<vmem>>)
        %dma_start3A_432 = arith.constant 0 : i32
        %dma_start3A_433 = arith.constant 0 : i32
        %dma_start3A_434 = tpu.memref_slice %arg2[%dma_start3A_432, %dma_start3A_433] : memref<80000x128xf32, #tpu.memory_space<hbm>> -> memref<80000x128xf32, #tpu.memory_space<hbm>>
        tpu.enqueue_indirect_dma source(%dma_start3A_434 : memref<80000x128xf32, #tpu.memory_space<hbm>>) target(%arg31 : memref<128x128xf32, #tpu.memory_space<vmem>>) offsets(%arg9 : memref<128xi32, #tpu.memory_space<vmem>>) semaphore(%arg33 : memref<!tpu.dma_semaphore, #tpu.memory_space<semaphore_mem>>)
      } else {
      }
      %mul3A_339 = arith.constant 8 : i32
      %mul3A_340 = arith.muli %scan3A_85, %mul3A_339 : i32
      %add3A_341 = arith.constant 6 : i32
      %add3A_342 = arith.addi %mul3A_340, %add3A_341 : i32
      %dma_wait3A_343 = arith.constant 0 : i32
      %dma_wait3A_344 = arith.constant 0 : i32
      %dma_wait3A_345 = tpu.memref_slice %arg2[%dma_wait3A_343, %dma_wait3A_344] : memref<80000x128xf32, #tpu.memory_space<hbm>> -> memref<80000x128xf32, #tpu.memory_space<hbm>>
      tpu.wait_indirect_dma semaphore(%arg33 : memref<!tpu.dma_semaphore, #tpu.memory_space<semaphore_mem>>) src(%dma_wait3A_345 : memref<80000x128xf32, #tpu.memory_space<hbm>>) dst(%arg31 : memref<128x128xf32, #tpu.memory_space<vmem>>)
      %add3A_346 = arith.constant 4 : i32
      %add3A_347 = arith.addi %add3A_342, %add3A_346 : i32
      %lt3A_348 = arith.constant 80 : i32
      %lt3A_349 = arith.cmpi slt, %add3A_347, %lt3A_348 : i32
      %convert_element_type3A_350 = arith.extui %lt3A_349 : i1 to i32
      %cond3A_351 = arith.constant 0 : i32
      %cond3A_352 = arith.cmpi ne, %convert_element_type3A_350, %cond3A_351 : i32
      scf.if %cond3A_352 {
        %add3A_425 = arith.constant 4 : i32
        %add3A_426 = arith.addi %add3A_342, %add3A_425 : i32
        %dma_start3A_427 = arith.constant 0 : i32
        %dma_start3A_428 = tpu.memref_slice %arg3[%arg0, %arg1, %add3A_426, %dma_start3A_427] : memref<2x16x80x128xi32, #tpu.memory_space<hbm>> -> memref<1x1x1x128xi32, #tpu.memory_space<hbm>>
        %dma_start3A_429 = tpu.memref_squeeze %dma_start3A_428 : memref<1x1x1x128xi32, #tpu.memory_space<hbm>> -> memref<128xi32, #tpu.memory_space<hbm>>
        %dma_start3A_430 = arith.constant 0 : i32
        %dma_start3A_431 = tpu.memref_slice %arg3[%arg0, %arg1, %add3A_426, %dma_start3A_430] : memref<2x16x80x128xi32, #tpu.memory_space<hbm>> -> memref<1x1x1x128xi32, #tpu.memory_space<hbm>>
        %dma_start3A_432 = tpu.memref_squeeze %dma_start3A_431 : memref<1x1x1x128xi32, #tpu.memory_space<hbm>> -> memref<128xi32, #tpu.memory_space<hbm>>
        tpu.enqueue_dma source(%dma_start3A_432 : memref<128xi32, #tpu.memory_space<hbm>>) target(%arg9 : memref<128xi32, #tpu.memory_space<vmem>>) target_semaphore(%arg13 : memref<!tpu.dma_semaphore, #tpu.memory_space<semaphore_mem>>)
      } else {
      }
      %dma_wait3A_353 = arith.constant 0 : i32
      %dma_wait3A_354 = arith.constant 0 : i32
      %dma_wait3A_355 = tpu.memref_slice %arg4[%arg0, %arg1, %dma_wait3A_353, %dma_wait3A_354] : memref<2x16x80x128xi32, #tpu.memory_space<hbm>> -> memref<1x1x1x128xi32, #tpu.memory_space<hbm>>
      %dma_wait3A_356 = tpu.memref_squeeze %dma_wait3A_355 : memref<1x1x1x128xi32, #tpu.memory_space<hbm>> -> memref<128xi32, #tpu.memory_space<hbm>>
      %dma_wait3A_357 = arith.constant 0 : i32
      %dma_wait3A_358 = tpu.memref_slice %arg4[%arg0, %arg1, %dma_wait3A_353, %dma_wait3A_357] : memref<2x16x80x128xi32, #tpu.memory_space<hbm>> -> memref<1x1x1x128xi32, #tpu.memory_space<hbm>>
      %dma_wait3A_359 = tpu.memref_squeeze %dma_wait3A_358 : memref<1x1x1x128xi32, #tpu.memory_space<hbm>> -> memref<128xi32, #tpu.memory_space<hbm>>
      tpu.wait_dma2 semaphore(%arg29 : memref<!tpu.dma_semaphore, #tpu.memory_space<semaphore_mem>>) src(%dma_wait3A_359 : memref<128xi32, #tpu.memory_space<hbm>>) dst(%arg21 : memref<128xi32, #tpu.memory_space<vmem>>)
      %dma_start3A_360 = arith.constant 0 : i32
      %dma_start3A_361 = arith.constant 0 : i32
      %dma_start3A_362 = tpu.memref_slice %arg37[%dma_start3A_360, %dma_start3A_361] : memref<10112x128xf32, #tpu.memory_space<vmem_shared>> -> memref<10112x128xf32, #tpu.memory_space<vmem_shared>>
      tpu.enqueue_indirect_dma source(%arg31 : memref<128x128xf32, #tpu.memory_space<vmem>>) target(%dma_start3A_362 : memref<10112x128xf32, #tpu.memory_space<vmem_shared>>) offsets(%arg21 : memref<128xi32, #tpu.memory_space<vmem>>) semaphore(%arg35 : memref<!tpu.dma_semaphore, #tpu.memory_space<semaphore_mem>>) {add = true}
      %ge3A_363 = arith.constant 1 : i32
      %ge3A_364 = arith.cmpi sge, %add3A_342, %ge3A_363 : i32
      %convert_element_type3A_365 = arith.extui %ge3A_364 : i1 to i32
      %cond3A_366 = arith.constant 0 : i32
      %cond3A_367 = arith.cmpi ne, %convert_element_type3A_365, %cond3A_366 : i32
      scf.if %cond3A_367 {
        %dma_wait3A_425 = arith.constant 0 : i32
        %dma_wait3A_426 = arith.constant 0 : i32
        %dma_wait3A_427 = tpu.memref_slice %arg37[%dma_wait3A_425, %dma_wait3A_426] : memref<10112x128xf32, #tpu.memory_space<vmem_shared>> -> memref<10112x128xf32, #tpu.memory_space<vmem_shared>>
        tpu.wait_indirect_dma semaphore(%arg36 : memref<!tpu.dma_semaphore, #tpu.memory_space<semaphore_mem>>) src(%arg32 : memref<128x128xf32, #tpu.memory_space<vmem>>) dst(%dma_wait3A_427 : memref<10112x128xf32, #tpu.memory_space<vmem_shared>>)
      } else {
      }
      %add3A_368 = arith.constant 5 : i32
      %add3A_369 = arith.addi %add3A_342, %add3A_368 : i32
      %lt3A_370 = arith.constant 80 : i32
      %lt3A_371 = arith.cmpi slt, %add3A_369, %lt3A_370 : i32
      %convert_element_type3A_372 = arith.extui %lt3A_371 : i1 to i32
      %cond3A_373 = arith.constant 0 : i32
      %cond3A_374 = arith.cmpi ne, %convert_element_type3A_372, %cond3A_373 : i32
      scf.if %cond3A_374 {
        %add3A_425 = arith.constant 5 : i32
        %add3A_426 = arith.addi %add3A_342, %add3A_425 : i32
        %dma_start3A_427 = arith.constant 0 : i32
        %dma_start3A_428 = tpu.memref_slice %arg4[%arg0, %arg1, %add3A_426, %dma_start3A_427] : memref<2x16x80x128xi32, #tpu.memory_space<hbm>> -> memref<1x1x1x128xi32, #tpu.memory_space<hbm>>
        %dma_start3A_429 = tpu.memref_squeeze %dma_start3A_428 : memref<1x1x1x128xi32, #tpu.memory_space<hbm>> -> memref<128xi32, #tpu.memory_space<hbm>>
        %dma_start3A_430 = arith.constant 0 : i32
        %dma_start3A_431 = tpu.memref_slice %arg4[%arg0, %arg1, %add3A_426, %dma_start3A_430] : memref<2x16x80x128xi32, #tpu.memory_space<hbm>> -> memref<1x1x1x128xi32, #tpu.memory_space<hbm>>
        %dma_start3A_432 = tpu.memref_squeeze %dma_start3A_431 : memref<1x1x1x128xi32, #tpu.memory_space<hbm>> -> memref<128xi32, #tpu.memory_space<hbm>>
        tpu.enqueue_dma source(%dma_start3A_432 : memref<128xi32, #tpu.memory_space<hbm>>) target(%arg18 : memref<128xi32, #tpu.memory_space<vmem>>) target_semaphore(%arg26 : memref<!tpu.dma_semaphore, #tpu.memory_space<semaphore_mem>>)
      } else {
      }
      %add3A_375 = arith.constant 1 : i32
      %add3A_376 = arith.addi %add3A_342, %add3A_375 : i32
      %lt3A_377 = arith.constant 80 : i32
      %lt3A_378 = arith.cmpi slt, %add3A_376, %lt3A_377 : i32
      %convert_element_type3A_379 = arith.extui %lt3A_378 : i1 to i32
      %cond3A_380 = arith.constant 0 : i32
      %cond3A_381 = arith.cmpi ne, %convert_element_type3A_379, %cond3A_380 : i32
      scf.if %cond3A_381 {
        %dma_wait3A_425 = arith.constant 0 : i32
        %dma_wait3A_426 = arith.constant 0 : i32
        %dma_wait3A_427 = tpu.memref_slice %arg3[%arg0, %arg1, %dma_wait3A_425, %dma_wait3A_426] : memref<2x16x80x128xi32, #tpu.memory_space<hbm>> -> memref<1x1x1x128xi32, #tpu.memory_space<hbm>>
        %dma_wait3A_428 = tpu.memref_squeeze %dma_wait3A_427 : memref<1x1x1x128xi32, #tpu.memory_space<hbm>> -> memref<128xi32, #tpu.memory_space<hbm>>
        %dma_wait3A_429 = arith.constant 0 : i32
        %dma_wait3A_430 = tpu.memref_slice %arg3[%arg0, %arg1, %dma_wait3A_425, %dma_wait3A_429] : memref<2x16x80x128xi32, #tpu.memory_space<hbm>> -> memref<1x1x1x128xi32, #tpu.memory_space<hbm>>
        %dma_wait3A_431 = tpu.memref_squeeze %dma_wait3A_430 : memref<1x1x1x128xi32, #tpu.memory_space<hbm>> -> memref<128xi32, #tpu.memory_space<hbm>>
        tpu.wait_dma2 semaphore(%arg14 : memref<!tpu.dma_semaphore, #tpu.memory_space<semaphore_mem>>) src(%dma_wait3A_431 : memref<128xi32, #tpu.memory_space<hbm>>) dst(%arg10 : memref<128xi32, #tpu.memory_space<vmem>>)
        %dma_start3A_432 = arith.constant 0 : i32
        %dma_start3A_433 = arith.constant 0 : i32
        %dma_start3A_434 = tpu.memref_slice %arg2[%dma_start3A_432, %dma_start3A_433] : memref<80000x128xf32, #tpu.memory_space<hbm>> -> memref<80000x128xf32, #tpu.memory_space<hbm>>
        tpu.enqueue_indirect_dma source(%dma_start3A_434 : memref<80000x128xf32, #tpu.memory_space<hbm>>) target(%arg32 : memref<128x128xf32, #tpu.memory_space<vmem>>) offsets(%arg10 : memref<128xi32, #tpu.memory_space<vmem>>) semaphore(%arg34 : memref<!tpu.dma_semaphore, #tpu.memory_space<semaphore_mem>>)
      } else {
      }
      %mul3A_382 = arith.constant 8 : i32
      %mul3A_383 = arith.muli %scan3A_85, %mul3A_382 : i32
      %add3A_384 = arith.constant 7 : i32
      %add3A_385 = arith.addi %mul3A_383, %add3A_384 : i32
      %dma_wait3A_386 = arith.constant 0 : i32
      %dma_wait3A_387 = arith.constant 0 : i32
      %dma_wait3A_388 = tpu.memref_slice %arg2[%dma_wait3A_386, %dma_wait3A_387] : memref<80000x128xf32, #tpu.memory_space<hbm>> -> memref<80000x128xf32, #tpu.memory_space<hbm>>
      tpu.wait_indirect_dma semaphore(%arg34 : memref<!tpu.dma_semaphore, #tpu.memory_space<semaphore_mem>>) src(%dma_wait3A_388 : memref<80000x128xf32, #tpu.memory_space<hbm>>) dst(%arg32 : memref<128x128xf32, #tpu.memory_space<vmem>>)
      %add3A_389 = arith.constant 4 : i32
      %add3A_390 = arith.addi %add3A_385, %add3A_389 : i32
      %lt3A_391 = arith.constant 80 : i32
      %lt3A_392 = arith.cmpi slt, %add3A_390, %lt3A_391 : i32
      %convert_element_type3A_393 = arith.extui %lt3A_392 : i1 to i32
      %cond3A_394 = arith.constant 0 : i32
      %cond3A_395 = arith.cmpi ne, %convert_element_type3A_393, %cond3A_394 : i32
      scf.if %cond3A_395 {
        %add3A_425 = arith.constant 4 : i32
        %add3A_426 = arith.addi %add3A_385, %add3A_425 : i32
        %dma_start3A_427 = arith.constant 0 : i32
        %dma_start3A_428 = tpu.memref_slice %arg3[%arg0, %arg1, %add3A_426, %dma_start3A_427] : memref<2x16x80x128xi32, #tpu.memory_space<hbm>> -> memref<1x1x1x128xi32, #tpu.memory_space<hbm>>
        %dma_start3A_429 = tpu.memref_squeeze %dma_start3A_428 : memref<1x1x1x128xi32, #tpu.memory_space<hbm>> -> memref<128xi32, #tpu.memory_space<hbm>>
        %dma_start3A_430 = arith.constant 0 : i32
        %dma_start3A_431 = tpu.memref_slice %arg3[%arg0, %arg1, %add3A_426, %dma_start3A_430] : memref<2x16x80x128xi32, #tpu.memory_space<hbm>> -> memref<1x1x1x128xi32, #tpu.memory_space<hbm>>
        %dma_start3A_432 = tpu.memref_squeeze %dma_start3A_431 : memref<1x1x1x128xi32, #tpu.memory_space<hbm>> -> memref<128xi32, #tpu.memory_space<hbm>>
        tpu.enqueue_dma source(%dma_start3A_432 : memref<128xi32, #tpu.memory_space<hbm>>) target(%arg10 : memref<128xi32, #tpu.memory_space<vmem>>) target_semaphore(%arg14 : memref<!tpu.dma_semaphore, #tpu.memory_space<semaphore_mem>>)
      } else {
      }
      %dma_wait3A_396 = arith.constant 0 : i32
      %dma_wait3A_397 = arith.constant 0 : i32
      %dma_wait3A_398 = tpu.memref_slice %arg4[%arg0, %arg1, %dma_wait3A_396, %dma_wait3A_397] : memref<2x16x80x128xi32, #tpu.memory_space<hbm>> -> memref<1x1x1x128xi32, #tpu.memory_space<hbm>>
      %dma_wait3A_399 = tpu.memref_squeeze %dma_wait3A_398 : memref<1x1x1x128xi32, #tpu.memory_space<hbm>> -> memref<128xi32, #tpu.memory_space<hbm>>
      %dma_wait3A_400 = arith.constant 0 : i32
      %dma_wait3A_401 = tpu.memref_slice %arg4[%arg0, %arg1, %dma_wait3A_396, %dma_wait3A_400] : memref<2x16x80x128xi32, #tpu.memory_space<hbm>> -> memref<1x1x1x128xi32, #tpu.memory_space<hbm>>
      %dma_wait3A_402 = tpu.memref_squeeze %dma_wait3A_401 : memref<1x1x1x128xi32, #tpu.memory_space<hbm>> -> memref<128xi32, #tpu.memory_space<hbm>>
      tpu.wait_dma2 semaphore(%arg30 : memref<!tpu.dma_semaphore, #tpu.memory_space<semaphore_mem>>) src(%dma_wait3A_402 : memref<128xi32, #tpu.memory_space<hbm>>) dst(%arg22 : memref<128xi32, #tpu.memory_space<vmem>>)
      %dma_start3A_403 = arith.constant 0 : i32
      %dma_start3A_404 = arith.constant 0 : i32
      %dma_start3A_405 = tpu.memref_slice %arg37[%dma_start3A_403, %dma_start3A_404] : memref<10112x128xf32, #tpu.memory_space<vmem_shared>> -> memref<10112x128xf32, #tpu.memory_space<vmem_shared>>
      tpu.enqueue_indirect_dma source(%arg32 : memref<128x128xf32, #tpu.memory_space<vmem>>) target(%dma_start3A_405 : memref<10112x128xf32, #tpu.memory_space<vmem_shared>>) offsets(%arg22 : memref<128xi32, #tpu.memory_space<vmem>>) semaphore(%arg36 : memref<!tpu.dma_semaphore, #tpu.memory_space<semaphore_mem>>) {add = true}
      %ge3A_406 = arith.constant 1 : i32
      %ge3A_407 = arith.cmpi sge, %add3A_385, %ge3A_406 : i32
      %convert_element_type3A_408 = arith.extui %ge3A_407 : i1 to i32
      %cond3A_409 = arith.constant 0 : i32
      %cond3A_410 = arith.cmpi ne, %convert_element_type3A_408, %cond3A_409 : i32
      scf.if %cond3A_410 {
        %dma_wait3A_425 = arith.constant 0 : i32
        %dma_wait3A_426 = arith.constant 0 : i32
        %dma_wait3A_427 = tpu.memref_slice %arg37[%dma_wait3A_425, %dma_wait3A_426] : memref<10112x128xf32, #tpu.memory_space<vmem_shared>> -> memref<10112x128xf32, #tpu.memory_space<vmem_shared>>
        tpu.wait_indirect_dma semaphore(%arg35 : memref<!tpu.dma_semaphore, #tpu.memory_space<semaphore_mem>>) src(%arg31 : memref<128x128xf32, #tpu.memory_space<vmem>>) dst(%dma_wait3A_427 : memref<10112x128xf32, #tpu.memory_space<vmem_shared>>)
      } else {
      }
      %add3A_411 = arith.constant 5 : i32
      %add3A_412 = arith.addi %add3A_385, %add3A_411 : i32
      %lt3A_413 = arith.constant 80 : i32
      %lt3A_414 = arith.cmpi slt, %add3A_412, %lt3A_413 : i32
      %convert_element_type3A_415 = arith.extui %lt3A_414 : i1 to i32
      %cond3A_416 = arith.constant 0 : i32
      %cond3A_417 = arith.cmpi ne, %convert_element_type3A_415, %cond3A_416 : i32
      scf.if %cond3A_417 {
        %add3A_425 = arith.constant 5 : i32
        %add3A_426 = arith.addi %add3A_385, %add3A_425 : i32
        %dma_start3A_427 = arith.constant 0 : i32
        %dma_start3A_428 = tpu.memref_slice %arg4[%arg0, %arg1, %add3A_426, %dma_start3A_427] : memref<2x16x80x128xi32, #tpu.memory_space<hbm>> -> memref<1x1x1x128xi32, #tpu.memory_space<hbm>>
        %dma_start3A_429 = tpu.memref_squeeze %dma_start3A_428 : memref<1x1x1x128xi32, #tpu.memory_space<hbm>> -> memref<128xi32, #tpu.memory_space<hbm>>
        %dma_start3A_430 = arith.constant 0 : i32
        %dma_start3A_431 = tpu.memref_slice %arg4[%arg0, %arg1, %add3A_426, %dma_start3A_430] : memref<2x16x80x128xi32, #tpu.memory_space<hbm>> -> memref<1x1x1x128xi32, #tpu.memory_space<hbm>>
        %dma_start3A_432 = tpu.memref_squeeze %dma_start3A_431 : memref<1x1x1x128xi32, #tpu.memory_space<hbm>> -> memref<128xi32, #tpu.memory_space<hbm>>
        tpu.enqueue_dma source(%dma_start3A_432 : memref<128xi32, #tpu.memory_space<hbm>>) target(%arg19 : memref<128xi32, #tpu.memory_space<vmem>>) target_semaphore(%arg27 : memref<!tpu.dma_semaphore, #tpu.memory_space<semaphore_mem>>)
      } else {
      }
      %add3A_418 = arith.constant 1 : i32
      %add3A_419 = arith.addi %add3A_385, %add3A_418 : i32
      %lt3A_420 = arith.constant 80 : i32
      %lt3A_421 = arith.cmpi slt, %add3A_419, %lt3A_420 : i32
      %convert_element_type3A_422 = arith.extui %lt3A_421 : i1 to i32
      %cond3A_423 = arith.constant 0 : i32
      %cond3A_424 = arith.cmpi ne, %convert_element_type3A_422, %cond3A_423 : i32
      scf.if %cond3A_424 {
        %dma_wait3A_425 = arith.constant 0 : i32
        %dma_wait3A_426 = arith.constant 0 : i32
        %dma_wait3A_427 = tpu.memref_slice %arg3[%arg0, %arg1, %dma_wait3A_425, %dma_wait3A_426] : memref<2x16x80x128xi32, #tpu.memory_space<hbm>> -> memref<1x1x1x128xi32, #tpu.memory_space<hbm>>
        %dma_wait3A_428 = tpu.memref_squeeze %dma_wait3A_427 : memref<1x1x1x128xi32, #tpu.memory_space<hbm>> -> memref<128xi32, #tpu.memory_space<hbm>>
        %dma_wait3A_429 = arith.constant 0 : i32
        %dma_wait3A_430 = tpu.memref_slice %arg3[%arg0, %arg1, %dma_wait3A_425, %dma_wait3A_429] : memref<2x16x80x128xi32, #tpu.memory_space<hbm>> -> memref<1x1x1x128xi32, #tpu.memory_space<hbm>>
        %dma_wait3A_431 = tpu.memref_squeeze %dma_wait3A_430 : memref<1x1x1x128xi32, #tpu.memory_space<hbm>> -> memref<128xi32, #tpu.memory_space<hbm>>
        tpu.wait_dma2 semaphore(%arg11 : memref<!tpu.dma_semaphore, #tpu.memory_space<semaphore_mem>>) src(%dma_wait3A_431 : memref<128xi32, #tpu.memory_space<hbm>>) dst(%arg7 : memref<128xi32, #tpu.memory_space<vmem>>)
        %dma_start3A_432 = arith.constant 0 : i32
        %dma_start3A_433 = arith.constant 0 : i32
        %dma_start3A_434 = tpu.memref_slice %arg2[%dma_start3A_432, %dma_start3A_433] : memref<80000x128xf32, #tpu.memory_space<hbm>> -> memref<80000x128xf32, #tpu.memory_space<hbm>>
        tpu.enqueue_indirect_dma source(%dma_start3A_434 : memref<80000x128xf32, #tpu.memory_space<hbm>>) target(%arg31 : memref<128x128xf32, #tpu.memory_space<vmem>>) offsets(%arg7 : memref<128xi32, #tpu.memory_space<vmem>>) semaphore(%arg33 : memref<!tpu.dma_semaphore, #tpu.memory_space<semaphore_mem>>)
      } else {
      }
    }
    %scan3A_76 = arith.constant 10 : i32
    %dma_wait3A_77 = arith.constant 0 : i32
    %dma_wait3A_78 = arith.constant 0 : i32
    %dma_wait3A_79 = tpu.memref_slice %arg37[%dma_wait3A_77, %dma_wait3A_78] : memref<10112x128xf32, #tpu.memory_space<vmem_shared>> -> memref<10112x128xf32, #tpu.memory_space<vmem_shared>>
    tpu.wait_indirect_dma semaphore(%arg36 : memref<!tpu.dma_semaphore, #tpu.memory_space<semaphore_mem>>) src(%arg32 : memref<128x128xf32, #tpu.memory_space<vmem>>) dst(%dma_wait3A_79 : memref<10112x128xf32, #tpu.memory_space<vmem_shared>>)
    %barrier3A_80 = arith.constant 0 : index
    tpu.barrier barrier_id(%barrier3A_80)
    %mul3A_81 = arith.constant 632 : i32
    %mul3A_82 = arith.muli %arg1, %mul3A_81 : i32
    %mul3A_83 = arith.constant 632 : i32
    %mul3A_84 = arith.muli %arg1, %mul3A_83 : i32
    "tpu.region"() ({
      %run_scoped3A = tpu.sem_alloc : memref<!tpu.dma_semaphore, #tpu.memory_space<semaphore_mem>>
      %dma_start3A_85 = arith.constant 0 : i32
      %dma_start3A_86 = tpu.memref_slice %arg6[%arg0, %mul3A_84, %dma_start3A_85] : memref<2x10112x128xf32, #tpu.memory_space<hbm>> -> memref<1x632x128xf32, #tpu.memory_space<hbm>>
      %dma_start3A_87 = tpu.memref_squeeze %dma_start3A_86 : memref<1x632x128xf32, #tpu.memory_space<hbm>> -> memref<632x128xf32, #tpu.memory_space<hbm>>
      %dma_start3A_88 = arith.constant 0 : i32
      %dma_start3A_89 = tpu.memref_slice %arg37[%mul3A_82, %dma_start3A_88] : memref<10112x128xf32, #tpu.memory_space<vmem_shared>> -> memref<632x128xf32, #tpu.memory_space<vmem_shared>>
      tpu.enqueue_dma source(%dma_start3A_89 : memref<632x128xf32, #tpu.memory_space<vmem_shared>>) target(%dma_start3A_87 : memref<632x128xf32, #tpu.memory_space<hbm>>) target_semaphore(%run_scoped3A : memref<!tpu.dma_semaphore, #tpu.memory_space<semaphore_mem>>)
      %dma_wait3A_90 = arith.constant 0 : i32
      %dma_wait3A_91 = tpu.memref_slice %arg6[%arg0, %mul3A_84, %dma_wait3A_90] : memref<2x10112x128xf32, #tpu.memory_space<hbm>> -> memref<1x632x128xf32, #tpu.memory_space<hbm>>
      %dma_wait3A_92 = tpu.memref_squeeze %dma_wait3A_91 : memref<1x632x128xf32, #tpu.memory_space<hbm>> -> memref<632x128xf32, #tpu.memory_space<hbm>>
      %dma_wait3A_93 = arith.constant 0 : i32
      %dma_wait3A_94 = tpu.memref_slice %arg37[%mul3A_82, %dma_wait3A_93] : memref<10112x128xf32, #tpu.memory_space<vmem_shared>> -> memref<632x128xf32, #tpu.memory_space<vmem_shared>>
      tpu.wait_dma2 semaphore(%run_scoped3A : memref<!tpu.dma_semaphore, #tpu.memory_space<semaphore_mem>>) src(%dma_wait3A_94 : memref<632x128xf32, #tpu.memory_space<vmem_shared>>) dst(%dma_wait3A_92 : memref<632x128xf32, #tpu.memory_space<hbm>>)
      tpu.yield
    }) : () -> ()
    return
  }
}

#map = affine_map<(d0, d1) -> (0, 0)>
#map1 = affine_map<(d0, d1) -> (0, 0, 0, 0)>
#map2 = affine_map<(d0, d1) -> (0, 0, 0)>
module attributes {stable_mosaic.version = 14 : i64} {
  func.func @_sc_body(%arg0: i32, %arg1: i32, %arg2: memref<80000x128xf32, #tpu.memory_space<hbm>>, %arg3: memref<2x16x80x128xi32, #tpu.memory_space<hbm>>, %arg4: memref<2x16x80x128xi32, #tpu.memory_space<hbm>>, %arg5: memref<632x128xf32, #tpu.memory_space<hbm>>, %arg6: memref<2x10112x128xf32, #tpu.memory_space<hbm>>, %arg7: memref<128xi32, #tpu.memory_space<vmem>>, %arg8: memref<128xi32, #tpu.memory_space<vmem>>, %arg9: memref<128xi32, #tpu.memory_space<vmem>>, %arg10: memref<128xi32, #tpu.memory_space<vmem>>, %arg11: memref<!tpu.dma_semaphore, #tpu.memory_space<semaphore_mem>>, %arg12: memref<!tpu.dma_semaphore, #tpu.memory_space<semaphore_mem>>, %arg13: memref<!tpu.dma_semaphore, #tpu.memory_space<semaphore_mem>>, %arg14: memref<!tpu.dma_semaphore, #tpu.memory_space<semaphore_mem>>, %arg15: memref<128xi32, #tpu.memory_space<vmem>>, %arg16: memref<128xi32, #tpu.memory_space<vmem>>, %arg17: memref<128xi32, #tpu.memory_space<vmem>>, %arg18: memref<128xi32, #tpu.memory_space<vmem>>, %arg19: memref<128xi32, #tpu.memory_space<vmem>>, %arg20: memref<128xi32, #tpu.memory_space<vmem>>, %arg21: memref<128xi32, #tpu.memory_space<vmem>>, %arg22: memref<128xi32, #tpu.memory_space<vmem>>, %arg23: memref<!tpu.dma_semaphore, #tpu.memory_space<semaphore_mem>>, %arg24: memref<!tpu.dma_semaphore, #tpu.memory_space<semaphore_mem>>, %arg25: memref<!tpu.dma_semaphore, #tpu.memory_space<semaphore_mem>>, %arg26: memref<!tpu.dma_semaphore, #tpu.memory_space<semaphore_mem>>, %arg27: memref<!tpu.dma_semaphore, #tpu.memory_space<semaphore_mem>>, %arg28: memref<!tpu.dma_semaphore, #tpu.memory_space<semaphore_mem>>, %arg29: memref<!tpu.dma_semaphore, #tpu.memory_space<semaphore_mem>>, %arg30: memref<!tpu.dma_semaphore, #tpu.memory_space<semaphore_mem>>, %arg31: memref<128x128xf32, #tpu.memory_space<vmem>>, %arg32: memref<128x128xf32, #tpu.memory_space<vmem>>, %arg33: memref<!tpu.dma_semaphore, #tpu.memory_space<semaphore_mem>>, %arg34: memref<!tpu.dma_semaphore, #tpu.memory_space<semaphore_mem>>, %arg35: memref<!tpu.dma_semaphore, #tpu.memory_space<semaphore_mem>>, %arg36: memref<!tpu.dma_semaphore, #tpu.memory_space<semaphore_mem>>, %arg37: memref<10112x128xf32, #tpu.memory_space<vmem_shared>>) attributes {dimension_semantics = [#tpu.dimension_semantics<core_parallel>, #tpu.dimension_semantics<subcore_parallel>], iteration_bounds = array<i64: 2, 16>, scalar_prefetch = 0 : i64, scratch_operands = 31 : i64, tpu.core_type = #tpu.core_type<sc_vector_subcore>, window_params = [{transform_indices = #map}, {transform_indices = #map1}, {transform_indices = #map1}, {transform_indices = #map}, {transform_indices = #map2}]} {
    %mul3A = arith.constant 632 : i32
    %mul3A_0 = arith.muli %arg1, %mul3A : i32
    "tpu.region"() ({
      %run_scoped3A = tpu.sem_alloc : memref<!tpu.dma_semaphore, #tpu.memory_space<semaphore_mem>>
      %dma_start3A_85 = arith.constant 0 : i32
      %dma_start3A_86 = tpu.memref_slice %arg37[%mul3A_0, %dma_start3A_85] : memref<10112x128xf32, #tpu.memory_space<vmem_shared>> -> memref<632x128xf32, #tpu.memory_space<vmem_shared>>
      tpu.enqueue_dma source(%arg5 : memref<632x128xf32, #tpu.memory_space<hbm>>) target(%dma_start3A_86 : memref<632x128xf32, #tpu.memory_space<vmem_shared>>) target_semaphore(%run_scoped3A : memref<!tpu.dma_semaphore, #tpu.memory_space<semaphore_mem>>)
      %dma_wait3A_87 = arith.constant 0 : i32
      %dma_wait3A_88 = tpu.memref_slice %arg37[%mul3A_0, %dma_wait3A_87] : memref<10112x128xf32, #tpu.memory_space<vmem_shared>> -> memref<632x128xf32, #tpu.memory_space<vmem_shared>>
      tpu.wait_dma2 semaphore(%run_scoped3A : memref<!tpu.dma_semaphore, #tpu.memory_space<semaphore_mem>>) src(%arg5 : memref<632x128xf32, #tpu.memory_space<hbm>>) dst(%dma_wait3A_88 : memref<632x128xf32, #tpu.memory_space<vmem_shared>>)
      tpu.yield
    }) : () -> ()
    %barrier3A = arith.constant 0 : index
    tpu.barrier barrier_id(%barrier3A)
    %dma_start3A = arith.constant 0 : i32
    %dma_start3A_1 = arith.constant 0 : i32
    %dma_start3A_2 = tpu.memref_slice %arg3[%arg0, %arg1, %dma_start3A, %dma_start3A_1] : memref<2x16x80x128xi32, #tpu.memory_space<hbm>> -> memref<1x1x1x128xi32, #tpu.memory_space<hbm>>
    %dma_start3A_3 = tpu.memref_squeeze %dma_start3A_2 : memref<1x1x1x128xi32, #tpu.memory_space<hbm>> -> memref<128xi32, #tpu.memory_space<hbm>>
    %dma_start3A_4 = arith.constant 0 : i32
    %dma_start3A_5 = tpu.memref_slice %arg3[%arg0, %arg1, %dma_start3A, %dma_start3A_4] : memref<2x16x80x128xi32, #tpu.memory_space<hbm>> -> memref<1x1x1x128xi32, #tpu.memory_space<hbm>>
    %dma_start3A_6 = tpu.memref_squeeze %dma_start3A_5 : memref<1x1x1x128xi32, #tpu.memory_space<hbm>> -> memref<128xi32, #tpu.memory_space<hbm>>
    tpu.enqueue_dma source(%dma_start3A_6 : memref<128xi32, #tpu.memory_space<hbm>>) target(%arg7 : memref<128xi32, #tpu.memory_space<vmem>>) target_semaphore(%arg11 : memref<!tpu.dma_semaphore, #tpu.memory_space<semaphore_mem>>)
    %dma_start3A_7 = arith.constant 1 : i32
    %dma_start3A_8 = arith.constant 0 : i32
    %dma_start3A_9 = tpu.memref_slice %arg3[%arg0, %arg1, %dma_start3A_7, %dma_start3A_8] : memref<2x16x80x128xi32, #tpu.memory_space<hbm>> -> memref<1x1x1x128xi32, #tpu.memory_space<hbm>>
    %dma_start3A_10 = tpu.memref_squeeze %dma_start3A_9 : memref<1x1x1x128xi32, #tpu.memory_space<hbm>> -> memref<128xi32, #tpu.memory_space<hbm>>
    %dma_start3A_11 = arith.constant 0 : i32
    %dma_start3A_12 = tpu.memref_slice %arg3[%arg0, %arg1, %dma_start3A_7, %dma_start3A_11] : memref<2x16x80x128xi32, #tpu.memory_space<hbm>> -> memref<1x1x1x128xi32, #tpu.memory_space<hbm>>
    %dma_start3A_13 = tpu.memref_squeeze %dma_start3A_12 : memref<1x1x1x128xi32, #tpu.memory_space<hbm>> -> memref<128xi32, #tpu.memory_space<hbm>>
    tpu.enqueue_dma source(%dma_start3A_13 : memref<128xi32, #tpu.memory_space<hbm>>) target(%arg8 : memref<128xi32, #tpu.memory_space<vmem>>) target_semaphore(%arg12 : memref<!tpu.dma_semaphore, #tpu.memory_space<semaphore_mem>>)
    %dma_start3A_14 = arith.constant 2 : i32
    %dma_start3A_15 = arith.constant 0 : i32
    %dma_start3A_16 = tpu.memref_slice %arg3[%arg0, %arg1, %dma_start3A_14, %dma_start3A_15] : memref<2x16x80x128xi32, #tpu.memory_space<hbm>> -> memref<1x1x1x128xi32, #tpu.memory_space<hbm>>
    %dma_start3A_17 = tpu.memref_squeeze %dma_start3A_16 : memref<1x1x1x128xi32, #tpu.memory_space<hbm>> -> memref<128xi32, #tpu.memory_space<hbm>>
    %dma_start3A_18 = arith.constant 0 : i32
    %dma_start3A_19 = tpu.memref_slice %arg3[%arg0, %arg1, %dma_start3A_14, %dma_start3A_18] : memref<2x16x80x128xi32, #tpu.memory_space<hbm>> -> memref<1x1x1x128xi32, #tpu.memory_space<hbm>>
    %dma_start3A_20 = tpu.memref_squeeze %dma_start3A_19 : memref<1x1x1x128xi32, #tpu.memory_space<hbm>> -> memref<128xi32, #tpu.memory_space<hbm>>
    tpu.enqueue_dma source(%dma_start3A_20 : memref<128xi32, #tpu.memory_space<hbm>>) target(%arg9 : memref<128xi32, #tpu.memory_space<vmem>>) target_semaphore(%arg13 : memref<!tpu.dma_semaphore, #tpu.memory_space<semaphore_mem>>)
    %dma_start3A_21 = arith.constant 3 : i32
    %dma_start3A_22 = arith.constant 0 : i32
    %dma_start3A_23 = tpu.memref_slice %arg3[%arg0, %arg1, %dma_start3A_21, %dma_start3A_22] : memref<2x16x80x128xi32, #tpu.memory_space<hbm>> -> memref<1x1x1x128xi32, #tpu.memory_space<hbm>>
    %dma_start3A_24 = tpu.memref_squeeze %dma_start3A_23 : memref<1x1x1x128xi32, #tpu.memory_space<hbm>> -> memref<128xi32, #tpu.memory_space<hbm>>
    %dma_start3A_25 = arith.constant 0 : i32
    %dma_start3A_26 = tpu.memref_slice %arg3[%arg0, %arg1, %dma_start3A_21, %dma_start3A_25] : memref<2x16x80x128xi32, #tpu.memory_space<hbm>> -> memref<1x1x1x128xi32, #tpu.memory_space<hbm>>
    %dma_start3A_27 = tpu.memref_squeeze %dma_start3A_26 : memref<1x1x1x128xi32, #tpu.memory_space<hbm>> -> memref<128xi32, #tpu.memory_space<hbm>>
    tpu.enqueue_dma source(%dma_start3A_27 : memref<128xi32, #tpu.memory_space<hbm>>) target(%arg10 : memref<128xi32, #tpu.memory_space<vmem>>) target_semaphore(%arg14 : memref<!tpu.dma_semaphore, #tpu.memory_space<semaphore_mem>>)
    %dma_start3A_28 = arith.constant 0 : i32
    %dma_start3A_29 = arith.constant 0 : i32
    %dma_start3A_30 = tpu.memref_slice %arg4[%arg0, %arg1, %dma_start3A_28, %dma_start3A_29] : memref<2x16x80x128xi32, #tpu.memory_space<hbm>> -> memref<1x1x1x128xi32, #tpu.memory_space<hbm>>
    %dma_start3A_31 = tpu.memref_squeeze %dma_start3A_30 : memref<1x1x1x128xi32, #tpu.memory_space<hbm>> -> memref<128xi32, #tpu.memory_space<hbm>>
    %dma_start3A_32 = arith.constant 0 : i32
    %dma_start3A_33 = tpu.memref_slice %arg4[%arg0, %arg1, %dma_start3A_28, %dma_start3A_32] : memref<2x16x80x128xi32, #tpu.memory_space<hbm>> -> memref<1x1x1x128xi32, #tpu.memory_space<hbm>>
    %dma_start3A_34 = tpu.memref_squeeze %dma_start3A_33 : memref<1x1x1x128xi32, #tpu.memory_space<hbm>> -> memref<128xi32, #tpu.memory_space<hbm>>
    tpu.enqueue_dma source(%dma_start3A_34 : memref<128xi32, #tpu.memory_space<hbm>>) target(%arg15 : memref<128xi32, #tpu.memory_space<vmem>>) target_semaphore(%arg23 : memref<!tpu.dma_semaphore, #tpu.memory_space<semaphore_mem>>)
    %dma_start3A_35 = arith.constant 1 : i32
    %dma_start3A_36 = arith.constant 0 : i32
    %dma_start3A_37 = tpu.memref_slice %arg4[%arg0, %arg1, %dma_start3A_35, %dma_start3A_36] : memref<2x16x80x128xi32, #tpu.memory_space<hbm>> -> memref<1x1x1x128xi32, #tpu.memory_space<hbm>>
    %dma_start3A_38 = tpu.memref_squeeze %dma_start3A_37 : memref<1x1x1x128xi32, #tpu.memory_space<hbm>> -> memref<128xi32, #tpu.memory_space<hbm>>
    %dma_start3A_39 = arith.constant 0 : i32
    %dma_start3A_40 = tpu.memref_slice %arg4[%arg0, %arg1, %dma_start3A_35, %dma_start3A_39] : memref<2x16x80x128xi32, #tpu.memory_space<hbm>> -> memref<1x1x1x128xi32, #tpu.memory_space<hbm>>
    %dma_start3A_41 = tpu.memref_squeeze %dma_start3A_40 : memref<1x1x1x128xi32, #tpu.memory_space<hbm>> -> memref<128xi32, #tpu.memory_space<hbm>>
    tpu.enqueue_dma source(%dma_start3A_41 : memref<128xi32, #tpu.memory_space<hbm>>) target(%arg16 : memref<128xi32, #tpu.memory_space<vmem>>) target_semaphore(%arg24 : memref<!tpu.dma_semaphore, #tpu.memory_space<semaphore_mem>>)
    %dma_start3A_42 = arith.constant 2 : i32
    %dma_start3A_43 = arith.constant 0 : i32
    %dma_start3A_44 = tpu.memref_slice %arg4[%arg0, %arg1, %dma_start3A_42, %dma_start3A_43] : memref<2x16x80x128xi32, #tpu.memory_space<hbm>> -> memref<1x1x1x128xi32, #tpu.memory_space<hbm>>
    %dma_start3A_45 = tpu.memref_squeeze %dma_start3A_44 : memref<1x1x1x128xi32, #tpu.memory_space<hbm>> -> memref<128xi32, #tpu.memory_space<hbm>>
    %dma_start3A_46 = arith.constant 0 : i32
    %dma_start3A_47 = tpu.memref_slice %arg4[%arg0, %arg1, %dma_start3A_42, %dma_start3A_46] : memref<2x16x80x128xi32, #tpu.memory_space<hbm>> -> memref<1x1x1x128xi32, #tpu.memory_space<hbm>>
    %dma_start3A_48 = tpu.memref_squeeze %dma_start3A_47 : memref<1x1x1x128xi32, #tpu.memory_space<hbm>> -> memref<128xi32, #tpu.memory_space<hbm>>
    tpu.enqueue_dma source(%dma_start3A_48 : memref<128xi32, #tpu.memory_space<hbm>>) target(%arg17 : memref<128xi32, #tpu.memory_space<vmem>>) target_semaphore(%arg25 : memref<!tpu.dma_semaphore, #tpu.memory_space<semaphore_mem>>)
    %dma_start3A_49 = arith.constant 3 : i32
    %dma_start3A_50 = arith.constant 0 : i32
    %dma_start3A_51 = tpu.memref_slice %arg4[%arg0, %arg1, %dma_start3A_49, %dma_start3A_50] : memref<2x16x80x128xi32, #tpu.memory_space<hbm>> -> memref<1x1x1x128xi32, #tpu.memory_space<hbm>>
    %dma_start3A_52 = tpu.memref_squeeze %dma_start3A_51 : memref<1x1x1x128xi32, #tpu.memory_space<hbm>> -> memref<128xi32, #tpu.memory_space<hbm>>
    %dma_start3A_53 = arith.constant 0 : i32
    %dma_start3A_54 = tpu.memref_slice %arg4[%arg0, %arg1, %dma_start3A_49, %dma_start3A_53] : memref<2x16x80x128xi32, #tpu.memory_space<hbm>> -> memref<1x1x1x128xi32, #tpu.memory_space<hbm>>
    %dma_start3A_55 = tpu.memref_squeeze %dma_start3A_54 : memref<1x1x1x128xi32, #tpu.memory_space<hbm>> -> memref<128xi32, #tpu.memory_space<hbm>>
    tpu.enqueue_dma source(%dma_start3A_55 : memref<128xi32, #tpu.memory_space<hbm>>) target(%arg18 : memref<128xi32, #tpu.memory_space<vmem>>) target_semaphore(%arg26 : memref<!tpu.dma_semaphore, #tpu.memory_space<semaphore_mem>>)
    %dma_start3A_56 = arith.constant 4 : i32
    %dma_start3A_57 = arith.constant 0 : i32
    %dma_start3A_58 = tpu.memref_slice %arg4[%arg0, %arg1, %dma_start3A_56, %dma_start3A_57] : memref<2x16x80x128xi32, #tpu.memory_space<hbm>> -> memref<1x1x1x128xi32, #tpu.memory_space<hbm>>
    %dma_start3A_59 = tpu.memref_squeeze %dma_start3A_58 : memref<1x1x1x128xi32, #tpu.memory_space<hbm>> -> memref<128xi32, #tpu.memory_space<hbm>>
    %dma_start3A_60 = arith.constant 0 : i32
    %dma_start3A_61 = tpu.memref_slice %arg4[%arg0, %arg1, %dma_start3A_56, %dma_start3A_60] : memref<2x16x80x128xi32, #tpu.memory_space<hbm>> -> memref<1x1x1x128xi32, #tpu.memory_space<hbm>>
    %dma_start3A_62 = tpu.memref_squeeze %dma_start3A_61 : memref<1x1x1x128xi32, #tpu.memory_space<hbm>> -> memref<128xi32, #tpu.memory_space<hbm>>
    tpu.enqueue_dma source(%dma_start3A_62 : memref<128xi32, #tpu.memory_space<hbm>>) target(%arg19 : memref<128xi32, #tpu.memory_space<vmem>>) target_semaphore(%arg27 : memref<!tpu.dma_semaphore, #tpu.memory_space<semaphore_mem>>)
    %dma_wait3A = arith.constant 0 : i32
    %dma_wait3A_63 = arith.constant 0 : i32
    %dma_wait3A_64 = tpu.memref_slice %arg3[%arg0, %arg1, %dma_wait3A, %dma_wait3A_63] : memref<2x16x80x128xi32, #tpu.memory_space<hbm>> -> memref<1x1x1x128xi32, #tpu.memory_space<hbm>>
    %dma_wait3A_65 = tpu.memref_squeeze %dma_wait3A_64 : memref<1x1x1x128xi32, #tpu.memory_space<hbm>> -> memref<128xi32, #tpu.memory_space<hbm>>
    %dma_wait3A_66 = arith.constant 0 : i32
    %dma_wait3A_67 = tpu.memref_slice %arg3[%arg0, %arg1, %dma_wait3A, %dma_wait3A_66] : memref<2x16x80x128xi32, #tpu.memory_space<hbm>> -> memref<1x1x1x128xi32, #tpu.memory_space<hbm>>
    %dma_wait3A_68 = tpu.memref_squeeze %dma_wait3A_67 : memref<1x1x1x128xi32, #tpu.memory_space<hbm>> -> memref<128xi32, #tpu.memory_space<hbm>>
    tpu.wait_dma2 semaphore(%arg11 : memref<!tpu.dma_semaphore, #tpu.memory_space<semaphore_mem>>) src(%dma_wait3A_68 : memref<128xi32, #tpu.memory_space<hbm>>) dst(%arg7 : memref<128xi32, #tpu.memory_space<vmem>>)
    %dma_start3A_69 = arith.constant 0 : i32
    %dma_start3A_70 = arith.constant 0 : i32
    %dma_start3A_71 = tpu.memref_slice %arg2[%dma_start3A_69, %dma_start3A_70] : memref<80000x128xf32, #tpu.memory_space<hbm>> -> memref<80000x128xf32, #tpu.memory_space<hbm>>
    tpu.enqueue_indirect_dma source(%dma_start3A_71 : memref<80000x128xf32, #tpu.memory_space<hbm>>) target(%arg31 : memref<128x128xf32, #tpu.memory_space<vmem>>) offsets(%arg7 : memref<128xi32, #tpu.memory_space<vmem>>) semaphore(%arg33 : memref<!tpu.dma_semaphore, #tpu.memory_space<semaphore_mem>>)
    %scan3A = arith.constant 0 : i32
    %scan3A_72 = arith.constant 0 : i32
    %scan3A_73 = arith.constant 10 : i32
    %scan3A_74 = arith.addi %scan3A_72, %scan3A_73 : i32
    %scan3A_75 = arith.constant 1 : i32
    scf.for %scan3A_85 = %scan3A_72 to %scan3A_74 step %scan3A_75  : i32 {
      %mul3A_86 = arith.constant 8 : i32
      %mul3A_87 = arith.muli %scan3A_85, %mul3A_86 : i32
      %add3A = arith.constant 0 : i32
      %add3A_88 = arith.addi %mul3A_87, %add3A : i32
      %dma_wait3A_89 = arith.constant 0 : i32
      %dma_wait3A_90 = arith.constant 0 : i32
      %dma_wait3A_91 = tpu.memref_slice %arg2[%dma_wait3A_89, %dma_wait3A_90] : memref<80000x128xf32, #tpu.memory_space<hbm>> -> memref<80000x128xf32, #tpu.memory_space<hbm>>
      tpu.wait_indirect_dma semaphore(%arg33 : memref<!tpu.dma_semaphore, #tpu.memory_space<semaphore_mem>>) src(%dma_wait3A_91 : memref<80000x128xf32, #tpu.memory_space<hbm>>) dst(%arg31 : memref<128x128xf32, #tpu.memory_space<vmem>>)
      %add3A_92 = arith.constant 4 : i32
      %add3A_93 = arith.addi %add3A_88, %add3A_92 : i32
      %lt3A = arith.constant 80 : i32
      %lt3A_94 = arith.cmpi slt, %add3A_93, %lt3A : i32
      %convert_element_type3A = arith.extui %lt3A_94 : i1 to i32
      %cond3A = arith.constant 0 : i32
      %cond3A_95 = arith.cmpi ne, %convert_element_type3A, %cond3A : i32
      scf.if %cond3A_95 {
        %add3A_425 = arith.constant 4 : i32
        %add3A_426 = arith.addi %add3A_88, %add3A_425 : i32
        %dma_start3A_427 = arith.constant 0 : i32
        %dma_start3A_428 = tpu.memref_slice %arg3[%arg0, %arg1, %add3A_426, %dma_start3A_427] : memref<2x16x80x128xi32, #tpu.memory_space<hbm>> -> memref<1x1x1x128xi32, #tpu.memory_space<hbm>>
        %dma_start3A_429 = tpu.memref_squeeze %dma_start3A_428 : memref<1x1x1x128xi32, #tpu.memory_space<hbm>> -> memref<128xi32, #tpu.memory_space<hbm>>
        %dma_start3A_430 = arith.constant 0 : i32
        %dma_start3A_431 = tpu.memref_slice %arg3[%arg0, %arg1, %add3A_426, %dma_start3A_430] : memref<2x16x80x128xi32, #tpu.memory_space<hbm>> -> memref<1x1x1x128xi32, #tpu.memory_space<hbm>>
        %dma_start3A_432 = tpu.memref_squeeze %dma_start3A_431 : memref<1x1x1x128xi32, #tpu.memory_space<hbm>> -> memref<128xi32, #tpu.memory_space<hbm>>
        tpu.enqueue_dma source(%dma_start3A_432 : memref<128xi32, #tpu.memory_space<hbm>>) target(%arg7 : memref<128xi32, #tpu.memory_space<vmem>>) target_semaphore(%arg11 : memref<!tpu.dma_semaphore, #tpu.memory_space<semaphore_mem>>)
      } else {
      }
      %dma_wait3A_96 = arith.constant 0 : i32
      %dma_wait3A_97 = arith.constant 0 : i32
      %dma_wait3A_98 = tpu.memref_slice %arg4[%arg0, %arg1, %dma_wait3A_96, %dma_wait3A_97] : memref<2x16x80x128xi32, #tpu.memory_space<hbm>> -> memref<1x1x1x128xi32, #tpu.memory_space<hbm>>
      %dma_wait3A_99 = tpu.memref_squeeze %dma_wait3A_98 : memref<1x1x1x128xi32, #tpu.memory_space<hbm>> -> memref<128xi32, #tpu.memory_space<hbm>>
      %dma_wait3A_100 = arith.constant 0 : i32
      %dma_wait3A_101 = tpu.memref_slice %arg4[%arg0, %arg1, %dma_wait3A_96, %dma_wait3A_100] : memref<2x16x80x128xi32, #tpu.memory_space<hbm>> -> memref<1x1x1x128xi32, #tpu.memory_space<hbm>>
      %dma_wait3A_102 = tpu.memref_squeeze %dma_wait3A_101 : memref<1x1x1x128xi32, #tpu.memory_space<hbm>> -> memref<128xi32, #tpu.memory_space<hbm>>
      tpu.wait_dma2 semaphore(%arg23 : memref<!tpu.dma_semaphore, #tpu.memory_space<semaphore_mem>>) src(%dma_wait3A_102 : memref<128xi32, #tpu.memory_space<hbm>>) dst(%arg15 : memref<128xi32, #tpu.memory_space<vmem>>)
      %dma_start3A_103 = arith.constant 0 : i32
      %dma_start3A_104 = arith.constant 0 : i32
      %dma_start3A_105 = tpu.memref_slice %arg37[%dma_start3A_103, %dma_start3A_104] : memref<10112x128xf32, #tpu.memory_space<vmem_shared>> -> memref<10112x128xf32, #tpu.memory_space<vmem_shared>>
      tpu.enqueue_indirect_dma source(%arg31 : memref<128x128xf32, #tpu.memory_space<vmem>>) target(%dma_start3A_105 : memref<10112x128xf32, #tpu.memory_space<vmem_shared>>) offsets(%arg15 : memref<128xi32, #tpu.memory_space<vmem>>) semaphore(%arg35 : memref<!tpu.dma_semaphore, #tpu.memory_space<semaphore_mem>>) {add = true}
      %ge3A = arith.constant 1 : i32
      %ge3A_106 = arith.cmpi sge, %add3A_88, %ge3A : i32
      %convert_element_type3A_107 = arith.extui %ge3A_106 : i1 to i32
      %cond3A_108 = arith.constant 0 : i32
      %cond3A_109 = arith.cmpi ne, %convert_element_type3A_107, %cond3A_108 : i32
      scf.if %cond3A_109 {
        %dma_wait3A_425 = arith.constant 0 : i32
        %dma_wait3A_426 = arith.constant 0 : i32
        %dma_wait3A_427 = tpu.memref_slice %arg37[%dma_wait3A_425, %dma_wait3A_426] : memref<10112x128xf32, #tpu.memory_space<vmem_shared>> -> memref<10112x128xf32, #tpu.memory_space<vmem_shared>>
        tpu.wait_indirect_dma semaphore(%arg36 : memref<!tpu.dma_semaphore, #tpu.memory_space<semaphore_mem>>) src(%arg32 : memref<128x128xf32, #tpu.memory_space<vmem>>) dst(%dma_wait3A_427 : memref<10112x128xf32, #tpu.memory_space<vmem_shared>>)
      } else {
      }
      %add3A_110 = arith.constant 5 : i32
      %add3A_111 = arith.addi %add3A_88, %add3A_110 : i32
      %lt3A_112 = arith.constant 80 : i32
      %lt3A_113 = arith.cmpi slt, %add3A_111, %lt3A_112 : i32
      %convert_element_type3A_114 = arith.extui %lt3A_113 : i1 to i32
      %cond3A_115 = arith.constant 0 : i32
      %cond3A_116 = arith.cmpi ne, %convert_element_type3A_114, %cond3A_115 : i32
      scf.if %cond3A_116 {
        %add3A_425 = arith.constant 5 : i32
        %add3A_426 = arith.addi %add3A_88, %add3A_425 : i32
        %dma_start3A_427 = arith.constant 0 : i32
        %dma_start3A_428 = tpu.memref_slice %arg4[%arg0, %arg1, %add3A_426, %dma_start3A_427] : memref<2x16x80x128xi32, #tpu.memory_space<hbm>> -> memref<1x1x1x128xi32, #tpu.memory_space<hbm>>
        %dma_start3A_429 = tpu.memref_squeeze %dma_start3A_428 : memref<1x1x1x128xi32, #tpu.memory_space<hbm>> -> memref<128xi32, #tpu.memory_space<hbm>>
        %dma_start3A_430 = arith.constant 0 : i32
        %dma_start3A_431 = tpu.memref_slice %arg4[%arg0, %arg1, %add3A_426, %dma_start3A_430] : memref<2x16x80x128xi32, #tpu.memory_space<hbm>> -> memref<1x1x1x128xi32, #tpu.memory_space<hbm>>
        %dma_start3A_432 = tpu.memref_squeeze %dma_start3A_431 : memref<1x1x1x128xi32, #tpu.memory_space<hbm>> -> memref<128xi32, #tpu.memory_space<hbm>>
        tpu.enqueue_dma source(%dma_start3A_432 : memref<128xi32, #tpu.memory_space<hbm>>) target(%arg20 : memref<128xi32, #tpu.memory_space<vmem>>) target_semaphore(%arg28 : memref<!tpu.dma_semaphore, #tpu.memory_space<semaphore_mem>>)
      } else {
      }
      %add3A_117 = arith.constant 1 : i32
      %add3A_118 = arith.addi %add3A_88, %add3A_117 : i32
      %lt3A_119 = arith.constant 80 : i32
      %lt3A_120 = arith.cmpi slt, %add3A_118, %lt3A_119 : i32
      %convert_element_type3A_121 = arith.extui %lt3A_120 : i1 to i32
      %cond3A_122 = arith.constant 0 : i32
      %cond3A_123 = arith.cmpi ne, %convert_element_type3A_121, %cond3A_122 : i32
      scf.if %cond3A_123 {
        %dma_wait3A_425 = arith.constant 0 : i32
        %dma_wait3A_426 = arith.constant 0 : i32
        %dma_wait3A_427 = tpu.memref_slice %arg3[%arg0, %arg1, %dma_wait3A_425, %dma_wait3A_426] : memref<2x16x80x128xi32, #tpu.memory_space<hbm>> -> memref<1x1x1x128xi32, #tpu.memory_space<hbm>>
        %dma_wait3A_428 = tpu.memref_squeeze %dma_wait3A_427 : memref<1x1x1x128xi32, #tpu.memory_space<hbm>> -> memref<128xi32, #tpu.memory_space<hbm>>
        %dma_wait3A_429 = arith.constant 0 : i32
        %dma_wait3A_430 = tpu.memref_slice %arg3[%arg0, %arg1, %dma_wait3A_425, %dma_wait3A_429] : memref<2x16x80x128xi32, #tpu.memory_space<hbm>> -> memref<1x1x1x128xi32, #tpu.memory_space<hbm>>
        %dma_wait3A_431 = tpu.memref_squeeze %dma_wait3A_430 : memref<1x1x1x128xi32, #tpu.memory_space<hbm>> -> memref<128xi32, #tpu.memory_space<hbm>>
        tpu.wait_dma2 semaphore(%arg12 : memref<!tpu.dma_semaphore, #tpu.memory_space<semaphore_mem>>) src(%dma_wait3A_431 : memref<128xi32, #tpu.memory_space<hbm>>) dst(%arg8 : memref<128xi32, #tpu.memory_space<vmem>>)
        %dma_start3A_432 = arith.constant 0 : i32
        %dma_start3A_433 = arith.constant 0 : i32
        %dma_start3A_434 = tpu.memref_slice %arg2[%dma_start3A_432, %dma_start3A_433] : memref<80000x128xf32, #tpu.memory_space<hbm>> -> memref<80000x128xf32, #tpu.memory_space<hbm>>
        tpu.enqueue_indirect_dma source(%dma_start3A_434 : memref<80000x128xf32, #tpu.memory_space<hbm>>) target(%arg32 : memref<128x128xf32, #tpu.memory_space<vmem>>) offsets(%arg8 : memref<128xi32, #tpu.memory_space<vmem>>) semaphore(%arg34 : memref<!tpu.dma_semaphore, #tpu.memory_space<semaphore_mem>>)
      } else {
      }
      %mul3A_124 = arith.constant 8 : i32
      %mul3A_125 = arith.muli %scan3A_85, %mul3A_124 : i32
      %add3A_126 = arith.constant 1 : i32
      %add3A_127 = arith.addi %mul3A_125, %add3A_126 : i32
      %dma_wait3A_128 = arith.constant 0 : i32
      %dma_wait3A_129 = arith.constant 0 : i32
      %dma_wait3A_130 = tpu.memref_slice %arg2[%dma_wait3A_128, %dma_wait3A_129] : memref<80000x128xf32, #tpu.memory_space<hbm>> -> memref<80000x128xf32, #tpu.memory_space<hbm>>
      tpu.wait_indirect_dma semaphore(%arg34 : memref<!tpu.dma_semaphore, #tpu.memory_space<semaphore_mem>>) src(%dma_wait3A_130 : memref<80000x128xf32, #tpu.memory_space<hbm>>) dst(%arg32 : memref<128x128xf32, #tpu.memory_space<vmem>>)
      %add3A_131 = arith.constant 4 : i32
      %add3A_132 = arith.addi %add3A_127, %add3A_131 : i32
      %lt3A_133 = arith.constant 80 : i32
      %lt3A_134 = arith.cmpi slt, %add3A_132, %lt3A_133 : i32
      %convert_element_type3A_135 = arith.extui %lt3A_134 : i1 to i32
      %cond3A_136 = arith.constant 0 : i32
      %cond3A_137 = arith.cmpi ne, %convert_element_type3A_135, %cond3A_136 : i32
      scf.if %cond3A_137 {
        %add3A_425 = arith.constant 4 : i32
        %add3A_426 = arith.addi %add3A_127, %add3A_425 : i32
        %dma_start3A_427 = arith.constant 0 : i32
        %dma_start3A_428 = tpu.memref_slice %arg3[%arg0, %arg1, %add3A_426, %dma_start3A_427] : memref<2x16x80x128xi32, #tpu.memory_space<hbm>> -> memref<1x1x1x128xi32, #tpu.memory_space<hbm>>
        %dma_start3A_429 = tpu.memref_squeeze %dma_start3A_428 : memref<1x1x1x128xi32, #tpu.memory_space<hbm>> -> memref<128xi32, #tpu.memory_space<hbm>>
        %dma_start3A_430 = arith.constant 0 : i32
        %dma_start3A_431 = tpu.memref_slice %arg3[%arg0, %arg1, %add3A_426, %dma_start3A_430] : memref<2x16x80x128xi32, #tpu.memory_space<hbm>> -> memref<1x1x1x128xi32, #tpu.memory_space<hbm>>
        %dma_start3A_432 = tpu.memref_squeeze %dma_start3A_431 : memref<1x1x1x128xi32, #tpu.memory_space<hbm>> -> memref<128xi32, #tpu.memory_space<hbm>>
        tpu.enqueue_dma source(%dma_start3A_432 : memref<128xi32, #tpu.memory_space<hbm>>) target(%arg8 : memref<128xi32, #tpu.memory_space<vmem>>) target_semaphore(%arg12 : memref<!tpu.dma_semaphore, #tpu.memory_space<semaphore_mem>>)
      } else {
      }
      %dma_wait3A_138 = arith.constant 0 : i32
      %dma_wait3A_139 = arith.constant 0 : i32
      %dma_wait3A_140 = tpu.memref_slice %arg4[%arg0, %arg1, %dma_wait3A_138, %dma_wait3A_139] : memref<2x16x80x128xi32, #tpu.memory_space<hbm>> -> memref<1x1x1x128xi32, #tpu.memory_space<hbm>>
      %dma_wait3A_141 = tpu.memref_squeeze %dma_wait3A_140 : memref<1x1x1x128xi32, #tpu.memory_space<hbm>> -> memref<128xi32, #tpu.memory_space<hbm>>
      %dma_wait3A_142 = arith.constant 0 : i32
      %dma_wait3A_143 = tpu.memref_slice %arg4[%arg0, %arg1, %dma_wait3A_138, %dma_wait3A_142] : memref<2x16x80x128xi32, #tpu.memory_space<hbm>> -> memref<1x1x1x128xi32, #tpu.memory_space<hbm>>
      %dma_wait3A_144 = tpu.memref_squeeze %dma_wait3A_143 : memref<1x1x1x128xi32, #tpu.memory_space<hbm>> -> memref<128xi32, #tpu.memory_space<hbm>>
      tpu.wait_dma2 semaphore(%arg24 : memref<!tpu.dma_semaphore, #tpu.memory_space<semaphore_mem>>) src(%dma_wait3A_144 : memref<128xi32, #tpu.memory_space<hbm>>) dst(%arg16 : memref<128xi32, #tpu.memory_space<vmem>>)
      %dma_start3A_145 = arith.constant 0 : i32
      %dma_start3A_146 = arith.constant 0 : i32
      %dma_start3A_147 = tpu.memref_slice %arg37[%dma_start3A_145, %dma_start3A_146] : memref<10112x128xf32, #tpu.memory_space<vmem_shared>> -> memref<10112x128xf32, #tpu.memory_space<vmem_shared>>
      tpu.enqueue_indirect_dma source(%arg32 : memref<128x128xf32, #tpu.memory_space<vmem>>) target(%dma_start3A_147 : memref<10112x128xf32, #tpu.memory_space<vmem_shared>>) offsets(%arg16 : memref<128xi32, #tpu.memory_space<vmem>>) semaphore(%arg36 : memref<!tpu.dma_semaphore, #tpu.memory_space<semaphore_mem>>) {add = true}
      %ge3A_148 = arith.constant 1 : i32
      %ge3A_149 = arith.cmpi sge, %add3A_127, %ge3A_148 : i32
      %convert_element_type3A_150 = arith.extui %ge3A_149 : i1 to i32
      %cond3A_151 = arith.constant 0 : i32
      %cond3A_152 = arith.cmpi ne, %convert_element_type3A_150, %cond3A_151 : i32
      scf.if %cond3A_152 {
        %dma_wait3A_425 = arith.constant 0 : i32
        %dma_wait3A_426 = arith.constant 0 : i32
        %dma_wait3A_427 = tpu.memref_slice %arg37[%dma_wait3A_425, %dma_wait3A_426] : memref<10112x128xf32, #tpu.memory_space<vmem_shared>> -> memref<10112x128xf32, #tpu.memory_space<vmem_shared>>
        tpu.wait_indirect_dma semaphore(%arg35 : memref<!tpu.dma_semaphore, #tpu.memory_space<semaphore_mem>>) src(%arg31 : memref<128x128xf32, #tpu.memory_space<vmem>>) dst(%dma_wait3A_427 : memref<10112x128xf32, #tpu.memory_space<vmem_shared>>)
      } else {
      }
      %add3A_153 = arith.constant 5 : i32
      %add3A_154 = arith.addi %add3A_127, %add3A_153 : i32
      %lt3A_155 = arith.constant 80 : i32
      %lt3A_156 = arith.cmpi slt, %add3A_154, %lt3A_155 : i32
      %convert_element_type3A_157 = arith.extui %lt3A_156 : i1 to i32
      %cond3A_158 = arith.constant 0 : i32
      %cond3A_159 = arith.cmpi ne, %convert_element_type3A_157, %cond3A_158 : i32
      scf.if %cond3A_159 {
        %add3A_425 = arith.constant 5 : i32
        %add3A_426 = arith.addi %add3A_127, %add3A_425 : i32
        %dma_start3A_427 = arith.constant 0 : i32
        %dma_start3A_428 = tpu.memref_slice %arg4[%arg0, %arg1, %add3A_426, %dma_start3A_427] : memref<2x16x80x128xi32, #tpu.memory_space<hbm>> -> memref<1x1x1x128xi32, #tpu.memory_space<hbm>>
        %dma_start3A_429 = tpu.memref_squeeze %dma_start3A_428 : memref<1x1x1x128xi32, #tpu.memory_space<hbm>> -> memref<128xi32, #tpu.memory_space<hbm>>
        %dma_start3A_430 = arith.constant 0 : i32
        %dma_start3A_431 = tpu.memref_slice %arg4[%arg0, %arg1, %add3A_426, %dma_start3A_430] : memref<2x16x80x128xi32, #tpu.memory_space<hbm>> -> memref<1x1x1x128xi32, #tpu.memory_space<hbm>>
        %dma_start3A_432 = tpu.memref_squeeze %dma_start3A_431 : memref<1x1x1x128xi32, #tpu.memory_space<hbm>> -> memref<128xi32, #tpu.memory_space<hbm>>
        tpu.enqueue_dma source(%dma_start3A_432 : memref<128xi32, #tpu.memory_space<hbm>>) target(%arg21 : memref<128xi32, #tpu.memory_space<vmem>>) target_semaphore(%arg29 : memref<!tpu.dma_semaphore, #tpu.memory_space<semaphore_mem>>)
      } else {
      }
      %add3A_160 = arith.constant 1 : i32
      %add3A_161 = arith.addi %add3A_127, %add3A_160 : i32
      %lt3A_162 = arith.constant 80 : i32
      %lt3A_163 = arith.cmpi slt, %add3A_161, %lt3A_162 : i32
      %convert_element_type3A_164 = arith.extui %lt3A_163 : i1 to i32
      %cond3A_165 = arith.constant 0 : i32
      %cond3A_166 = arith.cmpi ne, %convert_element_type3A_164, %cond3A_165 : i32
      scf.if %cond3A_166 {
        %dma_wait3A_425 = arith.constant 0 : i32
        %dma_wait3A_426 = arith.constant 0 : i32
        %dma_wait3A_427 = tpu.memref_slice %arg3[%arg0, %arg1, %dma_wait3A_425, %dma_wait3A_426] : memref<2x16x80x128xi32, #tpu.memory_space<hbm>> -> memref<1x1x1x128xi32, #tpu.memory_space<hbm>>
        %dma_wait3A_428 = tpu.memref_squeeze %dma_wait3A_427 : memref<1x1x1x128xi32, #tpu.memory_space<hbm>> -> memref<128xi32, #tpu.memory_space<hbm>>
        %dma_wait3A_429 = arith.constant 0 : i32
        %dma_wait3A_430 = tpu.memref_slice %arg3[%arg0, %arg1, %dma_wait3A_425, %dma_wait3A_429] : memref<2x16x80x128xi32, #tpu.memory_space<hbm>> -> memref<1x1x1x128xi32, #tpu.memory_space<hbm>>
        %dma_wait3A_431 = tpu.memref_squeeze %dma_wait3A_430 : memref<1x1x1x128xi32, #tpu.memory_space<hbm>> -> memref<128xi32, #tpu.memory_space<hbm>>
        tpu.wait_dma2 semaphore(%arg13 : memref<!tpu.dma_semaphore, #tpu.memory_space<semaphore_mem>>) src(%dma_wait3A_431 : memref<128xi32, #tpu.memory_space<hbm>>) dst(%arg9 : memref<128xi32, #tpu.memory_space<vmem>>)
        %dma_start3A_432 = arith.constant 0 : i32
        %dma_start3A_433 = arith.constant 0 : i32
        %dma_start3A_434 = tpu.memref_slice %arg2[%dma_start3A_432, %dma_start3A_433] : memref<80000x128xf32, #tpu.memory_space<hbm>> -> memref<80000x128xf32, #tpu.memory_space<hbm>>
        tpu.enqueue_indirect_dma source(%dma_start3A_434 : memref<80000x128xf32, #tpu.memory_space<hbm>>) target(%arg31 : memref<128x128xf32, #tpu.memory_space<vmem>>) offsets(%arg9 : memref<128xi32, #tpu.memory_space<vmem>>) semaphore(%arg33 : memref<!tpu.dma_semaphore, #tpu.memory_space<semaphore_mem>>)
      } else {
      }
      %mul3A_167 = arith.constant 8 : i32
      %mul3A_168 = arith.muli %scan3A_85, %mul3A_167 : i32
      %add3A_169 = arith.constant 2 : i32
      %add3A_170 = arith.addi %mul3A_168, %add3A_169 : i32
      %dma_wait3A_171 = arith.constant 0 : i32
      %dma_wait3A_172 = arith.constant 0 : i32
      %dma_wait3A_173 = tpu.memref_slice %arg2[%dma_wait3A_171, %dma_wait3A_172] : memref<80000x128xf32, #tpu.memory_space<hbm>> -> memref<80000x128xf32, #tpu.memory_space<hbm>>
      tpu.wait_indirect_dma semaphore(%arg33 : memref<!tpu.dma_semaphore, #tpu.memory_space<semaphore_mem>>) src(%dma_wait3A_173 : memref<80000x128xf32, #tpu.memory_space<hbm>>) dst(%arg31 : memref<128x128xf32, #tpu.memory_space<vmem>>)
      %add3A_174 = arith.constant 4 : i32
      %add3A_175 = arith.addi %add3A_170, %add3A_174 : i32
      %lt3A_176 = arith.constant 80 : i32
      %lt3A_177 = arith.cmpi slt, %add3A_175, %lt3A_176 : i32
      %convert_element_type3A_178 = arith.extui %lt3A_177 : i1 to i32
      %cond3A_179 = arith.constant 0 : i32
      %cond3A_180 = arith.cmpi ne, %convert_element_type3A_178, %cond3A_179 : i32
      scf.if %cond3A_180 {
        %add3A_425 = arith.constant 4 : i32
        %add3A_426 = arith.addi %add3A_170, %add3A_425 : i32
        %dma_start3A_427 = arith.constant 0 : i32
        %dma_start3A_428 = tpu.memref_slice %arg3[%arg0, %arg1, %add3A_426, %dma_start3A_427] : memref<2x16x80x128xi32, #tpu.memory_space<hbm>> -> memref<1x1x1x128xi32, #tpu.memory_space<hbm>>
        %dma_start3A_429 = tpu.memref_squeeze %dma_start3A_428 : memref<1x1x1x128xi32, #tpu.memory_space<hbm>> -> memref<128xi32, #tpu.memory_space<hbm>>
        %dma_start3A_430 = arith.constant 0 : i32
        %dma_start3A_431 = tpu.memref_slice %arg3[%arg0, %arg1, %add3A_426, %dma_start3A_430] : memref<2x16x80x128xi32, #tpu.memory_space<hbm>> -> memref<1x1x1x128xi32, #tpu.memory_space<hbm>>
        %dma_start3A_432 = tpu.memref_squeeze %dma_start3A_431 : memref<1x1x1x128xi32, #tpu.memory_space<hbm>> -> memref<128xi32, #tpu.memory_space<hbm>>
        tpu.enqueue_dma source(%dma_start3A_432 : memref<128xi32, #tpu.memory_space<hbm>>) target(%arg9 : memref<128xi32, #tpu.memory_space<vmem>>) target_semaphore(%arg13 : memref<!tpu.dma_semaphore, #tpu.memory_space<semaphore_mem>>)
      } else {
      }
      %dma_wait3A_181 = arith.constant 0 : i32
      %dma_wait3A_182 = arith.constant 0 : i32
      %dma_wait3A_183 = tpu.memref_slice %arg4[%arg0, %arg1, %dma_wait3A_181, %dma_wait3A_182] : memref<2x16x80x128xi32, #tpu.memory_space<hbm>> -> memref<1x1x1x128xi32, #tpu.memory_space<hbm>>
      %dma_wait3A_184 = tpu.memref_squeeze %dma_wait3A_183 : memref<1x1x1x128xi32, #tpu.memory_space<hbm>> -> memref<128xi32, #tpu.memory_space<hbm>>
      %dma_wait3A_185 = arith.constant 0 : i32
      %dma_wait3A_186 = tpu.memref_slice %arg4[%arg0, %arg1, %dma_wait3A_181, %dma_wait3A_185] : memref<2x16x80x128xi32, #tpu.memory_space<hbm>> -> memref<1x1x1x128xi32, #tpu.memory_space<hbm>>
      %dma_wait3A_187 = tpu.memref_squeeze %dma_wait3A_186 : memref<1x1x1x128xi32, #tpu.memory_space<hbm>> -> memref<128xi32, #tpu.memory_space<hbm>>
      tpu.wait_dma2 semaphore(%arg25 : memref<!tpu.dma_semaphore, #tpu.memory_space<semaphore_mem>>) src(%dma_wait3A_187 : memref<128xi32, #tpu.memory_space<hbm>>) dst(%arg17 : memref<128xi32, #tpu.memory_space<vmem>>)
      %dma_start3A_188 = arith.constant 0 : i32
      %dma_start3A_189 = arith.constant 0 : i32
      %dma_start3A_190 = tpu.memref_slice %arg37[%dma_start3A_188, %dma_start3A_189] : memref<10112x128xf32, #tpu.memory_space<vmem_shared>> -> memref<10112x128xf32, #tpu.memory_space<vmem_shared>>
      tpu.enqueue_indirect_dma source(%arg31 : memref<128x128xf32, #tpu.memory_space<vmem>>) target(%dma_start3A_190 : memref<10112x128xf32, #tpu.memory_space<vmem_shared>>) offsets(%arg17 : memref<128xi32, #tpu.memory_space<vmem>>) semaphore(%arg35 : memref<!tpu.dma_semaphore, #tpu.memory_space<semaphore_mem>>) {add = true}
      %ge3A_191 = arith.constant 1 : i32
      %ge3A_192 = arith.cmpi sge, %add3A_170, %ge3A_191 : i32
      %convert_element_type3A_193 = arith.extui %ge3A_192 : i1 to i32
      %cond3A_194 = arith.constant 0 : i32
      %cond3A_195 = arith.cmpi ne, %convert_element_type3A_193, %cond3A_194 : i32
      scf.if %cond3A_195 {
        %dma_wait3A_425 = arith.constant 0 : i32
        %dma_wait3A_426 = arith.constant 0 : i32
        %dma_wait3A_427 = tpu.memref_slice %arg37[%dma_wait3A_425, %dma_wait3A_426] : memref<10112x128xf32, #tpu.memory_space<vmem_shared>> -> memref<10112x128xf32, #tpu.memory_space<vmem_shared>>
        tpu.wait_indirect_dma semaphore(%arg36 : memref<!tpu.dma_semaphore, #tpu.memory_space<semaphore_mem>>) src(%arg32 : memref<128x128xf32, #tpu.memory_space<vmem>>) dst(%dma_wait3A_427 : memref<10112x128xf32, #tpu.memory_space<vmem_shared>>)
      } else {
      }
      %add3A_196 = arith.constant 5 : i32
      %add3A_197 = arith.addi %add3A_170, %add3A_196 : i32
      %lt3A_198 = arith.constant 80 : i32
      %lt3A_199 = arith.cmpi slt, %add3A_197, %lt3A_198 : i32
      %convert_element_type3A_200 = arith.extui %lt3A_199 : i1 to i32
      %cond3A_201 = arith.constant 0 : i32
      %cond3A_202 = arith.cmpi ne, %convert_element_type3A_200, %cond3A_201 : i32
      scf.if %cond3A_202 {
        %add3A_425 = arith.constant 5 : i32
        %add3A_426 = arith.addi %add3A_170, %add3A_425 : i32
        %dma_start3A_427 = arith.constant 0 : i32
        %dma_start3A_428 = tpu.memref_slice %arg4[%arg0, %arg1, %add3A_426, %dma_start3A_427] : memref<2x16x80x128xi32, #tpu.memory_space<hbm>> -> memref<1x1x1x128xi32, #tpu.memory_space<hbm>>
        %dma_start3A_429 = tpu.memref_squeeze %dma_start3A_428 : memref<1x1x1x128xi32, #tpu.memory_space<hbm>> -> memref<128xi32, #tpu.memory_space<hbm>>
        %dma_start3A_430 = arith.constant 0 : i32
        %dma_start3A_431 = tpu.memref_slice %arg4[%arg0, %arg1, %add3A_426, %dma_start3A_430] : memref<2x16x80x128xi32, #tpu.memory_space<hbm>> -> memref<1x1x1x128xi32, #tpu.memory_space<hbm>>
        %dma_start3A_432 = tpu.memref_squeeze %dma_start3A_431 : memref<1x1x1x128xi32, #tpu.memory_space<hbm>> -> memref<128xi32, #tpu.memory_space<hbm>>
        tpu.enqueue_dma source(%dma_start3A_432 : memref<128xi32, #tpu.memory_space<hbm>>) target(%arg22 : memref<128xi32, #tpu.memory_space<vmem>>) target_semaphore(%arg30 : memref<!tpu.dma_semaphore, #tpu.memory_space<semaphore_mem>>)
      } else {
      }
      %add3A_203 = arith.constant 1 : i32
      %add3A_204 = arith.addi %add3A_170, %add3A_203 : i32
      %lt3A_205 = arith.constant 80 : i32
      %lt3A_206 = arith.cmpi slt, %add3A_204, %lt3A_205 : i32
      %convert_element_type3A_207 = arith.extui %lt3A_206 : i1 to i32
      %cond3A_208 = arith.constant 0 : i32
      %cond3A_209 = arith.cmpi ne, %convert_element_type3A_207, %cond3A_208 : i32
      scf.if %cond3A_209 {
        %dma_wait3A_425 = arith.constant 0 : i32
        %dma_wait3A_426 = arith.constant 0 : i32
        %dma_wait3A_427 = tpu.memref_slice %arg3[%arg0, %arg1, %dma_wait3A_425, %dma_wait3A_426] : memref<2x16x80x128xi32, #tpu.memory_space<hbm>> -> memref<1x1x1x128xi32, #tpu.memory_space<hbm>>
        %dma_wait3A_428 = tpu.memref_squeeze %dma_wait3A_427 : memref<1x1x1x128xi32, #tpu.memory_space<hbm>> -> memref<128xi32, #tpu.memory_space<hbm>>
        %dma_wait3A_429 = arith.constant 0 : i32
        %dma_wait3A_430 = tpu.memref_slice %arg3[%arg0, %arg1, %dma_wait3A_425, %dma_wait3A_429] : memref<2x16x80x128xi32, #tpu.memory_space<hbm>> -> memref<1x1x1x128xi32, #tpu.memory_space<hbm>>
        %dma_wait3A_431 = tpu.memref_squeeze %dma_wait3A_430 : memref<1x1x1x128xi32, #tpu.memory_space<hbm>> -> memref<128xi32, #tpu.memory_space<hbm>>
        tpu.wait_dma2 semaphore(%arg14 : memref<!tpu.dma_semaphore, #tpu.memory_space<semaphore_mem>>) src(%dma_wait3A_431 : memref<128xi32, #tpu.memory_space<hbm>>) dst(%arg10 : memref<128xi32, #tpu.memory_space<vmem>>)
        %dma_start3A_432 = arith.constant 0 : i32
        %dma_start3A_433 = arith.constant 0 : i32
        %dma_start3A_434 = tpu.memref_slice %arg2[%dma_start3A_432, %dma_start3A_433] : memref<80000x128xf32, #tpu.memory_space<hbm>> -> memref<80000x128xf32, #tpu.memory_space<hbm>>
        tpu.enqueue_indirect_dma source(%dma_start3A_434 : memref<80000x128xf32, #tpu.memory_space<hbm>>) target(%arg32 : memref<128x128xf32, #tpu.memory_space<vmem>>) offsets(%arg10 : memref<128xi32, #tpu.memory_space<vmem>>) semaphore(%arg34 : memref<!tpu.dma_semaphore, #tpu.memory_space<semaphore_mem>>)
      } else {
      }
      %mul3A_210 = arith.constant 8 : i32
      %mul3A_211 = arith.muli %scan3A_85, %mul3A_210 : i32
      %add3A_212 = arith.constant 3 : i32
      %add3A_213 = arith.addi %mul3A_211, %add3A_212 : i32
      %dma_wait3A_214 = arith.constant 0 : i32
      %dma_wait3A_215 = arith.constant 0 : i32
      %dma_wait3A_216 = tpu.memref_slice %arg2[%dma_wait3A_214, %dma_wait3A_215] : memref<80000x128xf32, #tpu.memory_space<hbm>> -> memref<80000x128xf32, #tpu.memory_space<hbm>>
      tpu.wait_indirect_dma semaphore(%arg34 : memref<!tpu.dma_semaphore, #tpu.memory_space<semaphore_mem>>) src(%dma_wait3A_216 : memref<80000x128xf32, #tpu.memory_space<hbm>>) dst(%arg32 : memref<128x128xf32, #tpu.memory_space<vmem>>)
      %add3A_217 = arith.constant 4 : i32
      %add3A_218 = arith.addi %add3A_213, %add3A_217 : i32
      %lt3A_219 = arith.constant 80 : i32
      %lt3A_220 = arith.cmpi slt, %add3A_218, %lt3A_219 : i32
      %convert_element_type3A_221 = arith.extui %lt3A_220 : i1 to i32
      %cond3A_222 = arith.constant 0 : i32
      %cond3A_223 = arith.cmpi ne, %convert_element_type3A_221, %cond3A_222 : i32
      scf.if %cond3A_223 {
        %add3A_425 = arith.constant 4 : i32
        %add3A_426 = arith.addi %add3A_213, %add3A_425 : i32
        %dma_start3A_427 = arith.constant 0 : i32
        %dma_start3A_428 = tpu.memref_slice %arg3[%arg0, %arg1, %add3A_426, %dma_start3A_427] : memref<2x16x80x128xi32, #tpu.memory_space<hbm>> -> memref<1x1x1x128xi32, #tpu.memory_space<hbm>>
        %dma_start3A_429 = tpu.memref_squeeze %dma_start3A_428 : memref<1x1x1x128xi32, #tpu.memory_space<hbm>> -> memref<128xi32, #tpu.memory_space<hbm>>
        %dma_start3A_430 = arith.constant 0 : i32
        %dma_start3A_431 = tpu.memref_slice %arg3[%arg0, %arg1, %add3A_426, %dma_start3A_430] : memref<2x16x80x128xi32, #tpu.memory_space<hbm>> -> memref<1x1x1x128xi32, #tpu.memory_space<hbm>>
        %dma_start3A_432 = tpu.memref_squeeze %dma_start3A_431 : memref<1x1x1x128xi32, #tpu.memory_space<hbm>> -> memref<128xi32, #tpu.memory_space<hbm>>
        tpu.enqueue_dma source(%dma_start3A_432 : memref<128xi32, #tpu.memory_space<hbm>>) target(%arg10 : memref<128xi32, #tpu.memory_space<vmem>>) target_semaphore(%arg14 : memref<!tpu.dma_semaphore, #tpu.memory_space<semaphore_mem>>)
      } else {
      }
      %dma_wait3A_224 = arith.constant 0 : i32
      %dma_wait3A_225 = arith.constant 0 : i32
      %dma_wait3A_226 = tpu.memref_slice %arg4[%arg0, %arg1, %dma_wait3A_224, %dma_wait3A_225] : memref<2x16x80x128xi32, #tpu.memory_space<hbm>> -> memref<1x1x1x128xi32, #tpu.memory_space<hbm>>
      %dma_wait3A_227 = tpu.memref_squeeze %dma_wait3A_226 : memref<1x1x1x128xi32, #tpu.memory_space<hbm>> -> memref<128xi32, #tpu.memory_space<hbm>>
      %dma_wait3A_228 = arith.constant 0 : i32
      %dma_wait3A_229 = tpu.memref_slice %arg4[%arg0, %arg1, %dma_wait3A_224, %dma_wait3A_228] : memref<2x16x80x128xi32, #tpu.memory_space<hbm>> -> memref<1x1x1x128xi32, #tpu.memory_space<hbm>>
      %dma_wait3A_230 = tpu.memref_squeeze %dma_wait3A_229 : memref<1x1x1x128xi32, #tpu.memory_space<hbm>> -> memref<128xi32, #tpu.memory_space<hbm>>
      tpu.wait_dma2 semaphore(%arg26 : memref<!tpu.dma_semaphore, #tpu.memory_space<semaphore_mem>>) src(%dma_wait3A_230 : memref<128xi32, #tpu.memory_space<hbm>>) dst(%arg18 : memref<128xi32, #tpu.memory_space<vmem>>)
      %dma_start3A_231 = arith.constant 0 : i32
      %dma_start3A_232 = arith.constant 0 : i32
      %dma_start3A_233 = tpu.memref_slice %arg37[%dma_start3A_231, %dma_start3A_232] : memref<10112x128xf32, #tpu.memory_space<vmem_shared>> -> memref<10112x128xf32, #tpu.memory_space<vmem_shared>>
      tpu.enqueue_indirect_dma source(%arg32 : memref<128x128xf32, #tpu.memory_space<vmem>>) target(%dma_start3A_233 : memref<10112x128xf32, #tpu.memory_space<vmem_shared>>) offsets(%arg18 : memref<128xi32, #tpu.memory_space<vmem>>) semaphore(%arg36 : memref<!tpu.dma_semaphore, #tpu.memory_space<semaphore_mem>>) {add = true}
      %ge3A_234 = arith.constant 1 : i32
      %ge3A_235 = arith.cmpi sge, %add3A_213, %ge3A_234 : i32
      %convert_element_type3A_236 = arith.extui %ge3A_235 : i1 to i32
      %cond3A_237 = arith.constant 0 : i32
      %cond3A_238 = arith.cmpi ne, %convert_element_type3A_236, %cond3A_237 : i32
      scf.if %cond3A_238 {
        %dma_wait3A_425 = arith.constant 0 : i32
        %dma_wait3A_426 = arith.constant 0 : i32
        %dma_wait3A_427 = tpu.memref_slice %arg37[%dma_wait3A_425, %dma_wait3A_426] : memref<10112x128xf32, #tpu.memory_space<vmem_shared>> -> memref<10112x128xf32, #tpu.memory_space<vmem_shared>>
        tpu.wait_indirect_dma semaphore(%arg35 : memref<!tpu.dma_semaphore, #tpu.memory_space<semaphore_mem>>) src(%arg31 : memref<128x128xf32, #tpu.memory_space<vmem>>) dst(%dma_wait3A_427 : memref<10112x128xf32, #tpu.memory_space<vmem_shared>>)
      } else {
      }
      %add3A_239 = arith.constant 5 : i32
      %add3A_240 = arith.addi %add3A_213, %add3A_239 : i32
      %lt3A_241 = arith.constant 80 : i32
      %lt3A_242 = arith.cmpi slt, %add3A_240, %lt3A_241 : i32
      %convert_element_type3A_243 = arith.extui %lt3A_242 : i1 to i32
      %cond3A_244 = arith.constant 0 : i32
      %cond3A_245 = arith.cmpi ne, %convert_element_type3A_243, %cond3A_244 : i32
      scf.if %cond3A_245 {
        %add3A_425 = arith.constant 5 : i32
        %add3A_426 = arith.addi %add3A_213, %add3A_425 : i32
        %dma_start3A_427 = arith.constant 0 : i32
        %dma_start3A_428 = tpu.memref_slice %arg4[%arg0, %arg1, %add3A_426, %dma_start3A_427] : memref<2x16x80x128xi32, #tpu.memory_space<hbm>> -> memref<1x1x1x128xi32, #tpu.memory_space<hbm>>
        %dma_start3A_429 = tpu.memref_squeeze %dma_start3A_428 : memref<1x1x1x128xi32, #tpu.memory_space<hbm>> -> memref<128xi32, #tpu.memory_space<hbm>>
        %dma_start3A_430 = arith.constant 0 : i32
        %dma_start3A_431 = tpu.memref_slice %arg4[%arg0, %arg1, %add3A_426, %dma_start3A_430] : memref<2x16x80x128xi32, #tpu.memory_space<hbm>> -> memref<1x1x1x128xi32, #tpu.memory_space<hbm>>
        %dma_start3A_432 = tpu.memref_squeeze %dma_start3A_431 : memref<1x1x1x128xi32, #tpu.memory_space<hbm>> -> memref<128xi32, #tpu.memory_space<hbm>>
        tpu.enqueue_dma source(%dma_start3A_432 : memref<128xi32, #tpu.memory_space<hbm>>) target(%arg15 : memref<128xi32, #tpu.memory_space<vmem>>) target_semaphore(%arg23 : memref<!tpu.dma_semaphore, #tpu.memory_space<semaphore_mem>>)
      } else {
      }
      %add3A_246 = arith.constant 1 : i32
      %add3A_247 = arith.addi %add3A_213, %add3A_246 : i32
      %lt3A_248 = arith.constant 80 : i32
      %lt3A_249 = arith.cmpi slt, %add3A_247, %lt3A_248 : i32
      %convert_element_type3A_250 = arith.extui %lt3A_249 : i1 to i32
      %cond3A_251 = arith.constant 0 : i32
      %cond3A_252 = arith.cmpi ne, %convert_element_type3A_250, %cond3A_251 : i32
      scf.if %cond3A_252 {
        %dma_wait3A_425 = arith.constant 0 : i32
        %dma_wait3A_426 = arith.constant 0 : i32
        %dma_wait3A_427 = tpu.memref_slice %arg3[%arg0, %arg1, %dma_wait3A_425, %dma_wait3A_426] : memref<2x16x80x128xi32, #tpu.memory_space<hbm>> -> memref<1x1x1x128xi32, #tpu.memory_space<hbm>>
        %dma_wait3A_428 = tpu.memref_squeeze %dma_wait3A_427 : memref<1x1x1x128xi32, #tpu.memory_space<hbm>> -> memref<128xi32, #tpu.memory_space<hbm>>
        %dma_wait3A_429 = arith.constant 0 : i32
        %dma_wait3A_430 = tpu.memref_slice %arg3[%arg0, %arg1, %dma_wait3A_425, %dma_wait3A_429] : memref<2x16x80x128xi32, #tpu.memory_space<hbm>> -> memref<1x1x1x128xi32, #tpu.memory_space<hbm>>
        %dma_wait3A_431 = tpu.memref_squeeze %dma_wait3A_430 : memref<1x1x1x128xi32, #tpu.memory_space<hbm>> -> memref<128xi32, #tpu.memory_space<hbm>>
        tpu.wait_dma2 semaphore(%arg11 : memref<!tpu.dma_semaphore, #tpu.memory_space<semaphore_mem>>) src(%dma_wait3A_431 : memref<128xi32, #tpu.memory_space<hbm>>) dst(%arg7 : memref<128xi32, #tpu.memory_space<vmem>>)
        %dma_start3A_432 = arith.constant 0 : i32
        %dma_start3A_433 = arith.constant 0 : i32
        %dma_start3A_434 = tpu.memref_slice %arg2[%dma_start3A_432, %dma_start3A_433] : memref<80000x128xf32, #tpu.memory_space<hbm>> -> memref<80000x128xf32, #tpu.memory_space<hbm>>
        tpu.enqueue_indirect_dma source(%dma_start3A_434 : memref<80000x128xf32, #tpu.memory_space<hbm>>) target(%arg31 : memref<128x128xf32, #tpu.memory_space<vmem>>) offsets(%arg7 : memref<128xi32, #tpu.memory_space<vmem>>) semaphore(%arg33 : memref<!tpu.dma_semaphore, #tpu.memory_space<semaphore_mem>>)
      } else {
      }
      %mul3A_253 = arith.constant 8 : i32
      %mul3A_254 = arith.muli %scan3A_85, %mul3A_253 : i32
      %add3A_255 = arith.constant 4 : i32
      %add3A_256 = arith.addi %mul3A_254, %add3A_255 : i32
      %dma_wait3A_257 = arith.constant 0 : i32
      %dma_wait3A_258 = arith.constant 0 : i32
      %dma_wait3A_259 = tpu.memref_slice %arg2[%dma_wait3A_257, %dma_wait3A_258] : memref<80000x128xf32, #tpu.memory_space<hbm>> -> memref<80000x128xf32, #tpu.memory_space<hbm>>
      tpu.wait_indirect_dma semaphore(%arg33 : memref<!tpu.dma_semaphore, #tpu.memory_space<semaphore_mem>>) src(%dma_wait3A_259 : memref<80000x128xf32, #tpu.memory_space<hbm>>) dst(%arg31 : memref<128x128xf32, #tpu.memory_space<vmem>>)
      %add3A_260 = arith.constant 4 : i32
      %add3A_261 = arith.addi %add3A_256, %add3A_260 : i32
      %lt3A_262 = arith.constant 80 : i32
      %lt3A_263 = arith.cmpi slt, %add3A_261, %lt3A_262 : i32
      %convert_element_type3A_264 = arith.extui %lt3A_263 : i1 to i32
      %cond3A_265 = arith.constant 0 : i32
      %cond3A_266 = arith.cmpi ne, %convert_element_type3A_264, %cond3A_265 : i32
      scf.if %cond3A_266 {
        %add3A_425 = arith.constant 4 : i32
        %add3A_426 = arith.addi %add3A_256, %add3A_425 : i32
        %dma_start3A_427 = arith.constant 0 : i32
        %dma_start3A_428 = tpu.memref_slice %arg3[%arg0, %arg1, %add3A_426, %dma_start3A_427] : memref<2x16x80x128xi32, #tpu.memory_space<hbm>> -> memref<1x1x1x128xi32, #tpu.memory_space<hbm>>
        %dma_start3A_429 = tpu.memref_squeeze %dma_start3A_428 : memref<1x1x1x128xi32, #tpu.memory_space<hbm>> -> memref<128xi32, #tpu.memory_space<hbm>>
        %dma_start3A_430 = arith.constant 0 : i32
        %dma_start3A_431 = tpu.memref_slice %arg3[%arg0, %arg1, %add3A_426, %dma_start3A_430] : memref<2x16x80x128xi32, #tpu.memory_space<hbm>> -> memref<1x1x1x128xi32, #tpu.memory_space<hbm>>
        %dma_start3A_432 = tpu.memref_squeeze %dma_start3A_431 : memref<1x1x1x128xi32, #tpu.memory_space<hbm>> -> memref<128xi32, #tpu.memory_space<hbm>>
        tpu.enqueue_dma source(%dma_start3A_432 : memref<128xi32, #tpu.memory_space<hbm>>) target(%arg7 : memref<128xi32, #tpu.memory_space<vmem>>) target_semaphore(%arg11 : memref<!tpu.dma_semaphore, #tpu.memory_space<semaphore_mem>>)
      } else {
      }
      %dma_wait3A_267 = arith.constant 0 : i32
      %dma_wait3A_268 = arith.constant 0 : i32
      %dma_wait3A_269 = tpu.memref_slice %arg4[%arg0, %arg1, %dma_wait3A_267, %dma_wait3A_268] : memref<2x16x80x128xi32, #tpu.memory_space<hbm>> -> memref<1x1x1x128xi32, #tpu.memory_space<hbm>>
      %dma_wait3A_270 = tpu.memref_squeeze %dma_wait3A_269 : memref<1x1x1x128xi32, #tpu.memory_space<hbm>> -> memref<128xi32, #tpu.memory_space<hbm>>
      %dma_wait3A_271 = arith.constant 0 : i32
      %dma_wait3A_272 = tpu.memref_slice %arg4[%arg0, %arg1, %dma_wait3A_267, %dma_wait3A_271] : memref<2x16x80x128xi32, #tpu.memory_space<hbm>> -> memref<1x1x1x128xi32, #tpu.memory_space<hbm>>
      %dma_wait3A_273 = tpu.memref_squeeze %dma_wait3A_272 : memref<1x1x1x128xi32, #tpu.memory_space<hbm>> -> memref<128xi32, #tpu.memory_space<hbm>>
      tpu.wait_dma2 semaphore(%arg27 : memref<!tpu.dma_semaphore, #tpu.memory_space<semaphore_mem>>) src(%dma_wait3A_273 : memref<128xi32, #tpu.memory_space<hbm>>) dst(%arg19 : memref<128xi32, #tpu.memory_space<vmem>>)
      %dma_start3A_274 = arith.constant 0 : i32
      %dma_start3A_275 = arith.constant 0 : i32
      %dma_start3A_276 = tpu.memref_slice %arg37[%dma_start3A_274, %dma_start3A_275] : memref<10112x128xf32, #tpu.memory_space<vmem_shared>> -> memref<10112x128xf32, #tpu.memory_space<vmem_shared>>
      tpu.enqueue_indirect_dma source(%arg31 : memref<128x128xf32, #tpu.memory_space<vmem>>) target(%dma_start3A_276 : memref<10112x128xf32, #tpu.memory_space<vmem_shared>>) offsets(%arg19 : memref<128xi32, #tpu.memory_space<vmem>>) semaphore(%arg35 : memref<!tpu.dma_semaphore, #tpu.memory_space<semaphore_mem>>) {add = true}
      %ge3A_277 = arith.constant 1 : i32
      %ge3A_278 = arith.cmpi sge, %add3A_256, %ge3A_277 : i32
      %convert_element_type3A_279 = arith.extui %ge3A_278 : i1 to i32
      %cond3A_280 = arith.constant 0 : i32
      %cond3A_281 = arith.cmpi ne, %convert_element_type3A_279, %cond3A_280 : i32
      scf.if %cond3A_281 {
        %dma_wait3A_425 = arith.constant 0 : i32
        %dma_wait3A_426 = arith.constant 0 : i32
        %dma_wait3A_427 = tpu.memref_slice %arg37[%dma_wait3A_425, %dma_wait3A_426] : memref<10112x128xf32, #tpu.memory_space<vmem_shared>> -> memref<10112x128xf32, #tpu.memory_space<vmem_shared>>
        tpu.wait_indirect_dma semaphore(%arg36 : memref<!tpu.dma_semaphore, #tpu.memory_space<semaphore_mem>>) src(%arg32 : memref<128x128xf32, #tpu.memory_space<vmem>>) dst(%dma_wait3A_427 : memref<10112x128xf32, #tpu.memory_space<vmem_shared>>)
      } else {
      }
      %add3A_282 = arith.constant 5 : i32
      %add3A_283 = arith.addi %add3A_256, %add3A_282 : i32
      %lt3A_284 = arith.constant 80 : i32
      %lt3A_285 = arith.cmpi slt, %add3A_283, %lt3A_284 : i32
      %convert_element_type3A_286 = arith.extui %lt3A_285 : i1 to i32
      %cond3A_287 = arith.constant 0 : i32
      %cond3A_288 = arith.cmpi ne, %convert_element_type3A_286, %cond3A_287 : i32
      scf.if %cond3A_288 {
        %add3A_425 = arith.constant 5 : i32
        %add3A_426 = arith.addi %add3A_256, %add3A_425 : i32
        %dma_start3A_427 = arith.constant 0 : i32
        %dma_start3A_428 = tpu.memref_slice %arg4[%arg0, %arg1, %add3A_426, %dma_start3A_427] : memref<2x16x80x128xi32, #tpu.memory_space<hbm>> -> memref<1x1x1x128xi32, #tpu.memory_space<hbm>>
        %dma_start3A_429 = tpu.memref_squeeze %dma_start3A_428 : memref<1x1x1x128xi32, #tpu.memory_space<hbm>> -> memref<128xi32, #tpu.memory_space<hbm>>
        %dma_start3A_430 = arith.constant 0 : i32
        %dma_start3A_431 = tpu.memref_slice %arg4[%arg0, %arg1, %add3A_426, %dma_start3A_430] : memref<2x16x80x128xi32, #tpu.memory_space<hbm>> -> memref<1x1x1x128xi32, #tpu.memory_space<hbm>>
        %dma_start3A_432 = tpu.memref_squeeze %dma_start3A_431 : memref<1x1x1x128xi32, #tpu.memory_space<hbm>> -> memref<128xi32, #tpu.memory_space<hbm>>
        tpu.enqueue_dma source(%dma_start3A_432 : memref<128xi32, #tpu.memory_space<hbm>>) target(%arg16 : memref<128xi32, #tpu.memory_space<vmem>>) target_semaphore(%arg24 : memref<!tpu.dma_semaphore, #tpu.memory_space<semaphore_mem>>)
      } else {
      }
      %add3A_289 = arith.constant 1 : i32
      %add3A_290 = arith.addi %add3A_256, %add3A_289 : i32
      %lt3A_291 = arith.constant 80 : i32
      %lt3A_292 = arith.cmpi slt, %add3A_290, %lt3A_291 : i32
      %convert_element_type3A_293 = arith.extui %lt3A_292 : i1 to i32
      %cond3A_294 = arith.constant 0 : i32
      %cond3A_295 = arith.cmpi ne, %convert_element_type3A_293, %cond3A_294 : i32
      scf.if %cond3A_295 {
        %dma_wait3A_425 = arith.constant 0 : i32
        %dma_wait3A_426 = arith.constant 0 : i32
        %dma_wait3A_427 = tpu.memref_slice %arg3[%arg0, %arg1, %dma_wait3A_425, %dma_wait3A_426] : memref<2x16x80x128xi32, #tpu.memory_space<hbm>> -> memref<1x1x1x128xi32, #tpu.memory_space<hbm>>
        %dma_wait3A_428 = tpu.memref_squeeze %dma_wait3A_427 : memref<1x1x1x128xi32, #tpu.memory_space<hbm>> -> memref<128xi32, #tpu.memory_space<hbm>>
        %dma_wait3A_429 = arith.constant 0 : i32
        %dma_wait3A_430 = tpu.memref_slice %arg3[%arg0, %arg1, %dma_wait3A_425, %dma_wait3A_429] : memref<2x16x80x128xi32, #tpu.memory_space<hbm>> -> memref<1x1x1x128xi32, #tpu.memory_space<hbm>>
        %dma_wait3A_431 = tpu.memref_squeeze %dma_wait3A_430 : memref<1x1x1x128xi32, #tpu.memory_space<hbm>> -> memref<128xi32, #tpu.memory_space<hbm>>
        tpu.wait_dma2 semaphore(%arg12 : memref<!tpu.dma_semaphore, #tpu.memory_space<semaphore_mem>>) src(%dma_wait3A_431 : memref<128xi32, #tpu.memory_space<hbm>>) dst(%arg8 : memref<128xi32, #tpu.memory_space<vmem>>)
        %dma_start3A_432 = arith.constant 0 : i32
        %dma_start3A_433 = arith.constant 0 : i32
        %dma_start3A_434 = tpu.memref_slice %arg2[%dma_start3A_432, %dma_start3A_433] : memref<80000x128xf32, #tpu.memory_space<hbm>> -> memref<80000x128xf32, #tpu.memory_space<hbm>>
        tpu.enqueue_indirect_dma source(%dma_start3A_434 : memref<80000x128xf32, #tpu.memory_space<hbm>>) target(%arg32 : memref<128x128xf32, #tpu.memory_space<vmem>>) offsets(%arg8 : memref<128xi32, #tpu.memory_space<vmem>>) semaphore(%arg34 : memref<!tpu.dma_semaphore, #tpu.memory_space<semaphore_mem>>)
      } else {
      }
      %mul3A_296 = arith.constant 8 : i32
      %mul3A_297 = arith.muli %scan3A_85, %mul3A_296 : i32
      %add3A_298 = arith.constant 5 : i32
      %add3A_299 = arith.addi %mul3A_297, %add3A_298 : i32
      %dma_wait3A_300 = arith.constant 0 : i32
      %dma_wait3A_301 = arith.constant 0 : i32
      %dma_wait3A_302 = tpu.memref_slice %arg2[%dma_wait3A_300, %dma_wait3A_301] : memref<80000x128xf32, #tpu.memory_space<hbm>> -> memref<80000x128xf32, #tpu.memory_space<hbm>>
      tpu.wait_indirect_dma semaphore(%arg34 : memref<!tpu.dma_semaphore, #tpu.memory_space<semaphore_mem>>) src(%dma_wait3A_302 : memref<80000x128xf32, #tpu.memory_space<hbm>>) dst(%arg32 : memref<128x128xf32, #tpu.memory_space<vmem>>)
      %add3A_303 = arith.constant 4 : i32
      %add3A_304 = arith.addi %add3A_299, %add3A_303 : i32
      %lt3A_305 = arith.constant 80 : i32
      %lt3A_306 = arith.cmpi slt, %add3A_304, %lt3A_305 : i32
      %convert_element_type3A_307 = arith.extui %lt3A_306 : i1 to i32
      %cond3A_308 = arith.constant 0 : i32
      %cond3A_309 = arith.cmpi ne, %convert_element_type3A_307, %cond3A_308 : i32
      scf.if %cond3A_309 {
        %add3A_425 = arith.constant 4 : i32
        %add3A_426 = arith.addi %add3A_299, %add3A_425 : i32
        %dma_start3A_427 = arith.constant 0 : i32
        %dma_start3A_428 = tpu.memref_slice %arg3[%arg0, %arg1, %add3A_426, %dma_start3A_427] : memref<2x16x80x128xi32, #tpu.memory_space<hbm>> -> memref<1x1x1x128xi32, #tpu.memory_space<hbm>>
        %dma_start3A_429 = tpu.memref_squeeze %dma_start3A_428 : memref<1x1x1x128xi32, #tpu.memory_space<hbm>> -> memref<128xi32, #tpu.memory_space<hbm>>
        %dma_start3A_430 = arith.constant 0 : i32
        %dma_start3A_431 = tpu.memref_slice %arg3[%arg0, %arg1, %add3A_426, %dma_start3A_430] : memref<2x16x80x128xi32, #tpu.memory_space<hbm>> -> memref<1x1x1x128xi32, #tpu.memory_space<hbm>>
        %dma_start3A_432 = tpu.memref_squeeze %dma_start3A_431 : memref<1x1x1x128xi32, #tpu.memory_space<hbm>> -> memref<128xi32, #tpu.memory_space<hbm>>
        tpu.enqueue_dma source(%dma_start3A_432 : memref<128xi32, #tpu.memory_space<hbm>>) target(%arg8 : memref<128xi32, #tpu.memory_space<vmem>>) target_semaphore(%arg12 : memref<!tpu.dma_semaphore, #tpu.memory_space<semaphore_mem>>)
      } else {
      }
      %dma_wait3A_310 = arith.constant 0 : i32
      %dma_wait3A_311 = arith.constant 0 : i32
      %dma_wait3A_312 = tpu.memref_slice %arg4[%arg0, %arg1, %dma_wait3A_310, %dma_wait3A_311] : memref<2x16x80x128xi32, #tpu.memory_space<hbm>> -> memref<1x1x1x128xi32, #tpu.memory_space<hbm>>
      %dma_wait3A_313 = tpu.memref_squeeze %dma_wait3A_312 : memref<1x1x1x128xi32, #tpu.memory_space<hbm>> -> memref<128xi32, #tpu.memory_space<hbm>>
      %dma_wait3A_314 = arith.constant 0 : i32
      %dma_wait3A_315 = tpu.memref_slice %arg4[%arg0, %arg1, %dma_wait3A_310, %dma_wait3A_314] : memref<2x16x80x128xi32, #tpu.memory_space<hbm>> -> memref<1x1x1x128xi32, #tpu.memory_space<hbm>>
      %dma_wait3A_316 = tpu.memref_squeeze %dma_wait3A_315 : memref<1x1x1x128xi32, #tpu.memory_space<hbm>> -> memref<128xi32, #tpu.memory_space<hbm>>
      tpu.wait_dma2 semaphore(%arg28 : memref<!tpu.dma_semaphore, #tpu.memory_space<semaphore_mem>>) src(%dma_wait3A_316 : memref<128xi32, #tpu.memory_space<hbm>>) dst(%arg20 : memref<128xi32, #tpu.memory_space<vmem>>)
      %dma_start3A_317 = arith.constant 0 : i32
      %dma_start3A_318 = arith.constant 0 : i32
      %dma_start3A_319 = tpu.memref_slice %arg37[%dma_start3A_317, %dma_start3A_318] : memref<10112x128xf32, #tpu.memory_space<vmem_shared>> -> memref<10112x128xf32, #tpu.memory_space<vmem_shared>>
      tpu.enqueue_indirect_dma source(%arg32 : memref<128x128xf32, #tpu.memory_space<vmem>>) target(%dma_start3A_319 : memref<10112x128xf32, #tpu.memory_space<vmem_shared>>) offsets(%arg20 : memref<128xi32, #tpu.memory_space<vmem>>) semaphore(%arg36 : memref<!tpu.dma_semaphore, #tpu.memory_space<semaphore_mem>>) {add = true}
      %ge3A_320 = arith.constant 1 : i32
      %ge3A_321 = arith.cmpi sge, %add3A_299, %ge3A_320 : i32
      %convert_element_type3A_322 = arith.extui %ge3A_321 : i1 to i32
      %cond3A_323 = arith.constant 0 : i32
      %cond3A_324 = arith.cmpi ne, %convert_element_type3A_322, %cond3A_323 : i32
      scf.if %cond3A_324 {
        %dma_wait3A_425 = arith.constant 0 : i32
        %dma_wait3A_426 = arith.constant 0 : i32
        %dma_wait3A_427 = tpu.memref_slice %arg37[%dma_wait3A_425, %dma_wait3A_426] : memref<10112x128xf32, #tpu.memory_space<vmem_shared>> -> memref<10112x128xf32, #tpu.memory_space<vmem_shared>>
        tpu.wait_indirect_dma semaphore(%arg35 : memref<!tpu.dma_semaphore, #tpu.memory_space<semaphore_mem>>) src(%arg31 : memref<128x128xf32, #tpu.memory_space<vmem>>) dst(%dma_wait3A_427 : memref<10112x128xf32, #tpu.memory_space<vmem_shared>>)
      } else {
      }
      %add3A_325 = arith.constant 5 : i32
      %add3A_326 = arith.addi %add3A_299, %add3A_325 : i32
      %lt3A_327 = arith.constant 80 : i32
      %lt3A_328 = arith.cmpi slt, %add3A_326, %lt3A_327 : i32
      %convert_element_type3A_329 = arith.extui %lt3A_328 : i1 to i32
      %cond3A_330 = arith.constant 0 : i32
      %cond3A_331 = arith.cmpi ne, %convert_element_type3A_329, %cond3A_330 : i32
      scf.if %cond3A_331 {
        %add3A_425 = arith.constant 5 : i32
        %add3A_426 = arith.addi %add3A_299, %add3A_425 : i32
        %dma_start3A_427 = arith.constant 0 : i32
        %dma_start3A_428 = tpu.memref_slice %arg4[%arg0, %arg1, %add3A_426, %dma_start3A_427] : memref<2x16x80x128xi32, #tpu.memory_space<hbm>> -> memref<1x1x1x128xi32, #tpu.memory_space<hbm>>
        %dma_start3A_429 = tpu.memref_squeeze %dma_start3A_428 : memref<1x1x1x128xi32, #tpu.memory_space<hbm>> -> memref<128xi32, #tpu.memory_space<hbm>>
        %dma_start3A_430 = arith.constant 0 : i32
        %dma_start3A_431 = tpu.memref_slice %arg4[%arg0, %arg1, %add3A_426, %dma_start3A_430] : memref<2x16x80x128xi32, #tpu.memory_space<hbm>> -> memref<1x1x1x128xi32, #tpu.memory_space<hbm>>
        %dma_start3A_432 = tpu.memref_squeeze %dma_start3A_431 : memref<1x1x1x128xi32, #tpu.memory_space<hbm>> -> memref<128xi32, #tpu.memory_space<hbm>>
        tpu.enqueue_dma source(%dma_start3A_432 : memref<128xi32, #tpu.memory_space<hbm>>) target(%arg17 : memref<128xi32, #tpu.memory_space<vmem>>) target_semaphore(%arg25 : memref<!tpu.dma_semaphore, #tpu.memory_space<semaphore_mem>>)
      } else {
      }
      %add3A_332 = arith.constant 1 : i32
      %add3A_333 = arith.addi %add3A_299, %add3A_332 : i32
      %lt3A_334 = arith.constant 80 : i32
      %lt3A_335 = arith.cmpi slt, %add3A_333, %lt3A_334 : i32
      %convert_element_type3A_336 = arith.extui %lt3A_335 : i1 to i32
      %cond3A_337 = arith.constant 0 : i32
      %cond3A_338 = arith.cmpi ne, %convert_element_type3A_336, %cond3A_337 : i32
      scf.if %cond3A_338 {
        %dma_wait3A_425 = arith.constant 0 : i32
        %dma_wait3A_426 = arith.constant 0 : i32
        %dma_wait3A_427 = tpu.memref_slice %arg3[%arg0, %arg1, %dma_wait3A_425, %dma_wait3A_426] : memref<2x16x80x128xi32, #tpu.memory_space<hbm>> -> memref<1x1x1x128xi32, #tpu.memory_space<hbm>>
        %dma_wait3A_428 = tpu.memref_squeeze %dma_wait3A_427 : memref<1x1x1x128xi32, #tpu.memory_space<hbm>> -> memref<128xi32, #tpu.memory_space<hbm>>
        %dma_wait3A_429 = arith.constant 0 : i32
        %dma_wait3A_430 = tpu.memref_slice %arg3[%arg0, %arg1, %dma_wait3A_425, %dma_wait3A_429] : memref<2x16x80x128xi32, #tpu.memory_space<hbm>> -> memref<1x1x1x128xi32, #tpu.memory_space<hbm>>
        %dma_wait3A_431 = tpu.memref_squeeze %dma_wait3A_430 : memref<1x1x1x128xi32, #tpu.memory_space<hbm>> -> memref<128xi32, #tpu.memory_space<hbm>>
        tpu.wait_dma2 semaphore(%arg13 : memref<!tpu.dma_semaphore, #tpu.memory_space<semaphore_mem>>) src(%dma_wait3A_431 : memref<128xi32, #tpu.memory_space<hbm>>) dst(%arg9 : memref<128xi32, #tpu.memory_space<vmem>>)
        %dma_start3A_432 = arith.constant 0 : i32
        %dma_start3A_433 = arith.constant 0 : i32
        %dma_start3A_434 = tpu.memref_slice %arg2[%dma_start3A_432, %dma_start3A_433] : memref<80000x128xf32, #tpu.memory_space<hbm>> -> memref<80000x128xf32, #tpu.memory_space<hbm>>
        tpu.enqueue_indirect_dma source(%dma_start3A_434 : memref<80000x128xf32, #tpu.memory_space<hbm>>) target(%arg31 : memref<128x128xf32, #tpu.memory_space<vmem>>) offsets(%arg9 : memref<128xi32, #tpu.memory_space<vmem>>) semaphore(%arg33 : memref<!tpu.dma_semaphore, #tpu.memory_space<semaphore_mem>>)
      } else {
      }
      %mul3A_339 = arith.constant 8 : i32
      %mul3A_340 = arith.muli %scan3A_85, %mul3A_339 : i32
      %add3A_341 = arith.constant 6 : i32
      %add3A_342 = arith.addi %mul3A_340, %add3A_341 : i32
      %dma_wait3A_343 = arith.constant 0 : i32
      %dma_wait3A_344 = arith.constant 0 : i32
      %dma_wait3A_345 = tpu.memref_slice %arg2[%dma_wait3A_343, %dma_wait3A_344] : memref<80000x128xf32, #tpu.memory_space<hbm>> -> memref<80000x128xf32, #tpu.memory_space<hbm>>
      tpu.wait_indirect_dma semaphore(%arg33 : memref<!tpu.dma_semaphore, #tpu.memory_space<semaphore_mem>>) src(%dma_wait3A_345 : memref<80000x128xf32, #tpu.memory_space<hbm>>) dst(%arg31 : memref<128x128xf32, #tpu.memory_space<vmem>>)
      %add3A_346 = arith.constant 4 : i32
      %add3A_347 = arith.addi %add3A_342, %add3A_346 : i32
      %lt3A_348 = arith.constant 80 : i32
      %lt3A_349 = arith.cmpi slt, %add3A_347, %lt3A_348 : i32
      %convert_element_type3A_350 = arith.extui %lt3A_349 : i1 to i32
      %cond3A_351 = arith.constant 0 : i32
      %cond3A_352 = arith.cmpi ne, %convert_element_type3A_350, %cond3A_351 : i32
      scf.if %cond3A_352 {
        %add3A_425 = arith.constant 4 : i32
        %add3A_426 = arith.addi %add3A_342, %add3A_425 : i32
        %dma_start3A_427 = arith.constant 0 : i32
        %dma_start3A_428 = tpu.memref_slice %arg3[%arg0, %arg1, %add3A_426, %dma_start3A_427] : memref<2x16x80x128xi32, #tpu.memory_space<hbm>> -> memref<1x1x1x128xi32, #tpu.memory_space<hbm>>
        %dma_start3A_429 = tpu.memref_squeeze %dma_start3A_428 : memref<1x1x1x128xi32, #tpu.memory_space<hbm>> -> memref<128xi32, #tpu.memory_space<hbm>>
        %dma_start3A_430 = arith.constant 0 : i32
        %dma_start3A_431 = tpu.memref_slice %arg3[%arg0, %arg1, %add3A_426, %dma_start3A_430] : memref<2x16x80x128xi32, #tpu.memory_space<hbm>> -> memref<1x1x1x128xi32, #tpu.memory_space<hbm>>
        %dma_start3A_432 = tpu.memref_squeeze %dma_start3A_431 : memref<1x1x1x128xi32, #tpu.memory_space<hbm>> -> memref<128xi32, #tpu.memory_space<hbm>>
        tpu.enqueue_dma source(%dma_start3A_432 : memref<128xi32, #tpu.memory_space<hbm>>) target(%arg9 : memref<128xi32, #tpu.memory_space<vmem>>) target_semaphore(%arg13 : memref<!tpu.dma_semaphore, #tpu.memory_space<semaphore_mem>>)
      } else {
      }
      %dma_wait3A_353 = arith.constant 0 : i32
      %dma_wait3A_354 = arith.constant 0 : i32
      %dma_wait3A_355 = tpu.memref_slice %arg4[%arg0, %arg1, %dma_wait3A_353, %dma_wait3A_354] : memref<2x16x80x128xi32, #tpu.memory_space<hbm>> -> memref<1x1x1x128xi32, #tpu.memory_space<hbm>>
      %dma_wait3A_356 = tpu.memref_squeeze %dma_wait3A_355 : memref<1x1x1x128xi32, #tpu.memory_space<hbm>> -> memref<128xi32, #tpu.memory_space<hbm>>
      %dma_wait3A_357 = arith.constant 0 : i32
      %dma_wait3A_358 = tpu.memref_slice %arg4[%arg0, %arg1, %dma_wait3A_353, %dma_wait3A_357] : memref<2x16x80x128xi32, #tpu.memory_space<hbm>> -> memref<1x1x1x128xi32, #tpu.memory_space<hbm>>
      %dma_wait3A_359 = tpu.memref_squeeze %dma_wait3A_358 : memref<1x1x1x128xi32, #tpu.memory_space<hbm>> -> memref<128xi32, #tpu.memory_space<hbm>>
      tpu.wait_dma2 semaphore(%arg29 : memref<!tpu.dma_semaphore, #tpu.memory_space<semaphore_mem>>) src(%dma_wait3A_359 : memref<128xi32, #tpu.memory_space<hbm>>) dst(%arg21 : memref<128xi32, #tpu.memory_space<vmem>>)
      %dma_start3A_360 = arith.constant 0 : i32
      %dma_start3A_361 = arith.constant 0 : i32
      %dma_start3A_362 = tpu.memref_slice %arg37[%dma_start3A_360, %dma_start3A_361] : memref<10112x128xf32, #tpu.memory_space<vmem_shared>> -> memref<10112x128xf32, #tpu.memory_space<vmem_shared>>
      tpu.enqueue_indirect_dma source(%arg31 : memref<128x128xf32, #tpu.memory_space<vmem>>) target(%dma_start3A_362 : memref<10112x128xf32, #tpu.memory_space<vmem_shared>>) offsets(%arg21 : memref<128xi32, #tpu.memory_space<vmem>>) semaphore(%arg35 : memref<!tpu.dma_semaphore, #tpu.memory_space<semaphore_mem>>) {add = true}
      %ge3A_363 = arith.constant 1 : i32
      %ge3A_364 = arith.cmpi sge, %add3A_342, %ge3A_363 : i32
      %convert_element_type3A_365 = arith.extui %ge3A_364 : i1 to i32
      %cond3A_366 = arith.constant 0 : i32
      %cond3A_367 = arith.cmpi ne, %convert_element_type3A_365, %cond3A_366 : i32
      scf.if %cond3A_367 {
        %dma_wait3A_425 = arith.constant 0 : i32
        %dma_wait3A_426 = arith.constant 0 : i32
        %dma_wait3A_427 = tpu.memref_slice %arg37[%dma_wait3A_425, %dma_wait3A_426] : memref<10112x128xf32, #tpu.memory_space<vmem_shared>> -> memref<10112x128xf32, #tpu.memory_space<vmem_shared>>
        tpu.wait_indirect_dma semaphore(%arg36 : memref<!tpu.dma_semaphore, #tpu.memory_space<semaphore_mem>>) src(%arg32 : memref<128x128xf32, #tpu.memory_space<vmem>>) dst(%dma_wait3A_427 : memref<10112x128xf32, #tpu.memory_space<vmem_shared>>)
      } else {
      }
      %add3A_368 = arith.constant 5 : i32
      %add3A_369 = arith.addi %add3A_342, %add3A_368 : i32
      %lt3A_370 = arith.constant 80 : i32
      %lt3A_371 = arith.cmpi slt, %add3A_369, %lt3A_370 : i32
      %convert_element_type3A_372 = arith.extui %lt3A_371 : i1 to i32
      %cond3A_373 = arith.constant 0 : i32
      %cond3A_374 = arith.cmpi ne, %convert_element_type3A_372, %cond3A_373 : i32
      scf.if %cond3A_374 {
        %add3A_425 = arith.constant 5 : i32
        %add3A_426 = arith.addi %add3A_342, %add3A_425 : i32
        %dma_start3A_427 = arith.constant 0 : i32
        %dma_start3A_428 = tpu.memref_slice %arg4[%arg0, %arg1, %add3A_426, %dma_start3A_427] : memref<2x16x80x128xi32, #tpu.memory_space<hbm>> -> memref<1x1x1x128xi32, #tpu.memory_space<hbm>>
        %dma_start3A_429 = tpu.memref_squeeze %dma_start3A_428 : memref<1x1x1x128xi32, #tpu.memory_space<hbm>> -> memref<128xi32, #tpu.memory_space<hbm>>
        %dma_start3A_430 = arith.constant 0 : i32
        %dma_start3A_431 = tpu.memref_slice %arg4[%arg0, %arg1, %add3A_426, %dma_start3A_430] : memref<2x16x80x128xi32, #tpu.memory_space<hbm>> -> memref<1x1x1x128xi32, #tpu.memory_space<hbm>>
        %dma_start3A_432 = tpu.memref_squeeze %dma_start3A_431 : memref<1x1x1x128xi32, #tpu.memory_space<hbm>> -> memref<128xi32, #tpu.memory_space<hbm>>
        tpu.enqueue_dma source(%dma_start3A_432 : memref<128xi32, #tpu.memory_space<hbm>>) target(%arg18 : memref<128xi32, #tpu.memory_space<vmem>>) target_semaphore(%arg26 : memref<!tpu.dma_semaphore, #tpu.memory_space<semaphore_mem>>)
      } else {
      }
      %add3A_375 = arith.constant 1 : i32
      %add3A_376 = arith.addi %add3A_342, %add3A_375 : i32
      %lt3A_377 = arith.constant 80 : i32
      %lt3A_378 = arith.cmpi slt, %add3A_376, %lt3A_377 : i32
      %convert_element_type3A_379 = arith.extui %lt3A_378 : i1 to i32
      %cond3A_380 = arith.constant 0 : i32
      %cond3A_381 = arith.cmpi ne, %convert_element_type3A_379, %cond3A_380 : i32
      scf.if %cond3A_381 {
        %dma_wait3A_425 = arith.constant 0 : i32
        %dma_wait3A_426 = arith.constant 0 : i32
        %dma_wait3A_427 = tpu.memref_slice %arg3[%arg0, %arg1, %dma_wait3A_425, %dma_wait3A_426] : memref<2x16x80x128xi32, #tpu.memory_space<hbm>> -> memref<1x1x1x128xi32, #tpu.memory_space<hbm>>
        %dma_wait3A_428 = tpu.memref_squeeze %dma_wait3A_427 : memref<1x1x1x128xi32, #tpu.memory_space<hbm>> -> memref<128xi32, #tpu.memory_space<hbm>>
        %dma_wait3A_429 = arith.constant 0 : i32
        %dma_wait3A_430 = tpu.memref_slice %arg3[%arg0, %arg1, %dma_wait3A_425, %dma_wait3A_429] : memref<2x16x80x128xi32, #tpu.memory_space<hbm>> -> memref<1x1x1x128xi32, #tpu.memory_space<hbm>>
        %dma_wait3A_431 = tpu.memref_squeeze %dma_wait3A_430 : memref<1x1x1x128xi32, #tpu.memory_space<hbm>> -> memref<128xi32, #tpu.memory_space<hbm>>
        tpu.wait_dma2 semaphore(%arg14 : memref<!tpu.dma_semaphore, #tpu.memory_space<semaphore_mem>>) src(%dma_wait3A_431 : memref<128xi32, #tpu.memory_space<hbm>>) dst(%arg10 : memref<128xi32, #tpu.memory_space<vmem>>)
        %dma_start3A_432 = arith.constant 0 : i32
        %dma_start3A_433 = arith.constant 0 : i32
        %dma_start3A_434 = tpu.memref_slice %arg2[%dma_start3A_432, %dma_start3A_433] : memref<80000x128xf32, #tpu.memory_space<hbm>> -> memref<80000x128xf32, #tpu.memory_space<hbm>>
        tpu.enqueue_indirect_dma source(%dma_start3A_434 : memref<80000x128xf32, #tpu.memory_space<hbm>>) target(%arg32 : memref<128x128xf32, #tpu.memory_space<vmem>>) offsets(%arg10 : memref<128xi32, #tpu.memory_space<vmem>>) semaphore(%arg34 : memref<!tpu.dma_semaphore, #tpu.memory_space<semaphore_mem>>)
      } else {
      }
      %mul3A_382 = arith.constant 8 : i32
      %mul3A_383 = arith.muli %scan3A_85, %mul3A_382 : i32
      %add3A_384 = arith.constant 7 : i32
      %add3A_385 = arith.addi %mul3A_383, %add3A_384 : i32
      %dma_wait3A_386 = arith.constant 0 : i32
      %dma_wait3A_387 = arith.constant 0 : i32
      %dma_wait3A_388 = tpu.memref_slice %arg2[%dma_wait3A_386, %dma_wait3A_387] : memref<80000x128xf32, #tpu.memory_space<hbm>> -> memref<80000x128xf32, #tpu.memory_space<hbm>>
      tpu.wait_indirect_dma semaphore(%arg34 : memref<!tpu.dma_semaphore, #tpu.memory_space<semaphore_mem>>) src(%dma_wait3A_388 : memref<80000x128xf32, #tpu.memory_space<hbm>>) dst(%arg32 : memref<128x128xf32, #tpu.memory_space<vmem>>)
      %add3A_389 = arith.constant 4 : i32
      %add3A_390 = arith.addi %add3A_385, %add3A_389 : i32
      %lt3A_391 = arith.constant 80 : i32
      %lt3A_392 = arith.cmpi slt, %add3A_390, %lt3A_391 : i32
      %convert_element_type3A_393 = arith.extui %lt3A_392 : i1 to i32
      %cond3A_394 = arith.constant 0 : i32
      %cond3A_395 = arith.cmpi ne, %convert_element_type3A_393, %cond3A_394 : i32
      scf.if %cond3A_395 {
        %add3A_425 = arith.constant 4 : i32
        %add3A_426 = arith.addi %add3A_385, %add3A_425 : i32
        %dma_start3A_427 = arith.constant 0 : i32
        %dma_start3A_428 = tpu.memref_slice %arg3[%arg0, %arg1, %add3A_426, %dma_start3A_427] : memref<2x16x80x128xi32, #tpu.memory_space<hbm>> -> memref<1x1x1x128xi32, #tpu.memory_space<hbm>>
        %dma_start3A_429 = tpu.memref_squeeze %dma_start3A_428 : memref<1x1x1x128xi32, #tpu.memory_space<hbm>> -> memref<128xi32, #tpu.memory_space<hbm>>
        %dma_start3A_430 = arith.constant 0 : i32
        %dma_start3A_431 = tpu.memref_slice %arg3[%arg0, %arg1, %add3A_426, %dma_start3A_430] : memref<2x16x80x128xi32, #tpu.memory_space<hbm>> -> memref<1x1x1x128xi32, #tpu.memory_space<hbm>>
        %dma_start3A_432 = tpu.memref_squeeze %dma_start3A_431 : memref<1x1x1x128xi32, #tpu.memory_space<hbm>> -> memref<128xi32, #tpu.memory_space<hbm>>
        tpu.enqueue_dma source(%dma_start3A_432 : memref<128xi32, #tpu.memory_space<hbm>>) target(%arg10 : memref<128xi32, #tpu.memory_space<vmem>>) target_semaphore(%arg14 : memref<!tpu.dma_semaphore, #tpu.memory_space<semaphore_mem>>)
      } else {
      }
      %dma_wait3A_396 = arith.constant 0 : i32
      %dma_wait3A_397 = arith.constant 0 : i32
      %dma_wait3A_398 = tpu.memref_slice %arg4[%arg0, %arg1, %dma_wait3A_396, %dma_wait3A_397] : memref<2x16x80x128xi32, #tpu.memory_space<hbm>> -> memref<1x1x1x128xi32, #tpu.memory_space<hbm>>
      %dma_wait3A_399 = tpu.memref_squeeze %dma_wait3A_398 : memref<1x1x1x128xi32, #tpu.memory_space<hbm>> -> memref<128xi32, #tpu.memory_space<hbm>>
      %dma_wait3A_400 = arith.constant 0 : i32
      %dma_wait3A_401 = tpu.memref_slice %arg4[%arg0, %arg1, %dma_wait3A_396, %dma_wait3A_400] : memref<2x16x80x128xi32, #tpu.memory_space<hbm>> -> memref<1x1x1x128xi32, #tpu.memory_space<hbm>>
      %dma_wait3A_402 = tpu.memref_squeeze %dma_wait3A_401 : memref<1x1x1x128xi32, #tpu.memory_space<hbm>> -> memref<128xi32, #tpu.memory_space<hbm>>
      tpu.wait_dma2 semaphore(%arg30 : memref<!tpu.dma_semaphore, #tpu.memory_space<semaphore_mem>>) src(%dma_wait3A_402 : memref<128xi32, #tpu.memory_space<hbm>>) dst(%arg22 : memref<128xi32, #tpu.memory_space<vmem>>)
      %dma_start3A_403 = arith.constant 0 : i32
      %dma_start3A_404 = arith.constant 0 : i32
      %dma_start3A_405 = tpu.memref_slice %arg37[%dma_start3A_403, %dma_start3A_404] : memref<10112x128xf32, #tpu.memory_space<vmem_shared>> -> memref<10112x128xf32, #tpu.memory_space<vmem_shared>>
      tpu.enqueue_indirect_dma source(%arg32 : memref<128x128xf32, #tpu.memory_space<vmem>>) target(%dma_start3A_405 : memref<10112x128xf32, #tpu.memory_space<vmem_shared>>) offsets(%arg22 : memref<128xi32, #tpu.memory_space<vmem>>) semaphore(%arg36 : memref<!tpu.dma_semaphore, #tpu.memory_space<semaphore_mem>>) {add = true}
      %ge3A_406 = arith.constant 1 : i32
      %ge3A_407 = arith.cmpi sge, %add3A_385, %ge3A_406 : i32
      %convert_element_type3A_408 = arith.extui %ge3A_407 : i1 to i32
      %cond3A_409 = arith.constant 0 : i32
      %cond3A_410 = arith.cmpi ne, %convert_element_type3A_408, %cond3A_409 : i32
      scf.if %cond3A_410 {
        %dma_wait3A_425 = arith.constant 0 : i32
        %dma_wait3A_426 = arith.constant 0 : i32
        %dma_wait3A_427 = tpu.memref_slice %arg37[%dma_wait3A_425, %dma_wait3A_426] : memref<10112x128xf32, #tpu.memory_space<vmem_shared>> -> memref<10112x128xf32, #tpu.memory_space<vmem_shared>>
        tpu.wait_indirect_dma semaphore(%arg35 : memref<!tpu.dma_semaphore, #tpu.memory_space<semaphore_mem>>) src(%arg31 : memref<128x128xf32, #tpu.memory_space<vmem>>) dst(%dma_wait3A_427 : memref<10112x128xf32, #tpu.memory_space<vmem_shared>>)
      } else {
      }
      %add3A_411 = arith.constant 5 : i32
      %add3A_412 = arith.addi %add3A_385, %add3A_411 : i32
      %lt3A_413 = arith.constant 80 : i32
      %lt3A_414 = arith.cmpi slt, %add3A_412, %lt3A_413 : i32
      %convert_element_type3A_415 = arith.extui %lt3A_414 : i1 to i32
      %cond3A_416 = arith.constant 0 : i32
      %cond3A_417 = arith.cmpi ne, %convert_element_type3A_415, %cond3A_416 : i32
      scf.if %cond3A_417 {
        %add3A_425 = arith.constant 5 : i32
        %add3A_426 = arith.addi %add3A_385, %add3A_425 : i32
        %dma_start3A_427 = arith.constant 0 : i32
        %dma_start3A_428 = tpu.memref_slice %arg4[%arg0, %arg1, %add3A_426, %dma_start3A_427] : memref<2x16x80x128xi32, #tpu.memory_space<hbm>> -> memref<1x1x1x128xi32, #tpu.memory_space<hbm>>
        %dma_start3A_429 = tpu.memref_squeeze %dma_start3A_428 : memref<1x1x1x128xi32, #tpu.memory_space<hbm>> -> memref<128xi32, #tpu.memory_space<hbm>>
        %dma_start3A_430 = arith.constant 0 : i32
        %dma_start3A_431 = tpu.memref_slice %arg4[%arg0, %arg1, %add3A_426, %dma_start3A_430] : memref<2x16x80x128xi32, #tpu.memory_space<hbm>> -> memref<1x1x1x128xi32, #tpu.memory_space<hbm>>
        %dma_start3A_432 = tpu.memref_squeeze %dma_start3A_431 : memref<1x1x1x128xi32, #tpu.memory_space<hbm>> -> memref<128xi32, #tpu.memory_space<hbm>>
        tpu.enqueue_dma source(%dma_start3A_432 : memref<128xi32, #tpu.memory_space<hbm>>) target(%arg19 : memref<128xi32, #tpu.memory_space<vmem>>) target_semaphore(%arg27 : memref<!tpu.dma_semaphore, #tpu.memory_space<semaphore_mem>>)
      } else {
      }
      %add3A_418 = arith.constant 1 : i32
      %add3A_419 = arith.addi %add3A_385, %add3A_418 : i32
      %lt3A_420 = arith.constant 80 : i32
      %lt3A_421 = arith.cmpi slt, %add3A_419, %lt3A_420 : i32
      %convert_element_type3A_422 = arith.extui %lt3A_421 : i1 to i32
      %cond3A_423 = arith.constant 0 : i32
      %cond3A_424 = arith.cmpi ne, %convert_element_type3A_422, %cond3A_423 : i32
      scf.if %cond3A_424 {
        %dma_wait3A_425 = arith.constant 0 : i32
        %dma_wait3A_426 = arith.constant 0 : i32
        %dma_wait3A_427 = tpu.memref_slice %arg3[%arg0, %arg1, %dma_wait3A_425, %dma_wait3A_426] : memref<2x16x80x128xi32, #tpu.memory_space<hbm>> -> memref<1x1x1x128xi32, #tpu.memory_space<hbm>>
        %dma_wait3A_428 = tpu.memref_squeeze %dma_wait3A_427 : memref<1x1x1x128xi32, #tpu.memory_space<hbm>> -> memref<128xi32, #tpu.memory_space<hbm>>
        %dma_wait3A_429 = arith.constant 0 : i32
        %dma_wait3A_430 = tpu.memref_slice %arg3[%arg0, %arg1, %dma_wait3A_425, %dma_wait3A_429] : memref<2x16x80x128xi32, #tpu.memory_space<hbm>> -> memref<1x1x1x128xi32, #tpu.memory_space<hbm>>
        %dma_wait3A_431 = tpu.memref_squeeze %dma_wait3A_430 : memref<1x1x1x128xi32, #tpu.memory_space<hbm>> -> memref<128xi32, #tpu.memory_space<hbm>>
        tpu.wait_dma2 semaphore(%arg11 : memref<!tpu.dma_semaphore, #tpu.memory_space<semaphore_mem>>) src(%dma_wait3A_431 : memref<128xi32, #tpu.memory_space<hbm>>) dst(%arg7 : memref<128xi32, #tpu.memory_space<vmem>>)
        %dma_start3A_432 = arith.constant 0 : i32
        %dma_start3A_433 = arith.constant 0 : i32
        %dma_start3A_434 = tpu.memref_slice %arg2[%dma_start3A_432, %dma_start3A_433] : memref<80000x128xf32, #tpu.memory_space<hbm>> -> memref<80000x128xf32, #tpu.memory_space<hbm>>
        tpu.enqueue_indirect_dma source(%dma_start3A_434 : memref<80000x128xf32, #tpu.memory_space<hbm>>) target(%arg31 : memref<128x128xf32, #tpu.memory_space<vmem>>) offsets(%arg7 : memref<128xi32, #tpu.memory_space<vmem>>) semaphore(%arg33 : memref<!tpu.dma_semaphore, #tpu.memory_space<semaphore_mem>>)
      } else {
      }
    }
    %scan3A_76 = arith.constant 10 : i32
    %dma_wait3A_77 = arith.constant 0 : i32
    %dma_wait3A_78 = arith.constant 0 : i32
    %dma_wait3A_79 = tpu.memref_slice %arg37[%dma_wait3A_77, %dma_wait3A_78] : memref<10112x128xf32, #tpu.memory_space<vmem_shared>> -> memref<10112x128xf32, #tpu.memory_space<vmem_shared>>
    tpu.wait_indirect_dma semaphore(%arg36 : memref<!tpu.dma_semaphore, #tpu.memory_space<semaphore_mem>>) src(%arg32 : memref<128x128xf32, #tpu.memory_space<vmem>>) dst(%dma_wait3A_79 : memref<10112x128xf32, #tpu.memory_space<vmem_shared>>)
    %barrier3A_80 = arith.constant 0 : index
    tpu.barrier barrier_id(%barrier3A_80)
    %mul3A_81 = arith.constant 632 : i32
    %mul3A_82 = arith.muli %arg1, %mul3A_81 : i32
    %mul3A_83 = arith.constant 632 : i32
    %mul3A_84 = arith.muli %arg1, %mul3A_83 : i32
    "tpu.region"() ({
      %run_scoped3A = tpu.sem_alloc : memref<!tpu.dma_semaphore, #tpu.memory_space<semaphore_mem>>
      %dma_start3A_85 = arith.constant 0 : i32
      %dma_start3A_86 = tpu.memref_slice %arg6[%arg0, %mul3A_84, %dma_start3A_85] : memref<2x10112x128xf32, #tpu.memory_space<hbm>> -> memref<1x632x128xf32, #tpu.memory_space<hbm>>
      %dma_start3A_87 = tpu.memref_squeeze %dma_start3A_86 : memref<1x632x128xf32, #tpu.memory_space<hbm>> -> memref<632x128xf32, #tpu.memory_space<hbm>>
      %dma_start3A_88 = arith.constant 0 : i32
      %dma_start3A_89 = tpu.memref_slice %arg37[%mul3A_82, %dma_start3A_88] : memref<10112x128xf32, #tpu.memory_space<vmem_shared>> -> memref<632x128xf32, #tpu.memory_space<vmem_shared>>
      tpu.enqueue_dma source(%dma_start3A_89 : memref<632x128xf32, #tpu.memory_space<vmem_shared>>) target(%dma_start3A_87 : memref<632x128xf32, #tpu.memory_space<hbm>>) target_semaphore(%run_scoped3A : memref<!tpu.dma_semaphore, #tpu.memory_space<semaphore_mem>>)
      %dma_wait3A_90 = arith.constant 0 : i32
      %dma_wait3A_91 = tpu.memref_slice %arg6[%arg0, %mul3A_84, %dma_wait3A_90] : memref<2x10112x128xf32, #tpu.memory_space<hbm>> -> memref<1x632x128xf32, #tpu.memory_space<hbm>>
      %dma_wait3A_92 = tpu.memref_squeeze %dma_wait3A_91 : memref<1x632x128xf32, #tpu.memory_space<hbm>> -> memref<632x128xf32, #tpu.memory_space<hbm>>
      %dma_wait3A_93 = arith.constant 0 : i32
      %dma_wait3A_94 = tpu.memref_slice %arg37[%mul3A_82, %dma_wait3A_93] : memref<10112x128xf32, #tpu.memory_space<vmem_shared>> -> memref<632x128xf32, #tpu.memory_space<vmem_shared>>
      tpu.wait_dma2 semaphore(%run_scoped3A : memref<!tpu.dma_semaphore, #tpu.memory_space<semaphore_mem>>) src(%dma_wait3A_94 : memref<632x128xf32, #tpu.memory_space<vmem_shared>>) dst(%dma_wait3A_92 : memref<632x128xf32, #tpu.memory_space<hbm>>)
      tpu.yield
    }) : () -> ()
    return
  }
}

#map = affine_map<(d0, d1) -> (0, 0)>
#map1 = affine_map<(d0, d1) -> (0, 0, 0, 0)>
#map2 = affine_map<(d0, d1) -> (0, 0, 0)>
module attributes {stable_mosaic.version = 14 : i64} {
  func.func @_sc_body(%arg0: i32, %arg1: i32, %arg2: memref<80000x128xf32, #tpu.memory_space<hbm>>, %arg3: memref<2x16x80x128xi32, #tpu.memory_space<hbm>>, %arg4: memref<2x16x80x128xi32, #tpu.memory_space<hbm>>, %arg5: memref<632x128xf32, #tpu.memory_space<hbm>>, %arg6: memref<2x10112x128xf32, #tpu.memory_space<hbm>>, %arg7: memref<128xi32, #tpu.memory_space<vmem>>, %arg8: memref<128xi32, #tpu.memory_space<vmem>>, %arg9: memref<128xi32, #tpu.memory_space<vmem>>, %arg10: memref<128xi32, #tpu.memory_space<vmem>>, %arg11: memref<!tpu.dma_semaphore, #tpu.memory_space<semaphore_mem>>, %arg12: memref<!tpu.dma_semaphore, #tpu.memory_space<semaphore_mem>>, %arg13: memref<!tpu.dma_semaphore, #tpu.memory_space<semaphore_mem>>, %arg14: memref<!tpu.dma_semaphore, #tpu.memory_space<semaphore_mem>>, %arg15: memref<128xi32, #tpu.memory_space<vmem>>, %arg16: memref<128xi32, #tpu.memory_space<vmem>>, %arg17: memref<128xi32, #tpu.memory_space<vmem>>, %arg18: memref<128xi32, #tpu.memory_space<vmem>>, %arg19: memref<128xi32, #tpu.memory_space<vmem>>, %arg20: memref<128xi32, #tpu.memory_space<vmem>>, %arg21: memref<128xi32, #tpu.memory_space<vmem>>, %arg22: memref<128xi32, #tpu.memory_space<vmem>>, %arg23: memref<!tpu.dma_semaphore, #tpu.memory_space<semaphore_mem>>, %arg24: memref<!tpu.dma_semaphore, #tpu.memory_space<semaphore_mem>>, %arg25: memref<!tpu.dma_semaphore, #tpu.memory_space<semaphore_mem>>, %arg26: memref<!tpu.dma_semaphore, #tpu.memory_space<semaphore_mem>>, %arg27: memref<!tpu.dma_semaphore, #tpu.memory_space<semaphore_mem>>, %arg28: memref<!tpu.dma_semaphore, #tpu.memory_space<semaphore_mem>>, %arg29: memref<!tpu.dma_semaphore, #tpu.memory_space<semaphore_mem>>, %arg30: memref<!tpu.dma_semaphore, #tpu.memory_space<semaphore_mem>>, %arg31: memref<128x128xf32, #tpu.memory_space<vmem>>, %arg32: memref<128x128xf32, #tpu.memory_space<vmem>>, %arg33: memref<!tpu.dma_semaphore, #tpu.memory_space<semaphore_mem>>, %arg34: memref<!tpu.dma_semaphore, #tpu.memory_space<semaphore_mem>>, %arg35: memref<!tpu.dma_semaphore, #tpu.memory_space<semaphore_mem>>, %arg36: memref<!tpu.dma_semaphore, #tpu.memory_space<semaphore_mem>>, %arg37: memref<10112x128xf32, #tpu.memory_space<vmem_shared>>) attributes {dimension_semantics = [#tpu.dimension_semantics<core_parallel>, #tpu.dimension_semantics<subcore_parallel>], iteration_bounds = array<i64: 2, 16>, scalar_prefetch = 0 : i64, scratch_operands = 31 : i64, tpu.core_type = #tpu.core_type<sc_vector_subcore>, window_params = [{transform_indices = #map}, {transform_indices = #map1}, {transform_indices = #map1}, {transform_indices = #map}, {transform_indices = #map2}]} {
    %mul3A = arith.constant 632 : i32
    %mul3A_0 = arith.muli %arg1, %mul3A : i32
    "tpu.region"() ({
      %run_scoped3A = tpu.sem_alloc : memref<!tpu.dma_semaphore, #tpu.memory_space<semaphore_mem>>
      %dma_start3A_85 = arith.constant 0 : i32
      %dma_start3A_86 = tpu.memref_slice %arg37[%mul3A_0, %dma_start3A_85] : memref<10112x128xf32, #tpu.memory_space<vmem_shared>> -> memref<632x128xf32, #tpu.memory_space<vmem_shared>>
      tpu.enqueue_dma source(%arg5 : memref<632x128xf32, #tpu.memory_space<hbm>>) target(%dma_start3A_86 : memref<632x128xf32, #tpu.memory_space<vmem_shared>>) target_semaphore(%run_scoped3A : memref<!tpu.dma_semaphore, #tpu.memory_space<semaphore_mem>>)
      %dma_wait3A_87 = arith.constant 0 : i32
      %dma_wait3A_88 = tpu.memref_slice %arg37[%mul3A_0, %dma_wait3A_87] : memref<10112x128xf32, #tpu.memory_space<vmem_shared>> -> memref<632x128xf32, #tpu.memory_space<vmem_shared>>
      tpu.wait_dma2 semaphore(%run_scoped3A : memref<!tpu.dma_semaphore, #tpu.memory_space<semaphore_mem>>) src(%arg5 : memref<632x128xf32, #tpu.memory_space<hbm>>) dst(%dma_wait3A_88 : memref<632x128xf32, #tpu.memory_space<vmem_shared>>)
      tpu.yield
    }) : () -> ()
    %barrier3A = arith.constant 0 : index
    tpu.barrier barrier_id(%barrier3A)
    %dma_start3A = arith.constant 0 : i32
    %dma_start3A_1 = arith.constant 0 : i32
    %dma_start3A_2 = tpu.memref_slice %arg3[%arg0, %arg1, %dma_start3A, %dma_start3A_1] : memref<2x16x80x128xi32, #tpu.memory_space<hbm>> -> memref<1x1x1x128xi32, #tpu.memory_space<hbm>>
    %dma_start3A_3 = tpu.memref_squeeze %dma_start3A_2 : memref<1x1x1x128xi32, #tpu.memory_space<hbm>> -> memref<128xi32, #tpu.memory_space<hbm>>
    %dma_start3A_4 = arith.constant 0 : i32
    %dma_start3A_5 = tpu.memref_slice %arg3[%arg0, %arg1, %dma_start3A, %dma_start3A_4] : memref<2x16x80x128xi32, #tpu.memory_space<hbm>> -> memref<1x1x1x128xi32, #tpu.memory_space<hbm>>
    %dma_start3A_6 = tpu.memref_squeeze %dma_start3A_5 : memref<1x1x1x128xi32, #tpu.memory_space<hbm>> -> memref<128xi32, #tpu.memory_space<hbm>>
    tpu.enqueue_dma source(%dma_start3A_6 : memref<128xi32, #tpu.memory_space<hbm>>) target(%arg7 : memref<128xi32, #tpu.memory_space<vmem>>) target_semaphore(%arg11 : memref<!tpu.dma_semaphore, #tpu.memory_space<semaphore_mem>>)
    %dma_start3A_7 = arith.constant 1 : i32
    %dma_start3A_8 = arith.constant 0 : i32
    %dma_start3A_9 = tpu.memref_slice %arg3[%arg0, %arg1, %dma_start3A_7, %dma_start3A_8] : memref<2x16x80x128xi32, #tpu.memory_space<hbm>> -> memref<1x1x1x128xi32, #tpu.memory_space<hbm>>
    %dma_start3A_10 = tpu.memref_squeeze %dma_start3A_9 : memref<1x1x1x128xi32, #tpu.memory_space<hbm>> -> memref<128xi32, #tpu.memory_space<hbm>>
    %dma_start3A_11 = arith.constant 0 : i32
    %dma_start3A_12 = tpu.memref_slice %arg3[%arg0, %arg1, %dma_start3A_7, %dma_start3A_11] : memref<2x16x80x128xi32, #tpu.memory_space<hbm>> -> memref<1x1x1x128xi32, #tpu.memory_space<hbm>>
    %dma_start3A_13 = tpu.memref_squeeze %dma_start3A_12 : memref<1x1x1x128xi32, #tpu.memory_space<hbm>> -> memref<128xi32, #tpu.memory_space<hbm>>
    tpu.enqueue_dma source(%dma_start3A_13 : memref<128xi32, #tpu.memory_space<hbm>>) target(%arg8 : memref<128xi32, #tpu.memory_space<vmem>>) target_semaphore(%arg12 : memref<!tpu.dma_semaphore, #tpu.memory_space<semaphore_mem>>)
    %dma_start3A_14 = arith.constant 2 : i32
    %dma_start3A_15 = arith.constant 0 : i32
    %dma_start3A_16 = tpu.memref_slice %arg3[%arg0, %arg1, %dma_start3A_14, %dma_start3A_15] : memref<2x16x80x128xi32, #tpu.memory_space<hbm>> -> memref<1x1x1x128xi32, #tpu.memory_space<hbm>>
    %dma_start3A_17 = tpu.memref_squeeze %dma_start3A_16 : memref<1x1x1x128xi32, #tpu.memory_space<hbm>> -> memref<128xi32, #tpu.memory_space<hbm>>
    %dma_start3A_18 = arith.constant 0 : i32
    %dma_start3A_19 = tpu.memref_slice %arg3[%arg0, %arg1, %dma_start3A_14, %dma_start3A_18] : memref<2x16x80x128xi32, #tpu.memory_space<hbm>> -> memref<1x1x1x128xi32, #tpu.memory_space<hbm>>
    %dma_start3A_20 = tpu.memref_squeeze %dma_start3A_19 : memref<1x1x1x128xi32, #tpu.memory_space<hbm>> -> memref<128xi32, #tpu.memory_space<hbm>>
    tpu.enqueue_dma source(%dma_start3A_20 : memref<128xi32, #tpu.memory_space<hbm>>) target(%arg9 : memref<128xi32, #tpu.memory_space<vmem>>) target_semaphore(%arg13 : memref<!tpu.dma_semaphore, #tpu.memory_space<semaphore_mem>>)
    %dma_start3A_21 = arith.constant 3 : i32
    %dma_start3A_22 = arith.constant 0 : i32
    %dma_start3A_23 = tpu.memref_slice %arg3[%arg0, %arg1, %dma_start3A_21, %dma_start3A_22] : memref<2x16x80x128xi32, #tpu.memory_space<hbm>> -> memref<1x1x1x128xi32, #tpu.memory_space<hbm>>
    %dma_start3A_24 = tpu.memref_squeeze %dma_start3A_23 : memref<1x1x1x128xi32, #tpu.memory_space<hbm>> -> memref<128xi32, #tpu.memory_space<hbm>>
    %dma_start3A_25 = arith.constant 0 : i32
    %dma_start3A_26 = tpu.memref_slice %arg3[%arg0, %arg1, %dma_start3A_21, %dma_start3A_25] : memref<2x16x80x128xi32, #tpu.memory_space<hbm>> -> memref<1x1x1x128xi32, #tpu.memory_space<hbm>>
    %dma_start3A_27 = tpu.memref_squeeze %dma_start3A_26 : memref<1x1x1x128xi32, #tpu.memory_space<hbm>> -> memref<128xi32, #tpu.memory_space<hbm>>
    tpu.enqueue_dma source(%dma_start3A_27 : memref<128xi32, #tpu.memory_space<hbm>>) target(%arg10 : memref<128xi32, #tpu.memory_space<vmem>>) target_semaphore(%arg14 : memref<!tpu.dma_semaphore, #tpu.memory_space<semaphore_mem>>)
    %dma_start3A_28 = arith.constant 0 : i32
    %dma_start3A_29 = arith.constant 0 : i32
    %dma_start3A_30 = tpu.memref_slice %arg4[%arg0, %arg1, %dma_start3A_28, %dma_start3A_29] : memref<2x16x80x128xi32, #tpu.memory_space<hbm>> -> memref<1x1x1x128xi32, #tpu.memory_space<hbm>>
    %dma_start3A_31 = tpu.memref_squeeze %dma_start3A_30 : memref<1x1x1x128xi32, #tpu.memory_space<hbm>> -> memref<128xi32, #tpu.memory_space<hbm>>
    %dma_start3A_32 = arith.constant 0 : i32
    %dma_start3A_33 = tpu.memref_slice %arg4[%arg0, %arg1, %dma_start3A_28, %dma_start3A_32] : memref<2x16x80x128xi32, #tpu.memory_space<hbm>> -> memref<1x1x1x128xi32, #tpu.memory_space<hbm>>
    %dma_start3A_34 = tpu.memref_squeeze %dma_start3A_33 : memref<1x1x1x128xi32, #tpu.memory_space<hbm>> -> memref<128xi32, #tpu.memory_space<hbm>>
    tpu.enqueue_dma source(%dma_start3A_34 : memref<128xi32, #tpu.memory_space<hbm>>) target(%arg15 : memref<128xi32, #tpu.memory_space<vmem>>) target_semaphore(%arg23 : memref<!tpu.dma_semaphore, #tpu.memory_space<semaphore_mem>>)
    %dma_start3A_35 = arith.constant 1 : i32
    %dma_start3A_36 = arith.constant 0 : i32
    %dma_start3A_37 = tpu.memref_slice %arg4[%arg0, %arg1, %dma_start3A_35, %dma_start3A_36] : memref<2x16x80x128xi32, #tpu.memory_space<hbm>> -> memref<1x1x1x128xi32, #tpu.memory_space<hbm>>
    %dma_start3A_38 = tpu.memref_squeeze %dma_start3A_37 : memref<1x1x1x128xi32, #tpu.memory_space<hbm>> -> memref<128xi32, #tpu.memory_space<hbm>>
    %dma_start3A_39 = arith.constant 0 : i32
    %dma_start3A_40 = tpu.memref_slice %arg4[%arg0, %arg1, %dma_start3A_35, %dma_start3A_39] : memref<2x16x80x128xi32, #tpu.memory_space<hbm>> -> memref<1x1x1x128xi32, #tpu.memory_space<hbm>>
    %dma_start3A_41 = tpu.memref_squeeze %dma_start3A_40 : memref<1x1x1x128xi32, #tpu.memory_space<hbm>> -> memref<128xi32, #tpu.memory_space<hbm>>
    tpu.enqueue_dma source(%dma_start3A_41 : memref<128xi32, #tpu.memory_space<hbm>>) target(%arg16 : memref<128xi32, #tpu.memory_space<vmem>>) target_semaphore(%arg24 : memref<!tpu.dma_semaphore, #tpu.memory_space<semaphore_mem>>)
    %dma_start3A_42 = arith.constant 2 : i32
    %dma_start3A_43 = arith.constant 0 : i32
    %dma_start3A_44 = tpu.memref_slice %arg4[%arg0, %arg1, %dma_start3A_42, %dma_start3A_43] : memref<2x16x80x128xi32, #tpu.memory_space<hbm>> -> memref<1x1x1x128xi32, #tpu.memory_space<hbm>>
    %dma_start3A_45 = tpu.memref_squeeze %dma_start3A_44 : memref<1x1x1x128xi32, #tpu.memory_space<hbm>> -> memref<128xi32, #tpu.memory_space<hbm>>
    %dma_start3A_46 = arith.constant 0 : i32
    %dma_start3A_47 = tpu.memref_slice %arg4[%arg0, %arg1, %dma_start3A_42, %dma_start3A_46] : memref<2x16x80x128xi32, #tpu.memory_space<hbm>> -> memref<1x1x1x128xi32, #tpu.memory_space<hbm>>
    %dma_start3A_48 = tpu.memref_squeeze %dma_start3A_47 : memref<1x1x1x128xi32, #tpu.memory_space<hbm>> -> memref<128xi32, #tpu.memory_space<hbm>>
    tpu.enqueue_dma source(%dma_start3A_48 : memref<128xi32, #tpu.memory_space<hbm>>) target(%arg17 : memref<128xi32, #tpu.memory_space<vmem>>) target_semaphore(%arg25 : memref<!tpu.dma_semaphore, #tpu.memory_space<semaphore_mem>>)
    %dma_start3A_49 = arith.constant 3 : i32
    %dma_start3A_50 = arith.constant 0 : i32
    %dma_start3A_51 = tpu.memref_slice %arg4[%arg0, %arg1, %dma_start3A_49, %dma_start3A_50] : memref<2x16x80x128xi32, #tpu.memory_space<hbm>> -> memref<1x1x1x128xi32, #tpu.memory_space<hbm>>
    %dma_start3A_52 = tpu.memref_squeeze %dma_start3A_51 : memref<1x1x1x128xi32, #tpu.memory_space<hbm>> -> memref<128xi32, #tpu.memory_space<hbm>>
    %dma_start3A_53 = arith.constant 0 : i32
    %dma_start3A_54 = tpu.memref_slice %arg4[%arg0, %arg1, %dma_start3A_49, %dma_start3A_53] : memref<2x16x80x128xi32, #tpu.memory_space<hbm>> -> memref<1x1x1x128xi32, #tpu.memory_space<hbm>>
    %dma_start3A_55 = tpu.memref_squeeze %dma_start3A_54 : memref<1x1x1x128xi32, #tpu.memory_space<hbm>> -> memref<128xi32, #tpu.memory_space<hbm>>
    tpu.enqueue_dma source(%dma_start3A_55 : memref<128xi32, #tpu.memory_space<hbm>>) target(%arg18 : memref<128xi32, #tpu.memory_space<vmem>>) target_semaphore(%arg26 : memref<!tpu.dma_semaphore, #tpu.memory_space<semaphore_mem>>)
    %dma_start3A_56 = arith.constant 4 : i32
    %dma_start3A_57 = arith.constant 0 : i32
    %dma_start3A_58 = tpu.memref_slice %arg4[%arg0, %arg1, %dma_start3A_56, %dma_start3A_57] : memref<2x16x80x128xi32, #tpu.memory_space<hbm>> -> memref<1x1x1x128xi32, #tpu.memory_space<hbm>>
    %dma_start3A_59 = tpu.memref_squeeze %dma_start3A_58 : memref<1x1x1x128xi32, #tpu.memory_space<hbm>> -> memref<128xi32, #tpu.memory_space<hbm>>
    %dma_start3A_60 = arith.constant 0 : i32
    %dma_start3A_61 = tpu.memref_slice %arg4[%arg0, %arg1, %dma_start3A_56, %dma_start3A_60] : memref<2x16x80x128xi32, #tpu.memory_space<hbm>> -> memref<1x1x1x128xi32, #tpu.memory_space<hbm>>
    %dma_start3A_62 = tpu.memref_squeeze %dma_start3A_61 : memref<1x1x1x128xi32, #tpu.memory_space<hbm>> -> memref<128xi32, #tpu.memory_space<hbm>>
    tpu.enqueue_dma source(%dma_start3A_62 : memref<128xi32, #tpu.memory_space<hbm>>) target(%arg19 : memref<128xi32, #tpu.memory_space<vmem>>) target_semaphore(%arg27 : memref<!tpu.dma_semaphore, #tpu.memory_space<semaphore_mem>>)
    %dma_wait3A = arith.constant 0 : i32
    %dma_wait3A_63 = arith.constant 0 : i32
    %dma_wait3A_64 = tpu.memref_slice %arg3[%arg0, %arg1, %dma_wait3A, %dma_wait3A_63] : memref<2x16x80x128xi32, #tpu.memory_space<hbm>> -> memref<1x1x1x128xi32, #tpu.memory_space<hbm>>
    %dma_wait3A_65 = tpu.memref_squeeze %dma_wait3A_64 : memref<1x1x1x128xi32, #tpu.memory_space<hbm>> -> memref<128xi32, #tpu.memory_space<hbm>>
    %dma_wait3A_66 = arith.constant 0 : i32
    %dma_wait3A_67 = tpu.memref_slice %arg3[%arg0, %arg1, %dma_wait3A, %dma_wait3A_66] : memref<2x16x80x128xi32, #tpu.memory_space<hbm>> -> memref<1x1x1x128xi32, #tpu.memory_space<hbm>>
    %dma_wait3A_68 = tpu.memref_squeeze %dma_wait3A_67 : memref<1x1x1x128xi32, #tpu.memory_space<hbm>> -> memref<128xi32, #tpu.memory_space<hbm>>
    tpu.wait_dma2 semaphore(%arg11 : memref<!tpu.dma_semaphore, #tpu.memory_space<semaphore_mem>>) src(%dma_wait3A_68 : memref<128xi32, #tpu.memory_space<hbm>>) dst(%arg7 : memref<128xi32, #tpu.memory_space<vmem>>)
    %dma_start3A_69 = arith.constant 0 : i32
    %dma_start3A_70 = arith.constant 0 : i32
    %dma_start3A_71 = tpu.memref_slice %arg2[%dma_start3A_69, %dma_start3A_70] : memref<80000x128xf32, #tpu.memory_space<hbm>> -> memref<80000x128xf32, #tpu.memory_space<hbm>>
    tpu.enqueue_indirect_dma source(%dma_start3A_71 : memref<80000x128xf32, #tpu.memory_space<hbm>>) target(%arg31 : memref<128x128xf32, #tpu.memory_space<vmem>>) offsets(%arg7 : memref<128xi32, #tpu.memory_space<vmem>>) semaphore(%arg33 : memref<!tpu.dma_semaphore, #tpu.memory_space<semaphore_mem>>)
    %scan3A = arith.constant 0 : i32
    %scan3A_72 = arith.constant 0 : i32
    %scan3A_73 = arith.constant 10 : i32
    %scan3A_74 = arith.addi %scan3A_72, %scan3A_73 : i32
    %scan3A_75 = arith.constant 1 : i32
    scf.for %scan3A_85 = %scan3A_72 to %scan3A_74 step %scan3A_75  : i32 {
      %mul3A_86 = arith.constant 8 : i32
      %mul3A_87 = arith.muli %scan3A_85, %mul3A_86 : i32
      %add3A = arith.constant 0 : i32
      %add3A_88 = arith.addi %mul3A_87, %add3A : i32
      %dma_wait3A_89 = arith.constant 0 : i32
      %dma_wait3A_90 = arith.constant 0 : i32
      %dma_wait3A_91 = tpu.memref_slice %arg2[%dma_wait3A_89, %dma_wait3A_90] : memref<80000x128xf32, #tpu.memory_space<hbm>> -> memref<80000x128xf32, #tpu.memory_space<hbm>>
      tpu.wait_indirect_dma semaphore(%arg33 : memref<!tpu.dma_semaphore, #tpu.memory_space<semaphore_mem>>) src(%dma_wait3A_91 : memref<80000x128xf32, #tpu.memory_space<hbm>>) dst(%arg31 : memref<128x128xf32, #tpu.memory_space<vmem>>)
      %add3A_92 = arith.constant 4 : i32
      %add3A_93 = arith.addi %add3A_88, %add3A_92 : i32
      %lt3A = arith.constant 80 : i32
      %lt3A_94 = arith.cmpi slt, %add3A_93, %lt3A : i32
      %convert_element_type3A = arith.extui %lt3A_94 : i1 to i32
      %cond3A = arith.constant 0 : i32
      %cond3A_95 = arith.cmpi ne, %convert_element_type3A, %cond3A : i32
      scf.if %cond3A_95 {
        %add3A_425 = arith.constant 4 : i32
        %add3A_426 = arith.addi %add3A_88, %add3A_425 : i32
        %dma_start3A_427 = arith.constant 0 : i32
        %dma_start3A_428 = tpu.memref_slice %arg3[%arg0, %arg1, %add3A_426, %dma_start3A_427] : memref<2x16x80x128xi32, #tpu.memory_space<hbm>> -> memref<1x1x1x128xi32, #tpu.memory_space<hbm>>
        %dma_start3A_429 = tpu.memref_squeeze %dma_start3A_428 : memref<1x1x1x128xi32, #tpu.memory_space<hbm>> -> memref<128xi32, #tpu.memory_space<hbm>>
        %dma_start3A_430 = arith.constant 0 : i32
        %dma_start3A_431 = tpu.memref_slice %arg3[%arg0, %arg1, %add3A_426, %dma_start3A_430] : memref<2x16x80x128xi32, #tpu.memory_space<hbm>> -> memref<1x1x1x128xi32, #tpu.memory_space<hbm>>
        %dma_start3A_432 = tpu.memref_squeeze %dma_start3A_431 : memref<1x1x1x128xi32, #tpu.memory_space<hbm>> -> memref<128xi32, #tpu.memory_space<hbm>>
        tpu.enqueue_dma source(%dma_start3A_432 : memref<128xi32, #tpu.memory_space<hbm>>) target(%arg7 : memref<128xi32, #tpu.memory_space<vmem>>) target_semaphore(%arg11 : memref<!tpu.dma_semaphore, #tpu.memory_space<semaphore_mem>>)
      } else {
      }
      %dma_wait3A_96 = arith.constant 0 : i32
      %dma_wait3A_97 = arith.constant 0 : i32
      %dma_wait3A_98 = tpu.memref_slice %arg4[%arg0, %arg1, %dma_wait3A_96, %dma_wait3A_97] : memref<2x16x80x128xi32, #tpu.memory_space<hbm>> -> memref<1x1x1x128xi32, #tpu.memory_space<hbm>>
      %dma_wait3A_99 = tpu.memref_squeeze %dma_wait3A_98 : memref<1x1x1x128xi32, #tpu.memory_space<hbm>> -> memref<128xi32, #tpu.memory_space<hbm>>
      %dma_wait3A_100 = arith.constant 0 : i32
      %dma_wait3A_101 = tpu.memref_slice %arg4[%arg0, %arg1, %dma_wait3A_96, %dma_wait3A_100] : memref<2x16x80x128xi32, #tpu.memory_space<hbm>> -> memref<1x1x1x128xi32, #tpu.memory_space<hbm>>
      %dma_wait3A_102 = tpu.memref_squeeze %dma_wait3A_101 : memref<1x1x1x128xi32, #tpu.memory_space<hbm>> -> memref<128xi32, #tpu.memory_space<hbm>>
      tpu.wait_dma2 semaphore(%arg23 : memref<!tpu.dma_semaphore, #tpu.memory_space<semaphore_mem>>) src(%dma_wait3A_102 : memref<128xi32, #tpu.memory_space<hbm>>) dst(%arg15 : memref<128xi32, #tpu.memory_space<vmem>>)
      %dma_start3A_103 = arith.constant 0 : i32
      %dma_start3A_104 = arith.constant 0 : i32
      %dma_start3A_105 = tpu.memref_slice %arg37[%dma_start3A_103, %dma_start3A_104] : memref<10112x128xf32, #tpu.memory_space<vmem_shared>> -> memref<10112x128xf32, #tpu.memory_space<vmem_shared>>
      tpu.enqueue_indirect_dma source(%arg31 : memref<128x128xf32, #tpu.memory_space<vmem>>) target(%dma_start3A_105 : memref<10112x128xf32, #tpu.memory_space<vmem_shared>>) offsets(%arg15 : memref<128xi32, #tpu.memory_space<vmem>>) semaphore(%arg35 : memref<!tpu.dma_semaphore, #tpu.memory_space<semaphore_mem>>) {add = true}
      %ge3A = arith.constant 1 : i32
      %ge3A_106 = arith.cmpi sge, %add3A_88, %ge3A : i32
      %convert_element_type3A_107 = arith.extui %ge3A_106 : i1 to i32
      %cond3A_108 = arith.constant 0 : i32
      %cond3A_109 = arith.cmpi ne, %convert_element_type3A_107, %cond3A_108 : i32
      scf.if %cond3A_109 {
        %dma_wait3A_425 = arith.constant 0 : i32
        %dma_wait3A_426 = arith.constant 0 : i32
        %dma_wait3A_427 = tpu.memref_slice %arg37[%dma_wait3A_425, %dma_wait3A_426] : memref<10112x128xf32, #tpu.memory_space<vmem_shared>> -> memref<10112x128xf32, #tpu.memory_space<vmem_shared>>
        tpu.wait_indirect_dma semaphore(%arg36 : memref<!tpu.dma_semaphore, #tpu.memory_space<semaphore_mem>>) src(%arg32 : memref<128x128xf32, #tpu.memory_space<vmem>>) dst(%dma_wait3A_427 : memref<10112x128xf32, #tpu.memory_space<vmem_shared>>)
      } else {
      }
      %add3A_110 = arith.constant 5 : i32
      %add3A_111 = arith.addi %add3A_88, %add3A_110 : i32
      %lt3A_112 = arith.constant 80 : i32
      %lt3A_113 = arith.cmpi slt, %add3A_111, %lt3A_112 : i32
      %convert_element_type3A_114 = arith.extui %lt3A_113 : i1 to i32
      %cond3A_115 = arith.constant 0 : i32
      %cond3A_116 = arith.cmpi ne, %convert_element_type3A_114, %cond3A_115 : i32
      scf.if %cond3A_116 {
        %add3A_425 = arith.constant 5 : i32
        %add3A_426 = arith.addi %add3A_88, %add3A_425 : i32
        %dma_start3A_427 = arith.constant 0 : i32
        %dma_start3A_428 = tpu.memref_slice %arg4[%arg0, %arg1, %add3A_426, %dma_start3A_427] : memref<2x16x80x128xi32, #tpu.memory_space<hbm>> -> memref<1x1x1x128xi32, #tpu.memory_space<hbm>>
        %dma_start3A_429 = tpu.memref_squeeze %dma_start3A_428 : memref<1x1x1x128xi32, #tpu.memory_space<hbm>> -> memref<128xi32, #tpu.memory_space<hbm>>
        %dma_start3A_430 = arith.constant 0 : i32
        %dma_start3A_431 = tpu.memref_slice %arg4[%arg0, %arg1, %add3A_426, %dma_start3A_430] : memref<2x16x80x128xi32, #tpu.memory_space<hbm>> -> memref<1x1x1x128xi32, #tpu.memory_space<hbm>>
        %dma_start3A_432 = tpu.memref_squeeze %dma_start3A_431 : memref<1x1x1x128xi32, #tpu.memory_space<hbm>> -> memref<128xi32, #tpu.memory_space<hbm>>
        tpu.enqueue_dma source(%dma_start3A_432 : memref<128xi32, #tpu.memory_space<hbm>>) target(%arg20 : memref<128xi32, #tpu.memory_space<vmem>>) target_semaphore(%arg28 : memref<!tpu.dma_semaphore, #tpu.memory_space<semaphore_mem>>)
      } else {
      }
      %add3A_117 = arith.constant 1 : i32
      %add3A_118 = arith.addi %add3A_88, %add3A_117 : i32
      %lt3A_119 = arith.constant 80 : i32
      %lt3A_120 = arith.cmpi slt, %add3A_118, %lt3A_119 : i32
      %convert_element_type3A_121 = arith.extui %lt3A_120 : i1 to i32
      %cond3A_122 = arith.constant 0 : i32
      %cond3A_123 = arith.cmpi ne, %convert_element_type3A_121, %cond3A_122 : i32
      scf.if %cond3A_123 {
        %dma_wait3A_425 = arith.constant 0 : i32
        %dma_wait3A_426 = arith.constant 0 : i32
        %dma_wait3A_427 = tpu.memref_slice %arg3[%arg0, %arg1, %dma_wait3A_425, %dma_wait3A_426] : memref<2x16x80x128xi32, #tpu.memory_space<hbm>> -> memref<1x1x1x128xi32, #tpu.memory_space<hbm>>
        %dma_wait3A_428 = tpu.memref_squeeze %dma_wait3A_427 : memref<1x1x1x128xi32, #tpu.memory_space<hbm>> -> memref<128xi32, #tpu.memory_space<hbm>>
        %dma_wait3A_429 = arith.constant 0 : i32
        %dma_wait3A_430 = tpu.memref_slice %arg3[%arg0, %arg1, %dma_wait3A_425, %dma_wait3A_429] : memref<2x16x80x128xi32, #tpu.memory_space<hbm>> -> memref<1x1x1x128xi32, #tpu.memory_space<hbm>>
        %dma_wait3A_431 = tpu.memref_squeeze %dma_wait3A_430 : memref<1x1x1x128xi32, #tpu.memory_space<hbm>> -> memref<128xi32, #tpu.memory_space<hbm>>
        tpu.wait_dma2 semaphore(%arg12 : memref<!tpu.dma_semaphore, #tpu.memory_space<semaphore_mem>>) src(%dma_wait3A_431 : memref<128xi32, #tpu.memory_space<hbm>>) dst(%arg8 : memref<128xi32, #tpu.memory_space<vmem>>)
        %dma_start3A_432 = arith.constant 0 : i32
        %dma_start3A_433 = arith.constant 0 : i32
        %dma_start3A_434 = tpu.memref_slice %arg2[%dma_start3A_432, %dma_start3A_433] : memref<80000x128xf32, #tpu.memory_space<hbm>> -> memref<80000x128xf32, #tpu.memory_space<hbm>>
        tpu.enqueue_indirect_dma source(%dma_start3A_434 : memref<80000x128xf32, #tpu.memory_space<hbm>>) target(%arg32 : memref<128x128xf32, #tpu.memory_space<vmem>>) offsets(%arg8 : memref<128xi32, #tpu.memory_space<vmem>>) semaphore(%arg34 : memref<!tpu.dma_semaphore, #tpu.memory_space<semaphore_mem>>)
      } else {
      }
      %mul3A_124 = arith.constant 8 : i32
      %mul3A_125 = arith.muli %scan3A_85, %mul3A_124 : i32
      %add3A_126 = arith.constant 1 : i32
      %add3A_127 = arith.addi %mul3A_125, %add3A_126 : i32
      %dma_wait3A_128 = arith.constant 0 : i32
      %dma_wait3A_129 = arith.constant 0 : i32
      %dma_wait3A_130 = tpu.memref_slice %arg2[%dma_wait3A_128, %dma_wait3A_129] : memref<80000x128xf32, #tpu.memory_space<hbm>> -> memref<80000x128xf32, #tpu.memory_space<hbm>>
      tpu.wait_indirect_dma semaphore(%arg34 : memref<!tpu.dma_semaphore, #tpu.memory_space<semaphore_mem>>) src(%dma_wait3A_130 : memref<80000x128xf32, #tpu.memory_space<hbm>>) dst(%arg32 : memref<128x128xf32, #tpu.memory_space<vmem>>)
      %add3A_131 = arith.constant 4 : i32
      %add3A_132 = arith.addi %add3A_127, %add3A_131 : i32
      %lt3A_133 = arith.constant 80 : i32
      %lt3A_134 = arith.cmpi slt, %add3A_132, %lt3A_133 : i32
      %convert_element_type3A_135 = arith.extui %lt3A_134 : i1 to i32
      %cond3A_136 = arith.constant 0 : i32
      %cond3A_137 = arith.cmpi ne, %convert_element_type3A_135, %cond3A_136 : i32
      scf.if %cond3A_137 {
        %add3A_425 = arith.constant 4 : i32
        %add3A_426 = arith.addi %add3A_127, %add3A_425 : i32
        %dma_start3A_427 = arith.constant 0 : i32
        %dma_start3A_428 = tpu.memref_slice %arg3[%arg0, %arg1, %add3A_426, %dma_start3A_427] : memref<2x16x80x128xi32, #tpu.memory_space<hbm>> -> memref<1x1x1x128xi32, #tpu.memory_space<hbm>>
        %dma_start3A_429 = tpu.memref_squeeze %dma_start3A_428 : memref<1x1x1x128xi32, #tpu.memory_space<hbm>> -> memref<128xi32, #tpu.memory_space<hbm>>
        %dma_start3A_430 = arith.constant 0 : i32
        %dma_start3A_431 = tpu.memref_slice %arg3[%arg0, %arg1, %add3A_426, %dma_start3A_430] : memref<2x16x80x128xi32, #tpu.memory_space<hbm>> -> memref<1x1x1x128xi32, #tpu.memory_space<hbm>>
        %dma_start3A_432 = tpu.memref_squeeze %dma_start3A_431 : memref<1x1x1x128xi32, #tpu.memory_space<hbm>> -> memref<128xi32, #tpu.memory_space<hbm>>
        tpu.enqueue_dma source(%dma_start3A_432 : memref<128xi32, #tpu.memory_space<hbm>>) target(%arg8 : memref<128xi32, #tpu.memory_space<vmem>>) target_semaphore(%arg12 : memref<!tpu.dma_semaphore, #tpu.memory_space<semaphore_mem>>)
      } else {
      }
      %dma_wait3A_138 = arith.constant 0 : i32
      %dma_wait3A_139 = arith.constant 0 : i32
      %dma_wait3A_140 = tpu.memref_slice %arg4[%arg0, %arg1, %dma_wait3A_138, %dma_wait3A_139] : memref<2x16x80x128xi32, #tpu.memory_space<hbm>> -> memref<1x1x1x128xi32, #tpu.memory_space<hbm>>
      %dma_wait3A_141 = tpu.memref_squeeze %dma_wait3A_140 : memref<1x1x1x128xi32, #tpu.memory_space<hbm>> -> memref<128xi32, #tpu.memory_space<hbm>>
      %dma_wait3A_142 = arith.constant 0 : i32
      %dma_wait3A_143 = tpu.memref_slice %arg4[%arg0, %arg1, %dma_wait3A_138, %dma_wait3A_142] : memref<2x16x80x128xi32, #tpu.memory_space<hbm>> -> memref<1x1x1x128xi32, #tpu.memory_space<hbm>>
      %dma_wait3A_144 = tpu.memref_squeeze %dma_wait3A_143 : memref<1x1x1x128xi32, #tpu.memory_space<hbm>> -> memref<128xi32, #tpu.memory_space<hbm>>
      tpu.wait_dma2 semaphore(%arg24 : memref<!tpu.dma_semaphore, #tpu.memory_space<semaphore_mem>>) src(%dma_wait3A_144 : memref<128xi32, #tpu.memory_space<hbm>>) dst(%arg16 : memref<128xi32, #tpu.memory_space<vmem>>)
      %dma_start3A_145 = arith.constant 0 : i32
      %dma_start3A_146 = arith.constant 0 : i32
      %dma_start3A_147 = tpu.memref_slice %arg37[%dma_start3A_145, %dma_start3A_146] : memref<10112x128xf32, #tpu.memory_space<vmem_shared>> -> memref<10112x128xf32, #tpu.memory_space<vmem_shared>>
      tpu.enqueue_indirect_dma source(%arg32 : memref<128x128xf32, #tpu.memory_space<vmem>>) target(%dma_start3A_147 : memref<10112x128xf32, #tpu.memory_space<vmem_shared>>) offsets(%arg16 : memref<128xi32, #tpu.memory_space<vmem>>) semaphore(%arg36 : memref<!tpu.dma_semaphore, #tpu.memory_space<semaphore_mem>>) {add = true}
      %ge3A_148 = arith.constant 1 : i32
      %ge3A_149 = arith.cmpi sge, %add3A_127, %ge3A_148 : i32
      %convert_element_type3A_150 = arith.extui %ge3A_149 : i1 to i32
      %cond3A_151 = arith.constant 0 : i32
      %cond3A_152 = arith.cmpi ne, %convert_element_type3A_150, %cond3A_151 : i32
      scf.if %cond3A_152 {
        %dma_wait3A_425 = arith.constant 0 : i32
        %dma_wait3A_426 = arith.constant 0 : i32
        %dma_wait3A_427 = tpu.memref_slice %arg37[%dma_wait3A_425, %dma_wait3A_426] : memref<10112x128xf32, #tpu.memory_space<vmem_shared>> -> memref<10112x128xf32, #tpu.memory_space<vmem_shared>>
        tpu.wait_indirect_dma semaphore(%arg35 : memref<!tpu.dma_semaphore, #tpu.memory_space<semaphore_mem>>) src(%arg31 : memref<128x128xf32, #tpu.memory_space<vmem>>) dst(%dma_wait3A_427 : memref<10112x128xf32, #tpu.memory_space<vmem_shared>>)
      } else {
      }
      %add3A_153 = arith.constant 5 : i32
      %add3A_154 = arith.addi %add3A_127, %add3A_153 : i32
      %lt3A_155 = arith.constant 80 : i32
      %lt3A_156 = arith.cmpi slt, %add3A_154, %lt3A_155 : i32
      %convert_element_type3A_157 = arith.extui %lt3A_156 : i1 to i32
      %cond3A_158 = arith.constant 0 : i32
      %cond3A_159 = arith.cmpi ne, %convert_element_type3A_157, %cond3A_158 : i32
      scf.if %cond3A_159 {
        %add3A_425 = arith.constant 5 : i32
        %add3A_426 = arith.addi %add3A_127, %add3A_425 : i32
        %dma_start3A_427 = arith.constant 0 : i32
        %dma_start3A_428 = tpu.memref_slice %arg4[%arg0, %arg1, %add3A_426, %dma_start3A_427] : memref<2x16x80x128xi32, #tpu.memory_space<hbm>> -> memref<1x1x1x128xi32, #tpu.memory_space<hbm>>
        %dma_start3A_429 = tpu.memref_squeeze %dma_start3A_428 : memref<1x1x1x128xi32, #tpu.memory_space<hbm>> -> memref<128xi32, #tpu.memory_space<hbm>>
        %dma_start3A_430 = arith.constant 0 : i32
        %dma_start3A_431 = tpu.memref_slice %arg4[%arg0, %arg1, %add3A_426, %dma_start3A_430] : memref<2x16x80x128xi32, #tpu.memory_space<hbm>> -> memref<1x1x1x128xi32, #tpu.memory_space<hbm>>
        %dma_start3A_432 = tpu.memref_squeeze %dma_start3A_431 : memref<1x1x1x128xi32, #tpu.memory_space<hbm>> -> memref<128xi32, #tpu.memory_space<hbm>>
        tpu.enqueue_dma source(%dma_start3A_432 : memref<128xi32, #tpu.memory_space<hbm>>) target(%arg21 : memref<128xi32, #tpu.memory_space<vmem>>) target_semaphore(%arg29 : memref<!tpu.dma_semaphore, #tpu.memory_space<semaphore_mem>>)
      } else {
      }
      %add3A_160 = arith.constant 1 : i32
      %add3A_161 = arith.addi %add3A_127, %add3A_160 : i32
      %lt3A_162 = arith.constant 80 : i32
      %lt3A_163 = arith.cmpi slt, %add3A_161, %lt3A_162 : i32
      %convert_element_type3A_164 = arith.extui %lt3A_163 : i1 to i32
      %cond3A_165 = arith.constant 0 : i32
      %cond3A_166 = arith.cmpi ne, %convert_element_type3A_164, %cond3A_165 : i32
      scf.if %cond3A_166 {
        %dma_wait3A_425 = arith.constant 0 : i32
        %dma_wait3A_426 = arith.constant 0 : i32
        %dma_wait3A_427 = tpu.memref_slice %arg3[%arg0, %arg1, %dma_wait3A_425, %dma_wait3A_426] : memref<2x16x80x128xi32, #tpu.memory_space<hbm>> -> memref<1x1x1x128xi32, #tpu.memory_space<hbm>>
        %dma_wait3A_428 = tpu.memref_squeeze %dma_wait3A_427 : memref<1x1x1x128xi32, #tpu.memory_space<hbm>> -> memref<128xi32, #tpu.memory_space<hbm>>
        %dma_wait3A_429 = arith.constant 0 : i32
        %dma_wait3A_430 = tpu.memref_slice %arg3[%arg0, %arg1, %dma_wait3A_425, %dma_wait3A_429] : memref<2x16x80x128xi32, #tpu.memory_space<hbm>> -> memref<1x1x1x128xi32, #tpu.memory_space<hbm>>
        %dma_wait3A_431 = tpu.memref_squeeze %dma_wait3A_430 : memref<1x1x1x128xi32, #tpu.memory_space<hbm>> -> memref<128xi32, #tpu.memory_space<hbm>>
        tpu.wait_dma2 semaphore(%arg13 : memref<!tpu.dma_semaphore, #tpu.memory_space<semaphore_mem>>) src(%dma_wait3A_431 : memref<128xi32, #tpu.memory_space<hbm>>) dst(%arg9 : memref<128xi32, #tpu.memory_space<vmem>>)
        %dma_start3A_432 = arith.constant 0 : i32
        %dma_start3A_433 = arith.constant 0 : i32
        %dma_start3A_434 = tpu.memref_slice %arg2[%dma_start3A_432, %dma_start3A_433] : memref<80000x128xf32, #tpu.memory_space<hbm>> -> memref<80000x128xf32, #tpu.memory_space<hbm>>
        tpu.enqueue_indirect_dma source(%dma_start3A_434 : memref<80000x128xf32, #tpu.memory_space<hbm>>) target(%arg31 : memref<128x128xf32, #tpu.memory_space<vmem>>) offsets(%arg9 : memref<128xi32, #tpu.memory_space<vmem>>) semaphore(%arg33 : memref<!tpu.dma_semaphore, #tpu.memory_space<semaphore_mem>>)
      } else {
      }
      %mul3A_167 = arith.constant 8 : i32
      %mul3A_168 = arith.muli %scan3A_85, %mul3A_167 : i32
      %add3A_169 = arith.constant 2 : i32
      %add3A_170 = arith.addi %mul3A_168, %add3A_169 : i32
      %dma_wait3A_171 = arith.constant 0 : i32
      %dma_wait3A_172 = arith.constant 0 : i32
      %dma_wait3A_173 = tpu.memref_slice %arg2[%dma_wait3A_171, %dma_wait3A_172] : memref<80000x128xf32, #tpu.memory_space<hbm>> -> memref<80000x128xf32, #tpu.memory_space<hbm>>
      tpu.wait_indirect_dma semaphore(%arg33 : memref<!tpu.dma_semaphore, #tpu.memory_space<semaphore_mem>>) src(%dma_wait3A_173 : memref<80000x128xf32, #tpu.memory_space<hbm>>) dst(%arg31 : memref<128x128xf32, #tpu.memory_space<vmem>>)
      %add3A_174 = arith.constant 4 : i32
      %add3A_175 = arith.addi %add3A_170, %add3A_174 : i32
      %lt3A_176 = arith.constant 80 : i32
      %lt3A_177 = arith.cmpi slt, %add3A_175, %lt3A_176 : i32
      %convert_element_type3A_178 = arith.extui %lt3A_177 : i1 to i32
      %cond3A_179 = arith.constant 0 : i32
      %cond3A_180 = arith.cmpi ne, %convert_element_type3A_178, %cond3A_179 : i32
      scf.if %cond3A_180 {
        %add3A_425 = arith.constant 4 : i32
        %add3A_426 = arith.addi %add3A_170, %add3A_425 : i32
        %dma_start3A_427 = arith.constant 0 : i32
        %dma_start3A_428 = tpu.memref_slice %arg3[%arg0, %arg1, %add3A_426, %dma_start3A_427] : memref<2x16x80x128xi32, #tpu.memory_space<hbm>> -> memref<1x1x1x128xi32, #tpu.memory_space<hbm>>
        %dma_start3A_429 = tpu.memref_squeeze %dma_start3A_428 : memref<1x1x1x128xi32, #tpu.memory_space<hbm>> -> memref<128xi32, #tpu.memory_space<hbm>>
        %dma_start3A_430 = arith.constant 0 : i32
        %dma_start3A_431 = tpu.memref_slice %arg3[%arg0, %arg1, %add3A_426, %dma_start3A_430] : memref<2x16x80x128xi32, #tpu.memory_space<hbm>> -> memref<1x1x1x128xi32, #tpu.memory_space<hbm>>
        %dma_start3A_432 = tpu.memref_squeeze %dma_start3A_431 : memref<1x1x1x128xi32, #tpu.memory_space<hbm>> -> memref<128xi32, #tpu.memory_space<hbm>>
        tpu.enqueue_dma source(%dma_start3A_432 : memref<128xi32, #tpu.memory_space<hbm>>) target(%arg9 : memref<128xi32, #tpu.memory_space<vmem>>) target_semaphore(%arg13 : memref<!tpu.dma_semaphore, #tpu.memory_space<semaphore_mem>>)
      } else {
      }
      %dma_wait3A_181 = arith.constant 0 : i32
      %dma_wait3A_182 = arith.constant 0 : i32
      %dma_wait3A_183 = tpu.memref_slice %arg4[%arg0, %arg1, %dma_wait3A_181, %dma_wait3A_182] : memref<2x16x80x128xi32, #tpu.memory_space<hbm>> -> memref<1x1x1x128xi32, #tpu.memory_space<hbm>>
      %dma_wait3A_184 = tpu.memref_squeeze %dma_wait3A_183 : memref<1x1x1x128xi32, #tpu.memory_space<hbm>> -> memref<128xi32, #tpu.memory_space<hbm>>
      %dma_wait3A_185 = arith.constant 0 : i32
      %dma_wait3A_186 = tpu.memref_slice %arg4[%arg0, %arg1, %dma_wait3A_181, %dma_wait3A_185] : memref<2x16x80x128xi32, #tpu.memory_space<hbm>> -> memref<1x1x1x128xi32, #tpu.memory_space<hbm>>
      %dma_wait3A_187 = tpu.memref_squeeze %dma_wait3A_186 : memref<1x1x1x128xi32, #tpu.memory_space<hbm>> -> memref<128xi32, #tpu.memory_space<hbm>>
      tpu.wait_dma2 semaphore(%arg25 : memref<!tpu.dma_semaphore, #tpu.memory_space<semaphore_mem>>) src(%dma_wait3A_187 : memref<128xi32, #tpu.memory_space<hbm>>) dst(%arg17 : memref<128xi32, #tpu.memory_space<vmem>>)
      %dma_start3A_188 = arith.constant 0 : i32
      %dma_start3A_189 = arith.constant 0 : i32
      %dma_start3A_190 = tpu.memref_slice %arg37[%dma_start3A_188, %dma_start3A_189] : memref<10112x128xf32, #tpu.memory_space<vmem_shared>> -> memref<10112x128xf32, #tpu.memory_space<vmem_shared>>
      tpu.enqueue_indirect_dma source(%arg31 : memref<128x128xf32, #tpu.memory_space<vmem>>) target(%dma_start3A_190 : memref<10112x128xf32, #tpu.memory_space<vmem_shared>>) offsets(%arg17 : memref<128xi32, #tpu.memory_space<vmem>>) semaphore(%arg35 : memref<!tpu.dma_semaphore, #tpu.memory_space<semaphore_mem>>) {add = true}
      %ge3A_191 = arith.constant 1 : i32
      %ge3A_192 = arith.cmpi sge, %add3A_170, %ge3A_191 : i32
      %convert_element_type3A_193 = arith.extui %ge3A_192 : i1 to i32
      %cond3A_194 = arith.constant 0 : i32
      %cond3A_195 = arith.cmpi ne, %convert_element_type3A_193, %cond3A_194 : i32
      scf.if %cond3A_195 {
        %dma_wait3A_425 = arith.constant 0 : i32
        %dma_wait3A_426 = arith.constant 0 : i32
        %dma_wait3A_427 = tpu.memref_slice %arg37[%dma_wait3A_425, %dma_wait3A_426] : memref<10112x128xf32, #tpu.memory_space<vmem_shared>> -> memref<10112x128xf32, #tpu.memory_space<vmem_shared>>
        tpu.wait_indirect_dma semaphore(%arg36 : memref<!tpu.dma_semaphore, #tpu.memory_space<semaphore_mem>>) src(%arg32 : memref<128x128xf32, #tpu.memory_space<vmem>>) dst(%dma_wait3A_427 : memref<10112x128xf32, #tpu.memory_space<vmem_shared>>)
      } else {
      }
      %add3A_196 = arith.constant 5 : i32
      %add3A_197 = arith.addi %add3A_170, %add3A_196 : i32
      %lt3A_198 = arith.constant 80 : i32
      %lt3A_199 = arith.cmpi slt, %add3A_197, %lt3A_198 : i32
      %convert_element_type3A_200 = arith.extui %lt3A_199 : i1 to i32
      %cond3A_201 = arith.constant 0 : i32
      %cond3A_202 = arith.cmpi ne, %convert_element_type3A_200, %cond3A_201 : i32
      scf.if %cond3A_202 {
        %add3A_425 = arith.constant 5 : i32
        %add3A_426 = arith.addi %add3A_170, %add3A_425 : i32
        %dma_start3A_427 = arith.constant 0 : i32
        %dma_start3A_428 = tpu.memref_slice %arg4[%arg0, %arg1, %add3A_426, %dma_start3A_427] : memref<2x16x80x128xi32, #tpu.memory_space<hbm>> -> memref<1x1x1x128xi32, #tpu.memory_space<hbm>>
        %dma_start3A_429 = tpu.memref_squeeze %dma_start3A_428 : memref<1x1x1x128xi32, #tpu.memory_space<hbm>> -> memref<128xi32, #tpu.memory_space<hbm>>
        %dma_start3A_430 = arith.constant 0 : i32
        %dma_start3A_431 = tpu.memref_slice %arg4[%arg0, %arg1, %add3A_426, %dma_start3A_430] : memref<2x16x80x128xi32, #tpu.memory_space<hbm>> -> memref<1x1x1x128xi32, #tpu.memory_space<hbm>>
        %dma_start3A_432 = tpu.memref_squeeze %dma_start3A_431 : memref<1x1x1x128xi32, #tpu.memory_space<hbm>> -> memref<128xi32, #tpu.memory_space<hbm>>
        tpu.enqueue_dma source(%dma_start3A_432 : memref<128xi32, #tpu.memory_space<hbm>>) target(%arg22 : memref<128xi32, #tpu.memory_space<vmem>>) target_semaphore(%arg30 : memref<!tpu.dma_semaphore, #tpu.memory_space<semaphore_mem>>)
      } else {
      }
      %add3A_203 = arith.constant 1 : i32
      %add3A_204 = arith.addi %add3A_170, %add3A_203 : i32
      %lt3A_205 = arith.constant 80 : i32
      %lt3A_206 = arith.cmpi slt, %add3A_204, %lt3A_205 : i32
      %convert_element_type3A_207 = arith.extui %lt3A_206 : i1 to i32
      %cond3A_208 = arith.constant 0 : i32
      %cond3A_209 = arith.cmpi ne, %convert_element_type3A_207, %cond3A_208 : i32
      scf.if %cond3A_209 {
        %dma_wait3A_425 = arith.constant 0 : i32
        %dma_wait3A_426 = arith.constant 0 : i32
        %dma_wait3A_427 = tpu.memref_slice %arg3[%arg0, %arg1, %dma_wait3A_425, %dma_wait3A_426] : memref<2x16x80x128xi32, #tpu.memory_space<hbm>> -> memref<1x1x1x128xi32, #tpu.memory_space<hbm>>
        %dma_wait3A_428 = tpu.memref_squeeze %dma_wait3A_427 : memref<1x1x1x128xi32, #tpu.memory_space<hbm>> -> memref<128xi32, #tpu.memory_space<hbm>>
        %dma_wait3A_429 = arith.constant 0 : i32
        %dma_wait3A_430 = tpu.memref_slice %arg3[%arg0, %arg1, %dma_wait3A_425, %dma_wait3A_429] : memref<2x16x80x128xi32, #tpu.memory_space<hbm>> -> memref<1x1x1x128xi32, #tpu.memory_space<hbm>>
        %dma_wait3A_431 = tpu.memref_squeeze %dma_wait3A_430 : memref<1x1x1x128xi32, #tpu.memory_space<hbm>> -> memref<128xi32, #tpu.memory_space<hbm>>
        tpu.wait_dma2 semaphore(%arg14 : memref<!tpu.dma_semaphore, #tpu.memory_space<semaphore_mem>>) src(%dma_wait3A_431 : memref<128xi32, #tpu.memory_space<hbm>>) dst(%arg10 : memref<128xi32, #tpu.memory_space<vmem>>)
        %dma_start3A_432 = arith.constant 0 : i32
        %dma_start3A_433 = arith.constant 0 : i32
        %dma_start3A_434 = tpu.memref_slice %arg2[%dma_start3A_432, %dma_start3A_433] : memref<80000x128xf32, #tpu.memory_space<hbm>> -> memref<80000x128xf32, #tpu.memory_space<hbm>>
        tpu.enqueue_indirect_dma source(%dma_start3A_434 : memref<80000x128xf32, #tpu.memory_space<hbm>>) target(%arg32 : memref<128x128xf32, #tpu.memory_space<vmem>>) offsets(%arg10 : memref<128xi32, #tpu.memory_space<vmem>>) semaphore(%arg34 : memref<!tpu.dma_semaphore, #tpu.memory_space<semaphore_mem>>)
      } else {
      }
      %mul3A_210 = arith.constant 8 : i32
      %mul3A_211 = arith.muli %scan3A_85, %mul3A_210 : i32
      %add3A_212 = arith.constant 3 : i32
      %add3A_213 = arith.addi %mul3A_211, %add3A_212 : i32
      %dma_wait3A_214 = arith.constant 0 : i32
      %dma_wait3A_215 = arith.constant 0 : i32
      %dma_wait3A_216 = tpu.memref_slice %arg2[%dma_wait3A_214, %dma_wait3A_215] : memref<80000x128xf32, #tpu.memory_space<hbm>> -> memref<80000x128xf32, #tpu.memory_space<hbm>>
      tpu.wait_indirect_dma semaphore(%arg34 : memref<!tpu.dma_semaphore, #tpu.memory_space<semaphore_mem>>) src(%dma_wait3A_216 : memref<80000x128xf32, #tpu.memory_space<hbm>>) dst(%arg32 : memref<128x128xf32, #tpu.memory_space<vmem>>)
      %add3A_217 = arith.constant 4 : i32
      %add3A_218 = arith.addi %add3A_213, %add3A_217 : i32
      %lt3A_219 = arith.constant 80 : i32
      %lt3A_220 = arith.cmpi slt, %add3A_218, %lt3A_219 : i32
      %convert_element_type3A_221 = arith.extui %lt3A_220 : i1 to i32
      %cond3A_222 = arith.constant 0 : i32
      %cond3A_223 = arith.cmpi ne, %convert_element_type3A_221, %cond3A_222 : i32
      scf.if %cond3A_223 {
        %add3A_425 = arith.constant 4 : i32
        %add3A_426 = arith.addi %add3A_213, %add3A_425 : i32
        %dma_start3A_427 = arith.constant 0 : i32
        %dma_start3A_428 = tpu.memref_slice %arg3[%arg0, %arg1, %add3A_426, %dma_start3A_427] : memref<2x16x80x128xi32, #tpu.memory_space<hbm>> -> memref<1x1x1x128xi32, #tpu.memory_space<hbm>>
        %dma_start3A_429 = tpu.memref_squeeze %dma_start3A_428 : memref<1x1x1x128xi32, #tpu.memory_space<hbm>> -> memref<128xi32, #tpu.memory_space<hbm>>
        %dma_start3A_430 = arith.constant 0 : i32
        %dma_start3A_431 = tpu.memref_slice %arg3[%arg0, %arg1, %add3A_426, %dma_start3A_430] : memref<2x16x80x128xi32, #tpu.memory_space<hbm>> -> memref<1x1x1x128xi32, #tpu.memory_space<hbm>>
        %dma_start3A_432 = tpu.memref_squeeze %dma_start3A_431 : memref<1x1x1x128xi32, #tpu.memory_space<hbm>> -> memref<128xi32, #tpu.memory_space<hbm>>
        tpu.enqueue_dma source(%dma_start3A_432 : memref<128xi32, #tpu.memory_space<hbm>>) target(%arg10 : memref<128xi32, #tpu.memory_space<vmem>>) target_semaphore(%arg14 : memref<!tpu.dma_semaphore, #tpu.memory_space<semaphore_mem>>)
      } else {
      }
      %dma_wait3A_224 = arith.constant 0 : i32
      %dma_wait3A_225 = arith.constant 0 : i32
      %dma_wait3A_226 = tpu.memref_slice %arg4[%arg0, %arg1, %dma_wait3A_224, %dma_wait3A_225] : memref<2x16x80x128xi32, #tpu.memory_space<hbm>> -> memref<1x1x1x128xi32, #tpu.memory_space<hbm>>
      %dma_wait3A_227 = tpu.memref_squeeze %dma_wait3A_226 : memref<1x1x1x128xi32, #tpu.memory_space<hbm>> -> memref<128xi32, #tpu.memory_space<hbm>>
      %dma_wait3A_228 = arith.constant 0 : i32
      %dma_wait3A_229 = tpu.memref_slice %arg4[%arg0, %arg1, %dma_wait3A_224, %dma_wait3A_228] : memref<2x16x80x128xi32, #tpu.memory_space<hbm>> -> memref<1x1x1x128xi32, #tpu.memory_space<hbm>>
      %dma_wait3A_230 = tpu.memref_squeeze %dma_wait3A_229 : memref<1x1x1x128xi32, #tpu.memory_space<hbm>> -> memref<128xi32, #tpu.memory_space<hbm>>
      tpu.wait_dma2 semaphore(%arg26 : memref<!tpu.dma_semaphore, #tpu.memory_space<semaphore_mem>>) src(%dma_wait3A_230 : memref<128xi32, #tpu.memory_space<hbm>>) dst(%arg18 : memref<128xi32, #tpu.memory_space<vmem>>)
      %dma_start3A_231 = arith.constant 0 : i32
      %dma_start3A_232 = arith.constant 0 : i32
      %dma_start3A_233 = tpu.memref_slice %arg37[%dma_start3A_231, %dma_start3A_232] : memref<10112x128xf32, #tpu.memory_space<vmem_shared>> -> memref<10112x128xf32, #tpu.memory_space<vmem_shared>>
      tpu.enqueue_indirect_dma source(%arg32 : memref<128x128xf32, #tpu.memory_space<vmem>>) target(%dma_start3A_233 : memref<10112x128xf32, #tpu.memory_space<vmem_shared>>) offsets(%arg18 : memref<128xi32, #tpu.memory_space<vmem>>) semaphore(%arg36 : memref<!tpu.dma_semaphore, #tpu.memory_space<semaphore_mem>>) {add = true}
      %ge3A_234 = arith.constant 1 : i32
      %ge3A_235 = arith.cmpi sge, %add3A_213, %ge3A_234 : i32
      %convert_element_type3A_236 = arith.extui %ge3A_235 : i1 to i32
      %cond3A_237 = arith.constant 0 : i32
      %cond3A_238 = arith.cmpi ne, %convert_element_type3A_236, %cond3A_237 : i32
      scf.if %cond3A_238 {
        %dma_wait3A_425 = arith.constant 0 : i32
        %dma_wait3A_426 = arith.constant 0 : i32
        %dma_wait3A_427 = tpu.memref_slice %arg37[%dma_wait3A_425, %dma_wait3A_426] : memref<10112x128xf32, #tpu.memory_space<vmem_shared>> -> memref<10112x128xf32, #tpu.memory_space<vmem_shared>>
        tpu.wait_indirect_dma semaphore(%arg35 : memref<!tpu.dma_semaphore, #tpu.memory_space<semaphore_mem>>) src(%arg31 : memref<128x128xf32, #tpu.memory_space<vmem>>) dst(%dma_wait3A_427 : memref<10112x128xf32, #tpu.memory_space<vmem_shared>>)
      } else {
      }
      %add3A_239 = arith.constant 5 : i32
      %add3A_240 = arith.addi %add3A_213, %add3A_239 : i32
      %lt3A_241 = arith.constant 80 : i32
      %lt3A_242 = arith.cmpi slt, %add3A_240, %lt3A_241 : i32
      %convert_element_type3A_243 = arith.extui %lt3A_242 : i1 to i32
      %cond3A_244 = arith.constant 0 : i32
      %cond3A_245 = arith.cmpi ne, %convert_element_type3A_243, %cond3A_244 : i32
      scf.if %cond3A_245 {
        %add3A_425 = arith.constant 5 : i32
        %add3A_426 = arith.addi %add3A_213, %add3A_425 : i32
        %dma_start3A_427 = arith.constant 0 : i32
        %dma_start3A_428 = tpu.memref_slice %arg4[%arg0, %arg1, %add3A_426, %dma_start3A_427] : memref<2x16x80x128xi32, #tpu.memory_space<hbm>> -> memref<1x1x1x128xi32, #tpu.memory_space<hbm>>
        %dma_start3A_429 = tpu.memref_squeeze %dma_start3A_428 : memref<1x1x1x128xi32, #tpu.memory_space<hbm>> -> memref<128xi32, #tpu.memory_space<hbm>>
        %dma_start3A_430 = arith.constant 0 : i32
        %dma_start3A_431 = tpu.memref_slice %arg4[%arg0, %arg1, %add3A_426, %dma_start3A_430] : memref<2x16x80x128xi32, #tpu.memory_space<hbm>> -> memref<1x1x1x128xi32, #tpu.memory_space<hbm>>
        %dma_start3A_432 = tpu.memref_squeeze %dma_start3A_431 : memref<1x1x1x128xi32, #tpu.memory_space<hbm>> -> memref<128xi32, #tpu.memory_space<hbm>>
        tpu.enqueue_dma source(%dma_start3A_432 : memref<128xi32, #tpu.memory_space<hbm>>) target(%arg15 : memref<128xi32, #tpu.memory_space<vmem>>) target_semaphore(%arg23 : memref<!tpu.dma_semaphore, #tpu.memory_space<semaphore_mem>>)
      } else {
      }
      %add3A_246 = arith.constant 1 : i32
      %add3A_247 = arith.addi %add3A_213, %add3A_246 : i32
      %lt3A_248 = arith.constant 80 : i32
      %lt3A_249 = arith.cmpi slt, %add3A_247, %lt3A_248 : i32
      %convert_element_type3A_250 = arith.extui %lt3A_249 : i1 to i32
      %cond3A_251 = arith.constant 0 : i32
      %cond3A_252 = arith.cmpi ne, %convert_element_type3A_250, %cond3A_251 : i32
      scf.if %cond3A_252 {
        %dma_wait3A_425 = arith.constant 0 : i32
        %dma_wait3A_426 = arith.constant 0 : i32
        %dma_wait3A_427 = tpu.memref_slice %arg3[%arg0, %arg1, %dma_wait3A_425, %dma_wait3A_426] : memref<2x16x80x128xi32, #tpu.memory_space<hbm>> -> memref<1x1x1x128xi32, #tpu.memory_space<hbm>>
        %dma_wait3A_428 = tpu.memref_squeeze %dma_wait3A_427 : memref<1x1x1x128xi32, #tpu.memory_space<hbm>> -> memref<128xi32, #tpu.memory_space<hbm>>
        %dma_wait3A_429 = arith.constant 0 : i32
        %dma_wait3A_430 = tpu.memref_slice %arg3[%arg0, %arg1, %dma_wait3A_425, %dma_wait3A_429] : memref<2x16x80x128xi32, #tpu.memory_space<hbm>> -> memref<1x1x1x128xi32, #tpu.memory_space<hbm>>
        %dma_wait3A_431 = tpu.memref_squeeze %dma_wait3A_430 : memref<1x1x1x128xi32, #tpu.memory_space<hbm>> -> memref<128xi32, #tpu.memory_space<hbm>>
        tpu.wait_dma2 semaphore(%arg11 : memref<!tpu.dma_semaphore, #tpu.memory_space<semaphore_mem>>) src(%dma_wait3A_431 : memref<128xi32, #tpu.memory_space<hbm>>) dst(%arg7 : memref<128xi32, #tpu.memory_space<vmem>>)
        %dma_start3A_432 = arith.constant 0 : i32
        %dma_start3A_433 = arith.constant 0 : i32
        %dma_start3A_434 = tpu.memref_slice %arg2[%dma_start3A_432, %dma_start3A_433] : memref<80000x128xf32, #tpu.memory_space<hbm>> -> memref<80000x128xf32, #tpu.memory_space<hbm>>
        tpu.enqueue_indirect_dma source(%dma_start3A_434 : memref<80000x128xf32, #tpu.memory_space<hbm>>) target(%arg31 : memref<128x128xf32, #tpu.memory_space<vmem>>) offsets(%arg7 : memref<128xi32, #tpu.memory_space<vmem>>) semaphore(%arg33 : memref<!tpu.dma_semaphore, #tpu.memory_space<semaphore_mem>>)
      } else {
      }
      %mul3A_253 = arith.constant 8 : i32
      %mul3A_254 = arith.muli %scan3A_85, %mul3A_253 : i32
      %add3A_255 = arith.constant 4 : i32
      %add3A_256 = arith.addi %mul3A_254, %add3A_255 : i32
      %dma_wait3A_257 = arith.constant 0 : i32
      %dma_wait3A_258 = arith.constant 0 : i32
      %dma_wait3A_259 = tpu.memref_slice %arg2[%dma_wait3A_257, %dma_wait3A_258] : memref<80000x128xf32, #tpu.memory_space<hbm>> -> memref<80000x128xf32, #tpu.memory_space<hbm>>
      tpu.wait_indirect_dma semaphore(%arg33 : memref<!tpu.dma_semaphore, #tpu.memory_space<semaphore_mem>>) src(%dma_wait3A_259 : memref<80000x128xf32, #tpu.memory_space<hbm>>) dst(%arg31 : memref<128x128xf32, #tpu.memory_space<vmem>>)
      %add3A_260 = arith.constant 4 : i32
      %add3A_261 = arith.addi %add3A_256, %add3A_260 : i32
      %lt3A_262 = arith.constant 80 : i32
      %lt3A_263 = arith.cmpi slt, %add3A_261, %lt3A_262 : i32
      %convert_element_type3A_264 = arith.extui %lt3A_263 : i1 to i32
      %cond3A_265 = arith.constant 0 : i32
      %cond3A_266 = arith.cmpi ne, %convert_element_type3A_264, %cond3A_265 : i32
      scf.if %cond3A_266 {
        %add3A_425 = arith.constant 4 : i32
        %add3A_426 = arith.addi %add3A_256, %add3A_425 : i32
        %dma_start3A_427 = arith.constant 0 : i32
        %dma_start3A_428 = tpu.memref_slice %arg3[%arg0, %arg1, %add3A_426, %dma_start3A_427] : memref<2x16x80x128xi32, #tpu.memory_space<hbm>> -> memref<1x1x1x128xi32, #tpu.memory_space<hbm>>
        %dma_start3A_429 = tpu.memref_squeeze %dma_start3A_428 : memref<1x1x1x128xi32, #tpu.memory_space<hbm>> -> memref<128xi32, #tpu.memory_space<hbm>>
        %dma_start3A_430 = arith.constant 0 : i32
        %dma_start3A_431 = tpu.memref_slice %arg3[%arg0, %arg1, %add3A_426, %dma_start3A_430] : memref<2x16x80x128xi32, #tpu.memory_space<hbm>> -> memref<1x1x1x128xi32, #tpu.memory_space<hbm>>
        %dma_start3A_432 = tpu.memref_squeeze %dma_start3A_431 : memref<1x1x1x128xi32, #tpu.memory_space<hbm>> -> memref<128xi32, #tpu.memory_space<hbm>>
        tpu.enqueue_dma source(%dma_start3A_432 : memref<128xi32, #tpu.memory_space<hbm>>) target(%arg7 : memref<128xi32, #tpu.memory_space<vmem>>) target_semaphore(%arg11 : memref<!tpu.dma_semaphore, #tpu.memory_space<semaphore_mem>>)
      } else {
      }
      %dma_wait3A_267 = arith.constant 0 : i32
      %dma_wait3A_268 = arith.constant 0 : i32
      %dma_wait3A_269 = tpu.memref_slice %arg4[%arg0, %arg1, %dma_wait3A_267, %dma_wait3A_268] : memref<2x16x80x128xi32, #tpu.memory_space<hbm>> -> memref<1x1x1x128xi32, #tpu.memory_space<hbm>>
      %dma_wait3A_270 = tpu.memref_squeeze %dma_wait3A_269 : memref<1x1x1x128xi32, #tpu.memory_space<hbm>> -> memref<128xi32, #tpu.memory_space<hbm>>
      %dma_wait3A_271 = arith.constant 0 : i32
      %dma_wait3A_272 = tpu.memref_slice %arg4[%arg0, %arg1, %dma_wait3A_267, %dma_wait3A_271] : memref<2x16x80x128xi32, #tpu.memory_space<hbm>> -> memref<1x1x1x128xi32, #tpu.memory_space<hbm>>
      %dma_wait3A_273 = tpu.memref_squeeze %dma_wait3A_272 : memref<1x1x1x128xi32, #tpu.memory_space<hbm>> -> memref<128xi32, #tpu.memory_space<hbm>>
      tpu.wait_dma2 semaphore(%arg27 : memref<!tpu.dma_semaphore, #tpu.memory_space<semaphore_mem>>) src(%dma_wait3A_273 : memref<128xi32, #tpu.memory_space<hbm>>) dst(%arg19 : memref<128xi32, #tpu.memory_space<vmem>>)
      %dma_start3A_274 = arith.constant 0 : i32
      %dma_start3A_275 = arith.constant 0 : i32
      %dma_start3A_276 = tpu.memref_slice %arg37[%dma_start3A_274, %dma_start3A_275] : memref<10112x128xf32, #tpu.memory_space<vmem_shared>> -> memref<10112x128xf32, #tpu.memory_space<vmem_shared>>
      tpu.enqueue_indirect_dma source(%arg31 : memref<128x128xf32, #tpu.memory_space<vmem>>) target(%dma_start3A_276 : memref<10112x128xf32, #tpu.memory_space<vmem_shared>>) offsets(%arg19 : memref<128xi32, #tpu.memory_space<vmem>>) semaphore(%arg35 : memref<!tpu.dma_semaphore, #tpu.memory_space<semaphore_mem>>) {add = true}
      %ge3A_277 = arith.constant 1 : i32
      %ge3A_278 = arith.cmpi sge, %add3A_256, %ge3A_277 : i32
      %convert_element_type3A_279 = arith.extui %ge3A_278 : i1 to i32
      %cond3A_280 = arith.constant 0 : i32
      %cond3A_281 = arith.cmpi ne, %convert_element_type3A_279, %cond3A_280 : i32
      scf.if %cond3A_281 {
        %dma_wait3A_425 = arith.constant 0 : i32
        %dma_wait3A_426 = arith.constant 0 : i32
        %dma_wait3A_427 = tpu.memref_slice %arg37[%dma_wait3A_425, %dma_wait3A_426] : memref<10112x128xf32, #tpu.memory_space<vmem_shared>> -> memref<10112x128xf32, #tpu.memory_space<vmem_shared>>
        tpu.wait_indirect_dma semaphore(%arg36 : memref<!tpu.dma_semaphore, #tpu.memory_space<semaphore_mem>>) src(%arg32 : memref<128x128xf32, #tpu.memory_space<vmem>>) dst(%dma_wait3A_427 : memref<10112x128xf32, #tpu.memory_space<vmem_shared>>)
      } else {
      }
      %add3A_282 = arith.constant 5 : i32
      %add3A_283 = arith.addi %add3A_256, %add3A_282 : i32
      %lt3A_284 = arith.constant 80 : i32
      %lt3A_285 = arith.cmpi slt, %add3A_283, %lt3A_284 : i32
      %convert_element_type3A_286 = arith.extui %lt3A_285 : i1 to i32
      %cond3A_287 = arith.constant 0 : i32
      %cond3A_288 = arith.cmpi ne, %convert_element_type3A_286, %cond3A_287 : i32
      scf.if %cond3A_288 {
        %add3A_425 = arith.constant 5 : i32
        %add3A_426 = arith.addi %add3A_256, %add3A_425 : i32
        %dma_start3A_427 = arith.constant 0 : i32
        %dma_start3A_428 = tpu.memref_slice %arg4[%arg0, %arg1, %add3A_426, %dma_start3A_427] : memref<2x16x80x128xi32, #tpu.memory_space<hbm>> -> memref<1x1x1x128xi32, #tpu.memory_space<hbm>>
        %dma_start3A_429 = tpu.memref_squeeze %dma_start3A_428 : memref<1x1x1x128xi32, #tpu.memory_space<hbm>> -> memref<128xi32, #tpu.memory_space<hbm>>
        %dma_start3A_430 = arith.constant 0 : i32
        %dma_start3A_431 = tpu.memref_slice %arg4[%arg0, %arg1, %add3A_426, %dma_start3A_430] : memref<2x16x80x128xi32, #tpu.memory_space<hbm>> -> memref<1x1x1x128xi32, #tpu.memory_space<hbm>>
        %dma_start3A_432 = tpu.memref_squeeze %dma_start3A_431 : memref<1x1x1x128xi32, #tpu.memory_space<hbm>> -> memref<128xi32, #tpu.memory_space<hbm>>
        tpu.enqueue_dma source(%dma_start3A_432 : memref<128xi32, #tpu.memory_space<hbm>>) target(%arg16 : memref<128xi32, #tpu.memory_space<vmem>>) target_semaphore(%arg24 : memref<!tpu.dma_semaphore, #tpu.memory_space<semaphore_mem>>)
      } else {
      }
      %add3A_289 = arith.constant 1 : i32
      %add3A_290 = arith.addi %add3A_256, %add3A_289 : i32
      %lt3A_291 = arith.constant 80 : i32
      %lt3A_292 = arith.cmpi slt, %add3A_290, %lt3A_291 : i32
      %convert_element_type3A_293 = arith.extui %lt3A_292 : i1 to i32
      %cond3A_294 = arith.constant 0 : i32
      %cond3A_295 = arith.cmpi ne, %convert_element_type3A_293, %cond3A_294 : i32
      scf.if %cond3A_295 {
        %dma_wait3A_425 = arith.constant 0 : i32
        %dma_wait3A_426 = arith.constant 0 : i32
        %dma_wait3A_427 = tpu.memref_slice %arg3[%arg0, %arg1, %dma_wait3A_425, %dma_wait3A_426] : memref<2x16x80x128xi32, #tpu.memory_space<hbm>> -> memref<1x1x1x128xi32, #tpu.memory_space<hbm>>
        %dma_wait3A_428 = tpu.memref_squeeze %dma_wait3A_427 : memref<1x1x1x128xi32, #tpu.memory_space<hbm>> -> memref<128xi32, #tpu.memory_space<hbm>>
        %dma_wait3A_429 = arith.constant 0 : i32
        %dma_wait3A_430 = tpu.memref_slice %arg3[%arg0, %arg1, %dma_wait3A_425, %dma_wait3A_429] : memref<2x16x80x128xi32, #tpu.memory_space<hbm>> -> memref<1x1x1x128xi32, #tpu.memory_space<hbm>>
        %dma_wait3A_431 = tpu.memref_squeeze %dma_wait3A_430 : memref<1x1x1x128xi32, #tpu.memory_space<hbm>> -> memref<128xi32, #tpu.memory_space<hbm>>
        tpu.wait_dma2 semaphore(%arg12 : memref<!tpu.dma_semaphore, #tpu.memory_space<semaphore_mem>>) src(%dma_wait3A_431 : memref<128xi32, #tpu.memory_space<hbm>>) dst(%arg8 : memref<128xi32, #tpu.memory_space<vmem>>)
        %dma_start3A_432 = arith.constant 0 : i32
        %dma_start3A_433 = arith.constant 0 : i32
        %dma_start3A_434 = tpu.memref_slice %arg2[%dma_start3A_432, %dma_start3A_433] : memref<80000x128xf32, #tpu.memory_space<hbm>> -> memref<80000x128xf32, #tpu.memory_space<hbm>>
        tpu.enqueue_indirect_dma source(%dma_start3A_434 : memref<80000x128xf32, #tpu.memory_space<hbm>>) target(%arg32 : memref<128x128xf32, #tpu.memory_space<vmem>>) offsets(%arg8 : memref<128xi32, #tpu.memory_space<vmem>>) semaphore(%arg34 : memref<!tpu.dma_semaphore, #tpu.memory_space<semaphore_mem>>)
      } else {
      }
      %mul3A_296 = arith.constant 8 : i32
      %mul3A_297 = arith.muli %scan3A_85, %mul3A_296 : i32
      %add3A_298 = arith.constant 5 : i32
      %add3A_299 = arith.addi %mul3A_297, %add3A_298 : i32
      %dma_wait3A_300 = arith.constant 0 : i32
      %dma_wait3A_301 = arith.constant 0 : i32
      %dma_wait3A_302 = tpu.memref_slice %arg2[%dma_wait3A_300, %dma_wait3A_301] : memref<80000x128xf32, #tpu.memory_space<hbm>> -> memref<80000x128xf32, #tpu.memory_space<hbm>>
      tpu.wait_indirect_dma semaphore(%arg34 : memref<!tpu.dma_semaphore, #tpu.memory_space<semaphore_mem>>) src(%dma_wait3A_302 : memref<80000x128xf32, #tpu.memory_space<hbm>>) dst(%arg32 : memref<128x128xf32, #tpu.memory_space<vmem>>)
      %add3A_303 = arith.constant 4 : i32
      %add3A_304 = arith.addi %add3A_299, %add3A_303 : i32
      %lt3A_305 = arith.constant 80 : i32
      %lt3A_306 = arith.cmpi slt, %add3A_304, %lt3A_305 : i32
      %convert_element_type3A_307 = arith.extui %lt3A_306 : i1 to i32
      %cond3A_308 = arith.constant 0 : i32
      %cond3A_309 = arith.cmpi ne, %convert_element_type3A_307, %cond3A_308 : i32
      scf.if %cond3A_309 {
        %add3A_425 = arith.constant 4 : i32
        %add3A_426 = arith.addi %add3A_299, %add3A_425 : i32
        %dma_start3A_427 = arith.constant 0 : i32
        %dma_start3A_428 = tpu.memref_slice %arg3[%arg0, %arg1, %add3A_426, %dma_start3A_427] : memref<2x16x80x128xi32, #tpu.memory_space<hbm>> -> memref<1x1x1x128xi32, #tpu.memory_space<hbm>>
        %dma_start3A_429 = tpu.memref_squeeze %dma_start3A_428 : memref<1x1x1x128xi32, #tpu.memory_space<hbm>> -> memref<128xi32, #tpu.memory_space<hbm>>
        %dma_start3A_430 = arith.constant 0 : i32
        %dma_start3A_431 = tpu.memref_slice %arg3[%arg0, %arg1, %add3A_426, %dma_start3A_430] : memref<2x16x80x128xi32, #tpu.memory_space<hbm>> -> memref<1x1x1x128xi32, #tpu.memory_space<hbm>>
        %dma_start3A_432 = tpu.memref_squeeze %dma_start3A_431 : memref<1x1x1x128xi32, #tpu.memory_space<hbm>> -> memref<128xi32, #tpu.memory_space<hbm>>
        tpu.enqueue_dma source(%dma_start3A_432 : memref<128xi32, #tpu.memory_space<hbm>>) target(%arg8 : memref<128xi32, #tpu.memory_space<vmem>>) target_semaphore(%arg12 : memref<!tpu.dma_semaphore, #tpu.memory_space<semaphore_mem>>)
      } else {
      }
      %dma_wait3A_310 = arith.constant 0 : i32
      %dma_wait3A_311 = arith.constant 0 : i32
      %dma_wait3A_312 = tpu.memref_slice %arg4[%arg0, %arg1, %dma_wait3A_310, %dma_wait3A_311] : memref<2x16x80x128xi32, #tpu.memory_space<hbm>> -> memref<1x1x1x128xi32, #tpu.memory_space<hbm>>
      %dma_wait3A_313 = tpu.memref_squeeze %dma_wait3A_312 : memref<1x1x1x128xi32, #tpu.memory_space<hbm>> -> memref<128xi32, #tpu.memory_space<hbm>>
      %dma_wait3A_314 = arith.constant 0 : i32
      %dma_wait3A_315 = tpu.memref_slice %arg4[%arg0, %arg1, %dma_wait3A_310, %dma_wait3A_314] : memref<2x16x80x128xi32, #tpu.memory_space<hbm>> -> memref<1x1x1x128xi32, #tpu.memory_space<hbm>>
      %dma_wait3A_316 = tpu.memref_squeeze %dma_wait3A_315 : memref<1x1x1x128xi32, #tpu.memory_space<hbm>> -> memref<128xi32, #tpu.memory_space<hbm>>
      tpu.wait_dma2 semaphore(%arg28 : memref<!tpu.dma_semaphore, #tpu.memory_space<semaphore_mem>>) src(%dma_wait3A_316 : memref<128xi32, #tpu.memory_space<hbm>>) dst(%arg20 : memref<128xi32, #tpu.memory_space<vmem>>)
      %dma_start3A_317 = arith.constant 0 : i32
      %dma_start3A_318 = arith.constant 0 : i32
      %dma_start3A_319 = tpu.memref_slice %arg37[%dma_start3A_317, %dma_start3A_318] : memref<10112x128xf32, #tpu.memory_space<vmem_shared>> -> memref<10112x128xf32, #tpu.memory_space<vmem_shared>>
      tpu.enqueue_indirect_dma source(%arg32 : memref<128x128xf32, #tpu.memory_space<vmem>>) target(%dma_start3A_319 : memref<10112x128xf32, #tpu.memory_space<vmem_shared>>) offsets(%arg20 : memref<128xi32, #tpu.memory_space<vmem>>) semaphore(%arg36 : memref<!tpu.dma_semaphore, #tpu.memory_space<semaphore_mem>>) {add = true}
      %ge3A_320 = arith.constant 1 : i32
      %ge3A_321 = arith.cmpi sge, %add3A_299, %ge3A_320 : i32
      %convert_element_type3A_322 = arith.extui %ge3A_321 : i1 to i32
      %cond3A_323 = arith.constant 0 : i32
      %cond3A_324 = arith.cmpi ne, %convert_element_type3A_322, %cond3A_323 : i32
      scf.if %cond3A_324 {
        %dma_wait3A_425 = arith.constant 0 : i32
        %dma_wait3A_426 = arith.constant 0 : i32
        %dma_wait3A_427 = tpu.memref_slice %arg37[%dma_wait3A_425, %dma_wait3A_426] : memref<10112x128xf32, #tpu.memory_space<vmem_shared>> -> memref<10112x128xf32, #tpu.memory_space<vmem_shared>>
        tpu.wait_indirect_dma semaphore(%arg35 : memref<!tpu.dma_semaphore, #tpu.memory_space<semaphore_mem>>) src(%arg31 : memref<128x128xf32, #tpu.memory_space<vmem>>) dst(%dma_wait3A_427 : memref<10112x128xf32, #tpu.memory_space<vmem_shared>>)
      } else {
      }
      %add3A_325 = arith.constant 5 : i32
      %add3A_326 = arith.addi %add3A_299, %add3A_325 : i32
      %lt3A_327 = arith.constant 80 : i32
      %lt3A_328 = arith.cmpi slt, %add3A_326, %lt3A_327 : i32
      %convert_element_type3A_329 = arith.extui %lt3A_328 : i1 to i32
      %cond3A_330 = arith.constant 0 : i32
      %cond3A_331 = arith.cmpi ne, %convert_element_type3A_329, %cond3A_330 : i32
      scf.if %cond3A_331 {
        %add3A_425 = arith.constant 5 : i32
        %add3A_426 = arith.addi %add3A_299, %add3A_425 : i32
        %dma_start3A_427 = arith.constant 0 : i32
        %dma_start3A_428 = tpu.memref_slice %arg4[%arg0, %arg1, %add3A_426, %dma_start3A_427] : memref<2x16x80x128xi32, #tpu.memory_space<hbm>> -> memref<1x1x1x128xi32, #tpu.memory_space<hbm>>
        %dma_start3A_429 = tpu.memref_squeeze %dma_start3A_428 : memref<1x1x1x128xi32, #tpu.memory_space<hbm>> -> memref<128xi32, #tpu.memory_space<hbm>>
        %dma_start3A_430 = arith.constant 0 : i32
        %dma_start3A_431 = tpu.memref_slice %arg4[%arg0, %arg1, %add3A_426, %dma_start3A_430] : memref<2x16x80x128xi32, #tpu.memory_space<hbm>> -> memref<1x1x1x128xi32, #tpu.memory_space<hbm>>
        %dma_start3A_432 = tpu.memref_squeeze %dma_start3A_431 : memref<1x1x1x128xi32, #tpu.memory_space<hbm>> -> memref<128xi32, #tpu.memory_space<hbm>>
        tpu.enqueue_dma source(%dma_start3A_432 : memref<128xi32, #tpu.memory_space<hbm>>) target(%arg17 : memref<128xi32, #tpu.memory_space<vmem>>) target_semaphore(%arg25 : memref<!tpu.dma_semaphore, #tpu.memory_space<semaphore_mem>>)
      } else {
      }
      %add3A_332 = arith.constant 1 : i32
      %add3A_333 = arith.addi %add3A_299, %add3A_332 : i32
      %lt3A_334 = arith.constant 80 : i32
      %lt3A_335 = arith.cmpi slt, %add3A_333, %lt3A_334 : i32
      %convert_element_type3A_336 = arith.extui %lt3A_335 : i1 to i32
      %cond3A_337 = arith.constant 0 : i32
      %cond3A_338 = arith.cmpi ne, %convert_element_type3A_336, %cond3A_337 : i32
      scf.if %cond3A_338 {
        %dma_wait3A_425 = arith.constant 0 : i32
        %dma_wait3A_426 = arith.constant 0 : i32
        %dma_wait3A_427 = tpu.memref_slice %arg3[%arg0, %arg1, %dma_wait3A_425, %dma_wait3A_426] : memref<2x16x80x128xi32, #tpu.memory_space<hbm>> -> memref<1x1x1x128xi32, #tpu.memory_space<hbm>>
        %dma_wait3A_428 = tpu.memref_squeeze %dma_wait3A_427 : memref<1x1x1x128xi32, #tpu.memory_space<hbm>> -> memref<128xi32, #tpu.memory_space<hbm>>
        %dma_wait3A_429 = arith.constant 0 : i32
        %dma_wait3A_430 = tpu.memref_slice %arg3[%arg0, %arg1, %dma_wait3A_425, %dma_wait3A_429] : memref<2x16x80x128xi32, #tpu.memory_space<hbm>> -> memref<1x1x1x128xi32, #tpu.memory_space<hbm>>
        %dma_wait3A_431 = tpu.memref_squeeze %dma_wait3A_430 : memref<1x1x1x128xi32, #tpu.memory_space<hbm>> -> memref<128xi32, #tpu.memory_space<hbm>>
        tpu.wait_dma2 semaphore(%arg13 : memref<!tpu.dma_semaphore, #tpu.memory_space<semaphore_mem>>) src(%dma_wait3A_431 : memref<128xi32, #tpu.memory_space<hbm>>) dst(%arg9 : memref<128xi32, #tpu.memory_space<vmem>>)
        %dma_start3A_432 = arith.constant 0 : i32
        %dma_start3A_433 = arith.constant 0 : i32
        %dma_start3A_434 = tpu.memref_slice %arg2[%dma_start3A_432, %dma_start3A_433] : memref<80000x128xf32, #tpu.memory_space<hbm>> -> memref<80000x128xf32, #tpu.memory_space<hbm>>
        tpu.enqueue_indirect_dma source(%dma_start3A_434 : memref<80000x128xf32, #tpu.memory_space<hbm>>) target(%arg31 : memref<128x128xf32, #tpu.memory_space<vmem>>) offsets(%arg9 : memref<128xi32, #tpu.memory_space<vmem>>) semaphore(%arg33 : memref<!tpu.dma_semaphore, #tpu.memory_space<semaphore_mem>>)
      } else {
      }
      %mul3A_339 = arith.constant 8 : i32
      %mul3A_340 = arith.muli %scan3A_85, %mul3A_339 : i32
      %add3A_341 = arith.constant 6 : i32
      %add3A_342 = arith.addi %mul3A_340, %add3A_341 : i32
      %dma_wait3A_343 = arith.constant 0 : i32
      %dma_wait3A_344 = arith.constant 0 : i32
      %dma_wait3A_345 = tpu.memref_slice %arg2[%dma_wait3A_343, %dma_wait3A_344] : memref<80000x128xf32, #tpu.memory_space<hbm>> -> memref<80000x128xf32, #tpu.memory_space<hbm>>
      tpu.wait_indirect_dma semaphore(%arg33 : memref<!tpu.dma_semaphore, #tpu.memory_space<semaphore_mem>>) src(%dma_wait3A_345 : memref<80000x128xf32, #tpu.memory_space<hbm>>) dst(%arg31 : memref<128x128xf32, #tpu.memory_space<vmem>>)
      %add3A_346 = arith.constant 4 : i32
      %add3A_347 = arith.addi %add3A_342, %add3A_346 : i32
      %lt3A_348 = arith.constant 80 : i32
      %lt3A_349 = arith.cmpi slt, %add3A_347, %lt3A_348 : i32
      %convert_element_type3A_350 = arith.extui %lt3A_349 : i1 to i32
      %cond3A_351 = arith.constant 0 : i32
      %cond3A_352 = arith.cmpi ne, %convert_element_type3A_350, %cond3A_351 : i32
      scf.if %cond3A_352 {
        %add3A_425 = arith.constant 4 : i32
        %add3A_426 = arith.addi %add3A_342, %add3A_425 : i32
        %dma_start3A_427 = arith.constant 0 : i32
        %dma_start3A_428 = tpu.memref_slice %arg3[%arg0, %arg1, %add3A_426, %dma_start3A_427] : memref<2x16x80x128xi32, #tpu.memory_space<hbm>> -> memref<1x1x1x128xi32, #tpu.memory_space<hbm>>
        %dma_start3A_429 = tpu.memref_squeeze %dma_start3A_428 : memref<1x1x1x128xi32, #tpu.memory_space<hbm>> -> memref<128xi32, #tpu.memory_space<hbm>>
        %dma_start3A_430 = arith.constant 0 : i32
        %dma_start3A_431 = tpu.memref_slice %arg3[%arg0, %arg1, %add3A_426, %dma_start3A_430] : memref<2x16x80x128xi32, #tpu.memory_space<hbm>> -> memref<1x1x1x128xi32, #tpu.memory_space<hbm>>
        %dma_start3A_432 = tpu.memref_squeeze %dma_start3A_431 : memref<1x1x1x128xi32, #tpu.memory_space<hbm>> -> memref<128xi32, #tpu.memory_space<hbm>>
        tpu.enqueue_dma source(%dma_start3A_432 : memref<128xi32, #tpu.memory_space<hbm>>) target(%arg9 : memref<128xi32, #tpu.memory_space<vmem>>) target_semaphore(%arg13 : memref<!tpu.dma_semaphore, #tpu.memory_space<semaphore_mem>>)
      } else {
      }
      %dma_wait3A_353 = arith.constant 0 : i32
      %dma_wait3A_354 = arith.constant 0 : i32
      %dma_wait3A_355 = tpu.memref_slice %arg4[%arg0, %arg1, %dma_wait3A_353, %dma_wait3A_354] : memref<2x16x80x128xi32, #tpu.memory_space<hbm>> -> memref<1x1x1x128xi32, #tpu.memory_space<hbm>>
      %dma_wait3A_356 = tpu.memref_squeeze %dma_wait3A_355 : memref<1x1x1x128xi32, #tpu.memory_space<hbm>> -> memref<128xi32, #tpu.memory_space<hbm>>
      %dma_wait3A_357 = arith.constant 0 : i32
      %dma_wait3A_358 = tpu.memref_slice %arg4[%arg0, %arg1, %dma_wait3A_353, %dma_wait3A_357] : memref<2x16x80x128xi32, #tpu.memory_space<hbm>> -> memref<1x1x1x128xi32, #tpu.memory_space<hbm>>
      %dma_wait3A_359 = tpu.memref_squeeze %dma_wait3A_358 : memref<1x1x1x128xi32, #tpu.memory_space<hbm>> -> memref<128xi32, #tpu.memory_space<hbm>>
      tpu.wait_dma2 semaphore(%arg29 : memref<!tpu.dma_semaphore, #tpu.memory_space<semaphore_mem>>) src(%dma_wait3A_359 : memref<128xi32, #tpu.memory_space<hbm>>) dst(%arg21 : memref<128xi32, #tpu.memory_space<vmem>>)
      %dma_start3A_360 = arith.constant 0 : i32
      %dma_start3A_361 = arith.constant 0 : i32
      %dma_start3A_362 = tpu.memref_slice %arg37[%dma_start3A_360, %dma_start3A_361] : memref<10112x128xf32, #tpu.memory_space<vmem_shared>> -> memref<10112x128xf32, #tpu.memory_space<vmem_shared>>
      tpu.enqueue_indirect_dma source(%arg31 : memref<128x128xf32, #tpu.memory_space<vmem>>) target(%dma_start3A_362 : memref<10112x128xf32, #tpu.memory_space<vmem_shared>>) offsets(%arg21 : memref<128xi32, #tpu.memory_space<vmem>>) semaphore(%arg35 : memref<!tpu.dma_semaphore, #tpu.memory_space<semaphore_mem>>) {add = true}
      %ge3A_363 = arith.constant 1 : i32
      %ge3A_364 = arith.cmpi sge, %add3A_342, %ge3A_363 : i32
      %convert_element_type3A_365 = arith.extui %ge3A_364 : i1 to i32
      %cond3A_366 = arith.constant 0 : i32
      %cond3A_367 = arith.cmpi ne, %convert_element_type3A_365, %cond3A_366 : i32
      scf.if %cond3A_367 {
        %dma_wait3A_425 = arith.constant 0 : i32
        %dma_wait3A_426 = arith.constant 0 : i32
        %dma_wait3A_427 = tpu.memref_slice %arg37[%dma_wait3A_425, %dma_wait3A_426] : memref<10112x128xf32, #tpu.memory_space<vmem_shared>> -> memref<10112x128xf32, #tpu.memory_space<vmem_shared>>
        tpu.wait_indirect_dma semaphore(%arg36 : memref<!tpu.dma_semaphore, #tpu.memory_space<semaphore_mem>>) src(%arg32 : memref<128x128xf32, #tpu.memory_space<vmem>>) dst(%dma_wait3A_427 : memref<10112x128xf32, #tpu.memory_space<vmem_shared>>)
      } else {
      }
      %add3A_368 = arith.constant 5 : i32
      %add3A_369 = arith.addi %add3A_342, %add3A_368 : i32
      %lt3A_370 = arith.constant 80 : i32
      %lt3A_371 = arith.cmpi slt, %add3A_369, %lt3A_370 : i32
      %convert_element_type3A_372 = arith.extui %lt3A_371 : i1 to i32
      %cond3A_373 = arith.constant 0 : i32
      %cond3A_374 = arith.cmpi ne, %convert_element_type3A_372, %cond3A_373 : i32
      scf.if %cond3A_374 {
        %add3A_425 = arith.constant 5 : i32
        %add3A_426 = arith.addi %add3A_342, %add3A_425 : i32
        %dma_start3A_427 = arith.constant 0 : i32
        %dma_start3A_428 = tpu.memref_slice %arg4[%arg0, %arg1, %add3A_426, %dma_start3A_427] : memref<2x16x80x128xi32, #tpu.memory_space<hbm>> -> memref<1x1x1x128xi32, #tpu.memory_space<hbm>>
        %dma_start3A_429 = tpu.memref_squeeze %dma_start3A_428 : memref<1x1x1x128xi32, #tpu.memory_space<hbm>> -> memref<128xi32, #tpu.memory_space<hbm>>
        %dma_start3A_430 = arith.constant 0 : i32
        %dma_start3A_431 = tpu.memref_slice %arg4[%arg0, %arg1, %add3A_426, %dma_start3A_430] : memref<2x16x80x128xi32, #tpu.memory_space<hbm>> -> memref<1x1x1x128xi32, #tpu.memory_space<hbm>>
        %dma_start3A_432 = tpu.memref_squeeze %dma_start3A_431 : memref<1x1x1x128xi32, #tpu.memory_space<hbm>> -> memref<128xi32, #tpu.memory_space<hbm>>
        tpu.enqueue_dma source(%dma_start3A_432 : memref<128xi32, #tpu.memory_space<hbm>>) target(%arg18 : memref<128xi32, #tpu.memory_space<vmem>>) target_semaphore(%arg26 : memref<!tpu.dma_semaphore, #tpu.memory_space<semaphore_mem>>)
      } else {
      }
      %add3A_375 = arith.constant 1 : i32
      %add3A_376 = arith.addi %add3A_342, %add3A_375 : i32
      %lt3A_377 = arith.constant 80 : i32
      %lt3A_378 = arith.cmpi slt, %add3A_376, %lt3A_377 : i32
      %convert_element_type3A_379 = arith.extui %lt3A_378 : i1 to i32
      %cond3A_380 = arith.constant 0 : i32
      %cond3A_381 = arith.cmpi ne, %convert_element_type3A_379, %cond3A_380 : i32
      scf.if %cond3A_381 {
        %dma_wait3A_425 = arith.constant 0 : i32
        %dma_wait3A_426 = arith.constant 0 : i32
        %dma_wait3A_427 = tpu.memref_slice %arg3[%arg0, %arg1, %dma_wait3A_425, %dma_wait3A_426] : memref<2x16x80x128xi32, #tpu.memory_space<hbm>> -> memref<1x1x1x128xi32, #tpu.memory_space<hbm>>
        %dma_wait3A_428 = tpu.memref_squeeze %dma_wait3A_427 : memref<1x1x1x128xi32, #tpu.memory_space<hbm>> -> memref<128xi32, #tpu.memory_space<hbm>>
        %dma_wait3A_429 = arith.constant 0 : i32
        %dma_wait3A_430 = tpu.memref_slice %arg3[%arg0, %arg1, %dma_wait3A_425, %dma_wait3A_429] : memref<2x16x80x128xi32, #tpu.memory_space<hbm>> -> memref<1x1x1x128xi32, #tpu.memory_space<hbm>>
        %dma_wait3A_431 = tpu.memref_squeeze %dma_wait3A_430 : memref<1x1x1x128xi32, #tpu.memory_space<hbm>> -> memref<128xi32, #tpu.memory_space<hbm>>
        tpu.wait_dma2 semaphore(%arg14 : memref<!tpu.dma_semaphore, #tpu.memory_space<semaphore_mem>>) src(%dma_wait3A_431 : memref<128xi32, #tpu.memory_space<hbm>>) dst(%arg10 : memref<128xi32, #tpu.memory_space<vmem>>)
        %dma_start3A_432 = arith.constant 0 : i32
        %dma_start3A_433 = arith.constant 0 : i32
        %dma_start3A_434 = tpu.memref_slice %arg2[%dma_start3A_432, %dma_start3A_433] : memref<80000x128xf32, #tpu.memory_space<hbm>> -> memref<80000x128xf32, #tpu.memory_space<hbm>>
        tpu.enqueue_indirect_dma source(%dma_start3A_434 : memref<80000x128xf32, #tpu.memory_space<hbm>>) target(%arg32 : memref<128x128xf32, #tpu.memory_space<vmem>>) offsets(%arg10 : memref<128xi32, #tpu.memory_space<vmem>>) semaphore(%arg34 : memref<!tpu.dma_semaphore, #tpu.memory_space<semaphore_mem>>)
      } else {
      }
      %mul3A_382 = arith.constant 8 : i32
      %mul3A_383 = arith.muli %scan3A_85, %mul3A_382 : i32
      %add3A_384 = arith.constant 7 : i32
      %add3A_385 = arith.addi %mul3A_383, %add3A_384 : i32
      %dma_wait3A_386 = arith.constant 0 : i32
      %dma_wait3A_387 = arith.constant 0 : i32
      %dma_wait3A_388 = tpu.memref_slice %arg2[%dma_wait3A_386, %dma_wait3A_387] : memref<80000x128xf32, #tpu.memory_space<hbm>> -> memref<80000x128xf32, #tpu.memory_space<hbm>>
      tpu.wait_indirect_dma semaphore(%arg34 : memref<!tpu.dma_semaphore, #tpu.memory_space<semaphore_mem>>) src(%dma_wait3A_388 : memref<80000x128xf32, #tpu.memory_space<hbm>>) dst(%arg32 : memref<128x128xf32, #tpu.memory_space<vmem>>)
      %add3A_389 = arith.constant 4 : i32
      %add3A_390 = arith.addi %add3A_385, %add3A_389 : i32
      %lt3A_391 = arith.constant 80 : i32
      %lt3A_392 = arith.cmpi slt, %add3A_390, %lt3A_391 : i32
      %convert_element_type3A_393 = arith.extui %lt3A_392 : i1 to i32
      %cond3A_394 = arith.constant 0 : i32
      %cond3A_395 = arith.cmpi ne, %convert_element_type3A_393, %cond3A_394 : i32
      scf.if %cond3A_395 {
        %add3A_425 = arith.constant 4 : i32
        %add3A_426 = arith.addi %add3A_385, %add3A_425 : i32
        %dma_start3A_427 = arith.constant 0 : i32
        %dma_start3A_428 = tpu.memref_slice %arg3[%arg0, %arg1, %add3A_426, %dma_start3A_427] : memref<2x16x80x128xi32, #tpu.memory_space<hbm>> -> memref<1x1x1x128xi32, #tpu.memory_space<hbm>>
        %dma_start3A_429 = tpu.memref_squeeze %dma_start3A_428 : memref<1x1x1x128xi32, #tpu.memory_space<hbm>> -> memref<128xi32, #tpu.memory_space<hbm>>
        %dma_start3A_430 = arith.constant 0 : i32
        %dma_start3A_431 = tpu.memref_slice %arg3[%arg0, %arg1, %add3A_426, %dma_start3A_430] : memref<2x16x80x128xi32, #tpu.memory_space<hbm>> -> memref<1x1x1x128xi32, #tpu.memory_space<hbm>>
        %dma_start3A_432 = tpu.memref_squeeze %dma_start3A_431 : memref<1x1x1x128xi32, #tpu.memory_space<hbm>> -> memref<128xi32, #tpu.memory_space<hbm>>
        tpu.enqueue_dma source(%dma_start3A_432 : memref<128xi32, #tpu.memory_space<hbm>>) target(%arg10 : memref<128xi32, #tpu.memory_space<vmem>>) target_semaphore(%arg14 : memref<!tpu.dma_semaphore, #tpu.memory_space<semaphore_mem>>)
      } else {
      }
      %dma_wait3A_396 = arith.constant 0 : i32
      %dma_wait3A_397 = arith.constant 0 : i32
      %dma_wait3A_398 = tpu.memref_slice %arg4[%arg0, %arg1, %dma_wait3A_396, %dma_wait3A_397] : memref<2x16x80x128xi32, #tpu.memory_space<hbm>> -> memref<1x1x1x128xi32, #tpu.memory_space<hbm>>
      %dma_wait3A_399 = tpu.memref_squeeze %dma_wait3A_398 : memref<1x1x1x128xi32, #tpu.memory_space<hbm>> -> memref<128xi32, #tpu.memory_space<hbm>>
      %dma_wait3A_400 = arith.constant 0 : i32
      %dma_wait3A_401 = tpu.memref_slice %arg4[%arg0, %arg1, %dma_wait3A_396, %dma_wait3A_400] : memref<2x16x80x128xi32, #tpu.memory_space<hbm>> -> memref<1x1x1x128xi32, #tpu.memory_space<hbm>>
      %dma_wait3A_402 = tpu.memref_squeeze %dma_wait3A_401 : memref<1x1x1x128xi32, #tpu.memory_space<hbm>> -> memref<128xi32, #tpu.memory_space<hbm>>
      tpu.wait_dma2 semaphore(%arg30 : memref<!tpu.dma_semaphore, #tpu.memory_space<semaphore_mem>>) src(%dma_wait3A_402 : memref<128xi32, #tpu.memory_space<hbm>>) dst(%arg22 : memref<128xi32, #tpu.memory_space<vmem>>)
      %dma_start3A_403 = arith.constant 0 : i32
      %dma_start3A_404 = arith.constant 0 : i32
      %dma_start3A_405 = tpu.memref_slice %arg37[%dma_start3A_403, %dma_start3A_404] : memref<10112x128xf32, #tpu.memory_space<vmem_shared>> -> memref<10112x128xf32, #tpu.memory_space<vmem_shared>>
      tpu.enqueue_indirect_dma source(%arg32 : memref<128x128xf32, #tpu.memory_space<vmem>>) target(%dma_start3A_405 : memref<10112x128xf32, #tpu.memory_space<vmem_shared>>) offsets(%arg22 : memref<128xi32, #tpu.memory_space<vmem>>) semaphore(%arg36 : memref<!tpu.dma_semaphore, #tpu.memory_space<semaphore_mem>>) {add = true}
      %ge3A_406 = arith.constant 1 : i32
      %ge3A_407 = arith.cmpi sge, %add3A_385, %ge3A_406 : i32
      %convert_element_type3A_408 = arith.extui %ge3A_407 : i1 to i32
      %cond3A_409 = arith.constant 0 : i32
      %cond3A_410 = arith.cmpi ne, %convert_element_type3A_408, %cond3A_409 : i32
      scf.if %cond3A_410 {
        %dma_wait3A_425 = arith.constant 0 : i32
        %dma_wait3A_426 = arith.constant 0 : i32
        %dma_wait3A_427 = tpu.memref_slice %arg37[%dma_wait3A_425, %dma_wait3A_426] : memref<10112x128xf32, #tpu.memory_space<vmem_shared>> -> memref<10112x128xf32, #tpu.memory_space<vmem_shared>>
        tpu.wait_indirect_dma semaphore(%arg35 : memref<!tpu.dma_semaphore, #tpu.memory_space<semaphore_mem>>) src(%arg31 : memref<128x128xf32, #tpu.memory_space<vmem>>) dst(%dma_wait3A_427 : memref<10112x128xf32, #tpu.memory_space<vmem_shared>>)
      } else {
      }
      %add3A_411 = arith.constant 5 : i32
      %add3A_412 = arith.addi %add3A_385, %add3A_411 : i32
      %lt3A_413 = arith.constant 80 : i32
      %lt3A_414 = arith.cmpi slt, %add3A_412, %lt3A_413 : i32
      %convert_element_type3A_415 = arith.extui %lt3A_414 : i1 to i32
      %cond3A_416 = arith.constant 0 : i32
      %cond3A_417 = arith.cmpi ne, %convert_element_type3A_415, %cond3A_416 : i32
      scf.if %cond3A_417 {
        %add3A_425 = arith.constant 5 : i32
        %add3A_426 = arith.addi %add3A_385, %add3A_425 : i32
        %dma_start3A_427 = arith.constant 0 : i32
        %dma_start3A_428 = tpu.memref_slice %arg4[%arg0, %arg1, %add3A_426, %dma_start3A_427] : memref<2x16x80x128xi32, #tpu.memory_space<hbm>> -> memref<1x1x1x128xi32, #tpu.memory_space<hbm>>
        %dma_start3A_429 = tpu.memref_squeeze %dma_start3A_428 : memref<1x1x1x128xi32, #tpu.memory_space<hbm>> -> memref<128xi32, #tpu.memory_space<hbm>>
        %dma_start3A_430 = arith.constant 0 : i32
        %dma_start3A_431 = tpu.memref_slice %arg4[%arg0, %arg1, %add3A_426, %dma_start3A_430] : memref<2x16x80x128xi32, #tpu.memory_space<hbm>> -> memref<1x1x1x128xi32, #tpu.memory_space<hbm>>
        %dma_start3A_432 = tpu.memref_squeeze %dma_start3A_431 : memref<1x1x1x128xi32, #tpu.memory_space<hbm>> -> memref<128xi32, #tpu.memory_space<hbm>>
        tpu.enqueue_dma source(%dma_start3A_432 : memref<128xi32, #tpu.memory_space<hbm>>) target(%arg19 : memref<128xi32, #tpu.memory_space<vmem>>) target_semaphore(%arg27 : memref<!tpu.dma_semaphore, #tpu.memory_space<semaphore_mem>>)
      } else {
      }
      %add3A_418 = arith.constant 1 : i32
      %add3A_419 = arith.addi %add3A_385, %add3A_418 : i32
      %lt3A_420 = arith.constant 80 : i32
      %lt3A_421 = arith.cmpi slt, %add3A_419, %lt3A_420 : i32
      %convert_element_type3A_422 = arith.extui %lt3A_421 : i1 to i32
      %cond3A_423 = arith.constant 0 : i32
      %cond3A_424 = arith.cmpi ne, %convert_element_type3A_422, %cond3A_423 : i32
      scf.if %cond3A_424 {
        %dma_wait3A_425 = arith.constant 0 : i32
        %dma_wait3A_426 = arith.constant 0 : i32
        %dma_wait3A_427 = tpu.memref_slice %arg3[%arg0, %arg1, %dma_wait3A_425, %dma_wait3A_426] : memref<2x16x80x128xi32, #tpu.memory_space<hbm>> -> memref<1x1x1x128xi32, #tpu.memory_space<hbm>>
        %dma_wait3A_428 = tpu.memref_squeeze %dma_wait3A_427 : memref<1x1x1x128xi32, #tpu.memory_space<hbm>> -> memref<128xi32, #tpu.memory_space<hbm>>
        %dma_wait3A_429 = arith.constant 0 : i32
        %dma_wait3A_430 = tpu.memref_slice %arg3[%arg0, %arg1, %dma_wait3A_425, %dma_wait3A_429] : memref<2x16x80x128xi32, #tpu.memory_space<hbm>> -> memref<1x1x1x128xi32, #tpu.memory_space<hbm>>
        %dma_wait3A_431 = tpu.memref_squeeze %dma_wait3A_430 : memref<1x1x1x128xi32, #tpu.memory_space<hbm>> -> memref<128xi32, #tpu.memory_space<hbm>>
        tpu.wait_dma2 semaphore(%arg11 : memref<!tpu.dma_semaphore, #tpu.memory_space<semaphore_mem>>) src(%dma_wait3A_431 : memref<128xi32, #tpu.memory_space<hbm>>) dst(%arg7 : memref<128xi32, #tpu.memory_space<vmem>>)
        %dma_start3A_432 = arith.constant 0 : i32
        %dma_start3A_433 = arith.constant 0 : i32
        %dma_start3A_434 = tpu.memref_slice %arg2[%dma_start3A_432, %dma_start3A_433] : memref<80000x128xf32, #tpu.memory_space<hbm>> -> memref<80000x128xf32, #tpu.memory_space<hbm>>
        tpu.enqueue_indirect_dma source(%dma_start3A_434 : memref<80000x128xf32, #tpu.memory_space<hbm>>) target(%arg31 : memref<128x128xf32, #tpu.memory_space<vmem>>) offsets(%arg7 : memref<128xi32, #tpu.memory_space<vmem>>) semaphore(%arg33 : memref<!tpu.dma_semaphore, #tpu.memory_space<semaphore_mem>>)
      } else {
      }
    }
    %scan3A_76 = arith.constant 10 : i32
    %dma_wait3A_77 = arith.constant 0 : i32
    %dma_wait3A_78 = arith.constant 0 : i32
    %dma_wait3A_79 = tpu.memref_slice %arg37[%dma_wait3A_77, %dma_wait3A_78] : memref<10112x128xf32, #tpu.memory_space<vmem_shared>> -> memref<10112x128xf32, #tpu.memory_space<vmem_shared>>
    tpu.wait_indirect_dma semaphore(%arg36 : memref<!tpu.dma_semaphore, #tpu.memory_space<semaphore_mem>>) src(%arg32 : memref<128x128xf32, #tpu.memory_space<vmem>>) dst(%dma_wait3A_79 : memref<10112x128xf32, #tpu.memory_space<vmem_shared>>)
    %barrier3A_80 = arith.constant 0 : index
    tpu.barrier barrier_id(%barrier3A_80)
    %mul3A_81 = arith.constant 632 : i32
    %mul3A_82 = arith.muli %arg1, %mul3A_81 : i32
    %mul3A_83 = arith.constant 632 : i32
    %mul3A_84 = arith.muli %arg1, %mul3A_83 : i32
    "tpu.region"() ({
      %run_scoped3A = tpu.sem_alloc : memref<!tpu.dma_semaphore, #tpu.memory_space<semaphore_mem>>
      %dma_start3A_85 = arith.constant 0 : i32
      %dma_start3A_86 = tpu.memref_slice %arg6[%arg0, %mul3A_84, %dma_start3A_85] : memref<2x10112x128xf32, #tpu.memory_space<hbm>> -> memref<1x632x128xf32, #tpu.memory_space<hbm>>
      %dma_start3A_87 = tpu.memref_squeeze %dma_start3A_86 : memref<1x632x128xf32, #tpu.memory_space<hbm>> -> memref<632x128xf32, #tpu.memory_space<hbm>>
      %dma_start3A_88 = arith.constant 0 : i32
      %dma_start3A_89 = tpu.memref_slice %arg37[%mul3A_82, %dma_start3A_88] : memref<10112x128xf32, #tpu.memory_space<vmem_shared>> -> memref<632x128xf32, #tpu.memory_space<vmem_shared>>
      tpu.enqueue_dma source(%dma_start3A_89 : memref<632x128xf32, #tpu.memory_space<vmem_shared>>) target(%dma_start3A_87 : memref<632x128xf32, #tpu.memory_space<hbm>>) target_semaphore(%run_scoped3A : memref<!tpu.dma_semaphore, #tpu.memory_space<semaphore_mem>>)
      %dma_wait3A_90 = arith.constant 0 : i32
      %dma_wait3A_91 = tpu.memref_slice %arg6[%arg0, %mul3A_84, %dma_wait3A_90] : memref<2x10112x128xf32, #tpu.memory_space<hbm>> -> memref<1x632x128xf32, #tpu.memory_space<hbm>>
      %dma_wait3A_92 = tpu.memref_squeeze %dma_wait3A_91 : memref<1x632x128xf32, #tpu.memory_space<hbm>> -> memref<632x128xf32, #tpu.memory_space<hbm>>
      %dma_wait3A_93 = arith.constant 0 : i32
      %dma_wait3A_94 = tpu.memref_slice %arg37[%mul3A_82, %dma_wait3A_93] : memref<10112x128xf32, #tpu.memory_space<vmem_shared>> -> memref<632x128xf32, #tpu.memory_space<vmem_shared>>
      tpu.wait_dma2 semaphore(%run_scoped3A : memref<!tpu.dma_semaphore, #tpu.memory_space<semaphore_mem>>) src(%dma_wait3A_94 : memref<632x128xf32, #tpu.memory_space<vmem_shared>>) dst(%dma_wait3A_92 : memref<632x128xf32, #tpu.memory_space<hbm>>)
      tpu.yield
    }) : () -> ()
    return
  }
}

module attributes {stable_mosaic.version = 14 : i64} {
  func.func @_pre_body(%arg0: i32, %arg1: memref<1000x128xf32, #tpu.memory_space<vmem>>, %arg2: memref<8x128x128xf32, #tpu.memory_space<vmem>>, %arg3: memref<128x128xf32, #tpu.memory_space<vmem>>, %arg4: memref<1000x8x128xf32, #tpu.memory_space<vmem>>, %arg5: memref<1000x128xf32, #tpu.memory_space<vmem>>) attributes {dimension_semantics = [#tpu.dimension_semantics<arbitrary>], iteration_bounds = array<i64: 10>, scalar_prefetch = 0 : i64, scratch_operands = 0 : i64, tpu.core_type = #tpu.core_type<tc>, window_params = [{transform_indices = @transform_0, window_bounds = array<i64: 1000, 128>}, {pipeline_mode = #tpu.pipeline_mode<synchronous>, transform_indices = @transform_1, window_bounds = array<i64: 8, 128, 128>}, {pipeline_mode = #tpu.pipeline_mode<synchronous>, transform_indices = @transform_2, window_bounds = array<i64: 128, 128>}, {transform_indices = @transform_3, window_bounds = array<i64: 1000, 8, 128>}, {transform_indices = @transform_4, window_bounds = array<i64: 1000, 128>}]} {
    %get3A = arith.constant 0 : index
    %get3A_0 = arith.constant 0 : index
    %get3A_1 = vector.load %arg1[%get3A, %get3A_0] : memref<1000x128xf32, #tpu.memory_space<vmem>>, vector<1000x128xf32>
    %get3A_2 = arith.constant 0 : index
    %get3A_3 = arith.constant 0 : index
    %get3A_4 = arith.constant 0 : index
    %get3A_5 = vector.load %arg2[%get3A_2, %get3A_3, %get3A_4] : memref<8x128x128xf32, #tpu.memory_space<vmem>>, vector<1x128x128xf32>
    %get3A_6 = vector.shape_cast %get3A_5 : vector<1x128x128xf32> to vector<128x128xf32>
    %dot_general3A = arith.constant dense<0.000000e+00> : vector<1000x128xf32>
    %dot_general3A_7 = tpu.matmul %get3A_1, %get3A_6, %dot_general3A {dimension_numbers = #tpu.dot_dimension_numbers<[1], [0], [0], [1], [0, 0, 1, 1], [], []>, transpose_lhs_hint = false} : vector<1000x128xf32>, vector<128x128xf32>, vector<1000x128xf32> -> vector<1000x128xf32>
    %swap3A = arith.constant 0 : index
    %swap3A_8 = arith.constant 0 : index
    %swap3A_9 = arith.constant 0 : index
    %swap3A_10 = vector.load %arg4[%swap3A, %swap3A_8, %swap3A_9] : memref<1000x8x128xf32, #tpu.memory_space<vmem>>, vector<1000x1x128xf32>
    %swap3A_11 = vector.shape_cast %swap3A_10 : vector<1000x1x128xf32> to vector<1000x128xf32>
    %swap3A_12 = vector.shape_cast %dot_general3A_7 : vector<1000x128xf32> to vector<1000x1x128xf32>
    tpu.vector_store %arg4[%swap3A, %swap3A_8, %swap3A_9], %swap3A_12 {strides = array<i32>} : memref<1000x8x128xf32, #tpu.memory_space<vmem>>, vector<1000x1x128xf32>,
    %get3A_13 = arith.constant 1 : index
    %get3A_14 = arith.constant 0 : index
    %get3A_15 = arith.constant 0 : index
    %get3A_16 = vector.load %arg2[%get3A_13, %get3A_14, %get3A_15] : memref<8x128x128xf32, #tpu.memory_space<vmem>>, vector<1x128x128xf32>
    %get3A_17 = vector.shape_cast %get3A_16 : vector<1x128x128xf32> to vector<128x128xf32>
    %dot_general3A_18 = arith.constant dense<0.000000e+00> : vector<1000x128xf32>
    %dot_general3A_19 = tpu.matmul %get3A_1, %get3A_17, %dot_general3A_18 {dimension_numbers = #tpu.dot_dimension_numbers<[1], [0], [0], [1], [0, 0, 1, 1], [], []>, transpose_lhs_hint = false} : vector<1000x128xf32>, vector<128x128xf32>, vector<1000x128xf32> -> vector<1000x128xf32>
    %swap3A_20 = arith.constant 0 : index
    %swap3A_21 = arith.constant 1 : index
    %swap3A_22 = arith.constant 0 : index
    %swap3A_23 = vector.load %arg4[%swap3A_20, %swap3A_21, %swap3A_22] : memref<1000x8x128xf32, #tpu.memory_space<vmem>>, vector<1000x1x128xf32>
    %swap3A_24 = vector.shape_cast %swap3A_23 : vector<1000x1x128xf32> to vector<1000x128xf32>
    %swap3A_25 = vector.shape_cast %dot_general3A_19 : vector<1000x128xf32> to vector<1000x1x128xf32>
    tpu.vector_store %arg4[%swap3A_20, %swap3A_21, %swap3A_22], %swap3A_25 {strides = array<i32>} : memref<1000x8x128xf32, #tpu.memory_space<vmem>>, vector<1000x1x128xf32>,
    %get3A_26 = arith.constant 2 : index
    %get3A_27 = arith.constant 0 : index
    %get3A_28 = arith.constant 0 : index
    %get3A_29 = vector.load %arg2[%get3A_26, %get3A_27, %get3A_28] : memref<8x128x128xf32, #tpu.memory_space<vmem>>, vector<1x128x128xf32>
    %get3A_30 = vector.shape_cast %get3A_29 : vector<1x128x128xf32> to vector<128x128xf32>
    %dot_general3A_31 = arith.constant dense<0.000000e+00> : vector<1000x128xf32>
    %dot_general3A_32 = tpu.matmul %get3A_1, %get3A_30, %dot_general3A_31 {dimension_numbers = #tpu.dot_dimension_numbers<[1], [0], [0], [1], [0, 0, 1, 1], [], []>, transpose_lhs_hint = false} : vector<1000x128xf32>, vector<128x128xf32>, vector<1000x128xf32> -> vector<1000x128xf32>
    %swap3A_33 = arith.constant 0 : index
    %swap3A_34 = arith.constant 2 : index
    %swap3A_35 = arith.constant 0 : index
    %swap3A_36 = vector.load %arg4[%swap3A_33, %swap3A_34, %swap3A_35] : memref<1000x8x128xf32, #tpu.memory_space<vmem>>, vector<1000x1x128xf32>
    %swap3A_37 = vector.shape_cast %swap3A_36 : vector<1000x1x128xf32> to vector<1000x128xf32>
    %swap3A_38 = vector.shape_cast %dot_general3A_32 : vector<1000x128xf32> to vector<1000x1x128xf32>
    tpu.vector_store %arg4[%swap3A_33, %swap3A_34, %swap3A_35], %swap3A_38 {strides = array<i32>} : memref<1000x8x128xf32, #tpu.memory_space<vmem>>, vector<1000x1x128xf32>,
    %get3A_39 = arith.constant 3 : index
    %get3A_40 = arith.constant 0 : index
    %get3A_41 = arith.constant 0 : index
    %get3A_42 = vector.load %arg2[%get3A_39, %get3A_40, %get3A_41] : memref<8x128x128xf32, #tpu.memory_space<vmem>>, vector<1x128x128xf32>
    %get3A_43 = vector.shape_cast %get3A_42 : vector<1x128x128xf32> to vector<128x128xf32>
    %dot_general3A_44 = arith.constant dense<0.000000e+00> : vector<1000x128xf32>
    %dot_general3A_45 = tpu.matmul %get3A_1, %get3A_43, %dot_general3A_44 {dimension_numbers = #tpu.dot_dimension_numbers<[1], [0], [0], [1], [0, 0, 1, 1], [], []>, transpose_lhs_hint = false} : vector<1000x128xf32>, vector<128x128xf32>, vector<1000x128xf32> -> vector<1000x128xf32>
    %swap3A_46 = arith.constant 0 : index
    %swap3A_47 = arith.constant 3 : index
    %swap3A_48 = arith.constant 0 : index
    %swap3A_49 = vector.load %arg4[%swap3A_46, %swap3A_47, %swap3A_48] : memref<1000x8x128xf32, #tpu.memory_space<vmem>>, vector<1000x1x128xf32>
    %swap3A_50 = vector.shape_cast %swap3A_49 : vector<1000x1x128xf32> to vector<1000x128xf32>
    %swap3A_51 = vector.shape_cast %dot_general3A_45 : vector<1000x128xf32> to vector<1000x1x128xf32>
    tpu.vector_store %arg4[%swap3A_46, %swap3A_47, %swap3A_48], %swap3A_51 {strides = array<i32>} : memref<1000x8x128xf32, #tpu.memory_space<vmem>>, vector<1000x1x128xf32>,
    %get3A_52 = arith.constant 4 : index
    %get3A_53 = arith.constant 0 : index
    %get3A_54 = arith.constant 0 : index
    %get3A_55 = vector.load %arg2[%get3A_52, %get3A_53, %get3A_54] : memref<8x128x128xf32, #tpu.memory_space<vmem>>, vector<1x128x128xf32>
    %get3A_56 = vector.shape_cast %get3A_55 : vector<1x128x128xf32> to vector<128x128xf32>
    %dot_general3A_57 = arith.constant dense<0.000000e+00> : vector<1000x128xf32>
    %dot_general3A_58 = tpu.matmul %get3A_1, %get3A_56, %dot_general3A_57 {dimension_numbers = #tpu.dot_dimension_numbers<[1], [0], [0], [1], [0, 0, 1, 1], [], []>, transpose_lhs_hint = false} : vector<1000x128xf32>, vector<128x128xf32>, vector<1000x128xf32> -> vector<1000x128xf32>
    %swap3A_59 = arith.constant 0 : index
    %swap3A_60 = arith.constant 4 : index
    %swap3A_61 = arith.constant 0 : index
    %swap3A_62 = vector.load %arg4[%swap3A_59, %swap3A_60, %swap3A_61] : memref<1000x8x128xf32, #tpu.memory_space<vmem>>, vector<1000x1x128xf32>
    %swap3A_63 = vector.shape_cast %swap3A_62 : vector<1000x1x128xf32> to vector<1000x128xf32>
    %swap3A_64 = vector.shape_cast %dot_general3A_58 : vector<1000x128xf32> to vector<1000x1x128xf32>
    tpu.vector_store %arg4[%swap3A_59, %swap3A_60, %swap3A_61], %swap3A_64 {strides = array<i32>} : memref<1000x8x128xf32, #tpu.memory_space<vmem>>, vector<1000x1x128xf32>,
    %get3A_65 = arith.constant 5 : index
    %get3A_66 = arith.constant 0 : index
    %get3A_67 = arith.constant 0 : index
    %get3A_68 = vector.load %arg2[%get3A_65, %get3A_66, %get3A_67] : memref<8x128x128xf32, #tpu.memory_space<vmem>>, vector<1x128x128xf32>
    %get3A_69 = vector.shape_cast %get3A_68 : vector<1x128x128xf32> to vector<128x128xf32>
    %dot_general3A_70 = arith.constant dense<0.000000e+00> : vector<1000x128xf32>
    %dot_general3A_71 = tpu.matmul %get3A_1, %get3A_69, %dot_general3A_70 {dimension_numbers = #tpu.dot_dimension_numbers<[1], [0], [0], [1], [0, 0, 1, 1], [], []>, transpose_lhs_hint = false} : vector<1000x128xf32>, vector<128x128xf32>, vector<1000x128xf32> -> vector<1000x128xf32>
    %swap3A_72 = arith.constant 0 : index
    %swap3A_73 = arith.constant 5 : index
    %swap3A_74 = arith.constant 0 : index
    %swap3A_75 = vector.load %arg4[%swap3A_72, %swap3A_73, %swap3A_74] : memref<1000x8x128xf32, #tpu.memory_space<vmem>>, vector<1000x1x128xf32>
    %swap3A_76 = vector.shape_cast %swap3A_75 : vector<1000x1x128xf32> to vector<1000x128xf32>
    %swap3A_77 = vector.shape_cast %dot_general3A_71 : vector<1000x128xf32> to vector<1000x1x128xf32>
    tpu.vector_store %arg4[%swap3A_72, %swap3A_73, %swap3A_74], %swap3A_77 {strides = array<i32>} : memref<1000x8x128xf32, #tpu.memory_space<vmem>>, vector<1000x1x128xf32>,
    %get3A_78 = arith.constant 6 : index
    %get3A_79 = arith.constant 0 : index
    %get3A_80 = arith.constant 0 : index
    %get3A_81 = vector.load %arg2[%get3A_78, %get3A_79, %get3A_80] : memref<8x128x128xf32, #tpu.memory_space<vmem>>, vector<1x128x128xf32>
    %get3A_82 = vector.shape_cast %get3A_81 : vector<1x128x128xf32> to vector<128x128xf32>
    %dot_general3A_83 = arith.constant dense<0.000000e+00> : vector<1000x128xf32>
    %dot_general3A_84 = tpu.matmul %get3A_1, %get3A_82, %dot_general3A_83 {dimension_numbers = #tpu.dot_dimension_numbers<[1], [0], [0], [1], [0, 0, 1, 1], [], []>, transpose_lhs_hint = false} : vector<1000x128xf32>, vector<128x128xf32>, vector<1000x128xf32> -> vector<1000x128xf32>
    %swap3A_85 = arith.constant 0 : index
    %swap3A_86 = arith.constant 6 : index
    %swap3A_87 = arith.constant 0 : index
    %swap3A_88 = vector.load %arg4[%swap3A_85, %swap3A_86, %swap3A_87] : memref<1000x8x128xf32, #tpu.memory_space<vmem>>, vector<1000x1x128xf32>
    %swap3A_89 = vector.shape_cast %swap3A_88 : vector<1000x1x128xf32> to vector<1000x128xf32>
    %swap3A_90 = vector.shape_cast %dot_general3A_84 : vector<1000x128xf32> to vector<1000x1x128xf32>
    tpu.vector_store %arg4[%swap3A_85, %swap3A_86, %swap3A_87], %swap3A_90 {strides = array<i32>} : memref<1000x8x128xf32, #tpu.memory_space<vmem>>, vector<1000x1x128xf32>,
    %get3A_91 = arith.constant 7 : index
    %get3A_92 = arith.constant 0 : index
    %get3A_93 = arith.constant 0 : index
    %get3A_94 = vector.load %arg2[%get3A_91, %get3A_92, %get3A_93] : memref<8x128x128xf32, #tpu.memory_space<vmem>>, vector<1x128x128xf32>
    %get3A_95 = vector.shape_cast %get3A_94 : vector<1x128x128xf32> to vector<128x128xf32>
    %dot_general3A_96 = arith.constant dense<0.000000e+00> : vector<1000x128xf32>
    %dot_general3A_97 = tpu.matmul %get3A_1, %get3A_95, %dot_general3A_96 {dimension_numbers = #tpu.dot_dimension_numbers<[1], [0], [0], [1], [0, 0, 1, 1], [], []>, transpose_lhs_hint = false} : vector<1000x128xf32>, vector<128x128xf32>, vector<1000x128xf32> -> vector<1000x128xf32>
    %swap3A_98 = arith.constant 0 : index
    %swap3A_99 = arith.constant 7 : index
    %swap3A_100 = arith.constant 0 : index
    %swap3A_101 = vector.load %arg4[%swap3A_98, %swap3A_99, %swap3A_100] : memref<1000x8x128xf32, #tpu.memory_space<vmem>>, vector<1000x1x128xf32>
    %swap3A_102 = vector.shape_cast %swap3A_101 : vector<1000x1x128xf32> to vector<1000x128xf32>
    %swap3A_103 = vector.shape_cast %dot_general3A_97 : vector<1000x128xf32> to vector<1000x1x128xf32>
    tpu.vector_store %arg4[%swap3A_98, %swap3A_99, %swap3A_100], %swap3A_103 {strides = array<i32>} : memref<1000x8x128xf32, #tpu.memory_space<vmem>>, vector<1000x1x128xf32>,
    %get3A_104 = arith.constant 0 : index
    %get3A_105 = arith.constant 0 : index
    %get3A_106 = vector.load %arg3[%get3A_104, %get3A_105] : memref<128x128xf32, #tpu.memory_space<vmem>>, vector<128x128xf32>
    %dot_general3A_107 = arith.constant dense<0.000000e+00> : vector<1000x128xf32>
    %dot_general3A_108 = tpu.matmul %get3A_1, %get3A_106, %dot_general3A_107 {dimension_numbers = #tpu.dot_dimension_numbers<[1], [0], [0], [1], [0, 0, 1, 1], [], []>, transpose_lhs_hint = false} : vector<1000x128xf32>, vector<128x128xf32>, vector<1000x128xf32> -> vector<1000x128xf32>
    %swap3A_109 = arith.constant 0 : index
    %swap3A_110 = arith.constant 0 : index
    %swap3A_111 = vector.load %arg5[%swap3A_109, %swap3A_110] : memref<1000x128xf32, #tpu.memory_space<vmem>>, vector<1000x128xf32>
    tpu.vector_store %arg5[%swap3A_109, %swap3A_110], %dot_general3A_108 {strides = array<i32>} : memref<1000x128xf32, #tpu.memory_space<vmem>>, vector<1000x128xf32>,
    return
  }
  func.func @transform_0(%arg0: i32) -> (i32, i32) {
    %c0_i32 = arith.constant 0 : i32
    %c0_i32_0 = arith.constant 0 : i32
    return %arg0, %c0_i32 : i32, i32
  }
  func.func @transform_1(%arg0: i32) -> (i32, i32, i32) {
    %c0_i32 = arith.constant 0 : i32
    %c0_i32_0 = arith.constant 0 : i32
    %c0_i32_1 = arith.constant 0 : i32
    %c0_i32_2 = arith.constant 0 : i32
    return %c0_i32, %c0_i32_0, %c0_i32_1 : i32, i32, i32
  }
  func.func @transform_2(%arg0: i32) -> (i32, i32) {
    %c0_i32 = arith.constant 0 : i32
    %c0_i32_0 = arith.constant 0 : i32
    %c0_i32_1 = arith.constant 0 : i32
    return %c0_i32, %c0_i32_0 : i32, i32
  }
  func.func @transform_3(%arg0: i32) -> (i32, i32, i32) {
    %c0_i32 = arith.constant 0 : i32
    %c0_i32_0 = arith.constant 0 : i32
    %c0_i32_1 = arith.constant 0 : i32
    return %arg0, %c0_i32, %c0_i32_0 : i32, i32, i32
  }
  func.func @transform_4(%arg0: i32) -> (i32, i32) {
    %c0_i32 = arith.constant 0 : i32
    %c0_i32_0 = arith.constant 0 : i32
    return %arg0, %c0_i32 : i32, i32
  }
}

module attributes {stable_mosaic.version = 14 : i64} {
  func.func @_bound_hw_body(%arg0: i32, %arg1: memref<2x1000x128xf32, #tpu.memory_space<vmem>>, %arg2: memref<1000x128xf32, #tpu.memory_space<vmem>>, %arg3: memref<1x128xf32, #tpu.memory_space<vmem>>, %arg4: memref<1x128xf32, #tpu.memory_space<vmem>>, %arg5: memref<1x128xf32, #tpu.memory_space<vmem>>, %arg6: memref<8x128x128xf32, #tpu.memory_space<vmem>>, %arg7: memref<1000x8x128xf32, #tpu.memory_space<vmem>>) attributes {dimension_semantics = [#tpu.dimension_semantics<arbitrary>], iteration_bounds = array<i64: 10>, scalar_prefetch = 0 : i64, scratch_operands = 0 : i64, tpu.core_type = #tpu.core_type<tc>, window_params = [{transform_indices = @transform_0, window_bounds = array<i64: 2, 1000, 128>}, {transform_indices = @transform_1, window_bounds = array<i64: 1000, 128>}, {pipeline_mode = #tpu.pipeline_mode<synchronous>, transform_indices = @transform_2, window_bounds = array<i64: 1, 128>}, {pipeline_mode = #tpu.pipeline_mode<synchronous>, transform_indices = @transform_3, window_bounds = array<i64: 1, 128>}, {pipeline_mode = #tpu.pipeline_mode<synchronous>, transform_indices = @transform_4, window_bounds = array<i64: 1, 128>}, {pipeline_mode = #tpu.pipeline_mode<synchronous>, transform_indices = @transform_5, window_bounds = array<i64: 8, 128, 128>}, {transform_indices = @transform_6, window_bounds = array<i64: 1000, 8, 128>}]} {
    %get3A = arith.constant 0 : index
    %get3A_0 = arith.constant 0 : index
    %get3A_1 = arith.constant 0 : index
    %get3A_2 = vector.load %arg1[%get3A, %get3A_0, %get3A_1] : memref<2x1000x128xf32, #tpu.memory_space<vmem>>, vector<1x1000x128xf32>
    %get3A_3 = vector.shape_cast %get3A_2 : vector<1x1000x128xf32> to vector<1000x128xf32>
    %get3A_4 = arith.constant 1 : index
    %get3A_5 = arith.constant 0 : index
    %get3A_6 = arith.constant 0 : index
    %get3A_7 = vector.load %arg1[%get3A_4, %get3A_5, %get3A_6] : memref<2x1000x128xf32, #tpu.memory_space<vmem>>, vector<1x1000x128xf32>
    %get3A_8 = vector.shape_cast %get3A_7 : vector<1x1000x128xf32> to vector<1000x128xf32>
    %add3A = arith.addf %get3A_3, %get3A_8 : vector<1000x128xf32>
    %reduce_sum3A = arith.constant dense<0.000000e+00> : vector<1000xf32>
    %reduce_sum3A_9 = vector.multi_reduction <add>, %add3A, %reduce_sum3A [1] : vector<1000x128xf32> to vector<1000xf32>
    %broadcast_in_dim3A = vector.shape_cast %reduce_sum3A_9 : vector<1000xf32> to vector<1000x1xf32>
    %div3A = arith.constant 1.280000e+02 : f32
    %div3A_10 = vector.broadcast %div3A : f32 to vector<1000x1xf32>
    %div3A_11 = arith.divf %broadcast_in_dim3A, %div3A_10 : vector<1000x1xf32>
    %sub3A = vector.broadcast %div3A_11 : vector<1000x1xf32> to vector<1000x128xf32>
    %sub3A_12 = arith.subf %add3A, %sub3A : vector<1000x128xf32>
    %mul3A = arith.mulf %sub3A_12, %sub3A_12 : vector<1000x128xf32>
    %reduce_sum3A_13 = arith.constant dense<0.000000e+00> : vector<1000xf32>
    %reduce_sum3A_14 = vector.multi_reduction <add>, %mul3A, %reduce_sum3A_13 [1] : vector<1000x128xf32> to vector<1000xf32>
    %broadcast_in_dim3A_15 = vector.shape_cast %reduce_sum3A_14 : vector<1000xf32> to vector<1000x1xf32>
    %div3A_16 = arith.constant 1.280000e+02 : f32
    %div3A_17 = vector.broadcast %div3A_16 : f32 to vector<1000x1xf32>
    %div3A_18 = arith.divf %broadcast_in_dim3A_15, %div3A_17 : vector<1000x1xf32>
    %add3A_19 = arith.constant 9.99999974E-6 : f32
    %add3A_20 = vector.broadcast %add3A_19 : f32 to vector<1000x1xf32>
    %add3A_21 = arith.addf %div3A_18, %add3A_20 : vector<1000x1xf32>
    %rsqrt3A = math.rsqrt %add3A_21 : vector<1000x1xf32>
    %mul3A_22 = vector.broadcast %rsqrt3A : vector<1000x1xf32> to vector<1000x128xf32>
    %mul3A_23 = arith.mulf %sub3A_12, %mul3A_22 : vector<1000x128xf32>
    %get3A_24 = arith.constant 0 : index
    %get3A_25 = arith.constant 0 : index
    %get3A_26 = vector.load %arg3[%get3A_24, %get3A_25] : memref<1x128xf32, #tpu.memory_space<vmem>>, vector<1x128xf32>
    %mul3A_27 = vector.broadcast %get3A_26 : vector<1x128xf32> to vector<1000x128xf32>
    %mul3A_28 = arith.mulf %mul3A_23, %mul3A_27 : vector<1000x128xf32>
    %get3A_29 = arith.constant 0 : index
    %get3A_30 = arith.constant 0 : index
    %get3A_31 = vector.load %arg4[%get3A_29, %get3A_30] : memref<1x128xf32, #tpu.memory_space<vmem>>, vector<1x128xf32>
    %add3A_32 = vector.broadcast %get3A_31 : vector<1x128xf32> to vector<1000x128xf32>
    %add3A_33 = arith.addf %mul3A_28, %add3A_32 : vector<1000x128xf32>
    %get3A_34 = arith.constant 0 : index
    %get3A_35 = arith.constant 0 : index
    %get3A_36 = vector.load %arg5[%get3A_34, %get3A_35] : memref<1x128xf32, #tpu.memory_space<vmem>>, vector<1x128xf32>
    %add3A_37 = vector.broadcast %get3A_36 : vector<1x128xf32> to vector<1000x128xf32>
    %add3A_38 = arith.addf %add3A_33, %add3A_37 : vector<1000x128xf32>
    %get3A_39 = arith.constant 0 : index
    %get3A_40 = arith.constant 0 : index
    %get3A_41 = vector.load %arg2[%get3A_39, %get3A_40] : memref<1000x128xf32, #tpu.memory_space<vmem>>, vector<1000x128xf32>
    %add3A_42 = arith.addf %add3A_38, %get3A_41 : vector<1000x128xf32>
    %max3A = arith.constant 0.000000e+00 : f32
    %max3A_43 = vector.broadcast %max3A : f32 to vector<1000x128xf32>
    %max3A_44 = arith.maximumf %add3A_42, %max3A_43 : vector<1000x128xf32>
    %get3A_45 = arith.constant 0 : index
    %get3A_46 = arith.constant 0 : index
    %get3A_47 = arith.constant 0 : index
    %get3A_48 = vector.load %arg6[%get3A_45, %get3A_46, %get3A_47] : memref<8x128x128xf32, #tpu.memory_space<vmem>>, vector<1x128x128xf32>
    %get3A_49 = vector.shape_cast %get3A_48 : vector<1x128x128xf32> to vector<128x128xf32>
    %dot_general3A = arith.constant dense<0.000000e+00> : vector<1000x128xf32>
    %dot_general3A_50 = tpu.matmul %max3A_44, %get3A_49, %dot_general3A {dimension_numbers = #tpu.dot_dimension_numbers<[1], [0], [0], [1], [0, 0, 1, 1], [], []>, transpose_lhs_hint = false} : vector<1000x128xf32>, vector<128x128xf32>, vector<1000x128xf32> -> vector<1000x128xf32>
    %swap3A = arith.constant 0 : index
    %swap3A_51 = arith.constant 0 : index
    %swap3A_52 = arith.constant 0 : index
    %swap3A_53 = vector.load %arg7[%swap3A, %swap3A_51, %swap3A_52] : memref<1000x8x128xf32, #tpu.memory_space<vmem>>, vector<1000x1x128xf32>
    %swap3A_54 = vector.shape_cast %swap3A_53 : vector<1000x1x128xf32> to vector<1000x128xf32>
    %swap3A_55 = vector.shape_cast %dot_general3A_50 : vector<1000x128xf32> to vector<1000x1x128xf32>
    tpu.vector_store %arg7[%swap3A, %swap3A_51, %swap3A_52], %swap3A_55 {strides = array<i32>} : memref<1000x8x128xf32, #tpu.memory_space<vmem>>, vector<1000x1x128xf32>,
    %get3A_56 = arith.constant 1 : index
    %get3A_57 = arith.constant 0 : index
    %get3A_58 = arith.constant 0 : index
    %get3A_59 = vector.load %arg6[%get3A_56, %get3A_57, %get3A_58] : memref<8x128x128xf32, #tpu.memory_space<vmem>>, vector<1x128x128xf32>
    %get3A_60 = vector.shape_cast %get3A_59 : vector<1x128x128xf32> to vector<128x128xf32>
    %dot_general3A_61 = arith.constant dense<0.000000e+00> : vector<1000x128xf32>
    %dot_general3A_62 = tpu.matmul %max3A_44, %get3A_60, %dot_general3A_61 {dimension_numbers = #tpu.dot_dimension_numbers<[1], [0], [0], [1], [0, 0, 1, 1], [], []>, transpose_lhs_hint = false} : vector<1000x128xf32>, vector<128x128xf32>, vector<1000x128xf32> -> vector<1000x128xf32>
    %swap3A_63 = arith.constant 0 : index
    %swap3A_64 = arith.constant 1 : index
    %swap3A_65 = arith.constant 0 : index
    %swap3A_66 = vector.load %arg7[%swap3A_63, %swap3A_64, %swap3A_65] : memref<1000x8x128xf32, #tpu.memory_space<vmem>>, vector<1000x1x128xf32>
    %swap3A_67 = vector.shape_cast %swap3A_66 : vector<1000x1x128xf32> to vector<1000x128xf32>
    %swap3A_68 = vector.shape_cast %dot_general3A_62 : vector<1000x128xf32> to vector<1000x1x128xf32>
    tpu.vector_store %arg7[%swap3A_63, %swap3A_64, %swap3A_65], %swap3A_68 {strides = array<i32>} : memref<1000x8x128xf32, #tpu.memory_space<vmem>>, vector<1000x1x128xf32>,
    %get3A_69 = arith.constant 2 : index
    %get3A_70 = arith.constant 0 : index
    %get3A_71 = arith.constant 0 : index
    %get3A_72 = vector.load %arg6[%get3A_69, %get3A_70, %get3A_71] : memref<8x128x128xf32, #tpu.memory_space<vmem>>, vector<1x128x128xf32>
    %get3A_73 = vector.shape_cast %get3A_72 : vector<1x128x128xf32> to vector<128x128xf32>
    %dot_general3A_74 = arith.constant dense<0.000000e+00> : vector<1000x128xf32>
    %dot_general3A_75 = tpu.matmul %max3A_44, %get3A_73, %dot_general3A_74 {dimension_numbers = #tpu.dot_dimension_numbers<[1], [0], [0], [1], [0, 0, 1, 1], [], []>, transpose_lhs_hint = false} : vector<1000x128xf32>, vector<128x128xf32>, vector<1000x128xf32> -> vector<1000x128xf32>
    %swap3A_76 = arith.constant 0 : index
    %swap3A_77 = arith.constant 2 : index
    %swap3A_78 = arith.constant 0 : index
    %swap3A_79 = vector.load %arg7[%swap3A_76, %swap3A_77, %swap3A_78] : memref<1000x8x128xf32, #tpu.memory_space<vmem>>, vector<1000x1x128xf32>
    %swap3A_80 = vector.shape_cast %swap3A_79 : vector<1000x1x128xf32> to vector<1000x128xf32>
    %swap3A_81 = vector.shape_cast %dot_general3A_75 : vector<1000x128xf32> to vector<1000x1x128xf32>
    tpu.vector_store %arg7[%swap3A_76, %swap3A_77, %swap3A_78], %swap3A_81 {strides = array<i32>} : memref<1000x8x128xf32, #tpu.memory_space<vmem>>, vector<1000x1x128xf32>,
    %get3A_82 = arith.constant 3 : index
    %get3A_83 = arith.constant 0 : index
    %get3A_84 = arith.constant 0 : index
    %get3A_85 = vector.load %arg6[%get3A_82, %get3A_83, %get3A_84] : memref<8x128x128xf32, #tpu.memory_space<vmem>>, vector<1x128x128xf32>
    %get3A_86 = vector.shape_cast %get3A_85 : vector<1x128x128xf32> to vector<128x128xf32>
    %dot_general3A_87 = arith.constant dense<0.000000e+00> : vector<1000x128xf32>
    %dot_general3A_88 = tpu.matmul %max3A_44, %get3A_86, %dot_general3A_87 {dimension_numbers = #tpu.dot_dimension_numbers<[1], [0], [0], [1], [0, 0, 1, 1], [], []>, transpose_lhs_hint = false} : vector<1000x128xf32>, vector<128x128xf32>, vector<1000x128xf32> -> vector<1000x128xf32>
    %swap3A_89 = arith.constant 0 : index
    %swap3A_90 = arith.constant 3 : index
    %swap3A_91 = arith.constant 0 : index
    %swap3A_92 = vector.load %arg7[%swap3A_89, %swap3A_90, %swap3A_91] : memref<1000x8x128xf32, #tpu.memory_space<vmem>>, vector<1000x1x128xf32>
    %swap3A_93 = vector.shape_cast %swap3A_92 : vector<1000x1x128xf32> to vector<1000x128xf32>
    %swap3A_94 = vector.shape_cast %dot_general3A_88 : vector<1000x128xf32> to vector<1000x1x128xf32>
    tpu.vector_store %arg7[%swap3A_89, %swap3A_90, %swap3A_91], %swap3A_94 {strides = array<i32>} : memref<1000x8x128xf32, #tpu.memory_space<vmem>>, vector<1000x1x128xf32>,
    %get3A_95 = arith.constant 4 : index
    %get3A_96 = arith.constant 0 : index
    %get3A_97 = arith.constant 0 : index
    %get3A_98 = vector.load %arg6[%get3A_95, %get3A_96, %get3A_97] : memref<8x128x128xf32, #tpu.memory_space<vmem>>, vector<1x128x128xf32>
    %get3A_99 = vector.shape_cast %get3A_98 : vector<1x128x128xf32> to vector<128x128xf32>
    %dot_general3A_100 = arith.constant dense<0.000000e+00> : vector<1000x128xf32>
    %dot_general3A_101 = tpu.matmul %max3A_44, %get3A_99, %dot_general3A_100 {dimension_numbers = #tpu.dot_dimension_numbers<[1], [0], [0], [1], [0, 0, 1, 1], [], []>, transpose_lhs_hint = false} : vector<1000x128xf32>, vector<128x128xf32>, vector<1000x128xf32> -> vector<1000x128xf32>
    %swap3A_102 = arith.constant 0 : index
    %swap3A_103 = arith.constant 4 : index
    %swap3A_104 = arith.constant 0 : index
    %swap3A_105 = vector.load %arg7[%swap3A_102, %swap3A_103, %swap3A_104] : memref<1000x8x128xf32, #tpu.memory_space<vmem>>, vector<1000x1x128xf32>
    %swap3A_106 = vector.shape_cast %swap3A_105 : vector<1000x1x128xf32> to vector<1000x128xf32>
    %swap3A_107 = vector.shape_cast %dot_general3A_101 : vector<1000x128xf32> to vector<1000x1x128xf32>
    tpu.vector_store %arg7[%swap3A_102, %swap3A_103, %swap3A_104], %swap3A_107 {strides = array<i32>} : memref<1000x8x128xf32, #tpu.memory_space<vmem>>, vector<1000x1x128xf32>,
    %get3A_108 = arith.constant 5 : index
    %get3A_109 = arith.constant 0 : index
    %get3A_110 = arith.constant 0 : index
    %get3A_111 = vector.load %arg6[%get3A_108, %get3A_109, %get3A_110] : memref<8x128x128xf32, #tpu.memory_space<vmem>>, vector<1x128x128xf32>
    %get3A_112 = vector.shape_cast %get3A_111 : vector<1x128x128xf32> to vector<128x128xf32>
    %dot_general3A_113 = arith.constant dense<0.000000e+00> : vector<1000x128xf32>
    %dot_general3A_114 = tpu.matmul %max3A_44, %get3A_112, %dot_general3A_113 {dimension_numbers = #tpu.dot_dimension_numbers<[1], [0], [0], [1], [0, 0, 1, 1], [], []>, transpose_lhs_hint = false} : vector<1000x128xf32>, vector<128x128xf32>, vector<1000x128xf32> -> vector<1000x128xf32>
    %swap3A_115 = arith.constant 0 : index
    %swap3A_116 = arith.constant 5 : index
    %swap3A_117 = arith.constant 0 : index
    %swap3A_118 = vector.load %arg7[%swap3A_115, %swap3A_116, %swap3A_117] : memref<1000x8x128xf32, #tpu.memory_space<vmem>>, vector<1000x1x128xf32>
    %swap3A_119 = vector.shape_cast %swap3A_118 : vector<1000x1x128xf32> to vector<1000x128xf32>
    %swap3A_120 = vector.shape_cast %dot_general3A_114 : vector<1000x128xf32> to vector<1000x1x128xf32>
    tpu.vector_store %arg7[%swap3A_115, %swap3A_116, %swap3A_117], %swap3A_120 {strides = array<i32>} : memref<1000x8x128xf32, #tpu.memory_space<vmem>>, vector<1000x1x128xf32>,
    %get3A_121 = arith.constant 6 : index
    %get3A_122 = arith.constant 0 : index
    %get3A_123 = arith.constant 0 : index
    %get3A_124 = vector.load %arg6[%get3A_121, %get3A_122, %get3A_123] : memref<8x128x128xf32, #tpu.memory_space<vmem>>, vector<1x128x128xf32>
    %get3A_125 = vector.shape_cast %get3A_124 : vector<1x128x128xf32> to vector<128x128xf32>
    %dot_general3A_126 = arith.constant dense<0.000000e+00> : vector<1000x128xf32>
    %dot_general3A_127 = tpu.matmul %max3A_44, %get3A_125, %dot_general3A_126 {dimension_numbers = #tpu.dot_dimension_numbers<[1], [0], [0], [1], [0, 0, 1, 1], [], []>, transpose_lhs_hint = false} : vector<1000x128xf32>, vector<128x128xf32>, vector<1000x128xf32> -> vector<1000x128xf32>
    %swap3A_128 = arith.constant 0 : index
    %swap3A_129 = arith.constant 6 : index
    %swap3A_130 = arith.constant 0 : index
    %swap3A_131 = vector.load %arg7[%swap3A_128, %swap3A_129, %swap3A_130] : memref<1000x8x128xf32, #tpu.memory_space<vmem>>, vector<1000x1x128xf32>
    %swap3A_132 = vector.shape_cast %swap3A_131 : vector<1000x1x128xf32> to vector<1000x128xf32>
    %swap3A_133 = vector.shape_cast %dot_general3A_127 : vector<1000x128xf32> to vector<1000x1x128xf32>
    tpu.vector_store %arg7[%swap3A_128, %swap3A_129, %swap3A_130], %swap3A_133 {strides = array<i32>} : memref<1000x8x128xf32, #tpu.memory_space<vmem>>, vector<1000x1x128xf32>,
    %get3A_134 = arith.constant 7 : index
    %get3A_135 = arith.constant 0 : index
    %get3A_136 = arith.constant 0 : index
    %get3A_137 = vector.load %arg6[%get3A_134, %get3A_135, %get3A_136] : memref<8x128x128xf32, #tpu.memory_space<vmem>>, vector<1x128x128xf32>
    %get3A_138 = vector.shape_cast %get3A_137 : vector<1x128x128xf32> to vector<128x128xf32>
    %dot_general3A_139 = arith.constant dense<0.000000e+00> : vector<1000x128xf32>
    %dot_general3A_140 = tpu.matmul %max3A_44, %get3A_138, %dot_general3A_139 {dimension_numbers = #tpu.dot_dimension_numbers<[1], [0], [0], [1], [0, 0, 1, 1], [], []>, transpose_lhs_hint = false} : vector<1000x128xf32>, vector<128x128xf32>, vector<1000x128xf32> -> vector<1000x128xf32>
    %swap3A_141 = arith.constant 0 : index
    %swap3A_142 = arith.constant 7 : index
    %swap3A_143 = arith.constant 0 : index
    %swap3A_144 = vector.load %arg7[%swap3A_141, %swap3A_142, %swap3A_143] : memref<1000x8x128xf32, #tpu.memory_space<vmem>>, vector<1000x1x128xf32>
    %swap3A_145 = vector.shape_cast %swap3A_144 : vector<1000x1x128xf32> to vector<1000x128xf32>
    %swap3A_146 = vector.shape_cast %dot_general3A_140 : vector<1000x128xf32> to vector<1000x1x128xf32>
    tpu.vector_store %arg7[%swap3A_141, %swap3A_142, %swap3A_143], %swap3A_146 {strides = array<i32>} : memref<1000x8x128xf32, #tpu.memory_space<vmem>>, vector<1000x1x128xf32>,
    return
  }
  func.func @transform_0(%arg0: i32) -> (i32, i32, i32) {
    %c0_i32 = arith.constant 0 : i32
    %c0_i32_0 = arith.constant 0 : i32
    %c0_i32_1 = arith.constant 0 : i32
    return %c0_i32, %arg0, %c0_i32_0 : i32, i32, i32
  }
  func.func @transform_1(%arg0: i32) -> (i32, i32) {
    %c0_i32 = arith.constant 0 : i32
    %c0_i32_0 = arith.constant 0 : i32
    return %arg0, %c0_i32 : i32, i32
  }
  func.func @transform_2(%arg0: i32) -> (i32, i32) {
    %c0_i32 = arith.constant 0 : i32
    %c0_i32_0 = arith.constant 0 : i32
    %c0_i32_1 = arith.constant 0 : i32
    return %c0_i32, %c0_i32_0 : i32, i32
  }
  func.func @transform_3(%arg0: i32) -> (i32, i32) {
    %c0_i32 = arith.constant 0 : i32
    %c0_i32_0 = arith.constant 0 : i32
    %c0_i32_1 = arith.constant 0 : i32
    return %c0_i32, %c0_i32_0 : i32, i32
  }
  func.func @transform_4(%arg0: i32) -> (i32, i32) {
    %c0_i32 = arith.constant 0 : i32
    %c0_i32_0 = arith.constant 0 : i32
    %c0_i32_1 = arith.constant 0 : i32
    return %c0_i32, %c0_i32_0 : i32, i32
  }
  func.func @transform_5(%arg0: i32) -> (i32, i32, i32) {
    %c0_i32 = arith.constant 0 : i32
    %c0_i32_0 = arith.constant 0 : i32
    %c0_i32_1 = arith.constant 0 : i32
    %c0_i32_2 = arith.constant 0 : i32
    return %c0_i32, %c0_i32_0, %c0_i32_1 : i32, i32, i32
  }
  func.func @transform_6(%arg0: i32) -> (i32, i32, i32) {
    %c0_i32 = arith.constant 0 : i32
    %c0_i32_0 = arith.constant 0 : i32
    %c0_i32_1 = arith.constant 0 : i32
    return %arg0, %c0_i32, %c0_i32_0 : i32, i32, i32
  }
}

module attributes {stable_mosaic.version = 14 : i64} {
  func.func @_bound_loop_body(%arg0: i32, %arg1: memref<2x1000x128xf32, #tpu.memory_space<vmem>>, %arg2: memref<1000x128xf32, #tpu.memory_space<vmem>>, %arg3: memref<1x128xf32, #tpu.memory_space<vmem>>, %arg4: memref<1x128xf32, #tpu.memory_space<vmem>>, %arg5: memref<1x128xf32, #tpu.memory_space<vmem>>, %arg6: memref<128x128xf32, #tpu.memory_space<vmem>>, %arg7: memref<1000x128xf32, #tpu.memory_space<vmem>>) attributes {dimension_semantics = [#tpu.dimension_semantics<arbitrary>], iteration_bounds = array<i64: 10>, scalar_prefetch = 0 : i64, scratch_operands = 0 : i64, tpu.core_type = #tpu.core_type<tc>, window_params = [{transform_indices = @transform_0, window_bounds = array<i64: 2, 1000, 128>}, {transform_indices = @transform_1, window_bounds = array<i64: 1000, 128>}, {pipeline_mode = #tpu.pipeline_mode<synchronous>, transform_indices = @transform_2, window_bounds = array<i64: 1, 128>}, {pipeline_mode = #tpu.pipeline_mode<synchronous>, transform_indices = @transform_3, window_bounds = array<i64: 1, 128>}, {pipeline_mode = #tpu.pipeline_mode<synchronous>, transform_indices = @transform_4, window_bounds = array<i64: 1, 128>}, {pipeline_mode = #tpu.pipeline_mode<synchronous>, transform_indices = @transform_5, window_bounds = array<i64: 128, 128>}, {transform_indices = @transform_6, window_bounds = array<i64: 1000, 128>}]} {
    %get3A = arith.constant 0 : index
    %get3A_0 = arith.constant 0 : index
    %get3A_1 = arith.constant 0 : index
    %get3A_2 = vector.load %arg1[%get3A, %get3A_0, %get3A_1] : memref<2x1000x128xf32, #tpu.memory_space<vmem>>, vector<1x1000x128xf32>
    %get3A_3 = vector.shape_cast %get3A_2 : vector<1x1000x128xf32> to vector<1000x128xf32>
    %get3A_4 = arith.constant 1 : index
    %get3A_5 = arith.constant 0 : index
    %get3A_6 = arith.constant 0 : index
    %get3A_7 = vector.load %arg1[%get3A_4, %get3A_5, %get3A_6] : memref<2x1000x128xf32, #tpu.memory_space<vmem>>, vector<1x1000x128xf32>
    %get3A_8 = vector.shape_cast %get3A_7 : vector<1x1000x128xf32> to vector<1000x128xf32>
    %add3A = arith.addf %get3A_3, %get3A_8 : vector<1000x128xf32>
    %reduce_sum3A = arith.constant dense<0.000000e+00> : vector<1000xf32>
    %reduce_sum3A_9 = vector.multi_reduction <add>, %add3A, %reduce_sum3A [1] : vector<1000x128xf32> to vector<1000xf32>
    %broadcast_in_dim3A = vector.shape_cast %reduce_sum3A_9 : vector<1000xf32> to vector<1000x1xf32>
    %div3A = arith.constant 1.280000e+02 : f32
    %div3A_10 = vector.broadcast %div3A : f32 to vector<1000x1xf32>
    %div3A_11 = arith.divf %broadcast_in_dim3A, %div3A_10 : vector<1000x1xf32>
    %sub3A = vector.broadcast %div3A_11 : vector<1000x1xf32> to vector<1000x128xf32>
    %sub3A_12 = arith.subf %add3A, %sub3A : vector<1000x128xf32>
    %mul3A = arith.mulf %sub3A_12, %sub3A_12 : vector<1000x128xf32>
    %reduce_sum3A_13 = arith.constant dense<0.000000e+00> : vector<1000xf32>
    %reduce_sum3A_14 = vector.multi_reduction <add>, %mul3A, %reduce_sum3A_13 [1] : vector<1000x128xf32> to vector<1000xf32>
    %broadcast_in_dim3A_15 = vector.shape_cast %reduce_sum3A_14 : vector<1000xf32> to vector<1000x1xf32>
    %div3A_16 = arith.constant 1.280000e+02 : f32
    %div3A_17 = vector.broadcast %div3A_16 : f32 to vector<1000x1xf32>
    %div3A_18 = arith.divf %broadcast_in_dim3A_15, %div3A_17 : vector<1000x1xf32>
    %add3A_19 = arith.constant 9.99999974E-6 : f32
    %add3A_20 = vector.broadcast %add3A_19 : f32 to vector<1000x1xf32>
    %add3A_21 = arith.addf %div3A_18, %add3A_20 : vector<1000x1xf32>
    %rsqrt3A = math.rsqrt %add3A_21 : vector<1000x1xf32>
    %mul3A_22 = vector.broadcast %rsqrt3A : vector<1000x1xf32> to vector<1000x128xf32>
    %mul3A_23 = arith.mulf %sub3A_12, %mul3A_22 : vector<1000x128xf32>
    %get3A_24 = arith.constant 0 : index
    %get3A_25 = arith.constant 0 : index
    %get3A_26 = vector.load %arg3[%get3A_24, %get3A_25] : memref<1x128xf32, #tpu.memory_space<vmem>>, vector<1x128xf32>
    %mul3A_27 = vector.broadcast %get3A_26 : vector<1x128xf32> to vector<1000x128xf32>
    %mul3A_28 = arith.mulf %mul3A_23, %mul3A_27 : vector<1000x128xf32>
    %get3A_29 = arith.constant 0 : index
    %get3A_30 = arith.constant 0 : index
    %get3A_31 = vector.load %arg4[%get3A_29, %get3A_30] : memref<1x128xf32, #tpu.memory_space<vmem>>, vector<1x128xf32>
    %add3A_32 = vector.broadcast %get3A_31 : vector<1x128xf32> to vector<1000x128xf32>
    %add3A_33 = arith.addf %mul3A_28, %add3A_32 : vector<1000x128xf32>
    %get3A_34 = arith.constant 0 : index
    %get3A_35 = arith.constant 0 : index
    %get3A_36 = vector.load %arg5[%get3A_34, %get3A_35] : memref<1x128xf32, #tpu.memory_space<vmem>>, vector<1x128xf32>
    %add3A_37 = vector.broadcast %get3A_36 : vector<1x128xf32> to vector<1000x128xf32>
    %add3A_38 = arith.addf %add3A_33, %add3A_37 : vector<1000x128xf32>
    %get3A_39 = arith.constant 0 : index
    %get3A_40 = arith.constant 0 : index
    %get3A_41 = vector.load %arg2[%get3A_39, %get3A_40] : memref<1000x128xf32, #tpu.memory_space<vmem>>, vector<1000x128xf32>
    %add3A_42 = arith.addf %add3A_38, %get3A_41 : vector<1000x128xf32>
    %max3A = arith.constant 0.000000e+00 : f32
    %max3A_43 = vector.broadcast %max3A : f32 to vector<1000x128xf32>
    %max3A_44 = arith.maximumf %add3A_42, %max3A_43 : vector<1000x128xf32>
    %get3A_45 = arith.constant 0 : index
    %get3A_46 = arith.constant 0 : index
    %get3A_47 = vector.load %arg6[%get3A_45, %get3A_46] : memref<128x128xf32, #tpu.memory_space<vmem>>, vector<128x128xf32>
    %dot_general3A = arith.constant dense<0.000000e+00> : vector<1000x128xf32>
    %dot_general3A_48 = tpu.matmul %max3A_44, %get3A_47, %dot_general3A {dimension_numbers = #tpu.dot_dimension_numbers<[1], [0], [0], [1], [0, 0, 1, 1], [], []>, transpose_lhs_hint = false} : vector<1000x128xf32>, vector<128x128xf32>, vector<1000x128xf32> -> vector<1000x128xf32>
    %swap3A = arith.constant 0 : index
    %swap3A_49 = arith.constant 0 : index
    %swap3A_50 = vector.load %arg7[%swap3A, %swap3A_49] : memref<1000x128xf32, #tpu.memory_space<vmem>>, vector<1000x128xf32>
    tpu.vector_store %arg7[%swap3A, %swap3A_49], %dot_general3A_48 {strides = array<i32>} : memref<1000x128xf32, #tpu.memory_space<vmem>>, vector<1000x128xf32>,
    return
  }
  func.func @transform_0(%arg0: i32) -> (i32, i32, i32) {
    %c0_i32 = arith.constant 0 : i32
    %c0_i32_0 = arith.constant 0 : i32
    %c0_i32_1 = arith.constant 0 : i32
    return %c0_i32, %arg0, %c0_i32_0 : i32, i32, i32
  }
  func.func @transform_1(%arg0: i32) -> (i32, i32) {
    %c0_i32 = arith.constant 0 : i32
    %c0_i32_0 = arith.constant 0 : i32
    return %arg0, %c0_i32 : i32, i32
  }
  func.func @transform_2(%arg0: i32) -> (i32, i32) {
    %c0_i32 = arith.constant 0 : i32
    %c0_i32_0 = arith.constant 0 : i32
    %c0_i32_1 = arith.constant 0 : i32
    return %c0_i32, %c0_i32_0 : i32, i32
  }
  func.func @transform_3(%arg0: i32) -> (i32, i32) {
    %c0_i32 = arith.constant 0 : i32
    %c0_i32_0 = arith.constant 0 : i32
    %c0_i32_1 = arith.constant 0 : i32
    return %c0_i32, %c0_i32_0 : i32, i32
  }
  func.func @transform_4(%arg0: i32) -> (i32, i32) {
    %c0_i32 = arith.constant 0 : i32
    %c0_i32_0 = arith.constant 0 : i32
    %c0_i32_1 = arith.constant 0 : i32
    return %c0_i32, %c0_i32_0 : i32, i32
  }
  func.func @transform_5(%arg0: i32) -> (i32, i32) {
    %c0_i32 = arith.constant 0 : i32
    %c0_i32_0 = arith.constant 0 : i32
    %c0_i32_1 = arith.constant 0 : i32
    return %c0_i32, %c0_i32_0 : i32, i32
  }
  func.func @transform_6(%arg0: i32) -> (i32, i32) {
    %c0_i32 = arith.constant 0 : i32
    %c0_i32_0 = arith.constant 0 : i32
    return %arg0, %c0_i32 : i32, i32
  }
}

module attributes {stable_mosaic.version = 14 : i64} {
  func.func @_post_body(%arg0: i32, %arg1: memref<2x1000x128xf32, #tpu.memory_space<vmem>>, %arg2: memref<1000x128xf32, #tpu.memory_space<vmem>>, %arg3: memref<1x128xf32, #tpu.memory_space<vmem>>, %arg4: memref<1x128xf32, #tpu.memory_space<vmem>>, %arg5: memref<1x128xf32, #tpu.memory_space<vmem>>, %arg6: memref<1000x128xf32, #tpu.memory_space<vmem>>) attributes {dimension_semantics = [#tpu.dimension_semantics<arbitrary>], iteration_bounds = array<i64: 10>, scalar_prefetch = 0 : i64, scratch_operands = 0 : i64, tpu.core_type = #tpu.core_type<tc>, window_params = [{transform_indices = @transform_0, window_bounds = array<i64: 2, 1000, 128>}, {transform_indices = @transform_1, window_bounds = array<i64: 1000, 128>}, {pipeline_mode = #tpu.pipeline_mode<synchronous>, transform_indices = @transform_2, window_bounds = array<i64: 1, 128>}, {pipeline_mode = #tpu.pipeline_mode<synchronous>, transform_indices = @transform_3, window_bounds = array<i64: 1, 128>}, {pipeline_mode = #tpu.pipeline_mode<synchronous>, transform_indices = @transform_4, window_bounds = array<i64: 1, 128>}, {transform_indices = @transform_5, window_bounds = array<i64: 1000, 128>}]} {
    %get3A = arith.constant 0 : index
    %get3A_0 = arith.constant 0 : index
    %get3A_1 = arith.constant 0 : index
    %get3A_2 = vector.load %arg1[%get3A, %get3A_0, %get3A_1] : memref<2x1000x128xf32, #tpu.memory_space<vmem>>, vector<1x1000x128xf32>
    %get3A_3 = vector.shape_cast %get3A_2 : vector<1x1000x128xf32> to vector<1000x128xf32>
    %get3A_4 = arith.constant 1 : index
    %get3A_5 = arith.constant 0 : index
    %get3A_6 = arith.constant 0 : index
    %get3A_7 = vector.load %arg1[%get3A_4, %get3A_5, %get3A_6] : memref<2x1000x128xf32, #tpu.memory_space<vmem>>, vector<1x1000x128xf32>
    %get3A_8 = vector.shape_cast %get3A_7 : vector<1x1000x128xf32> to vector<1000x128xf32>
    %add3A = arith.addf %get3A_3, %get3A_8 : vector<1000x128xf32>
    %reduce_sum3A = arith.constant dense<0.000000e+00> : vector<1000xf32>
    %reduce_sum3A_9 = vector.multi_reduction <add>, %add3A, %reduce_sum3A [1] : vector<1000x128xf32> to vector<1000xf32>
    %broadcast_in_dim3A = vector.shape_cast %reduce_sum3A_9 : vector<1000xf32> to vector<1000x1xf32>
    %div3A = arith.constant 1.280000e+02 : f32
    %div3A_10 = vector.broadcast %div3A : f32 to vector<1000x1xf32>
    %div3A_11 = arith.divf %broadcast_in_dim3A, %div3A_10 : vector<1000x1xf32>
    %sub3A = vector.broadcast %div3A_11 : vector<1000x1xf32> to vector<1000x128xf32>
    %sub3A_12 = arith.subf %add3A, %sub3A : vector<1000x128xf32>
    %mul3A = arith.mulf %sub3A_12, %sub3A_12 : vector<1000x128xf32>
    %reduce_sum3A_13 = arith.constant dense<0.000000e+00> : vector<1000xf32>
    %reduce_sum3A_14 = vector.multi_reduction <add>, %mul3A, %reduce_sum3A_13 [1] : vector<1000x128xf32> to vector<1000xf32>
    %broadcast_in_dim3A_15 = vector.shape_cast %reduce_sum3A_14 : vector<1000xf32> to vector<1000x1xf32>
    %div3A_16 = arith.constant 1.280000e+02 : f32
    %div3A_17 = vector.broadcast %div3A_16 : f32 to vector<1000x1xf32>
    %div3A_18 = arith.divf %broadcast_in_dim3A_15, %div3A_17 : vector<1000x1xf32>
    %add3A_19 = arith.constant 9.99999974E-6 : f32
    %add3A_20 = vector.broadcast %add3A_19 : f32 to vector<1000x1xf32>
    %add3A_21 = arith.addf %div3A_18, %add3A_20 : vector<1000x1xf32>
    %rsqrt3A = math.rsqrt %add3A_21 : vector<1000x1xf32>
    %mul3A_22 = vector.broadcast %rsqrt3A : vector<1000x1xf32> to vector<1000x128xf32>
    %mul3A_23 = arith.mulf %sub3A_12, %mul3A_22 : vector<1000x128xf32>
    %get3A_24 = arith.constant 0 : index
    %get3A_25 = arith.constant 0 : index
    %get3A_26 = vector.load %arg3[%get3A_24, %get3A_25] : memref<1x128xf32, #tpu.memory_space<vmem>>, vector<1x128xf32>
    %mul3A_27 = vector.broadcast %get3A_26 : vector<1x128xf32> to vector<1000x128xf32>
    %mul3A_28 = arith.mulf %mul3A_23, %mul3A_27 : vector<1000x128xf32>
    %get3A_29 = arith.constant 0 : index
    %get3A_30 = arith.constant 0 : index
    %get3A_31 = vector.load %arg4[%get3A_29, %get3A_30] : memref<1x128xf32, #tpu.memory_space<vmem>>, vector<1x128xf32>
    %add3A_32 = vector.broadcast %get3A_31 : vector<1x128xf32> to vector<1000x128xf32>
    %add3A_33 = arith.addf %mul3A_28, %add3A_32 : vector<1000x128xf32>
    %get3A_34 = arith.constant 0 : index
    %get3A_35 = arith.constant 0 : index
    %get3A_36 = vector.load %arg5[%get3A_34, %get3A_35] : memref<1x128xf32, #tpu.memory_space<vmem>>, vector<1x128xf32>
    %add3A_37 = vector.broadcast %get3A_36 : vector<1x128xf32> to vector<1000x128xf32>
    %add3A_38 = arith.addf %add3A_33, %add3A_37 : vector<1000x128xf32>
    %get3A_39 = arith.constant 0 : index
    %get3A_40 = arith.constant 0 : index
    %get3A_41 = vector.load %arg2[%get3A_39, %get3A_40] : memref<1000x128xf32, #tpu.memory_space<vmem>>, vector<1000x128xf32>
    %add3A_42 = arith.addf %add3A_38, %get3A_41 : vector<1000x128xf32>
    %swap3A = arith.constant 0 : index
    %swap3A_43 = arith.constant 0 : index
    %swap3A_44 = vector.load %arg6[%swap3A, %swap3A_43] : memref<1000x128xf32, #tpu.memory_space<vmem>>, vector<1000x128xf32>
    tpu.vector_store %arg6[%swap3A, %swap3A_43], %add3A_42 {strides = array<i32>} : memref<1000x128xf32, #tpu.memory_space<vmem>>, vector<1000x128xf32>,
    return
  }
  func.func @transform_0(%arg0: i32) -> (i32, i32, i32) {
    %c0_i32 = arith.constant 0 : i32
    %c0_i32_0 = arith.constant 0 : i32
    %c0_i32_1 = arith.constant 0 : i32
    return %c0_i32, %arg0, %c0_i32_0 : i32, i32, i32
  }
  func.func @transform_1(%arg0: i32) -> (i32, i32) {
    %c0_i32 = arith.constant 0 : i32
    %c0_i32_0 = arith.constant 0 : i32
    return %arg0, %c0_i32 : i32, i32
  }
  func.func @transform_2(%arg0: i32) -> (i32, i32) {
    %c0_i32 = arith.constant 0 : i32
    %c0_i32_0 = arith.constant 0 : i32
    %c0_i32_1 = arith.constant 0 : i32
    return %c0_i32, %c0_i32_0 : i32, i32
  }
  func.func @transform_3(%arg0: i32) -> (i32, i32) {
    %c0_i32 = arith.constant 0 : i32
    %c0_i32_0 = arith.constant 0 : i32
    %c0_i32_1 = arith.constant 0 : i32
    return %c0_i32, %c0_i32_0 : i32, i32
  }
  func.func @transform_4(%arg0: i32) -> (i32, i32) {
    %c0_i32 = arith.constant 0 : i32
    %c0_i32_0 = arith.constant 0 : i32
    %c0_i32_1 = arith.constant 0 : i32
    return %c0_i32, %c0_i32_0 : i32, i32
  }
  func.func @transform_5(%arg0: i32) -> (i32, i32) {
    %c0_i32 = arith.constant 0 : i32
    %c0_i32_0 = arith.constant 0 : i32
    return %arg0, %c0_i32 : i32, i32
  }
}

</mosaic_0001>

<sc_bundles>
// kernel: kernel.11.cloned.1.call-start
scs
__scs_entry_jumppad:
0x0: {  	(pc) =	sbr.rel $0x88, $3  }
0x1: {  	(tag) =	ssettag $0x0;
	lr =	simm.s32 $0x1  }
0x2: {  	[smem:$0x3F8F] =	sst lr;
	_ =	strace $0xD0000000  }
0x3: {  	_ = 	snop  }
0x4: {  	_ = 	snop  }
0x5: {  	_ = 	snop  }
0x6: {  	_ = 	snop  }
0x7: {  	_ = 	snop  }
__scs_overlays_trampoline_lowered:
0x8: {  	[smem:$0x3F9E] =	sst s0  }
0x9: {  	[smem:$0x3F9F] =	sst s1  }
0xa: {  	[smem:$0x3FA0] =	sst s2  }
0xb: {  	[smem:$0x3FA1] =	sst s3  }
0xc: {  	[smem:$0x3FA2] =	sst s4  }
0xd: {  	[smem:$0x3FA3] =	sst s5  }
0xe: {  	[smem:$0x3FA4] =	sst s6  }
0xf: {  	[smem:$0x3FA5] =	sst s7  }
0x10: {  	[smem:$0x3FA6] =	sst s8  }
0x11: {  	[smem:$0x3FA7] =	sst s9;
	s0 =	simm.s32 @!p0 $0x0  }
0x12: {  	s1 =	sld [smem:$0x3F8D];
	s0 =	simm.s32 @p0 $0x1  }
0x13: {  	[smem:$0x3FA8] =	sst s0;
	s0 =	simm.s32 @!p1 $0x0  }
0x14: {  	s2 =	sld [smem:$0x3F8C];
	s0 =	simm.s32 @p1 $0x1  }
0x15: {  	[smem:$0x3FA9] =	sst s0;
	s0 =	simm.s32 @!p2 $0x0  }
0x16: {  	s3 =	sld [smem:$0x3FDB];
	s0 =	simm.s32 @p2 $0x1  }
0x17: {  	s4 =	simm.s32 $0x1BF5;
	[smem:$0x3FAB] =	sst s0  }
0x18: {  	s0 =	sld [smem:$0x3F8E];
	_ =	swait.ge [sflag:s4], $0x0  }
0x19: {  	s7 =	sld [smem:$0x3F8F]  }
0x1a: {  	s8 =	sadd.s32 $0xFFFFE003, lr  }
0x1b: {  	s9 =	sadd.s32 $0xFFFFFEF7, lr;
	s5 =	simm.s32 $0xFFFFFFFF;
	p2 =	slt.u32 s8, $0xFFFFF086  }
0x1c: {  	p1 =	slt.u32 s9, $0xF7A;
	s5 =	simm.s32 @!p2 $0x0  }
0x1d: {  	s5 =	simm.s32 @p1 $0x1;
	p0 =	seq.s32 s7, s2  }
0x1e: {  	s7 =	smul.u32 @!p0 $0xF7A, s2;
	p2 =	seq.s32 @!p0 s5, $0x0  }
0x1f: {  	s9 =	smul.u32 $0xF7A, s1;
	s8 =	simm.s32 @!p0 $0x1BF5;
	p2 =	por !p2, p0  }
0x20: {  	[sflag:s8] =	ssyncset.s32 @!p0 $0xFFFFF086;
	s6 =	sadd.s32 @!p0 s3, s7;
	s7 =	simm.s32 @!p0 $0x108  }
0x21: {  	s3 =	sadd.s32 s3, s9;
	s6 =	sadd.s32 @!p0 $0x88, s6;
	s7 =	simm.s32 @p2 $0x1082  }
0x22: {  	[simem:s7], [sflag:s8] =	dma.local @!p0 [hbm:s6], $0xF7A  }
0x23: {  	s9 =	sor.u32 $0xD0000000, s2;
	s6 =	simm.s32 $0x108;
	_ =	swait.ge @!p0 [sflag:s8], $0x0  }
0x24: {  	s3 =	sadd.s32 $0x88, s3;
	s6 =	simm.s32 @!p1 $0x1082;
	[sflag:s4] =	ssyncset.s32 $0xFFFFF086  }
0x25: {  	[simem:s6], [sflag:s4] =	dma.local [hbm:s3], $0xF7A  }
0x26: {  	[smem:$0x3F8F] =	sst s1;
	(tag) =	ssettag s2;
	_ =	strace s9  }
0x27: {  	s1 =	sld [smem:$0x3F9F]  }
0x28: {  	s2 =	sld [smem:$0x3FA0]  }
0x29: {  	s4 =	sld [smem:$0x3FA2]  }
0x2a: {  	p0 =	seq.s32 s5, $0x0;
	s5 =	sld [smem:$0x3FA3]  }
0x2b: {  	s6 =	sld [smem:$0x3FA4]  }
0x2c: {  	s7 =	sld [smem:$0x3FA5]  }
0x2d: {  	s3 =	simm.s32 $0x108;
	s8 =	sld [smem:$0x3FA6]  }
0x2e: {  	s3 =	simm.s32 @!p0 $0x1082;
	s9 =	sld [smem:$0x3FA7]  }
0x2f: {  	lr =	sadd.s32 s0, s3;
	s0 =	sld [smem:$0x3F9E]  }
0x30: {  	s3 =	sld [smem:$0x3FA1]  }
0x31: {  	[smem:$0x3FAA] =	sst s10  }
0x32: {  	s10 =	sld [smem:$0x3FA8];
	_ =	sdelay $0x3  }
0x33: {  	p0 =	seq.s32 s10, $0x1;
	s10 =	sld [smem:$0x3FAA];
	_ =	sdelay $0x3  }
0x34: {  	[smem:$0x3FAA] =	sst s10  }
0x35: {  	s10 =	sld [smem:$0x3FA9];
	_ =	sdelay $0x3  }
0x36: {  	p1 =	seq.s32 s10, $0x1;
	s10 =	sld [smem:$0x3FAA];
	_ =	sdelay $0x3  }
0x37: {  	[smem:$0x3FAA] =	sst s10  }
0x38: {  	s10 =	sld [smem:$0x3FAB]  }
0x39: {  	_ = 	snop;
	(pc) =	sbr.ind lr, $3  }
0x3a: {  	_ = 	snop  }
0x3b: {  	_ = 	snop  }
0x3c: {  	p2 =	seq.s32 s10, $0x1;
	s10 =	sld [smem:$0x3FAA]  }
0x3d: {  	_ =	shalt  }
0x3e: {  	_ =	shalt  }
0x3f: {  	_ =	shalt  }
0x40: {  	_ =	shalt  }
0x41: {  	_ =	shalt  }
0x42: {  	_ =	shalt  }
0x43: {  	_ =	shalt  }
0x44: {  	_ =	shalt  }
0x45: {  	_ =	shalt  }
0x46: {  	_ =	shalt  }
0x47: {  	_ =	shalt  }
0x48: {  	_ =	shalt  }
0x49: {  	_ =	shalt  }
0x4a: {  	_ =	shalt  }
0x4b: {  	_ =	shalt  }
0x4c: {  	_ =	shalt  }
0x4d: {  	_ =	shalt  }
0x4e: {  	_ =	shalt  }
0x4f: {  	_ =	shalt  }
0x50: {  	_ =	shalt  }
0x51: {  	_ =	shalt  }
0x52: {  	_ =	shalt  }
0x53: {  	_ =	shalt  }
0x54: {  	_ =	shalt  }
0x55: {  	_ =	shalt  }
0x56: {  	_ =	shalt  }
0x57: {  	_ =	shalt  }
0x58: {  	_ =	shalt  }
0x59: {  	_ =	shalt  }
0x5a: {  	_ =	shalt  }
0x5b: {  	_ =	shalt  }
0x5c: {  	_ =	shalt  }
0x5d: {  	_ =	shalt  }
0x5e: {  	_ =	shalt  }
0x5f: {  	_ =	shalt  }
0x60: {  	_ =	shalt  }
0x61: {  	_ =	shalt  }
0x62: {  	_ =	shalt  }
0x63: {  	_ =	shalt  }
0x64: {  	_ =	shalt  }
0x65: {  	_ =	shalt  }
0x66: {  	_ =	shalt  }
0x67: {  	_ =	shalt  }
0x68: {  	_ =	shalt  }
0x69: {  	_ =	shalt  }
0x6a: {  	_ =	shalt  }
0x6b: {  	_ =	shalt  }
0x6c: {  	_ =	shalt  }
0x6d: {  	_ =	shalt  }
0x6e: {  	_ =	shalt  }
0x6f: {  	_ =	shalt  }
0x70: {  	_ =	shalt  }
0x71: {  	_ =	shalt  }
0x72: {  	_ =	shalt  }
0x73: {  	_ =	shalt  }
0x74: {  	_ =	shalt  }
0x75: {  	_ =	shalt  }
0x76: {  	_ =	shalt  }
0x77: {  	_ =	shalt  }
0x78: {  	_ =	shalt  }
0x79: {  	_ =	shalt  }
0x7a: {  	_ =	shalt  }
0x7b: {  	_ =	shalt  }
0x7c: {  	_ =	shalt  }
0x7d: {  	_ =	shalt  }
0x7e: {  	_ =	shalt  }
0x7f: {  	_ =	shalt  }
0x80: {  	_ =	shalt  }
0x81: {  	_ =	shalt  }
0x82: {  	_ =	shalt  }
0x83: {  	_ =	shalt  }
0x84: {  	_ =	shalt  }
0x85: {  	_ =	shalt  }
0x86: {  	_ =	shalt  }
0x87: {  	_ =	shalt  }
.Lfunc_end0:
.L_simem_size_0:
called_computation_lowered:
.L_overlay_start_0:
0x88: {  	s2 =	sld [smem:$0x3FD9]  }
0x89: {  	s3 =	sld [smem:$0x3FFE];
	_ =	sdelay $0x1  }
0x8a: {  	s1 =	srdreg.scid  }
0x8b: {  	s0 =	sand.u32 $0x1, s1  }
0x8c: {  	s17 =	sshll.u32 s0, $0xA;
	s2 =	sadd.s32 s3, s2  }
0x8d: {  	s2 =	sadd.s32 s2, s17  }
0x8e: {  	[smem:$0x3FB6] =	sst s2  }
0x8f: {  	_ = 	snop  }
0x90: {  	s2 =	sld [smem:$0x3FD0];
	(tm) =	ssettm $0x1  }
0x91: {  	s18 =	sld [smem:$0x3FFB];
	_ =	sdelay $0x3  }
0x92: {  	_ =	strace s18  }
0x93: {  	s3 =	sld [smem:$0x3FFC];
	_ =	sdelay $0x3  }
0x94: {  	_ =	strace s3  }
0x95: {  	s3 =	sld [smem:$0x3FFD];
	_ =	sdelay $0x3  }
0x96: {  	_ =	strace s3  }
0x97: {  	_ =	strace $0x8FFFFFFF  }
0x98: {  	s19 =	sld [smem:$0x3FDB];
	_ =	sdelay $0x1  }
0x99: {  	s4 =	simm.s32 $_scs_section_size  }
0x9a: {  	s5 =	simm.s32 $_size__tile_overlayer_lowered;
	s6 =	simm.s32 $_tile_overlayer_lowered  }
0x9b: {  	s22 =	simm.s32 $0x1BFF;
	s21 =	sshll.u32 s6, $0x1;
	s3 =	sadd.s32 s4, s19  }
0x9c: {  	s7 =	simm.s32 $0x0;
	s20 =	sshll.u32 s5, $0x1;
	s5 =	sadd.s32 s21, s3  }
0x9d: {  	[timem:s7], [sflag:s22] =	dma.local [hbm:s5], s20  }
0x9e: {  	_ =	swait.ge [sflag:s22], s20  }
0x9f: {  	s4 =	ssub.s32 $0x0, s20;
	[sflag:s22] =	ssyncset.done $0x0  }
0xa0: {  	[sflag:s22] =	ssyncadd.s32 s4;
	_ =	sdelay $0x1  }
0xa1: {  	s23 =	simm.s32 $0x1B8B  }
0xa2: {  	_ =	swait.ge [sflag:s23], $0x1  }
0xa3: {  	[sflag:s23] =	ssyncset.done $0x0  }
0xa4: {  	s25 =	simm.s32 $0x1B8E;
	s24 =	sld [smem:$0x3FFE];
	[sflag:s23] =	ssyncadd.s32 $0xFFFFFFFF  }
0xa5: {  	s26 =	simm.s32 $execute0_lowered;
	[smem:$0x3FD2] =	sst s25  }
0xa6: {  	s5 =	sshll.u32 s26, $0x1;
	_ =	strace $0x80000046;
	[dreg:$0x1] =	wrdreg $0xFFFFFFFF  }
0xa7: {  	s28 =	simm.s32 $_size_execute0_lowered;
	s3 =	sadd.s32 s3, s5;
	[dreg:$0x0] =	wrdreg $0x0  }
0xa8: {  	s5 =	sshll.u32 s28, $0x1;
	[dreg:$0x2] =	wrdreg s3  }
0xa9: {  	[dreg:$0x3] =	wrdreg s5  }
0xaa: {  	[dreg:$0x4] =	wrdreg $0xC0  }
0xab: {  	_ =	task [dreg:s7], $0x5FFFF  }
0xac: {  	[dreg:$0x1] =	wrdreg $0xFFFFFFFF  }
0xad: {  	[dreg:$0x0] =	wrdreg $0x60  }
0xae: {  	[dreg:$0x2] =	wrdreg s24  }
0xaf: {  	[dreg:$0x3] =	wrdreg s2  }
0xb0: {  	[dreg:$0x4] =	wrdreg $0x86000  }
0xb1: {  	[dreg:$0x5] =	wrdreg $0x9  }
0xb2: {  	_ =	task.clear_ibuf [dreg:s7], $0x6FFFF;
	_ =	strace $0x90000046  }
0xb3: {  	s29 =	simm.s32 $0x9;
	_ =	strace $0x80000048  }
0xb4: {  	_ =	swait.ge [sflag:s29], $0x1  }
0xb5: {  	[sflag:s29] =	ssyncadd.s32 $0xFFFFFFFF  }
0xb6: {  	_ =	strace $0x90000048  }
0xb7: {  	_ =	sfence  }
0xb8: {  	s30 =	sld [smem:$0x0];
	_ =	sdelay $0x2  }
0xb9: {  	s31 =	sshll.u32 s1, $0xD;
	s1 =	sshrl.u32 s1, $0x2  }
0xba: {  	s3 =	sand.u32 $0x4000, s31;
	s1 =	sadd.s32 s1, s30  }
0xbb: {  	s0 =	sor.u32 s3, s0;
	s1 =	sshll.u32 s1, $0x11  }
0xbc: {  	s0 =	sor.u32 s1, s0  }
0xbd: {  	s0 =	sadd.s32 $0x8F2B, s0  }
0xbe: {  	[sflag:s0] =	ssyncadd.remote.s32 $0x1  }
0xbf: {  	_ =	sfence.sel $0xFFFF  }
0xc0: {  	[dreg:$0x0] =	wrdreg $0xFFFFFFFF;
	(pc) =	sbr.abs _section_cstart, $3  }
0xc1: {  	[dreg:$0x1] =	wrdreg $0xFFFFFFFF  }
0xc2: {  	_ =	task.clear_ibuf [dreg:s7], $0x2FFFF;
	_ =	strace $0x9FFFFFFF  }
0xc3: {  	(tm) =	ssettm $0x7FFFFFFF  }
tec
execute0_lowered:
.L_overlay_start_1:
0x0: {  	(tag) =	ssettag $0x1  }
0x1: {  	s0 =	rddreg [dreg:$0x0]  }
0x2: {  	s2 =	rddreg [dreg:$0x1]  }
0x3: {  	s1 =	rddreg [dreg:$0x2]  }
0x4: {  	s3 =	simm.s32 $0x0;
	s4 =	srdreg.scid;
	s12 =	stileid.u32  }
0x5: {  	s29 =	simm.s32 $0x480;
	s28 =	simm.s32 $0x400;
	s7 =	smul.u32 $0x13C00, s12  }
0x6: {  	[smem:$0x7FF] =	sst s3;
	s5 =	sand.u32 $0x1, s4;
	s13 =	smul.u32 $0x2800, s12  }
0x7: {  	s4 =	sadd.s32 $0xD400, s0;
	s8 =	sadd.s32 $0x3400, s0;
	s11 =	smul.u32 $0x4F000, s12  }
0x8: {  	s9 =	sadd.s32 $0x145C00, s0;
	s16 =	sshll.u32 s12, $0x6;
	s6 =	smul.u32 $0x13C000, s5  }
0x9: {  	_ =	strace $0x80000047;
	s31 =	smul.u32 $0x28000, s5;
	s5 =	ssub.s32 $0x2, s5  }
0xa: {  	[dreg:$0x4] =	wrdreg s9;
	s12 =	sor.u32 $0x1C11, s16;
	s10 =	sshrl.u32 s5, $0x1  }
0xb: {  	s15 =	sshrl.u32 s11, $0x2;
	s11 =	simm.s32 $0xE;
	[dreg:$0x6] =	wrdreg s12  }
0xc: {  	s6 =	sadd.s32 s7, s6;
	s5 =	ssub.s32 s5, s10;
	s14 =	sadd.s32 s13, s31  }
0xd: {  	s7 =	sadd.s32 s15, s1;
	s6 =	sshrl.u32 s6, $0x3;
	s17 =	sshrl.u32 s14, $0x3  }
0xe: {  	[dreg:$0x5] =	wrdreg s7;
	s30 =	smax.u32 s5, $0x1;
	s0 =	sadd.s32 s6, s0  }
0xf: {  	s18 =	sadd.s32 s2, s17;
	s19 =	sor.u32 $0x10, s17;
	[dreg:$0x11] =	wrdreg s30  }
0x10: {  	s20 =	sor.u32 $0x20, s17;
	s10 =	sadd.s32 s8, s17;
	[dreg:$0x7] =	wrdreg s18  }
0x11: {  	s21 =	sor.u32 $0x30, s17;
	s13 =	sadd.s32 s2, s19;
	[dreg:$0xb] =	wrdreg s10  }
0x12: {  	s6 =	sor.u32 $0x400, s14;
	s22 =	sadd.s32 s2, s20;
	[dreg:$0x8] =	wrdreg s13  }
0x13: {  	s14 =	simm.s32 $0xF;
	s23 =	sadd.s32 s2, s21;
	[dreg:$0x9] =	wrdreg s22  }
0x14: {  	s7 =	sadd.s32 s8, s19;
	s24 =	sadd.s32 s8, s20;
	[dreg:$0xa] =	wrdreg s23  }
0x15: {  	s25 =	sadd.s32 s8, s21;
	s26 =	sadd.s32 $0x40, s10;
	[dreg:$0xc] =	wrdreg s7  }
0x16: {  	s0 =	sadd.s32 $0x148400, s0;
	s31 =	sshrl.u32 s6, $0x3;
	[dreg:$0xd] =	wrdreg s24  }
0x17: {  	s6 =	simm.s32 $0x11;
	s20 =	simm.s32 $0x600;
	[dreg:$0xe] =	wrdreg s25  }
.Ltmp0:
0x18: {  	s10 =	simm.s32 $0x4600;
	[dreg:$0xf] =	wrdreg s26;
	(pc) =	sbr.rel .LBB2_1-.Ltmp0, $4  }
0x19: {  	s18 =	simm.s32 $0x10;
	[dreg:$0x10] =	wrdreg s0;
	s2 =	sadd.s32 s31, s2  }
0x1a: {  	s16 =	sadd.s32 s31, s8;
	s22 =	simm.s32 $0x80;
	s25 =	simm.s32 $0x100  }
0x1b: {  	s26 =	simm.s32 $0x180;
	s13 =	simm.s32 $0x400;
	s0 =	simm.s32 $0x0  }
0x1c: {  	s8 =	simm.s32 $0x500;
	[dreg:$0x12] =	wrdreg s2;
	s2 =	simm.s32 $0xD  }
.LBB2_4:
0x1d: {  	_ =	swait.ge [sflag:s18], $0x4000  }
0x1e: {  	[sflag:s18] =	ssyncset.done $0x0  }
0x1f: {  	[sflag:s18] =	ssyncadd.s32 $0xFFFFC000  }
0x20: {  	[bflag:$0x0] =	sbarrier.arrive $0xFFFF  }
0x21: {  	s12 =	rddreg [dreg:$0x6]  }
0x22: {  	s5 =	rddreg [dreg:$0x10]  }
0x23: {  	s6 =	simm.s32 $0x11;
	s0 =	rddreg [dreg:$0x14]  }
0x24: {  	[hbm:s5], [sflag:s12] =	dma.local [spmem:s0], $0x2780  }
0x25: {  	_ =	swait.ge [sflag:s6], $0x2780  }
0x26: {  	s30 =	rddreg [dreg:$0x13]  }
0x27: {  	s31 =	rddreg [dreg:$0x11];
	s0 =	sadd.s32 $0x1, s30  }
0x28: {  	p0 =	sne.s32 s0, s31  }
.Ltmp1:
0x29: {  	_ = 	snop;
	(pc) =	sbr.rel @!p0 .LBB2_5-.Ltmp1, $3  }
0x2a: {  	_ =	sdelay $0x1  }
0x2b: {  	[sflag:s6] =	ssyncset.done $0x0  }
0x2c: {  	s13 =	simm.s32 $0x400;
	[sflag:s6] =	ssyncadd.s32 $0xFFFFD880  }
.LBB2_1:
0x2d: {  	[dreg:$0x13] =	wrdreg s0  }
0x2e: {  	s5 =	rddreg [dreg:$0x5]  }
0x2f: {  	s31 =	rddreg [dreg:$0x4];
	s30 =	sshrl.u32 s5, $0x3  }
0x30: {  	[dreg:$0x14] =	wrdreg s30  }
0x31: {  	[spmem:s30], [sflag:s12] =	dma.local [hbm:s31], $0x2780  }
0x32: {  	_ =	swait.ge [sflag:s6], $0x2780  }
0x33: {  	[sflag:s6] =	ssyncset.done $0x0  }
0x34: {  	[sflag:s6] =	ssyncadd.s32 $0xFFFFD880  }
0x35: {  	[bflag:$0x0] =	sbarrier.arrive $0xFFFF  }
0x36: {  	s6 =	rddreg [dreg:$0x7]  }
0x37: {  	[tilespmem:s3], [sflag:$0x1] =	stream.linear.gather [hbm4b:s6+s3], $0x80, $0x38;
	[tilespmem:$0x1C200] =	vst v63  }
0x38: {  	s7 =	rddreg [dreg:$0x8]  }
0x39: {  	[tilespmem:s22], [sflag:$0x2] =	stream.linear.gather [hbm4b:s7+s3], $0x80, $0x38;
	[tilespmem:$0x1C200] =	vst v63  }
0x3a: {  	s9 =	rddreg [dreg:$0x9]  }
0x3b: {  	[tilespmem:s25], [sflag:$0x3] =	stream.linear.gather [hbm4b:s9+s3], $0x80, $0x38;
	[tilespmem:$0x1C200] =	vst v63  }
0x3c: {  	s12 =	rddreg [dreg:$0xa]  }
0x3d: {  	[tilespmem:s26], [sflag:$0x4] =	stream.linear.gather [hbm4b:s12+s3], $0x80, $0x38;
	[tilespmem:$0x1C200] =	vst v63  }
0x3e: {  	s17 =	simm.s32 $0x200;
	s15 =	rddreg [dreg:$0xb]  }
0x3f: {  	[tilespmem:s17], [sflag:$0x5] =	stream.linear.gather [hbm4b:s15+s3], $0x80, $0x38;
	[tilespmem:$0x1C200] =	vst v63  }
0x40: {  	s21 =	simm.s32 $0x280;
	s19 =	rddreg [dreg:$0xc]  }
0x41: {  	[tilespmem:s21], [sflag:$0x6] =	stream.linear.gather [hbm4b:s19+s3], $0x80, $0x38;
	[tilespmem:$0x1C200] =	vst v63  }
0x42: {  	s24 =	simm.s32 $0x300;
	s23 =	rddreg [dreg:$0xd]  }
0x43: {  	[tilespmem:s24], [sflag:$0x7] =	stream.linear.gather [hbm4b:s23+s3], $0x80, $0x38;
	[tilespmem:$0x1C200] =	vst v63  }
0x44: {  	s25 =	rddreg [dreg:$0xe];
	s26 =	simm.s32 $0x380  }
0x45: {  	[tilespmem:s26], [sflag:$0x8] =	stream.linear.gather [hbm4b:s25+s3], $0x80, $0x38;
	[tilespmem:$0x1C200] =	vst v63  }
0x46: {  	s31 =	simm.s32 $0x1;
	s30 =	rddreg [dreg:$0xf]  }
0x47: {  	[tilespmem:s13], [sflag:$0x9] =	stream.linear.gather [hbm4b:s30+s3], $0x80, $0x38;
	[tilespmem:$0x1C200] =	vst v63  }
0x48: {  	_ =	swait.ge [sflag:s31], $0x80  }
0x49: {  	[sflag:s31] =	ssyncset.done $0x0  }
0x4a: {  	s19 =	simm.s32 $0x0;
	[sflag:s31] =	ssyncadd.s32 $0xFFFFFF80  }
0x4b: {  	[tilespmem:s20], [sflag:$0xD] =	stream.indirect.gather [hbm4b:s4+s22], $0x80, s3, s22, $0xb8;
	[tilespmem:$0x1C200] =	vst v63  }
.LBB2_2:
0x4c: {  	_ =	swait.ge [sflag:s2], $0x4000  }
0x4d: {  	s5 =	rddreg [dreg:$0x7]  }
0x4e: {  	[sflag:s2] =	ssyncset.done $0x0;
	s5 =	sadd.s32 s19, s5  }
0x4f: {  	s30 =	simm.s32 $0x5;
	[sflag:s2] =	ssyncadd.s32 $0xFFFFC000;
	s6 =	sadd.s32 $0x40, s5  }
0x50: {  	[tilespmem:s3], [sflag:$0x1] =	stream.linear.gather [hbm4b:s6+s3], $0x80, $0x38;
	[tilespmem:$0x1C200] =	vst v63  }
0x51: {  	_ =	swait.ge [sflag:s30], $0x80  }
0x52: {  	p0 =	seq.s32 s19, $0x0;
	[sflag:s30] =	ssyncset.done $0x0  }
0x53: {  	s31 =	simm.s32 $0x200;
	s6 =	simm.s32 @!p0 $0x10;
	[sflag:s30] =	ssyncadd.s32 $0xFFFFFF80  }
0x54: {  	[spmem:s1] =	stream.indirect.scatter.add.f32 [tilespmem:s20], [sflag:$0xF], $0x80, s31, s22, $0xb8;
	[tilespmem:$0x1C200] =	vst v63  }
0x55: {  	_ =	swait.ge @!p0 [sflag:s6], $0x4000  }
0x56: {  	s7 =	rddreg [dreg:$0xb]  }
0x57: {  	[sflag:s6] =	ssyncset.done @!p0 $0x0;
	s7 =	sadd.s32 s19, s7  }
0x58: {  	s9 =	simm.s32 $0x2;
	[sflag:s6] =	ssyncadd.s32 @!p0 $0xFFFFC000;
	s0 =	sadd.s32 $0x50, s7  }
0x59: {  	[tilespmem:s29], [sflag:$0xA] =	stream.linear.gather [hbm4b:s0+s3], $0x80, $0x38;
	[tilespmem:$0x1C200] =	vst v63  }
0x5a: {  	_ =	swait.ge [sflag:s9], $0x80  }
0x5b: {  	[sflag:s9] =	ssyncset.done $0x0  }
0x5c: {  	[sflag:s9] =	ssyncadd.s32 $0xFFFFFF80  }
0x5d: {  	[tilespmem:s10], [sflag:$0xE] =	stream.indirect.gather [hbm4b:s4+s22], $0x80, s22, s22, $0xb8;
	[tilespmem:$0x1C200] =	vst v63  }
0x5e: {  	_ =	swait.ge [sflag:s11], $0x4000  }
0x5f: {  	[sflag:s11] =	ssyncset.done $0x0  }
0x60: {  	s15 =	simm.s32 $0x6;
	s12 =	sadd.s32 $0x50, s5;
	[sflag:s11] =	ssyncadd.s32 $0xFFFFC000  }
0x61: {  	[tilespmem:s22], [sflag:$0x2] =	stream.linear.gather [hbm4b:s12+s3], $0x80, $0x38;
	[tilespmem:$0x1C200] =	vst v63  }
0x62: {  	_ =	swait.ge [sflag:s15], $0x80  }
0x63: {  	[sflag:s15] =	ssyncset.done $0x0  }
0x64: {  	s17 =	simm.s32 $0x280;
	[sflag:s15] =	ssyncadd.s32 $0xFFFFFF80  }
0x65: {  	[spmem:s1] =	stream.indirect.scatter.add.f32 [tilespmem:s10], [sflag:$0x10], $0x80, s17, s22, $0xb8;
	[tilespmem:$0x1C200] =	vst v63  }
0x66: {  	_ =	swait.ge [sflag:s14], $0x4000  }
0x67: {  	[sflag:s14] =	ssyncset.done $0x0  }
0x68: {  	s23 =	simm.s32 $0x3;
	s21 =	sadd.s32 $0x60, s7;
	[sflag:s14] =	ssyncadd.s32 $0xFFFFC000  }
0x69: {  	[tilespmem:s8], [sflag:$0xB] =	stream.linear.gather [hbm4b:s21+s3], $0x80, $0x38;
	[tilespmem:$0x1C200] =	vst v63  }
0x6a: {  	_ =	swait.ge [sflag:s23], $0x80  }
0x6b: {  	[sflag:s23] =	ssyncset.done $0x0  }
0x6c: {  	s9 =	simm.s32 $0x100;
	[sflag:s23] =	ssyncadd.s32 $0xFFFFFF80  }
0x6d: {  	[tilespmem:s20], [sflag:$0xD] =	stream.indirect.gather [hbm4b:s4+s22], $0x80, s9, s22, $0xb8;
	[tilespmem:$0x1C200] =	vst v63  }
0x6e: {  	_ =	swait.ge [sflag:s2], $0x4000  }
0x6f: {  	[sflag:s2] =	ssyncset.done $0x0  }
0x70: {  	s26 =	simm.s32 $0x7;
	s24 =	sadd.s32 $0x60, s5;
	[sflag:s2] =	ssyncadd.s32 $0xFFFFC000  }
0x71: {  	[tilespmem:s9], [sflag:$0x3] =	stream.linear.gather [hbm4b:s24+s3], $0x80, $0x38;
	[tilespmem:$0x1C200] =	vst v63  }
0x72: {  	_ =	swait.ge [sflag:s26], $0x80  }
0x73: {  	[sflag:s26] =	ssyncset.done $0x0  }
0x74: {  	s30 =	simm.s32 $0x300;
	[sflag:s26] =	ssyncadd.s32 $0xFFFFFF80  }
0x75: {  	[spmem:s1] =	stream.indirect.scatter.add.f32 [tilespmem:s20], [sflag:$0xF], $0x80, s30, s22, $0xb8;
	[tilespmem:$0x1C200] =	vst v63  }
0x76: {  	_ =	swait.ge [sflag:s18], $0x4000  }
0x77: {  	s31 =	sadd.s32 $0x70, s7;
	[sflag:s18] =	ssyncset.done $0x0  }
0x78: {  	s7 =	simm.s32 $0x4;
	s0 =	simm.s32 $0x580;
	[sflag:s18] =	ssyncadd.s32 $0xFFFFC000  }
0x79: {  	[tilespmem:s0], [sflag:$0xC] =	stream.linear.gather [hbm4b:s31+s3], $0x80, $0x38;
	[tilespmem:$0x1C200] =	vst v63  }
0x7a: {  	_ =	swait.ge [sflag:s7], $0x80  }
0x7b: {  	[sflag:s7] =	ssyncset.done $0x0  }
0x7c: {  	s9 =	simm.s32 $0x180;
	[sflag:s7] =	ssyncadd.s32 $0xFFFFFF80  }
0x7d: {  	[tilespmem:s10], [sflag:$0xE] =	stream.indirect.gather [hbm4b:s4+s22], $0x80, s9, s22, $0xb8;
	[tilespmem:$0x1C200] =	vst v63  }
0x7e: {  	_ =	swait.ge [sflag:s11], $0x4000  }
0x7f: {  	[sflag:s11] =	ssyncset.done $0x0  }
0x80: {  	s5 =	sadd.s32 $0x70, s5;
	s12 =	simm.s32 $0x8;
	[sflag:s11] =	ssyncadd.s32 $0xFFFFC000  }
0x81: {  	[tilespmem:s9], [sflag:$0x4] =	stream.linear.gather [hbm4b:s5+s3], $0x80, $0x38;
	[tilespmem:$0x1C200] =	vst v63  }
0x82: {  	_ =	swait.ge [sflag:s12], $0x80  }
0x83: {  	[sflag:s12] =	ssyncset.done $0x0  }
0x84: {  	s15 =	simm.s32 $0x380;
	[sflag:s12] =	ssyncadd.s32 $0xFFFFFF80  }
0x85: {  	[spmem:s1] =	stream.indirect.scatter.add.f32 [tilespmem:s10], [sflag:$0x10], $0x80, s15, s22, $0xb8;
	[tilespmem:$0x1C200] =	vst v63  }
0x86: {  	_ =	swait.ge [sflag:s14], $0x4000  }
0x87: {  	p0 =	seq.s32 s19, $0x480;
	[sflag:s14] =	ssyncset.done $0x0  }
0x88: {  	s5 =	simm.s32 @p0 $0x1;
	[sflag:s14] =	ssyncadd.s32 $0xFFFFC000  }
0x89: {  	_ =	swait.ge @p0 [sflag:s5], $0x80  }
0x8a: {  	s23 =	simm.s32 @p0 $0x80;
	s7 =	simm.s32 @p0 $0x600;
	[sflag:s5] =	ssyncset.done @p0 $0x0  }
0x8b: {  	s15 =	simm.s32 @p0 $0xD;
	[sflag:s5] =	ssyncadd.s32 @p0 $0xFFFFFF80;
	s5 =	simm.s32 @p0 $0x0  }
0x8c: {  	[tilespmem:s7], [sflag:$0xD] =	stream.indirect.gather @p0 [hbm4b:s4+s23], $0x80, s5, s23, $0xb8;
	[tilespmem:$0x1C200] =	vst v63  }
0x8d: {  	_ =	swait.ge @p0 [sflag:s15], $0x4000  }
0x8e: {  	s24 =	sadd.s32 @!p0 s19, s16;
	[sflag:s15] =	ssyncset.done @p0 $0x0  }
0x8f: {  	s12 =	simm.s32 @!p0 $0x0;
	s5 =	simm.s32 @!p0 $0x200;
	[sflag:s15] =	ssyncadd.s32 @p0 $0xFFFFC000  }
0x90: {  	[tilespmem:s5], [sflag:$0x5] =	stream.linear.gather @!p0 [hbm4b:s24+s12], $0x80, $0x38;
	[tilespmem:$0x1C200] =	vst v63  }
0x91: {  	s5 =	simm.s32 @!p0 $0x1  }
0x92: {  	_ =	swait.ge @!p0 [sflag:s5], $0x80  }
0x93: {  	s30 =	simm.s32 @!p0 $0x80;
	[sflag:s5] =	ssyncset.done @!p0 $0x0  }
0x94: {  	s31 =	simm.s32 @!p0 $0xD;
	[sflag:s5] =	ssyncadd.s32 @!p0 $0xFFFFFF80;
	s5 =	simm.s32 @!p0 $0x600  }
0x95: {  	[tilespmem:s5], [sflag:$0xD] =	stream.indirect.gather @!p0 [hbm4b:s4+s30], $0x80, s12, s30, $0xb8;
	[tilespmem:$0x1C200] =	vst v63  }
0x96: {  	_ =	swait.ge @!p0 [sflag:s31], $0x4000  }
0x97: {  	[sflag:s31] =	ssyncset.done @!p0 $0x0;
	s6 =	rddreg [dreg:$0x12]  }
0x98: {  	s17 =	simm.s32 $0x9;
	[sflag:s31] =	ssyncadd.s32 @!p0 $0xFFFFC000;
	s6 =	sadd.s32 @!p0 s19, s6  }
0x99: {  	[tilespmem:s12], [sflag:$0x1] =	stream.linear.gather @!p0 [hbm4b:s6+s12], $0x80, $0x38;
	[tilespmem:$0x1C200] =	vst v63  }
0x9a: {  	_ =	swait.ge [sflag:s17], $0x80  }
0x9b: {  	[sflag:s17] =	ssyncset.done $0x0  }
0x9c: {  	[sflag:s17] =	ssyncadd.s32 $0xFFFFFF80  }
0x9d: {  	[spmem:s1] =	stream.indirect.scatter.add.f32 [tilespmem:s20], [sflag:$0xF], $0x80, s13, s22, $0xb8;
	[tilespmem:$0x1C200] =	vst v63  }
0x9e: {  	_ =	swait.ge [sflag:s18], $0x4000  }
0x9f: {  	[sflag:s18] =	ssyncset.done $0x0  }
0xa0: {  	s9 =	simm.s32 @p0 $0x2;
	[sflag:s18] =	ssyncadd.s32 $0xFFFFC000  }
0xa1: {  	_ =	swait.ge @p0 [sflag:s9], $0x80  }
0xa2: {  	[sflag:s9] =	ssyncset.done @p0 $0x0  }
0xa3: {  	s0 =	simm.s32 @p0 $0x4600;
	[sflag:s9] =	ssyncadd.s32 @p0 $0xFFFFFF80;
	s9 =	simm.s32 @p0 $0xE  }
0xa4: {  	[tilespmem:s0], [sflag:$0xE] =	stream.indirect.gather @p0 [hbm4b:s4+s23], $0x80, s23, s23, $0xb8;
	[tilespmem:$0x1C200] =	vst v63  }
0xa5: {  	_ =	swait.ge @p0 [sflag:s9], $0x4000  }
0xa6: {  	[sflag:s9] =	ssyncset.done @p0 $0x0  }
0xa7: {  	s17 =	simm.s32 @!p0 $0x280;
	s13 =	sadd.s32 @!p0 $0x10, s24;
	[sflag:s9] =	ssyncadd.s32 @p0 $0xFFFFC000  }
0xa8: {  	[tilespmem:s17], [sflag:$0x6] =	stream.linear.gather @!p0 [hbm4b:s13+s12], $0x80, $0x38;
	[tilespmem:$0x1C200] =	vst v63  }
0xa9: {  	s13 =	simm.s32 @!p0 $0x2  }
0xaa: {  	_ =	swait.ge @!p0 [sflag:s13], $0x80  }
0xab: {  	[sflag:s13] =	ssyncset.done @!p0 $0x0  }
0xac: {  	s17 =	simm.s32 @!p0 $0x4600;
	[sflag:s13] =	ssyncadd.s32 @!p0 $0xFFFFFF80;
	s13 =	simm.s32 @!p0 $0xE  }
0xad: {  	[tilespmem:s17], [sflag:$0xE] =	stream.indirect.gather @!p0 [hbm4b:s4+s30], $0x80, s30, s30, $0xb8;
	[tilespmem:$0x1C200] =	vst v63  }
0xae: {  	_ =	swait.ge @!p0 [sflag:s13], $0x4000  }
0xaf: {  	[sflag:s13] =	ssyncset.done @!p0 $0x0  }
0xb0: {  	s21 =	sadd.s32 @!p0 $0x10, s6;
	[sflag:s13] =	ssyncadd.s32 @!p0 $0xFFFFC000  }
0xb1: {  	[tilespmem:s30], [sflag:$0x2] =	stream.linear.gather @!p0 [hbm4b:s21+s12], $0x80, $0x38;
	[tilespmem:$0x1C200] =	vst v63  }
0xb2: {  	s21 =	simm.s32 $0xA  }
0xb3: {  	_ =	swait.ge [sflag:s21], $0x80  }
0xb4: {  	[sflag:s21] =	ssyncset.done $0x0  }
0xb5: {  	[sflag:s21] =	ssyncadd.s32 $0xFFFFFF80  }
0xb6: {  	[spmem:s1] =	stream.indirect.scatter.add.f32 [tilespmem:s10], [sflag:$0x10], $0x80, s29, s22, $0xb8;
	[tilespmem:$0x1C200] =	vst v63  }
0xb7: {  	_ =	swait.ge [sflag:s14], $0x4000  }
0xb8: {  	[sflag:s14] =	ssyncset.done $0x0  }
0xb9: {  	s21 =	simm.s32 @p0 $0x3;
	[sflag:s14] =	ssyncadd.s32 $0xFFFFC000  }
0xba: {  	_ =	swait.ge @p0 [sflag:s21], $0x80  }
0xbb: {  	[sflag:s21] =	ssyncset.done @p0 $0x0  }
0xbc: {  	[sflag:s21] =	ssyncadd.s32 @p0 $0xFFFFFF80;
	s21 =	simm.s32 @p0 $0x100  }
0xbd: {  	[tilespmem:s7], [sflag:$0xD] =	stream.indirect.gather @p0 [hbm4b:s4+s23], $0x80, s21, s23, $0xb8;
	[tilespmem:$0x1C200] =	vst v63  }
0xbe: {  	_ =	swait.ge @p0 [sflag:s15], $0x4000  }
0xbf: {  	[sflag:s15] =	ssyncset.done @p0 $0x0  }
0xc0: {  	s7 =	sadd.s32 @!p0 $0x20, s24;
	[sflag:s15] =	ssyncadd.s32 @p0 $0xFFFFC000;
	s15 =	simm.s32 @!p0 $0x300  }
0xc1: {  	[tilespmem:s15], [sflag:$0x7] =	stream.linear.gather @!p0 [hbm4b:s7+s12], $0x80, $0x38;
	[tilespmem:$0x1C200] =	vst v63  }
0xc2: {  	s7 =	simm.s32 @!p0 $0x3  }
0xc3: {  	_ =	swait.ge @!p0 [sflag:s7], $0x80  }
0xc4: {  	[sflag:s7] =	ssyncset.done @!p0 $0x0  }
0xc5: {  	[sflag:s7] =	ssyncadd.s32 @!p0 $0xFFFFFF80;
	s7 =	simm.s32 @!p0 $0x100  }
0xc6: {  	[tilespmem:s5], [sflag:$0xD] =	stream.indirect.gather @!p0 [hbm4b:s4+s30], $0x80, s7, s30, $0xb8;
	[tilespmem:$0x1C200] =	vst v63  }
0xc7: {  	_ =	swait.ge @!p0 [sflag:s31], $0x4000  }
0xc8: {  	[sflag:s31] =	ssyncset.done @!p0 $0x0  }
0xc9: {  	s21 =	simm.s32 $0xB;
	s5 =	sadd.s32 @!p0 $0x20, s6;
	[sflag:s31] =	ssyncadd.s32 @!p0 $0xFFFFC000  }
0xca: {  	[tilespmem:s7], [sflag:$0x3] =	stream.linear.gather @!p0 [hbm4b:s5+s12], $0x80, $0x38;
	[tilespmem:$0x1C200] =	vst v63  }
0xcb: {  	_ =	swait.ge [sflag:s21], $0x80  }
0xcc: {  	[sflag:s21] =	ssyncset.done $0x0  }
0xcd: {  	[sflag:s21] =	ssyncadd.s32 $0xFFFFFF80  }
0xce: {  	[spmem:s1] =	stream.indirect.scatter.add.f32 [tilespmem:s20], [sflag:$0xF], $0x80, s8, s22, $0xb8;
	[tilespmem:$0x1C200] =	vst v63  }
0xcf: {  	_ =	swait.ge [sflag:s18], $0x4000  }
0xd0: {  	[sflag:s18] =	ssyncset.done $0x0  }
0xd1: {  	s5 =	simm.s32 @p0 $0x4;
	[sflag:s18] =	ssyncadd.s32 $0xFFFFC000  }
0xd2: {  	_ =	swait.ge @p0 [sflag:s5], $0x80  }
0xd3: {  	[sflag:s5] =	ssyncset.done @p0 $0x0  }
0xd4: {  	[sflag:s5] =	ssyncadd.s32 @p0 $0xFFFFFF80;
	s5 =	simm.s32 @p0 $0x180  }
0xd5: {  	[tilespmem:s0], [sflag:$0xE] =	stream.indirect.gather @p0 [hbm4b:s4+s23], $0x80, s5, s23, $0xb8;
	[tilespmem:$0x1C200] =	vst v63  }
0xd6: {  	_ =	swait.ge @p0 [sflag:s9], $0x4000  }
0xd7: {  	[sflag:s9] =	ssyncset.done @p0 $0x0  }
0xd8: {  	s7 =	simm.s32 @!p0 $0x380;
	s5 =	sadd.s32 @!p0 $0x30, s24;
	[sflag:s9] =	ssyncadd.s32 @p0 $0xFFFFC000  }
0xd9: {  	[tilespmem:s7], [sflag:$0x8] =	stream.linear.gather @!p0 [hbm4b:s5+s12], $0x80, $0x38;
	[tilespmem:$0x1C200] =	vst v63  }
0xda: {  	s5 =	simm.s32 @!p0 $0x4  }
0xdb: {  	_ =	swait.ge @!p0 [sflag:s5], $0x80  }
0xdc: {  	[sflag:s5] =	ssyncset.done @!p0 $0x0  }
0xdd: {  	[sflag:s5] =	ssyncadd.s32 @!p0 $0xFFFFFF80;
	s5 =	simm.s32 @!p0 $0x180  }
0xde: {  	[tilespmem:s17], [sflag:$0xE] =	stream.indirect.gather @!p0 [hbm4b:s4+s30], $0x80, s5, s30, $0xb8;
	[tilespmem:$0x1C200] =	vst v63  }
0xdf: {  	_ =	swait.ge @!p0 [sflag:s13], $0x4000  }
0xe0: {  	[sflag:s13] =	ssyncset.done @!p0 $0x0  }
0xe1: {  	s6 =	sadd.s32 @!p0 $0x30, s6;
	s30 =	simm.s32 $0xC;
	[sflag:s13] =	ssyncadd.s32 @!p0 $0xFFFFC000  }
0xe2: {  	[tilespmem:s5], [sflag:$0x4] =	stream.linear.gather @!p0 [hbm4b:s6+s12], $0x80, $0x38;
	[tilespmem:$0x1C200] =	vst v63  }
0xe3: {  	_ =	swait.ge [sflag:s30], $0x80  }
0xe4: {  	[sflag:s30] =	ssyncset.done $0x0  }
.Ltmp2:
0xe5: {  	s31 =	simm.s32 $0x580;
	[sflag:s30] =	ssyncadd.s32 $0xFFFFFF80;
	(pc) =	sbr.rel @p0 .LBB2_4-.Ltmp2, $4  }
0xe6: {  	[spmem:s1] =	stream.indirect.scatter.add.f32 [tilespmem:s10], [sflag:$0x10], $0x80, s31, s22, $0xb8;
	[tilespmem:$0x1C200] =	vst v63  }
0xe7: {  	_ =	swait.ge [sflag:s14], $0x4000  }
0xe8: {  	[sflag:s14] =	ssyncset.done $0x0  }
0xe9: {  	s25 =	simm.s32 $0x100;
	s26 =	simm.s32 $0x180;
	[sflag:s14] =	ssyncadd.s32 $0xFFFFC000  }
0xea: {  	s5 =	sadd.s32 s19, s16  }
0xeb: {  	s5 =	sadd.s32 $0x40, s5  }
0xec: {  	[tilespmem:s28], [sflag:$0x9] =	stream.linear.gather [hbm4b:s5+s3], $0x80, $0x38;
	[tilespmem:$0x1C200] =	vst v63  }
.Ltmp3:
0xed: {  	s31 =	simm.s32 $0x1;
	(pc) =	sbr.rel .LBB2_2-.Ltmp3, $4  }
0xee: {  	_ =	swait.ge [sflag:s31], $0x80  }
0xef: {  	[sflag:s31] =	ssyncset.done $0x0  }
0xf0: {  	s19 =	sadd.s32 $0x80, s19;
	s13 =	simm.s32 $0x400;
	[sflag:s31] =	ssyncadd.s32 $0xFFFFFF80  }
0xf1: {  	[tilespmem:s20], [sflag:$0xD] =	stream.indirect.gather [hbm4b:s4+s22], $0x80, s3, s22, $0xb8;
	[tilespmem:$0x1C200] =	vst v63  }
.LBB2_5:
0xf2: {  	_ =	sfence.sel $0x180000  }
0xf3: {  	[bflag:$0x0] =	sbarrier.arrive $0xFFFF  }
0xf4: {  	_ =	strace $0x90000047  }
0xf5: {  	s0 =	stileid.u32;
	[bflag:$0x2] =	sbarrier.arrive $0xFFFF  }
0xf6: {  	p0 =	sne.s32 s0, $0x0;
	s0 =	rddreg [dreg:$0x3]  }
0xf7: {  	s0 =	sadd.s32 @!p0 $0x100000, s0  }
0xf8: {  	[sflag:s0] =	ssyncadd.tile.s32 @!p0 $0x1;
	_ =	shalt  }
.Lfunc_end2:
_tile_overlayer_lowered:
.L_overlay_start_2:
0xf9: {  	(tag) =	ssettag $0x2  }
0xfa: {  	s0 =	rddreg [dreg:$0x0];
	s2 =	stileid.u32  }
0xfb: {  	s1 =	rddreg [dreg:$0x1];
	p0 =	sne.s32 s2, $0x0  }
0xfc: {  	s3 =	rddreg [dreg:$0x2];
	[bflag:$0x3] =	sbarrier.arrive $0xFFFF;
	s2 =	simm.s32 @!p0 $0x1C11  }
0xfd: {  	[timem:s3], [sflag:s2] =	dma.local @!p0 [hbm:s0], s1  }
0xfe: {  	s0 =	simm.s32 @!p0 $0x11  }
0xff: {  	_ =	swait.ge @!p0 [sflag:s0], s1  }
0x100: {  	s1 =	ssub.s32 @!p0 $0x0, s1;
	[sflag:s0] =	ssyncset.done @!p0 $0x0  }
0x101: {  	[sflag:s0] =	ssyncadd.s32 @!p0 s1  }
0x102: {  	[bflag:$0x3] =	sbarrier.arrive $0xFFFF  }
0x103: {  	_ =	shalt  }

// kernel: kernel.14.cloned.1.call-start
scs
__scs_entry_jumppad:
0x0: {  	(pc) =	sbr.rel $0x88, $3  }
0x1: {  	(tag) =	ssettag $0x0;
	lr =	simm.s32 $0x1  }
0x2: {  	[smem:$0x3F8F] =	sst lr;
	_ =	strace $0xD0000000  }
0x3: {  	_ = 	snop  }
0x4: {  	_ = 	snop  }
0x5: {  	_ = 	snop  }
0x6: {  	_ = 	snop  }
0x7: {  	_ = 	snop  }
__scs_overlays_trampoline_lowered:
0x8: {  	[smem:$0x3F9E] =	sst s0  }
0x9: {  	[smem:$0x3F9F] =	sst s1  }
0xa: {  	[smem:$0x3FA0] =	sst s2  }
0xb: {  	[smem:$0x3FA1] =	sst s3  }
0xc: {  	[smem:$0x3FA2] =	sst s4  }
0xd: {  	[smem:$0x3FA3] =	sst s5  }
0xe: {  	[smem:$0x3FA4] =	sst s6  }
0xf: {  	[smem:$0x3FA5] =	sst s7  }
0x10: {  	[smem:$0x3FA6] =	sst s8  }
0x11: {  	[smem:$0x3FA7] =	sst s9;
	s0 =	simm.s32 @!p0 $0x0  }
0x12: {  	s1 =	sld [smem:$0x3F8D];
	s0 =	simm.s32 @p0 $0x1  }
0x13: {  	[smem:$0x3FA8] =	sst s0;
	s0 =	simm.s32 @!p1 $0x0  }
0x14: {  	s2 =	sld [smem:$0x3F8C];
	s0 =	simm.s32 @p1 $0x1  }
0x15: {  	[smem:$0x3FA9] =	sst s0;
	s0 =	simm.s32 @!p2 $0x0  }
0x16: {  	s3 =	sld [smem:$0x3FDB];
	s0 =	simm.s32 @p2 $0x1  }
0x17: {  	s4 =	simm.s32 $0x1BF5;
	[smem:$0x3FAB] =	sst s0  }
0x18: {  	s0 =	sld [smem:$0x3F8E];
	_ =	swait.ge [sflag:s4], $0x0  }
0x19: {  	s7 =	sld [smem:$0x3F8F]  }
0x1a: {  	s8 =	sadd.s32 $0xFFFFE003, lr  }
0x1b: {  	s9 =	sadd.s32 $0xFFFFFEF7, lr;
	s5 =	simm.s32 $0xFFFFFFFF;
	p2 =	slt.u32 s8, $0xFFFFF086  }
0x1c: {  	p1 =	slt.u32 s9, $0xF7A;
	s5 =	simm.s32 @!p2 $0x0  }
0x1d: {  	s5 =	simm.s32 @p1 $0x1;
	p0 =	seq.s32 s7, s2  }
0x1e: {  	s7 =	smul.u32 @!p0 $0xF7A, s2;
	p2 =	seq.s32 @!p0 s5, $0x0  }
0x1f: {  	s9 =	smul.u32 $0xF7A, s1;
	s8 =	simm.s32 @!p0 $0x1BF5;
	p2 =	por !p2, p0  }
0x20: {  	[sflag:s8] =	ssyncset.s32 @!p0 $0xFFFFF086;
	s6 =	sadd.s32 @!p0 s3, s7;
	s7 =	simm.s32 @!p0 $0x108  }
0x21: {  	s3 =	sadd.s32 s3, s9;
	s6 =	sadd.s32 @!p0 $0x88, s6;
	s7 =	simm.s32 @p2 $0x1082  }
0x22: {  	[simem:s7], [sflag:s8] =	dma.local @!p0 [hbm:s6], $0xF7A  }
0x23: {  	s9 =	sor.u32 $0xD0000000, s2;
	s6 =	simm.s32 $0x108;
	_ =	swait.ge @!p0 [sflag:s8], $0x0  }
0x24: {  	s3 =	sadd.s32 $0x88, s3;
	s6 =	simm.s32 @!p1 $0x1082;
	[sflag:s4] =	ssyncset.s32 $0xFFFFF086  }
0x25: {  	[simem:s6], [sflag:s4] =	dma.local [hbm:s3], $0xF7A  }
0x26: {  	[smem:$0x3F8F] =	sst s1;
	(tag) =	ssettag s2;
	_ =	strace s9  }
0x27: {  	s1 =	sld [smem:$0x3F9F]  }
0x28: {  	s2 =	sld [smem:$0x3FA0]  }
0x29: {  	s4 =	sld [smem:$0x3FA2]  }
0x2a: {  	p0 =	seq.s32 s5, $0x0;
	s5 =	sld [smem:$0x3FA3]  }
0x2b: {  	s6 =	sld [smem:$0x3FA4]  }
0x2c: {  	s7 =	sld [smem:$0x3FA5]  }
0x2d: {  	s3 =	simm.s32 $0x108;
	s8 =	sld [smem:$0x3FA6]  }
0x2e: {  	s3 =	simm.s32 @!p0 $0x1082;
	s9 =	sld [smem:$0x3FA7]  }
0x2f: {  	lr =	sadd.s32 s0, s3;
	s0 =	sld [smem:$0x3F9E]  }
0x30: {  	s3 =	sld [smem:$0x3FA1]  }
0x31: {  	[smem:$0x3FAA] =	sst s10  }
0x32: {  	s10 =	sld [smem:$0x3FA8];
	_ =	sdelay $0x3  }
0x33: {  	p0 =	seq.s32 s10, $0x1;
	s10 =	sld [smem:$0x3FAA];
	_ =	sdelay $0x3  }
0x34: {  	[smem:$0x3FAA] =	sst s10  }
0x35: {  	s10 =	sld [smem:$0x3FA9];
	_ =	sdelay $0x3  }
0x36: {  	p1 =	seq.s32 s10, $0x1;
	s10 =	sld [smem:$0x3FAA];
	_ =	sdelay $0x3  }
0x37: {  	[smem:$0x3FAA] =	sst s10  }
0x38: {  	s10 =	sld [smem:$0x3FAB]  }
0x39: {  	_ = 	snop;
	(pc) =	sbr.ind lr, $3  }
0x3a: {  	_ = 	snop  }
0x3b: {  	_ = 	snop  }
0x3c: {  	p2 =	seq.s32 s10, $0x1;
	s10 =	sld [smem:$0x3FAA]  }
0x3d: {  	_ =	shalt  }
0x3e: {  	_ =	shalt  }
0x3f: {  	_ =	shalt  }
0x40: {  	_ =	shalt  }
0x41: {  	_ =	shalt  }
0x42: {  	_ =	shalt  }
0x43: {  	_ =	shalt  }
0x44: {  	_ =	shalt  }
0x45: {  	_ =	shalt  }
0x46: {  	_ =	shalt  }
0x47: {  	_ =	shalt  }
0x48: {  	_ =	shalt  }
0x49: {  	_ =	shalt  }
0x4a: {  	_ =	shalt  }
0x4b: {  	_ =	shalt  }
0x4c: {  	_ =	shalt  }
0x4d: {  	_ =	shalt  }
0x4e: {  	_ =	shalt  }
0x4f: {  	_ =	shalt  }
0x50: {  	_ =	shalt  }
0x51: {  	_ =	shalt  }
0x52: {  	_ =	shalt  }
0x53: {  	_ =	shalt  }
0x54: {  	_ =	shalt  }
0x55: {  	_ =	shalt  }
0x56: {  	_ =	shalt  }
0x57: {  	_ =	shalt  }
0x58: {  	_ =	shalt  }
0x59: {  	_ =	shalt  }
0x5a: {  	_ =	shalt  }
0x5b: {  	_ =	shalt  }
0x5c: {  	_ =	shalt  }
0x5d: {  	_ =	shalt  }
0x5e: {  	_ =	shalt  }
0x5f: {  	_ =	shalt  }
0x60: {  	_ =	shalt  }
0x61: {  	_ =	shalt  }
0x62: {  	_ =	shalt  }
0x63: {  	_ =	shalt  }
0x64: {  	_ =	shalt  }
0x65: {  	_ =	shalt  }
0x66: {  	_ =	shalt  }
0x67: {  	_ =	shalt  }
0x68: {  	_ =	shalt  }
0x69: {  	_ =	shalt  }
0x6a: {  	_ =	shalt  }
0x6b: {  	_ =	shalt  }
0x6c: {  	_ =	shalt  }
0x6d: {  	_ =	shalt  }
0x6e: {  	_ =	shalt  }
0x6f: {  	_ =	shalt  }
0x70: {  	_ =	shalt  }
0x71: {  	_ =	shalt  }
0x72: {  	_ =	shalt  }
0x73: {  	_ =	shalt  }
0x74: {  	_ =	shalt  }
0x75: {  	_ =	shalt  }
0x76: {  	_ =	shalt  }
0x77: {  	_ =	shalt  }
0x78: {  	_ =	shalt  }
0x79: {  	_ =	shalt  }
0x7a: {  	_ =	shalt  }
0x7b: {  	_ =	shalt  }
0x7c: {  	_ =	shalt  }
0x7d: {  	_ =	shalt  }
0x7e: {  	_ =	shalt  }
0x7f: {  	_ =	shalt  }
0x80: {  	_ =	shalt  }
0x81: {  	_ =	shalt  }
0x82: {  	_ =	shalt  }
0x83: {  	_ =	shalt  }
0x84: {  	_ =	shalt  }
0x85: {  	_ =	shalt  }
0x86: {  	_ =	shalt  }
0x87: {  	_ =	shalt  }
.Lfunc_end0:
.L_simem_size_0:
called_computation.1_lowered:
.L_overlay_start_0:
0x88: {  	s2 =	sld [smem:$0x3FD9]  }
0x89: {  	s3 =	sld [smem:$0x3FFE];
	_ =	sdelay $0x1  }
0x8a: {  	s1 =	srdreg.scid  }
0x8b: {  	s0 =	sand.u32 $0x1, s1  }
0x8c: {  	s17 =	sshll.u32 s0, $0xA;
	s2 =	sadd.s32 s3, s2  }
0x8d: {  	s2 =	sadd.s32 s2, s17  }
0x8e: {  	[smem:$0x3FB6] =	sst s2  }
0x8f: {  	_ = 	snop  }
0x90: {  	s2 =	sld [smem:$0x3FD0];
	(tm) =	ssettm $0x1  }
0x91: {  	s18 =	sld [smem:$0x3FFB];
	_ =	sdelay $0x3  }
0x92: {  	_ =	strace s18  }
0x93: {  	s3 =	sld [smem:$0x3FFC];
	_ =	sdelay $0x3  }
0x94: {  	_ =	strace s3  }
0x95: {  	s3 =	sld [smem:$0x3FFD];
	_ =	sdelay $0x3  }
0x96: {  	_ =	strace s3  }
0x97: {  	_ =	strace $0x8FFFFFFF  }
0x98: {  	s19 =	sld [smem:$0x3FDB];
	_ =	sdelay $0x1  }
0x99: {  	s4 =	simm.s32 $_scs_section_size  }
0x9a: {  	s5 =	simm.s32 $_size__tile_overlayer_lowered;
	s6 =	simm.s32 $_tile_overlayer_lowered  }
0x9b: {  	s22 =	simm.s32 $0x1BFF;
	s21 =	sshll.u32 s6, $0x1;
	s3 =	sadd.s32 s4, s19  }
0x9c: {  	s7 =	simm.s32 $0x0;
	s20 =	sshll.u32 s5, $0x1;
	s5 =	sadd.s32 s21, s3  }
0x9d: {  	[timem:s7], [sflag:s22] =	dma.local [hbm:s5], s20  }
0x9e: {  	_ =	swait.ge [sflag:s22], s20  }
0x9f: {  	s4 =	ssub.s32 $0x0, s20;
	[sflag:s22] =	ssyncset.done $0x0  }
0xa0: {  	[sflag:s22] =	ssyncadd.s32 s4;
	_ =	sdelay $0x1  }
0xa1: {  	s23 =	simm.s32 $0x1B8B  }
0xa2: {  	_ =	swait.ge [sflag:s23], $0x1  }
0xa3: {  	[sflag:s23] =	ssyncset.done $0x0  }
0xa4: {  	s25 =	simm.s32 $0x1B8E;
	s24 =	sld [smem:$0x3FFE];
	[sflag:s23] =	ssyncadd.s32 $0xFFFFFFFF  }
0xa5: {  	s26 =	simm.s32 $execute0_lowered;
	[smem:$0x3FD2] =	sst s25  }
0xa6: {  	s5 =	sshll.u32 s26, $0x1;
	_ =	strace $0x80000049;
	[dreg:$0x1] =	wrdreg $0xFFFFFFFF  }
0xa7: {  	s28 =	simm.s32 $_size_execute0_lowered;
	s3 =	sadd.s32 s3, s5;
	[dreg:$0x0] =	wrdreg $0x0  }
0xa8: {  	s5 =	sshll.u32 s28, $0x1;
	[dreg:$0x2] =	wrdreg s3  }
0xa9: {  	[dreg:$0x3] =	wrdreg s5  }
0xaa: {  	[dreg:$0x4] =	wrdreg $0xC0  }
0xab: {  	_ =	task [dreg:s7], $0x5FFFF  }
0xac: {  	[dreg:$0x1] =	wrdreg $0xFFFFFFFF  }
0xad: {  	[dreg:$0x0] =	wrdreg $0x60  }
0xae: {  	[dreg:$0x2] =	wrdreg s24  }
0xaf: {  	[dreg:$0x3] =	wrdreg s2  }
0xb0: {  	[dreg:$0x4] =	wrdreg $0x86000  }
0xb1: {  	[dreg:$0x5] =	wrdreg $0x9  }
0xb2: {  	_ =	task.clear_ibuf [dreg:s7], $0x6FFFF;
	_ =	strace $0x90000049  }
0xb3: {  	s29 =	simm.s32 $0x9;
	_ =	strace $0x8000004B  }
0xb4: {  	_ =	swait.ge [sflag:s29], $0x1  }
0xb5: {  	[sflag:s29] =	ssyncadd.s32 $0xFFFFFFFF  }
0xb6: {  	_ =	strace $0x9000004B  }
0xb7: {  	_ =	sfence  }
0xb8: {  	s30 =	sld [smem:$0x0];
	_ =	sdelay $0x2  }
0xb9: {  	s31 =	sshll.u32 s1, $0xD;
	s1 =	sshrl.u32 s1, $0x2  }
0xba: {  	s3 =	sand.u32 $0x4000, s31;
	s1 =	sadd.s32 s1, s30  }
0xbb: {  	s0 =	sor.u32 s3, s0;
	s1 =	sshll.u32 s1, $0x11  }
0xbc: {  	s0 =	sor.u32 s1, s0  }
0xbd: {  	s0 =	sadd.s32 $0x8F2B, s0  }
0xbe: {  	[sflag:s0] =	ssyncadd.remote.s32 $0x1  }
0xbf: {  	_ =	sfence.sel $0xFFFF  }
0xc0: {  	[dreg:$0x0] =	wrdreg $0xFFFFFFFF;
	(pc) =	sbr.abs _section_cstart, $3  }
0xc1: {  	[dreg:$0x1] =	wrdreg $0xFFFFFFFF  }
0xc2: {  	_ =	task.clear_ibuf [dreg:s7], $0x2FFFF;
	_ =	strace $0x9FFFFFFF  }
0xc3: {  	(tm) =	ssettm $0x7FFFFFFF  }
tec
execute0_lowered:
.L_overlay_start_1:
0x0: {  	(tag) =	ssettag $0x1  }
0x1: {  	s0 =	rddreg [dreg:$0x0]  }
0x2: {  	s2 =	rddreg [dreg:$0x1]  }
0x3: {  	s1 =	rddreg [dreg:$0x2]  }
0x4: {  	s3 =	simm.s32 $0x0;
	s4 =	srdreg.scid;
	s12 =	stileid.u32  }
0x5: {  	s29 =	simm.s32 $0x480;
	s28 =	simm.s32 $0x400;
	s7 =	smul.u32 $0x13C00, s12  }
0x6: {  	[smem:$0x7FF] =	sst s3;
	s5 =	sand.u32 $0x1, s4;
	s13 =	smul.u32 $0x2800, s12  }
0x7: {  	s4 =	sadd.s32 $0xD400, s0;
	s8 =	sadd.s32 $0x3400, s0;
	s11 =	smul.u32 $0x4F000, s12  }
0x8: {  	s9 =	sadd.s32 $0x145C00, s0;
	s16 =	sshll.u32 s12, $0x6;
	s6 =	smul.u32 $0x13C000, s5  }
0x9: {  	_ =	strace $0x8000004A;
	s31 =	smul.u32 $0x28000, s5;
	s5 =	ssub.s32 $0x2, s5  }
0xa: {  	[dreg:$0x4] =	wrdreg s9;
	s12 =	sor.u32 $0x1C11, s16;
	s10 =	sshrl.u32 s5, $0x1  }
0xb: {  	s15 =	sshrl.u32 s11, $0x2;
	s11 =	simm.s32 $0xE;
	[dreg:$0x6] =	wrdreg s12  }
0xc: {  	s6 =	sadd.s32 s7, s6;
	s5 =	ssub.s32 s5, s10;
	s14 =	sadd.s32 s13, s31  }
0xd: {  	s7 =	sadd.s32 s15, s1;
	s6 =	sshrl.u32 s6, $0x3;
	s17 =	sshrl.u32 s14, $0x3  }
0xe: {  	[dreg:$0x5] =	wrdreg s7;
	s30 =	smax.u32 s5, $0x1;
	s0 =	sadd.s32 s6, s0  }
0xf: {  	s18 =	sadd.s32 s2, s17;
	s19 =	sor.u32 $0x10, s17;
	[dreg:$0x11] =	wrdreg s30  }
0x10: {  	s20 =	sor.u32 $0x20, s17;
	s10 =	sadd.s32 s8, s17;
	[dreg:$0x7] =	wrdreg s18  }
0x11: {  	s21 =	sor.u32 $0x30, s17;
	s13 =	sadd.s32 s2, s19;
	[dreg:$0xb] =	wrdreg s10  }
0x12: {  	s6 =	sor.u32 $0x400, s14;
	s22 =	sadd.s32 s2, s20;
	[dreg:$0x8] =	wrdreg s13  }
0x13: {  	s14 =	simm.s32 $0xF;
	s23 =	sadd.s32 s2, s21;
	[dreg:$0x9] =	wrdreg s22  }
0x14: {  	s7 =	sadd.s32 s8, s19;
	s24 =	sadd.s32 s8, s20;
	[dreg:$0xa] =	wrdreg s23  }
0x15: {  	s25 =	sadd.s32 s8, s21;
	s26 =	sadd.s32 $0x40, s10;
	[dreg:$0xc] =	wrdreg s7  }
0x16: {  	s0 =	sadd.s32 $0x148400, s0;
	s31 =	sshrl.u32 s6, $0x3;
	[dreg:$0xd] =	wrdreg s24  }
0x17: {  	s6 =	simm.s32 $0x11;
	s20 =	simm.s32 $0x600;
	[dreg:$0xe] =	wrdreg s25  }
.Ltmp0:
0x18: {  	s10 =	simm.s32 $0x4600;
	[dreg:$0xf] =	wrdreg s26;
	(pc) =	sbr.rel .LBB2_1-.Ltmp0, $4  }
0x19: {  	s18 =	simm.s32 $0x10;
	[dreg:$0x10] =	wrdreg s0;
	s2 =	sadd.s32 s31, s2  }
0x1a: {  	s16 =	sadd.s32 s31, s8;
	s22 =	simm.s32 $0x80;
	s25 =	simm.s32 $0x100  }
0x1b: {  	s26 =	simm.s32 $0x180;
	s13 =	simm.s32 $0x400;
	s0 =	simm.s32 $0x0  }
0x1c: {  	s8 =	simm.s32 $0x500;
	[dreg:$0x12] =	wrdreg s2;
	s2 =	simm.s32 $0xD  }
.LBB2_4:
0x1d: {  	_ =	swait.ge [sflag:s18], $0x4000  }
0x1e: {  	[sflag:s18] =	ssyncset.done $0x0  }
0x1f: {  	[sflag:s18] =	ssyncadd.s32 $0xFFFFC000  }
0x20: {  	[bflag:$0x0] =	sbarrier.arrive $0xFFFF  }
0x21: {  	s12 =	rddreg [dreg:$0x6]  }
0x22: {  	s5 =	rddreg [dreg:$0x10]  }
0x23: {  	s6 =	simm.s32 $0x11;
	s0 =	rddreg [dreg:$0x14]  }
0x24: {  	[hbm:s5], [sflag:s12] =	dma.local [spmem:s0], $0x2780  }
0x25: {  	_ =	swait.ge [sflag:s6], $0x2780  }
0x26: {  	s30 =	rddreg [dreg:$0x13]  }
0x27: {  	s31 =	rddreg [dreg:$0x11];
	s0 =	sadd.s32 $0x1, s30  }
0x28: {  	p0 =	sne.s32 s0, s31  }
.Ltmp1:
0x29: {  	_ = 	snop;
	(pc) =	sbr.rel @!p0 .LBB2_5-.Ltmp1, $3  }
0x2a: {  	_ =	sdelay $0x1  }
0x2b: {  	[sflag:s6] =	ssyncset.done $0x0  }
0x2c: {  	s13 =	simm.s32 $0x400;
	[sflag:s6] =	ssyncadd.s32 $0xFFFFD880  }
.LBB2_1:
0x2d: {  	[dreg:$0x13] =	wrdreg s0  }
0x2e: {  	s5 =	rddreg [dreg:$0x5]  }
0x2f: {  	s31 =	rddreg [dreg:$0x4];
	s30 =	sshrl.u32 s5, $0x3  }
0x30: {  	[dreg:$0x14] =	wrdreg s30  }
0x31: {  	[spmem:s30], [sflag:s12] =	dma.local [hbm:s31], $0x2780  }
0x32: {  	_ =	swait.ge [sflag:s6], $0x2780  }
0x33: {  	[sflag:s6] =	ssyncset.done $0x0  }
0x34: {  	[sflag:s6] =	ssyncadd.s32 $0xFFFFD880  }
0x35: {  	[bflag:$0x0] =	sbarrier.arrive $0xFFFF  }
0x36: {  	s6 =	rddreg [dreg:$0x7]  }
0x37: {  	[tilespmem:s3], [sflag:$0x1] =	stream.linear.gather [hbm4b:s6+s3], $0x80, $0x38;
	[tilespmem:$0x1C200] =	vst v63  }
0x38: {  	s7 =	rddreg [dreg:$0x8]  }
0x39: {  	[tilespmem:s22], [sflag:$0x2] =	stream.linear.gather [hbm4b:s7+s3], $0x80, $0x38;
	[tilespmem:$0x1C200] =	vst v63  }
0x3a: {  	s9 =	rddreg [dreg:$0x9]  }
0x3b: {  	[tilespmem:s25], [sflag:$0x3] =	stream.linear.gather [hbm4b:s9+s3], $0x80, $0x38;
	[tilespmem:$0x1C200] =	vst v63  }
0x3c: {  	s12 =	rddreg [dreg:$0xa]  }
0x3d: {  	[tilespmem:s26], [sflag:$0x4] =	stream.linear.gather [hbm4b:s12+s3], $0x80, $0x38;
	[tilespmem:$0x1C200] =	vst v63  }
0x3e: {  	s17 =	simm.s32 $0x200;
	s15 =	rddreg [dreg:$0xb]  }
0x3f: {  	[tilespmem:s17], [sflag:$0x5] =	stream.linear.gather [hbm4b:s15+s3], $0x80, $0x38;
	[tilespmem:$0x1C200] =	vst v63  }
0x40: {  	s21 =	simm.s32 $0x280;
	s19 =	rddreg [dreg:$0xc]  }
0x41: {  	[tilespmem:s21], [sflag:$0x6] =	stream.linear.gather [hbm4b:s19+s3], $0x80, $0x38;
	[tilespmem:$0x1C200] =	vst v63  }
0x42: {  	s24 =	simm.s32 $0x300;
	s23 =	rddreg [dreg:$0xd]  }
0x43: {  	[tilespmem:s24], [sflag:$0x7] =	stream.linear.gather [hbm4b:s23+s3], $0x80, $0x38;
	[tilespmem:$0x1C200] =	vst v63  }
0x44: {  	s25 =	rddreg [dreg:$0xe];
	s26 =	simm.s32 $0x380  }
0x45: {  	[tilespmem:s26], [sflag:$0x8] =	stream.linear.gather [hbm4b:s25+s3], $0x80, $0x38;
	[tilespmem:$0x1C200] =	vst v63  }
0x46: {  	s31 =	simm.s32 $0x1;
	s30 =	rddreg [dreg:$0xf]  }
0x47: {  	[tilespmem:s13], [sflag:$0x9] =	stream.linear.gather [hbm4b:s30+s3], $0x80, $0x38;
	[tilespmem:$0x1C200] =	vst v63  }
0x48: {  	_ =	swait.ge [sflag:s31], $0x80  }
0x49: {  	[sflag:s31] =	ssyncset.done $0x0  }
0x4a: {  	s19 =	simm.s32 $0x0;
	[sflag:s31] =	ssyncadd.s32 $0xFFFFFF80  }
0x4b: {  	[tilespmem:s20], [sflag:$0xD] =	stream.indirect.gather [hbm4b:s4+s22], $0x80, s3, s22, $0xb8;
	[tilespmem:$0x1C200] =	vst v63  }
.LBB2_2:
0x4c: {  	_ =	swait.ge [sflag:s2], $0x4000  }
0x4d: {  	s5 =	rddreg [dreg:$0x7]  }
0x4e: {  	[sflag:s2] =	ssyncset.done $0x0;
	s5 =	sadd.s32 s19, s5  }
0x4f: {  	s30 =	simm.s32 $0x5;
	[sflag:s2] =	ssyncadd.s32 $0xFFFFC000;
	s6 =	sadd.s32 $0x40, s5  }
0x50: {  	[tilespmem:s3], [sflag:$0x1] =	stream.linear.gather [hbm4b:s6+s3], $0x80, $0x38;
	[tilespmem:$0x1C200] =	vst v63  }
0x51: {  	_ =	swait.ge [sflag:s30], $0x80  }
0x52: {  	p0 =	seq.s32 s19, $0x0;
	[sflag:s30] =	ssyncset.done $0x0  }
0x53: {  	s31 =	simm.s32 $0x200;
	s6 =	simm.s32 @!p0 $0x10;
	[sflag:s30] =	ssyncadd.s32 $0xFFFFFF80  }
0x54: {  	[spmem:s1] =	stream.indirect.scatter.add.f32 [tilespmem:s20], [sflag:$0xF], $0x80, s31, s22, $0xb8;
	[tilespmem:$0x1C200] =	vst v63  }
0x55: {  	_ =	swait.ge @!p0 [sflag:s6], $0x4000  }
0x56: {  	s7 =	rddreg [dreg:$0xb]  }
0x57: {  	[sflag:s6] =	ssyncset.done @!p0 $0x0;
	s7 =	sadd.s32 s19, s7  }
0x58: {  	s9 =	simm.s32 $0x2;
	[sflag:s6] =	ssyncadd.s32 @!p0 $0xFFFFC000;
	s0 =	sadd.s32 $0x50, s7  }
0x59: {  	[tilespmem:s29], [sflag:$0xA] =	stream.linear.gather [hbm4b:s0+s3], $0x80, $0x38;
	[tilespmem:$0x1C200] =	vst v63  }
0x5a: {  	_ =	swait.ge [sflag:s9], $0x80  }
0x5b: {  	[sflag:s9] =	ssyncset.done $0x0  }
0x5c: {  	[sflag:s9] =	ssyncadd.s32 $0xFFFFFF80  }
0x5d: {  	[tilespmem:s10], [sflag:$0xE] =	stream.indirect.gather [hbm4b:s4+s22], $0x80, s22, s22, $0xb8;
	[tilespmem:$0x1C200] =	vst v63  }
0x5e: {  	_ =	swait.ge [sflag:s11], $0x4000  }
0x5f: {  	[sflag:s11] =	ssyncset.done $0x0  }
0x60: {  	s15 =	simm.s32 $0x6;
	s12 =	sadd.s32 $0x50, s5;
	[sflag:s11] =	ssyncadd.s32 $0xFFFFC000  }
0x61: {  	[tilespmem:s22], [sflag:$0x2] =	stream.linear.gather [hbm4b:s12+s3], $0x80, $0x38;
	[tilespmem:$0x1C200] =	vst v63  }
0x62: {  	_ =	swait.ge [sflag:s15], $0x80  }
0x63: {  	[sflag:s15] =	ssyncset.done $0x0  }
0x64: {  	s17 =	simm.s32 $0x280;
	[sflag:s15] =	ssyncadd.s32 $0xFFFFFF80  }
0x65: {  	[spmem:s1] =	stream.indirect.scatter.add.f32 [tilespmem:s10], [sflag:$0x10], $0x80, s17, s22, $0xb8;
	[tilespmem:$0x1C200] =	vst v63  }
0x66: {  	_ =	swait.ge [sflag:s14], $0x4000  }
0x67: {  	[sflag:s14] =	ssyncset.done $0x0  }
0x68: {  	s23 =	simm.s32 $0x3;
	s21 =	sadd.s32 $0x60, s7;
	[sflag:s14] =	ssyncadd.s32 $0xFFFFC000  }
0x69: {  	[tilespmem:s8], [sflag:$0xB] =	stream.linear.gather [hbm4b:s21+s3], $0x80, $0x38;
	[tilespmem:$0x1C200] =	vst v63  }
0x6a: {  	_ =	swait.ge [sflag:s23], $0x80  }
0x6b: {  	[sflag:s23] =	ssyncset.done $0x0  }
0x6c: {  	s9 =	simm.s32 $0x100;
	[sflag:s23] =	ssyncadd.s32 $0xFFFFFF80  }
0x6d: {  	[tilespmem:s20], [sflag:$0xD] =	stream.indirect.gather [hbm4b:s4+s22], $0x80, s9, s22, $0xb8;
	[tilespmem:$0x1C200] =	vst v63  }
0x6e: {  	_ =	swait.ge [sflag:s2], $0x4000  }
0x6f: {  	[sflag:s2] =	ssyncset.done $0x0  }
0x70: {  	s26 =	simm.s32 $0x7;
	s24 =	sadd.s32 $0x60, s5;
	[sflag:s2] =	ssyncadd.s32 $0xFFFFC000  }
0x71: {  	[tilespmem:s9], [sflag:$0x3] =	stream.linear.gather [hbm4b:s24+s3], $0x80, $0x38;
	[tilespmem:$0x1C200] =	vst v63  }
0x72: {  	_ =	swait.ge [sflag:s26], $0x80  }
0x73: {  	[sflag:s26] =	ssyncset.done $0x0  }
0x74: {  	s30 =	simm.s32 $0x300;
	[sflag:s26] =	ssyncadd.s32 $0xFFFFFF80  }
0x75: {  	[spmem:s1] =	stream.indirect.scatter.add.f32 [tilespmem:s20], [sflag:$0xF], $0x80, s30, s22, $0xb8;
	[tilespmem:$0x1C200] =	vst v63  }
0x76: {  	_ =	swait.ge [sflag:s18], $0x4000  }
0x77: {  	s31 =	sadd.s32 $0x70, s7;
	[sflag:s18] =	ssyncset.done $0x0  }
0x78: {  	s7 =	simm.s32 $0x4;
	s0 =	simm.s32 $0x580;
	[sflag:s18] =	ssyncadd.s32 $0xFFFFC000  }
0x79: {  	[tilespmem:s0], [sflag:$0xC] =	stream.linear.gather [hbm4b:s31+s3], $0x80, $0x38;
	[tilespmem:$0x1C200] =	vst v63  }
0x7a: {  	_ =	swait.ge [sflag:s7], $0x80  }
0x7b: {  	[sflag:s7] =	ssyncset.done $0x0  }
0x7c: {  	s9 =	simm.s32 $0x180;
	[sflag:s7] =	ssyncadd.s32 $0xFFFFFF80  }
0x7d: {  	[tilespmem:s10], [sflag:$0xE] =	stream.indirect.gather [hbm4b:s4+s22], $0x80, s9, s22, $0xb8;
	[tilespmem:$0x1C200] =	vst v63  }
0x7e: {  	_ =	swait.ge [sflag:s11], $0x4000  }
0x7f: {  	[sflag:s11] =	ssyncset.done $0x0  }
0x80: {  	s5 =	sadd.s32 $0x70, s5;
	s12 =	simm.s32 $0x8;
	[sflag:s11] =	ssyncadd.s32 $0xFFFFC000  }
0x81: {  	[tilespmem:s9], [sflag:$0x4] =	stream.linear.gather [hbm4b:s5+s3], $0x80, $0x38;
	[tilespmem:$0x1C200] =	vst v63  }
0x82: {  	_ =	swait.ge [sflag:s12], $0x80  }
0x83: {  	[sflag:s12] =	ssyncset.done $0x0  }
0x84: {  	s15 =	simm.s32 $0x380;
	[sflag:s12] =	ssyncadd.s32 $0xFFFFFF80  }
0x85: {  	[spmem:s1] =	stream.indirect.scatter.add.f32 [tilespmem:s10], [sflag:$0x10], $0x80, s15, s22, $0xb8;
	[tilespmem:$0x1C200] =	vst v63  }
0x86: {  	_ =	swait.ge [sflag:s14], $0x4000  }
0x87: {  	p0 =	seq.s32 s19, $0x480;
	[sflag:s14] =	ssyncset.done $0x0  }
0x88: {  	s5 =	simm.s32 @p0 $0x1;
	[sflag:s14] =	ssyncadd.s32 $0xFFFFC000  }
0x89: {  	_ =	swait.ge @p0 [sflag:s5], $0x80  }
0x8a: {  	s23 =	simm.s32 @p0 $0x80;
	s7 =	simm.s32 @p0 $0x600;
	[sflag:s5] =	ssyncset.done @p0 $0x0  }
0x8b: {  	s15 =	simm.s32 @p0 $0xD;
	[sflag:s5] =	ssyncadd.s32 @p0 $0xFFFFFF80;
	s5 =	simm.s32 @p0 $0x0  }
0x8c: {  	[tilespmem:s7], [sflag:$0xD] =	stream.indirect.gather @p0 [hbm4b:s4+s23], $0x80, s5, s23, $0xb8;
	[tilespmem:$0x1C200] =	vst v63  }
0x8d: {  	_ =	swait.ge @p0 [sflag:s15], $0x4000  }
0x8e: {  	s24 =	sadd.s32 @!p0 s19, s16;
	[sflag:s15] =	ssyncset.done @p0 $0x0  }
0x8f: {  	s12 =	simm.s32 @!p0 $0x0;
	s5 =	simm.s32 @!p0 $0x200;
	[sflag:s15] =	ssyncadd.s32 @p0 $0xFFFFC000  }
0x90: {  	[tilespmem:s5], [sflag:$0x5] =	stream.linear.gather @!p0 [hbm4b:s24+s12], $0x80, $0x38;
	[tilespmem:$0x1C200] =	vst v63  }
0x91: {  	s5 =	simm.s32 @!p0 $0x1  }
0x92: {  	_ =	swait.ge @!p0 [sflag:s5], $0x80  }
0x93: {  	s30 =	simm.s32 @!p0 $0x80;
	[sflag:s5] =	ssyncset.done @!p0 $0x0  }
0x94: {  	s31 =	simm.s32 @!p0 $0xD;
	[sflag:s5] =	ssyncadd.s32 @!p0 $0xFFFFFF80;
	s5 =	simm.s32 @!p0 $0x600  }
0x95: {  	[tilespmem:s5], [sflag:$0xD] =	stream.indirect.gather @!p0 [hbm4b:s4+s30], $0x80, s12, s30, $0xb8;
	[tilespmem:$0x1C200] =	vst v63  }
0x96: {  	_ =	swait.ge @!p0 [sflag:s31], $0x4000  }
0x97: {  	[sflag:s31] =	ssyncset.done @!p0 $0x0;
	s6 =	rddreg [dreg:$0x12]  }
0x98: {  	s17 =	simm.s32 $0x9;
	[sflag:s31] =	ssyncadd.s32 @!p0 $0xFFFFC000;
	s6 =	sadd.s32 @!p0 s19, s6  }
0x99: {  	[tilespmem:s12], [sflag:$0x1] =	stream.linear.gather @!p0 [hbm4b:s6+s12], $0x80, $0x38;
	[tilespmem:$0x1C200] =	vst v63  }
0x9a: {  	_ =	swait.ge [sflag:s17], $0x80  }
0x9b: {  	[sflag:s17] =	ssyncset.done $0x0  }
0x9c: {  	[sflag:s17] =	ssyncadd.s32 $0xFFFFFF80  }
0x9d: {  	[spmem:s1] =	stream.indirect.scatter.add.f32 [tilespmem:s20], [sflag:$0xF], $0x80, s13, s22, $0xb8;
	[tilespmem:$0x1C200] =	vst v63  }
0x9e: {  	_ =	swait.ge [sflag:s18], $0x4000  }
0x9f: {  	[sflag:s18] =	ssyncset.done $0x0  }
0xa0: {  	s9 =	simm.s32 @p0 $0x2;
	[sflag:s18] =	ssyncadd.s32 $0xFFFFC000  }
0xa1: {  	_ =	swait.ge @p0 [sflag:s9], $0x80  }
0xa2: {  	[sflag:s9] =	ssyncset.done @p0 $0x0  }
0xa3: {  	s0 =	simm.s32 @p0 $0x4600;
	[sflag:s9] =	ssyncadd.s32 @p0 $0xFFFFFF80;
	s9 =	simm.s32 @p0 $0xE  }
0xa4: {  	[tilespmem:s0], [sflag:$0xE] =	stream.indirect.gather @p0 [hbm4b:s4+s23], $0x80, s23, s23, $0xb8;
	[tilespmem:$0x1C200] =	vst v63  }
0xa5: {  	_ =	swait.ge @p0 [sflag:s9], $0x4000  }
0xa6: {  	[sflag:s9] =	ssyncset.done @p0 $0x0  }
0xa7: {  	s17 =	simm.s32 @!p0 $0x280;
	s13 =	sadd.s32 @!p0 $0x10, s24;
	[sflag:s9] =	ssyncadd.s32 @p0 $0xFFFFC000  }
0xa8: {  	[tilespmem:s17], [sflag:$0x6] =	stream.linear.gather @!p0 [hbm4b:s13+s12], $0x80, $0x38;
	[tilespmem:$0x1C200] =	vst v63  }
0xa9: {  	s13 =	simm.s32 @!p0 $0x2  }
0xaa: {  	_ =	swait.ge @!p0 [sflag:s13], $0x80  }
0xab: {  	[sflag:s13] =	ssyncset.done @!p0 $0x0  }
0xac: {  	s17 =	simm.s32 @!p0 $0x4600;
	[sflag:s13] =	ssyncadd.s32 @!p0 $0xFFFFFF80;
	s13 =	simm.s32 @!p0 $0xE  }
0xad: {  	[tilespmem:s17], [sflag:$0xE] =	stream.indirect.gather @!p0 [hbm4b:s4+s30], $0x80, s30, s30, $0xb8;
	[tilespmem:$0x1C200] =	vst v63  }
0xae: {  	_ =	swait.ge @!p0 [sflag:s13], $0x4000  }
0xaf: {  	[sflag:s13] =	ssyncset.done @!p0 $0x0  }
0xb0: {  	s21 =	sadd.s32 @!p0 $0x10, s6;
	[sflag:s13] =	ssyncadd.s32 @!p0 $0xFFFFC000  }
0xb1: {  	[tilespmem:s30], [sflag:$0x2] =	stream.linear.gather @!p0 [hbm4b:s21+s12], $0x80, $0x38;
	[tilespmem:$0x1C200] =	vst v63  }
0xb2: {  	s21 =	simm.s32 $0xA  }
0xb3: {  	_ =	swait.ge [sflag:s21], $0x80  }
0xb4: {  	[sflag:s21] =	ssyncset.done $0x0  }
0xb5: {  	[sflag:s21] =	ssyncadd.s32 $0xFFFFFF80  }
0xb6: {  	[spmem:s1] =	stream.indirect.scatter.add.f32 [tilespmem:s10], [sflag:$0x10], $0x80, s29, s22, $0xb8;
	[tilespmem:$0x1C200] =	vst v63  }
0xb7: {  	_ =	swait.ge [sflag:s14], $0x4000  }
0xb8: {  	[sflag:s14] =	ssyncset.done $0x0  }
0xb9: {  	s21 =	simm.s32 @p0 $0x3;
	[sflag:s14] =	ssyncadd.s32 $0xFFFFC000  }
0xba: {  	_ =	swait.ge @p0 [sflag:s21], $0x80  }
0xbb: {  	[sflag:s21] =	ssyncset.done @p0 $0x0  }
0xbc: {  	[sflag:s21] =	ssyncadd.s32 @p0 $0xFFFFFF80;
	s21 =	simm.s32 @p0 $0x100  }
0xbd: {  	[tilespmem:s7], [sflag:$0xD] =	stream.indirect.gather @p0 [hbm4b:s4+s23], $0x80, s21, s23, $0xb8;
	[tilespmem:$0x1C200] =	vst v63  }
0xbe: {  	_ =	swait.ge @p0 [sflag:s15], $0x4000  }
0xbf: {  	[sflag:s15] =	ssyncset.done @p0 $0x0  }
0xc0: {  	s7 =	sadd.s32 @!p0 $0x20, s24;
	[sflag:s15] =	ssyncadd.s32 @p0 $0xFFFFC000;
	s15 =	simm.s32 @!p0 $0x300  }
0xc1: {  	[tilespmem:s15], [sflag:$0x7] =	stream.linear.gather @!p0 [hbm4b:s7+s12], $0x80, $0x38;
	[tilespmem:$0x1C200] =	vst v63  }
0xc2: {  	s7 =	simm.s32 @!p0 $0x3  }
0xc3: {  	_ =	swait.ge @!p0 [sflag:s7], $0x80  }
0xc4: {  	[sflag:s7] =	ssyncset.done @!p0 $0x0  }
0xc5: {  	[sflag:s7] =	ssyncadd.s32 @!p0 $0xFFFFFF80;
	s7 =	simm.s32 @!p0 $0x100  }
0xc6: {  	[tilespmem:s5], [sflag:$0xD] =	stream.indirect.gather @!p0 [hbm4b:s4+s30], $0x80, s7, s30, $0xb8;
	[tilespmem:$0x1C200] =	vst v63  }
0xc7: {  	_ =	swait.ge @!p0 [sflag:s31], $0x4000  }
0xc8: {  	[sflag:s31] =	ssyncset.done @!p0 $0x0  }
0xc9: {  	s21 =	simm.s32 $0xB;
	s5 =	sadd.s32 @!p0 $0x20, s6;
	[sflag:s31] =	ssyncadd.s32 @!p0 $0xFFFFC000  }
0xca: {  	[tilespmem:s7], [sflag:$0x3] =	stream.linear.gather @!p0 [hbm4b:s5+s12], $0x80, $0x38;
	[tilespmem:$0x1C200] =	vst v63  }
0xcb: {  	_ =	swait.ge [sflag:s21], $0x80  }
0xcc: {  	[sflag:s21] =	ssyncset.done $0x0  }
0xcd: {  	[sflag:s21] =	ssyncadd.s32 $0xFFFFFF80  }
0xce: {  	[spmem:s1] =	stream.indirect.scatter.add.f32 [tilespmem:s20], [sflag:$0xF], $0x80, s8, s22, $0xb8;
	[tilespmem:$0x1C200] =	vst v63  }
0xcf: {  	_ =	swait.ge [sflag:s18], $0x4000  }
0xd0: {  	[sflag:s18] =	ssyncset.done $0x0  }
0xd1: {  	s5 =	simm.s32 @p0 $0x4;
	[sflag:s18] =	ssyncadd.s32 $0xFFFFC000  }
0xd2: {  	_ =	swait.ge @p0 [sflag:s5], $0x80  }
0xd3: {  	[sflag:s5] =	ssyncset.done @p0 $0x0  }
0xd4: {  	[sflag:s5] =	ssyncadd.s32 @p0 $0xFFFFFF80;
	s5 =	simm.s32 @p0 $0x180  }
0xd5: {  	[tilespmem:s0], [sflag:$0xE] =	stream.indirect.gather @p0 [hbm4b:s4+s23], $0x80, s5, s23, $0xb8;
	[tilespmem:$0x1C200] =	vst v63  }
0xd6: {  	_ =	swait.ge @p0 [sflag:s9], $0x4000  }
0xd7: {  	[sflag:s9] =	ssyncset.done @p0 $0x0  }
0xd8: {  	s7 =	simm.s32 @!p0 $0x380;
	s5 =	sadd.s32 @!p0 $0x30, s24;
	[sflag:s9] =	ssyncadd.s32 @p0 $0xFFFFC000  }
0xd9: {  	[tilespmem:s7], [sflag:$0x8] =	stream.linear.gather @!p0 [hbm4b:s5+s12], $0x80, $0x38;
	[tilespmem:$0x1C200] =	vst v63  }
0xda: {  	s5 =	simm.s32 @!p0 $0x4  }
0xdb: {  	_ =	swait.ge @!p0 [sflag:s5], $0x80  }
0xdc: {  	[sflag:s5] =	ssyncset.done @!p0 $0x0  }
0xdd: {  	[sflag:s5] =	ssyncadd.s32 @!p0 $0xFFFFFF80;
	s5 =	simm.s32 @!p0 $0x180  }
0xde: {  	[tilespmem:s17], [sflag:$0xE] =	stream.indirect.gather @!p0 [hbm4b:s4+s30], $0x80, s5, s30, $0xb8;
	[tilespmem:$0x1C200] =	vst v63  }
0xdf: {  	_ =	swait.ge @!p0 [sflag:s13], $0x4000  }
0xe0: {  	[sflag:s13] =	ssyncset.done @!p0 $0x0  }
0xe1: {  	s6 =	sadd.s32 @!p0 $0x30, s6;
	s30 =	simm.s32 $0xC;
	[sflag:s13] =	ssyncadd.s32 @!p0 $0xFFFFC000  }
0xe2: {  	[tilespmem:s5], [sflag:$0x4] =	stream.linear.gather @!p0 [hbm4b:s6+s12], $0x80, $0x38;
	[tilespmem:$0x1C200] =	vst v63  }
0xe3: {  	_ =	swait.ge [sflag:s30], $0x80  }
0xe4: {  	[sflag:s30] =	ssyncset.done $0x0  }
.Ltmp2:
0xe5: {  	s31 =	simm.s32 $0x580;
	[sflag:s30] =	ssyncadd.s32 $0xFFFFFF80;
	(pc) =	sbr.rel @p0 .LBB2_4-.Ltmp2, $4  }
0xe6: {  	[spmem:s1] =	stream.indirect.scatter.add.f32 [tilespmem:s10], [sflag:$0x10], $0x80, s31, s22, $0xb8;
	[tilespmem:$0x1C200] =	vst v63  }
0xe7: {  	_ =	swait.ge [sflag:s14], $0x4000  }
0xe8: {  	[sflag:s14] =	ssyncset.done $0x0  }
0xe9: {  	s25 =	simm.s32 $0x100;
	s26 =	simm.s32 $0x180;
	[sflag:s14] =	ssyncadd.s32 $0xFFFFC000  }
0xea: {  	s5 =	sadd.s32 s19, s16  }
0xeb: {  	s5 =	sadd.s32 $0x40, s5  }
0xec: {  	[tilespmem:s28], [sflag:$0x9] =	stream.linear.gather [hbm4b:s5+s3], $0x80, $0x38;
	[tilespmem:$0x1C200] =	vst v63  }
.Ltmp3:
0xed: {  	s31 =	simm.s32 $0x1;
	(pc) =	sbr.rel .LBB2_2-.Ltmp3, $4  }
0xee: {  	_ =	swait.ge [sflag:s31], $0x80  }
0xef: {  	[sflag:s31] =	ssyncset.done $0x0  }
0xf0: {  	s19 =	sadd.s32 $0x80, s19;
	s13 =	simm.s32 $0x400;
	[sflag:s31] =	ssyncadd.s32 $0xFFFFFF80  }
0xf1: {  	[tilespmem:s20], [sflag:$0xD] =	stream.indirect.gather [hbm4b:s4+s22], $0x80, s3, s22, $0xb8;
	[tilespmem:$0x1C200] =	vst v63  }
.LBB2_5:
0xf2: {  	_ =	sfence.sel $0x180000  }
0xf3: {  	[bflag:$0x0] =	sbarrier.arrive $0xFFFF  }
0xf4: {  	_ =	strace $0x9000004A  }
0xf5: {  	s0 =	stileid.u32;
	[bflag:$0x2] =	sbarrier.arrive $0xFFFF  }
0xf6: {  	p0 =	sne.s32 s0, $0x0;
	s0 =	rddreg [dreg:$0x3]  }
0xf7: {  	s0 =	sadd.s32 @!p0 $0x100000, s0  }
0xf8: {  	[sflag:s0] =	ssyncadd.tile.s32 @!p0 $0x1;
	_ =	shalt  }
.Lfunc_end2:
_tile_overlayer_lowered:
.L_overlay_start_2:
0xf9: {  	(tag) =	ssettag $0x2  }
0xfa: {  	s0 =	rddreg [dreg:$0x0];
	s2 =	stileid.u32  }
0xfb: {  	s1 =	rddreg [dreg:$0x1];
	p0 =	sne.s32 s2, $0x0  }
0xfc: {  	s3 =	rddreg [dreg:$0x2];
	[bflag:$0x3] =	sbarrier.arrive $0xFFFF;
	s2 =	simm.s32 @!p0 $0x1C11  }
0xfd: {  	[timem:s3], [sflag:s2] =	dma.local @!p0 [hbm:s0], s1  }
0xfe: {  	s0 =	simm.s32 @!p0 $0x11  }
0xff: {  	_ =	swait.ge @!p0 [sflag:s0], s1  }
0x100: {  	s1 =	ssub.s32 @!p0 $0x0, s1;
	[sflag:s0] =	ssyncset.done @!p0 $0x0  }
0x101: {  	[sflag:s0] =	ssyncadd.s32 @!p0 s1  }
0x102: {  	[bflag:$0x3] =	sbarrier.arrive $0xFFFF  }
0x103: {  	_ =	shalt  }

// kernel: kernel.17.cloned.1.call-start
scs
__scs_entry_jumppad:
0x0: {  	(pc) =	sbr.rel $0x88, $3  }
0x1: {  	(tag) =	ssettag $0x0;
	lr =	simm.s32 $0x1  }
0x2: {  	[smem:$0x3F8F] =	sst lr;
	_ =	strace $0xD0000000  }
0x3: {  	_ = 	snop  }
0x4: {  	_ = 	snop  }
0x5: {  	_ = 	snop  }
0x6: {  	_ = 	snop  }
0x7: {  	_ = 	snop  }
__scs_overlays_trampoline_lowered:
0x8: {  	[smem:$0x3F9E] =	sst s0  }
0x9: {  	[smem:$0x3F9F] =	sst s1  }
0xa: {  	[smem:$0x3FA0] =	sst s2  }
0xb: {  	[smem:$0x3FA1] =	sst s3  }
0xc: {  	[smem:$0x3FA2] =	sst s4  }
0xd: {  	[smem:$0x3FA3] =	sst s5  }
0xe: {  	[smem:$0x3FA4] =	sst s6  }
0xf: {  	[smem:$0x3FA5] =	sst s7  }
0x10: {  	[smem:$0x3FA6] =	sst s8  }
0x11: {  	[smem:$0x3FA7] =	sst s9;
	s0 =	simm.s32 @!p0 $0x0  }
0x12: {  	s1 =	sld [smem:$0x3F8D];
	s0 =	simm.s32 @p0 $0x1  }
0x13: {  	[smem:$0x3FA8] =	sst s0;
	s0 =	simm.s32 @!p1 $0x0  }
0x14: {  	s2 =	sld [smem:$0x3F8C];
	s0 =	simm.s32 @p1 $0x1  }
0x15: {  	[smem:$0x3FA9] =	sst s0;
	s0 =	simm.s32 @!p2 $0x0  }
0x16: {  	s3 =	sld [smem:$0x3FDB];
	s0 =	simm.s32 @p2 $0x1  }
0x17: {  	s4 =	simm.s32 $0x1BF5;
	[smem:$0x3FAB] =	sst s0  }
0x18: {  	s0 =	sld [smem:$0x3F8E];
	_ =	swait.ge [sflag:s4], $0x0  }
0x19: {  	s7 =	sld [smem:$0x3F8F]  }
0x1a: {  	s8 =	sadd.s32 $0xFFFFE003, lr  }
0x1b: {  	s9 =	sadd.s32 $0xFFFFFEF7, lr;
	s5 =	simm.s32 $0xFFFFFFFF;
	p2 =	slt.u32 s8, $0xFFFFF086  }
0x1c: {  	p1 =	slt.u32 s9, $0xF7A;
	s5 =	simm.s32 @!p2 $0x0  }
0x1d: {  	s5 =	simm.s32 @p1 $0x1;
	p0 =	seq.s32 s7, s2  }
0x1e: {  	s7 =	smul.u32 @!p0 $0xF7A, s2;
	p2 =	seq.s32 @!p0 s5, $0x0  }
0x1f: {  	s9 =	smul.u32 $0xF7A, s1;
	s8 =	simm.s32 @!p0 $0x1BF5;
	p2 =	por !p2, p0  }
0x20: {  	[sflag:s8] =	ssyncset.s32 @!p0 $0xFFFFF086;
	s6 =	sadd.s32 @!p0 s3, s7;
	s7 =	simm.s32 @!p0 $0x108  }
0x21: {  	s3 =	sadd.s32 s3, s9;
	s6 =	sadd.s32 @!p0 $0x88, s6;
	s7 =	simm.s32 @p2 $0x1082  }
0x22: {  	[simem:s7], [sflag:s8] =	dma.local @!p0 [hbm:s6], $0xF7A  }
0x23: {  	s9 =	sor.u32 $0xD0000000, s2;
	s6 =	simm.s32 $0x108;
	_ =	swait.ge @!p0 [sflag:s8], $0x0  }
0x24: {  	s3 =	sadd.s32 $0x88, s3;
	s6 =	simm.s32 @!p1 $0x1082;
	[sflag:s4] =	ssyncset.s32 $0xFFFFF086  }
0x25: {  	[simem:s6], [sflag:s4] =	dma.local [hbm:s3], $0xF7A  }
0x26: {  	[smem:$0x3F8F] =	sst s1;
	(tag) =	ssettag s2;
	_ =	strace s9  }
0x27: {  	s1 =	sld [smem:$0x3F9F]  }
0x28: {  	s2 =	sld [smem:$0x3FA0]  }
0x29: {  	s4 =	sld [smem:$0x3FA2]  }
0x2a: {  	p0 =	seq.s32 s5, $0x0;
	s5 =	sld [smem:$0x3FA3]  }
0x2b: {  	s6 =	sld [smem:$0x3FA4]  }
0x2c: {  	s7 =	sld [smem:$0x3FA5]  }
0x2d: {  	s3 =	simm.s32 $0x108;
	s8 =	sld [smem:$0x3FA6]  }
0x2e: {  	s3 =	simm.s32 @!p0 $0x1082;
	s9 =	sld [smem:$0x3FA7]  }
0x2f: {  	lr =	sadd.s32 s0, s3;
	s0 =	sld [smem:$0x3F9E]  }
0x30: {  	s3 =	sld [smem:$0x3FA1]  }
0x31: {  	[smem:$0x3FAA] =	sst s10  }
0x32: {  	s10 =	sld [smem:$0x3FA8];
	_ =	sdelay $0x3  }
0x33: {  	p0 =	seq.s32 s10, $0x1;
	s10 =	sld [smem:$0x3FAA];
	_ =	sdelay $0x3  }
0x34: {  	[smem:$0x3FAA] =	sst s10  }
0x35: {  	s10 =	sld [smem:$0x3FA9];
	_ =	sdelay $0x3  }
0x36: {  	p1 =	seq.s32 s10, $0x1;
	s10 =	sld [smem:$0x3FAA];
	_ =	sdelay $0x3  }
0x37: {  	[smem:$0x3FAA] =	sst s10  }
0x38: {  	s10 =	sld [smem:$0x3FAB]  }
0x39: {  	_ = 	snop;
	(pc) =	sbr.ind lr, $3  }
0x3a: {  	_ = 	snop  }
0x3b: {  	_ = 	snop  }
0x3c: {  	p2 =	seq.s32 s10, $0x1;
	s10 =	sld [smem:$0x3FAA]  }
0x3d: {  	_ =	shalt  }
0x3e: {  	_ =	shalt  }
0x3f: {  	_ =	shalt  }
0x40: {  	_ =	shalt  }
0x41: {  	_ =	shalt  }
0x42: {  	_ =	shalt  }
0x43: {  	_ =	shalt  }
0x44: {  	_ =	shalt  }
0x45: {  	_ =	shalt  }
0x46: {  	_ =	shalt  }
0x47: {  	_ =	shalt  }
0x48: {  	_ =	shalt  }
0x49: {  	_ =	shalt  }
0x4a: {  	_ =	shalt  }
0x4b: {  	_ =	shalt  }
0x4c: {  	_ =	shalt  }
0x4d: {  	_ =	shalt  }
0x4e: {  	_ =	shalt  }
0x4f: {  	_ =	shalt  }
0x50: {  	_ =	shalt  }
0x51: {  	_ =	shalt  }
0x52: {  	_ =	shalt  }
0x53: {  	_ =	shalt  }
0x54: {  	_ =	shalt  }
0x55: {  	_ =	shalt  }
0x56: {  	_ =	shalt  }
0x57: {  	_ =	shalt  }
0x58: {  	_ =	shalt  }
0x59: {  	_ =	shalt  }
0x5a: {  	_ =	shalt  }
0x5b: {  	_ =	shalt  }
0x5c: {  	_ =	shalt  }
0x5d: {  	_ =	shalt  }
0x5e: {  	_ =	shalt  }
0x5f: {  	_ =	shalt  }
0x60: {  	_ =	shalt  }
0x61: {  	_ =	shalt  }
0x62: {  	_ =	shalt  }
0x63: {  	_ =	shalt  }
0x64: {  	_ =	shalt  }
0x65: {  	_ =	shalt  }
0x66: {  	_ =	shalt  }
0x67: {  	_ =	shalt  }
0x68: {  	_ =	shalt  }
0x69: {  	_ =	shalt  }
0x6a: {  	_ =	shalt  }
0x6b: {  	_ =	shalt  }
0x6c: {  	_ =	shalt  }
0x6d: {  	_ =	shalt  }
0x6e: {  	_ =	shalt  }
0x6f: {  	_ =	shalt  }
0x70: {  	_ =	shalt  }
0x71: {  	_ =	shalt  }
0x72: {  	_ =	shalt  }
0x73: {  	_ =	shalt  }
0x74: {  	_ =	shalt  }
0x75: {  	_ =	shalt  }
0x76: {  	_ =	shalt  }
0x77: {  	_ =	shalt  }
0x78: {  	_ =	shalt  }
0x79: {  	_ =	shalt  }
0x7a: {  	_ =	shalt  }
0x7b: {  	_ =	shalt  }
0x7c: {  	_ =	shalt  }
0x7d: {  	_ =	shalt  }
0x7e: {  	_ =	shalt  }
0x7f: {  	_ =	shalt  }
0x80: {  	_ =	shalt  }
0x81: {  	_ =	shalt  }
0x82: {  	_ =	shalt  }
0x83: {  	_ =	shalt  }
0x84: {  	_ =	shalt  }
0x85: {  	_ =	shalt  }
0x86: {  	_ =	shalt  }
0x87: {  	_ =	shalt  }
.Lfunc_end0:
.L_simem_size_0:
called_computation.2_lowered:
.L_overlay_start_0:
0x88: {  	s2 =	sld [smem:$0x3FD9]  }
0x89: {  	s3 =	sld [smem:$0x3FFE];
	_ =	sdelay $0x1  }
0x8a: {  	s1 =	srdreg.scid  }
0x8b: {  	s0 =	sand.u32 $0x1, s1  }
0x8c: {  	s17 =	sshll.u32 s0, $0xA;
	s2 =	sadd.s32 s3, s2  }
0x8d: {  	s2 =	sadd.s32 s2, s17  }
0x8e: {  	[smem:$0x3FB6] =	sst s2  }
0x8f: {  	_ = 	snop  }
0x90: {  	s2 =	sld [smem:$0x3FD0];
	(tm) =	ssettm $0x1  }
0x91: {  	s18 =	sld [smem:$0x3FFB];
	_ =	sdelay $0x3  }
0x92: {  	_ =	strace s18  }
0x93: {  	s3 =	sld [smem:$0x3FFC];
	_ =	sdelay $0x3  }
0x94: {  	_ =	strace s3  }
0x95: {  	s3 =	sld [smem:$0x3FFD];
	_ =	sdelay $0x3  }
0x96: {  	_ =	strace s3  }
0x97: {  	_ =	strace $0x8FFFFFFF  }
0x98: {  	s19 =	sld [smem:$0x3FDB];
	_ =	sdelay $0x1  }
0x99: {  	s4 =	simm.s32 $_scs_section_size  }
0x9a: {  	s5 =	simm.s32 $_size__tile_overlayer_lowered;
	s6 =	simm.s32 $_tile_overlayer_lowered  }
0x9b: {  	s22 =	simm.s32 $0x1BFF;
	s21 =	sshll.u32 s6, $0x1;
	s3 =	sadd.s32 s4, s19  }
0x9c: {  	s7 =	simm.s32 $0x0;
	s20 =	sshll.u32 s5, $0x1;
	s5 =	sadd.s32 s21, s3  }
0x9d: {  	[timem:s7], [sflag:s22] =	dma.local [hbm:s5], s20  }
0x9e: {  	_ =	swait.ge [sflag:s22], s20  }
0x9f: {  	s4 =	ssub.s32 $0x0, s20;
	[sflag:s22] =	ssyncset.done $0x0  }
0xa0: {  	[sflag:s22] =	ssyncadd.s32 s4;
	_ =	sdelay $0x1  }
0xa1: {  	s23 =	simm.s32 $0x1B8B  }
0xa2: {  	_ =	swait.ge [sflag:s23], $0x1  }
0xa3: {  	[sflag:s23] =	ssyncset.done $0x0  }
0xa4: {  	s25 =	simm.s32 $0x1B8E;
	s24 =	sld [smem:$0x3FFE];
	[sflag:s23] =	ssyncadd.s32 $0xFFFFFFFF  }
0xa5: {  	s26 =	simm.s32 $execute0_lowered;
	[smem:$0x3FD2] =	sst s25  }
0xa6: {  	s5 =	sshll.u32 s26, $0x1;
	_ =	strace $0x8000004C;
	[dreg:$0x1] =	wrdreg $0xFFFFFFFF  }
0xa7: {  	s28 =	simm.s32 $_size_execute0_lowered;
	s3 =	sadd.s32 s3, s5;
	[dreg:$0x0] =	wrdreg $0x0  }
0xa8: {  	s5 =	sshll.u32 s28, $0x1;
	[dreg:$0x2] =	wrdreg s3  }
0xa9: {  	[dreg:$0x3] =	wrdreg s5  }
0xaa: {  	[dreg:$0x4] =	wrdreg $0xC0  }
0xab: {  	_ =	task [dreg:s7], $0x5FFFF  }
0xac: {  	[dreg:$0x1] =	wrdreg $0xFFFFFFFF  }
0xad: {  	[dreg:$0x0] =	wrdreg $0x60  }
0xae: {  	[dreg:$0x2] =	wrdreg s24  }
0xaf: {  	[dreg:$0x3] =	wrdreg s2  }
0xb0: {  	[dreg:$0x4] =	wrdreg $0x86000  }
0xb1: {  	[dreg:$0x5] =	wrdreg $0x9  }
0xb2: {  	_ =	task.clear_ibuf [dreg:s7], $0x6FFFF;
	_ =	strace $0x9000004C  }
0xb3: {  	s29 =	simm.s32 $0x9;
	_ =	strace $0x8000004E  }
0xb4: {  	_ =	swait.ge [sflag:s29], $0x1  }
0xb5: {  	[sflag:s29] =	ssyncadd.s32 $0xFFFFFFFF  }
0xb6: {  	_ =	strace $0x9000004E  }
0xb7: {  	_ =	sfence  }
0xb8: {  	s30 =	sld [smem:$0x0];
	_ =	sdelay $0x2  }
0xb9: {  	s31 =	sshll.u32 s1, $0xD;
	s1 =	sshrl.u32 s1, $0x2  }
0xba: {  	s3 =	sand.u32 $0x4000, s31;
	s1 =	sadd.s32 s1, s30  }
0xbb: {  	s0 =	sor.u32 s3, s0;
	s1 =	sshll.u32 s1, $0x11  }
0xbc: {  	s0 =	sor.u32 s1, s0  }
0xbd: {  	s0 =	sadd.s32 $0x8F2B, s0  }
0xbe: {  	[sflag:s0] =	ssyncadd.remote.s32 $0x1  }
0xbf: {  	_ =	sfence.sel $0xFFFF  }
0xc0: {  	[dreg:$0x0] =	wrdreg $0xFFFFFFFF;
	(pc) =	sbr.abs _section_cstart, $3  }
0xc1: {  	[dreg:$0x1] =	wrdreg $0xFFFFFFFF  }
0xc2: {  	_ =	task.clear_ibuf [dreg:s7], $0x2FFFF;
	_ =	strace $0x9FFFFFFF  }
0xc3: {  	(tm) =	ssettm $0x7FFFFFFF  }
tec
execute0_lowered:
.L_overlay_start_1:
0x0: {  	(tag) =	ssettag $0x1  }
0x1: {  	s0 =	rddreg [dreg:$0x0]  }
0x2: {  	s2 =	rddreg [dreg:$0x1]  }
0x3: {  	s1 =	rddreg [dreg:$0x2]  }
0x4: {  	s3 =	simm.s32 $0x0;
	s4 =	srdreg.scid;
	s12 =	stileid.u32  }
0x5: {  	s29 =	simm.s32 $0x480;
	s28 =	simm.s32 $0x400;
	s7 =	smul.u32 $0x13C00, s12  }
0x6: {  	[smem:$0x7FF] =	sst s3;
	s5 =	sand.u32 $0x1, s4;
	s13 =	smul.u32 $0x2800, s12  }
0x7: {  	s4 =	sadd.s32 $0xD400, s0;
	s8 =	sadd.s32 $0x3400, s0;
	s11 =	smul.u32 $0x4F000, s12  }
0x8: {  	s9 =	sadd.s32 $0x145C00, s0;
	s16 =	sshll.u32 s12, $0x6;
	s6 =	smul.u32 $0x13C000, s5  }
0x9: {  	_ =	strace $0x8000004D;
	s31 =	smul.u32 $0x28000, s5;
	s5 =	ssub.s32 $0x2, s5  }
0xa: {  	[dreg:$0x4] =	wrdreg s9;
	s12 =	sor.u32 $0x1C11, s16;
	s10 =	sshrl.u32 s5, $0x1  }
0xb: {  	s15 =	sshrl.u32 s11, $0x2;
	s11 =	simm.s32 $0xE;
	[dreg:$0x6] =	wrdreg s12  }
0xc: {  	s6 =	sadd.s32 s7, s6;
	s5 =	ssub.s32 s5, s10;
	s14 =	sadd.s32 s13, s31  }
0xd: {  	s7 =	sadd.s32 s15, s1;
	s6 =	sshrl.u32 s6, $0x3;
	s17 =	sshrl.u32 s14, $0x3  }
0xe: {  	[dreg:$0x5] =	wrdreg s7;
	s30 =	smax.u32 s5, $0x1;
	s0 =	sadd.s32 s6, s0  }
0xf: {  	s18 =	sadd.s32 s2, s17;
	s19 =	sor.u32 $0x10, s17;
	[dreg:$0x11] =	wrdreg s30  }
0x10: {  	s20 =	sor.u32 $0x20, s17;
	s10 =	sadd.s32 s8, s17;
	[dreg:$0x7] =	wrdreg s18  }
0x11: {  	s21 =	sor.u32 $0x30, s17;
	s13 =	sadd.s32 s2, s19;
	[dreg:$0xb] =	wrdreg s10  }
0x12: {  	s6 =	sor.u32 $0x400, s14;
	s22 =	sadd.s32 s2, s20;
	[dreg:$0x8] =	wrdreg s13  }
0x13: {  	s14 =	simm.s32 $0xF;
	s23 =	sadd.s32 s2, s21;
	[dreg:$0x9] =	wrdreg s22  }
0x14: {  	s7 =	sadd.s32 s8, s19;
	s24 =	sadd.s32 s8, s20;
	[dreg:$0xa] =	wrdreg s23  }
0x15: {  	s25 =	sadd.s32 s8, s21;
	s26 =	sadd.s32 $0x40, s10;
	[dreg:$0xc] =	wrdreg s7  }
0x16: {  	s0 =	sadd.s32 $0x148400, s0;
	s31 =	sshrl.u32 s6, $0x3;
	[dreg:$0xd] =	wrdreg s24  }
0x17: {  	s6 =	simm.s32 $0x11;
	s20 =	simm.s32 $0x600;
	[dreg:$0xe] =	wrdreg s25  }
.Ltmp0:
0x18: {  	s10 =	simm.s32 $0x4600;
	[dreg:$0xf] =	wrdreg s26;
	(pc) =	sbr.rel .LBB2_1-.Ltmp0, $4  }
0x19: {  	s18 =	simm.s32 $0x10;
	[dreg:$0x10] =	wrdreg s0;
	s2 =	sadd.s32 s31, s2  }
0x1a: {  	s16 =	sadd.s32 s31, s8;
	s22 =	simm.s32 $0x80;
	s25 =	simm.s32 $0x100  }
0x1b: {  	s26 =	simm.s32 $0x180;
	s13 =	simm.s32 $0x400;
	s0 =	simm.s32 $0x0  }
0x1c: {  	s8 =	simm.s32 $0x500;
	[dreg:$0x12] =	wrdreg s2;
	s2 =	simm.s32 $0xD  }
.LBB2_4:
0x1d: {  	_ =	swait.ge [sflag:s18], $0x4000  }
0x1e: {  	[sflag:s18] =	ssyncset.done $0x0  }
0x1f: {  	[sflag:s18] =	ssyncadd.s32 $0xFFFFC000  }
0x20: {  	[bflag:$0x0] =	sbarrier.arrive $0xFFFF  }
0x21: {  	s12 =	rddreg [dreg:$0x6]  }
0x22: {  	s5 =	rddreg [dreg:$0x10]  }
0x23: {  	s6 =	simm.s32 $0x11;
	s0 =	rddreg [dreg:$0x14]  }
0x24: {  	[hbm:s5], [sflag:s12] =	dma.local [spmem:s0], $0x2780  }
0x25: {  	_ =	swait.ge [sflag:s6], $0x2780  }
0x26: {  	s30 =	rddreg [dreg:$0x13]  }
0x27: {  	s31 =	rddreg [dreg:$0x11];
	s0 =	sadd.s32 $0x1, s30  }
0x28: {  	p0 =	sne.s32 s0, s31  }
.Ltmp1:
0x29: {  	_ = 	snop;
	(pc) =	sbr.rel @!p0 .LBB2_5-.Ltmp1, $3  }
0x2a: {  	_ =	sdelay $0x1  }
0x2b: {  	[sflag:s6] =	ssyncset.done $0x0  }
0x2c: {  	s13 =	simm.s32 $0x400;
	[sflag:s6] =	ssyncadd.s32 $0xFFFFD880  }
.LBB2_1:
0x2d: {  	[dreg:$0x13] =	wrdreg s0  }
0x2e: {  	s5 =	rddreg [dreg:$0x5]  }
0x2f: {  	s31 =	rddreg [dreg:$0x4];
	s30 =	sshrl.u32 s5, $0x3  }
0x30: {  	[dreg:$0x14] =	wrdreg s30  }
0x31: {  	[spmem:s30], [sflag:s12] =	dma.local [hbm:s31], $0x2780  }
0x32: {  	_ =	swait.ge [sflag:s6], $0x2780  }
0x33: {  	[sflag:s6] =	ssyncset.done $0x0  }
0x34: {  	[sflag:s6] =	ssyncadd.s32 $0xFFFFD880  }
0x35: {  	[bflag:$0x0] =	sbarrier.arrive $0xFFFF  }
0x36: {  	s6 =	rddreg [dreg:$0x7]  }
0x37: {  	[tilespmem:s3], [sflag:$0x1] =	stream.linear.gather [hbm4b:s6+s3], $0x80, $0x38;
	[tilespmem:$0x1C200] =	vst v63  }
0x38: {  	s7 =	rddreg [dreg:$0x8]  }
0x39: {  	[tilespmem:s22], [sflag:$0x2] =	stream.linear.gather [hbm4b:s7+s3], $0x80, $0x38;
	[tilespmem:$0x1C200] =	vst v63  }
0x3a: {  	s9 =	rddreg [dreg:$0x9]  }
0x3b: {  	[tilespmem:s25], [sflag:$0x3] =	stream.linear.gather [hbm4b:s9+s3], $0x80, $0x38;
	[tilespmem:$0x1C200] =	vst v63  }
0x3c: {  	s12 =	rddreg [dreg:$0xa]  }
0x3d: {  	[tilespmem:s26], [sflag:$0x4] =	stream.linear.gather [hbm4b:s12+s3], $0x80, $0x38;
	[tilespmem:$0x1C200] =	vst v63  }
0x3e: {  	s17 =	simm.s32 $0x200;
	s15 =	rddreg [dreg:$0xb]  }
0x3f: {  	[tilespmem:s17], [sflag:$0x5] =	stream.linear.gather [hbm4b:s15+s3], $0x80, $0x38;
	[tilespmem:$0x1C200] =	vst v63  }
0x40: {  	s21 =	simm.s32 $0x280;
	s19 =	rddreg [dreg:$0xc]  }
0x41: {  	[tilespmem:s21], [sflag:$0x6] =	stream.linear.gather [hbm4b:s19+s3], $0x80, $0x38;
	[tilespmem:$0x1C200] =	vst v63  }
0x42: {  	s24 =	simm.s32 $0x300;
	s23 =	rddreg [dreg:$0xd]  }
0x43: {  	[tilespmem:s24], [sflag:$0x7] =	stream.linear.gather [hbm4b:s23+s3], $0x80, $0x38;
	[tilespmem:$0x1C200] =	vst v63  }
0x44: {  	s25 =	rddreg [dreg:$0xe];
	s26 =	simm.s32 $0x380  }
0x45: {  	[tilespmem:s26], [sflag:$0x8] =	stream.linear.gather [hbm4b:s25+s3], $0x80, $0x38;
	[tilespmem:$0x1C200] =	vst v63  }
0x46: {  	s31 =	simm.s32 $0x1;
	s30 =	rddreg [dreg:$0xf]  }
0x47: {  	[tilespmem:s13], [sflag:$0x9] =	stream.linear.gather [hbm4b:s30+s3], $0x80, $0x38;
	[tilespmem:$0x1C200] =	vst v63  }
0x48: {  	_ =	swait.ge [sflag:s31], $0x80  }
0x49: {  	[sflag:s31] =	ssyncset.done $0x0  }
0x4a: {  	s19 =	simm.s32 $0x0;
	[sflag:s31] =	ssyncadd.s32 $0xFFFFFF80  }
0x4b: {  	[tilespmem:s20], [sflag:$0xD] =	stream.indirect.gather [hbm4b:s4+s22], $0x80, s3, s22, $0xb8;
	[tilespmem:$0x1C200] =	vst v63  }
.LBB2_2:
0x4c: {  	_ =	swait.ge [sflag:s2], $0x4000  }
0x4d: {  	s5 =	rddreg [dreg:$0x7]  }
0x4e: {  	[sflag:s2] =	ssyncset.done $0x0;
	s5 =	sadd.s32 s19, s5  }
0x4f: {  	s30 =	simm.s32 $0x5;
	[sflag:s2] =	ssyncadd.s32 $0xFFFFC000;
	s6 =	sadd.s32 $0x40, s5  }
0x50: {  	[tilespmem:s3], [sflag:$0x1] =	stream.linear.gather [hbm4b:s6+s3], $0x80, $0x38;
	[tilespmem:$0x1C200] =	vst v63  }
0x51: {  	_ =	swait.ge [sflag:s30], $0x80  }
0x52: {  	p0 =	seq.s32 s19, $0x0;
	[sflag:s30] =	ssyncset.done $0x0  }
0x53: {  	s31 =	simm.s32 $0x200;
	s6 =	simm.s32 @!p0 $0x10;
	[sflag:s30] =	ssyncadd.s32 $0xFFFFFF80  }
0x54: {  	[spmem:s1] =	stream.indirect.scatter.add.f32 [tilespmem:s20], [sflag:$0xF], $0x80, s31, s22, $0xb8;
	[tilespmem:$0x1C200] =	vst v63  }
0x55: {  	_ =	swait.ge @!p0 [sflag:s6], $0x4000  }
0x56: {  	s7 =	rddreg [dreg:$0xb]  }
0x57: {  	[sflag:s6] =	ssyncset.done @!p0 $0x0;
	s7 =	sadd.s32 s19, s7  }
0x58: {  	s9 =	simm.s32 $0x2;
	[sflag:s6] =	ssyncadd.s32 @!p0 $0xFFFFC000;
	s0 =	sadd.s32 $0x50, s7  }
0x59: {  	[tilespmem:s29], [sflag:$0xA] =	stream.linear.gather [hbm4b:s0+s3], $0x80, $0x38;
	[tilespmem:$0x1C200] =	vst v63  }
0x5a: {  	_ =	swait.ge [sflag:s9], $0x80  }
0x5b: {  	[sflag:s9] =	ssyncset.done $0x0  }
0x5c: {  	[sflag:s9] =	ssyncadd.s32 $0xFFFFFF80  }
0x5d: {  	[tilespmem:s10], [sflag:$0xE] =	stream.indirect.gather [hbm4b:s4+s22], $0x80, s22, s22, $0xb8;
	[tilespmem:$0x1C200] =	vst v63  }
0x5e: {  	_ =	swait.ge [sflag:s11], $0x4000  }
0x5f: {  	[sflag:s11] =	ssyncset.done $0x0  }
0x60: {  	s15 =	simm.s32 $0x6;
	s12 =	sadd.s32 $0x50, s5;
	[sflag:s11] =	ssyncadd.s32 $0xFFFFC000  }
0x61: {  	[tilespmem:s22], [sflag:$0x2] =	stream.linear.gather [hbm4b:s12+s3], $0x80, $0x38;
	[tilespmem:$0x1C200] =	vst v63  }
0x62: {  	_ =	swait.ge [sflag:s15], $0x80  }
0x63: {  	[sflag:s15] =	ssyncset.done $0x0  }
0x64: {  	s17 =	simm.s32 $0x280;
	[sflag:s15] =	ssyncadd.s32 $0xFFFFFF80  }
0x65: {  	[spmem:s1] =	stream.indirect.scatter.add.f32 [tilespmem:s10], [sflag:$0x10], $0x80, s17, s22, $0xb8;
	[tilespmem:$0x1C200] =	vst v63  }
0x66: {  	_ =	swait.ge [sflag:s14], $0x4000  }
0x67: {  	[sflag:s14] =	ssyncset.done $0x0  }
0x68: {  	s23 =	simm.s32 $0x3;
	s21 =	sadd.s32 $0x60, s7;
	[sflag:s14] =	ssyncadd.s32 $0xFFFFC000  }
0x69: {  	[tilespmem:s8], [sflag:$0xB] =	stream.linear.gather [hbm4b:s21+s3], $0x80, $0x38;
	[tilespmem:$0x1C200] =	vst v63  }
0x6a: {  	_ =	swait.ge [sflag:s23], $0x80  }
0x6b: {  	[sflag:s23] =	ssyncset.done $0x0  }
0x6c: {  	s9 =	simm.s32 $0x100;
	[sflag:s23] =	ssyncadd.s32 $0xFFFFFF80  }
0x6d: {  	[tilespmem:s20], [sflag:$0xD] =	stream.indirect.gather [hbm4b:s4+s22], $0x80, s9, s22, $0xb8;
	[tilespmem:$0x1C200] =	vst v63  }
0x6e: {  	_ =	swait.ge [sflag:s2], $0x4000  }
0x6f: {  	[sflag:s2] =	ssyncset.done $0x0  }
0x70: {  	s26 =	simm.s32 $0x7;
	s24 =	sadd.s32 $0x60, s5;
	[sflag:s2] =	ssyncadd.s32 $0xFFFFC000  }
0x71: {  	[tilespmem:s9], [sflag:$0x3] =	stream.linear.gather [hbm4b:s24+s3], $0x80, $0x38;
	[tilespmem:$0x1C200] =	vst v63  }
0x72: {  	_ =	swait.ge [sflag:s26], $0x80  }
0x73: {  	[sflag:s26] =	ssyncset.done $0x0  }
0x74: {  	s30 =	simm.s32 $0x300;
	[sflag:s26] =	ssyncadd.s32 $0xFFFFFF80  }
0x75: {  	[spmem:s1] =	stream.indirect.scatter.add.f32 [tilespmem:s20], [sflag:$0xF], $0x80, s30, s22, $0xb8;
	[tilespmem:$0x1C200] =	vst v63  }
0x76: {  	_ =	swait.ge [sflag:s18], $0x4000  }
0x77: {  	s31 =	sadd.s32 $0x70, s7;
	[sflag:s18] =	ssyncset.done $0x0  }
0x78: {  	s7 =	simm.s32 $0x4;
	s0 =	simm.s32 $0x580;
	[sflag:s18] =	ssyncadd.s32 $0xFFFFC000  }
0x79: {  	[tilespmem:s0], [sflag:$0xC] =	stream.linear.gather [hbm4b:s31+s3], $0x80, $0x38;
	[tilespmem:$0x1C200] =	vst v63  }
0x7a: {  	_ =	swait.ge [sflag:s7], $0x80  }
0x7b: {  	[sflag:s7] =	ssyncset.done $0x0  }
0x7c: {  	s9 =	simm.s32 $0x180;
	[sflag:s7] =	ssyncadd.s32 $0xFFFFFF80  }
0x7d: {  	[tilespmem:s10], [sflag:$0xE] =	stream.indirect.gather [hbm4b:s4+s22], $0x80, s9, s22, $0xb8;
	[tilespmem:$0x1C200] =	vst v63  }
0x7e: {  	_ =	swait.ge [sflag:s11], $0x4000  }
0x7f: {  	[sflag:s11] =	ssyncset.done $0x0  }
0x80: {  	s5 =	sadd.s32 $0x70, s5;
	s12 =	simm.s32 $0x8;
	[sflag:s11] =	ssyncadd.s32 $0xFFFFC000  }
0x81: {  	[tilespmem:s9], [sflag:$0x4] =	stream.linear.gather [hbm4b:s5+s3], $0x80, $0x38;
	[tilespmem:$0x1C200] =	vst v63  }
0x82: {  	_ =	swait.ge [sflag:s12], $0x80  }
0x83: {  	[sflag:s12] =	ssyncset.done $0x0  }
0x84: {  	s15 =	simm.s32 $0x380;
	[sflag:s12] =	ssyncadd.s32 $0xFFFFFF80  }
0x85: {  	[spmem:s1] =	stream.indirect.scatter.add.f32 [tilespmem:s10], [sflag:$0x10], $0x80, s15, s22, $0xb8;
	[tilespmem:$0x1C200] =	vst v63  }
0x86: {  	_ =	swait.ge [sflag:s14], $0x4000  }
0x87: {  	p0 =	seq.s32 s19, $0x480;
	[sflag:s14] =	ssyncset.done $0x0  }
0x88: {  	s5 =	simm.s32 @p0 $0x1;
	[sflag:s14] =	ssyncadd.s32 $0xFFFFC000  }
0x89: {  	_ =	swait.ge @p0 [sflag:s5], $0x80  }
0x8a: {  	s23 =	simm.s32 @p0 $0x80;
	s7 =	simm.s32 @p0 $0x600;
	[sflag:s5] =	ssyncset.done @p0 $0x0  }
0x8b: {  	s15 =	simm.s32 @p0 $0xD;
	[sflag:s5] =	ssyncadd.s32 @p0 $0xFFFFFF80;
	s5 =	simm.s32 @p0 $0x0  }
0x8c: {  	[tilespmem:s7], [sflag:$0xD] =	stream.indirect.gather @p0 [hbm4b:s4+s23], $0x80, s5, s23, $0xb8;
	[tilespmem:$0x1C200] =	vst v63  }
0x8d: {  	_ =	swait.ge @p0 [sflag:s15], $0x4000  }
0x8e: {  	s24 =	sadd.s32 @!p0 s19, s16;
	[sflag:s15] =	ssyncset.done @p0 $0x0  }
0x8f: {  	s12 =	simm.s32 @!p0 $0x0;
	s5 =	simm.s32 @!p0 $0x200;
	[sflag:s15] =	ssyncadd.s32 @p0 $0xFFFFC000  }
0x90: {  	[tilespmem:s5], [sflag:$0x5] =	stream.linear.gather @!p0 [hbm4b:s24+s12], $0x80, $0x38;
	[tilespmem:$0x1C200] =	vst v63  }
0x91: {  	s5 =	simm.s32 @!p0 $0x1  }
0x92: {  	_ =	swait.ge @!p0 [sflag:s5], $0x80  }
0x93: {  	s30 =	simm.s32 @!p0 $0x80;
	[sflag:s5] =	ssyncset.done @!p0 $0x0  }
0x94: {  	s31 =	simm.s32 @!p0 $0xD;
	[sflag:s5] =	ssyncadd.s32 @!p0 $0xFFFFFF80;
	s5 =	simm.s32 @!p0 $0x600  }
0x95: {  	[tilespmem:s5], [sflag:$0xD] =	stream.indirect.gather @!p0 [hbm4b:s4+s30], $0x80, s12, s30, $0xb8;
	[tilespmem:$0x1C200] =	vst v63  }
0x96: {  	_ =	swait.ge @!p0 [sflag:s31], $0x4000  }
0x97: {  	[sflag:s31] =	ssyncset.done @!p0 $0x0;
	s6 =	rddreg [dreg:$0x12]  }
0x98: {  	s17 =	simm.s32 $0x9;
	[sflag:s31] =	ssyncadd.s32 @!p0 $0xFFFFC000;
	s6 =	sadd.s32 @!p0 s19, s6  }
0x99: {  	[tilespmem:s12], [sflag:$0x1] =	stream.linear.gather @!p0 [hbm4b:s6+s12], $0x80, $0x38;
	[tilespmem:$0x1C200] =	vst v63  }
0x9a: {  	_ =	swait.ge [sflag:s17], $0x80  }
0x9b: {  	[sflag:s17] =	ssyncset.done $0x0  }
0x9c: {  	[sflag:s17] =	ssyncadd.s32 $0xFFFFFF80  }
0x9d: {  	[spmem:s1] =	stream.indirect.scatter.add.f32 [tilespmem:s20], [sflag:$0xF], $0x80, s13, s22, $0xb8;
	[tilespmem:$0x1C200] =	vst v63  }
0x9e: {  	_ =	swait.ge [sflag:s18], $0x4000  }
0x9f: {  	[sflag:s18] =	ssyncset.done $0x0  }
0xa0: {  	s9 =	simm.s32 @p0 $0x2;
	[sflag:s18] =	ssyncadd.s32 $0xFFFFC000  }
0xa1: {  	_ =	swait.ge @p0 [sflag:s9], $0x80  }
0xa2: {  	[sflag:s9] =	ssyncset.done @p0 $0x0  }
0xa3: {  	s0 =	simm.s32 @p0 $0x4600;
	[sflag:s9] =	ssyncadd.s32 @p0 $0xFFFFFF80;
	s9 =	simm.s32 @p0 $0xE  }
0xa4: {  	[tilespmem:s0], [sflag:$0xE] =	stream.indirect.gather @p0 [hbm4b:s4+s23], $0x80, s23, s23, $0xb8;
	[tilespmem:$0x1C200] =	vst v63  }
0xa5: {  	_ =	swait.ge @p0 [sflag:s9], $0x4000  }
0xa6: {  	[sflag:s9] =	ssyncset.done @p0 $0x0  }
0xa7: {  	s17 =	simm.s32 @!p0 $0x280;
	s13 =	sadd.s32 @!p0 $0x10, s24;
	[sflag:s9] =	ssyncadd.s32 @p0 $0xFFFFC000  }
0xa8: {  	[tilespmem:s17], [sflag:$0x6] =	stream.linear.gather @!p0 [hbm4b:s13+s12], $0x80, $0x38;
	[tilespmem:$0x1C200] =	vst v63  }
0xa9: {  	s13 =	simm.s32 @!p0 $0x2  }
0xaa: {  	_ =	swait.ge @!p0 [sflag:s13], $0x80  }
0xab: {  	[sflag:s13] =	ssyncset.done @!p0 $0x0  }
0xac: {  	s17 =	simm.s32 @!p0 $0x4600;
	[sflag:s13] =	ssyncadd.s32 @!p0 $0xFFFFFF80;
	s13 =	simm.s32 @!p0 $0xE  }
0xad: {  	[tilespmem:s17], [sflag:$0xE] =	stream.indirect.gather @!p0 [hbm4b:s4+s30], $0x80, s30, s30, $0xb8;
	[tilespmem:$0x1C200] =	vst v63  }
0xae: {  	_ =	swait.ge @!p0 [sflag:s13], $0x4000  }
0xaf: {  	[sflag:s13] =	ssyncset.done @!p0 $0x0  }
0xb0: {  	s21 =	sadd.s32 @!p0 $0x10, s6;
	[sflag:s13] =	ssyncadd.s32 @!p0 $0xFFFFC000  }
0xb1: {  	[tilespmem:s30], [sflag:$0x2] =	stream.linear.gather @!p0 [hbm4b:s21+s12], $0x80, $0x38;
	[tilespmem:$0x1C200] =	vst v63  }
0xb2: {  	s21 =	simm.s32 $0xA  }
0xb3: {  	_ =	swait.ge [sflag:s21], $0x80  }
0xb4: {  	[sflag:s21] =	ssyncset.done $0x0  }
0xb5: {  	[sflag:s21] =	ssyncadd.s32 $0xFFFFFF80  }
0xb6: {  	[spmem:s1] =	stream.indirect.scatter.add.f32 [tilespmem:s10], [sflag:$0x10], $0x80, s29, s22, $0xb8;
	[tilespmem:$0x1C200] =	vst v63  }
0xb7: {  	_ =	swait.ge [sflag:s14], $0x4000  }
0xb8: {  	[sflag:s14] =	ssyncset.done $0x0  }
0xb9: {  	s21 =	simm.s32 @p0 $0x3;
	[sflag:s14] =	ssyncadd.s32 $0xFFFFC000  }
0xba: {  	_ =	swait.ge @p0 [sflag:s21], $0x80  }
0xbb: {  	[sflag:s21] =	ssyncset.done @p0 $0x0  }
0xbc: {  	[sflag:s21] =	ssyncadd.s32 @p0 $0xFFFFFF80;
	s21 =	simm.s32 @p0 $0x100  }
0xbd: {  	[tilespmem:s7], [sflag:$0xD] =	stream.indirect.gather @p0 [hbm4b:s4+s23], $0x80, s21, s23, $0xb8;
	[tilespmem:$0x1C200] =	vst v63  }
0xbe: {  	_ =	swait.ge @p0 [sflag:s15], $0x4000  }
0xbf: {  	[sflag:s15] =	ssyncset.done @p0 $0x0  }
0xc0: {  	s7 =	sadd.s32 @!p0 $0x20, s24;
	[sflag:s15] =	ssyncadd.s32 @p0 $0xFFFFC000;
	s15 =	simm.s32 @!p0 $0x300  }
0xc1: {  	[tilespmem:s15], [sflag:$0x7] =	stream.linear.gather @!p0 [hbm4b:s7+s12], $0x80, $0x38;
	[tilespmem:$0x1C200] =	vst v63  }
0xc2: {  	s7 =	simm.s32 @!p0 $0x3  }
0xc3: {  	_ =	swait.ge @!p0 [sflag:s7], $0x80  }
0xc4: {  	[sflag:s7] =	ssyncset.done @!p0 $0x0  }
0xc5: {  	[sflag:s7] =	ssyncadd.s32 @!p0 $0xFFFFFF80;
	s7 =	simm.s32 @!p0 $0x100  }
0xc6: {  	[tilespmem:s5], [sflag:$0xD] =	stream.indirect.gather @!p0 [hbm4b:s4+s30], $0x80, s7, s30, $0xb8;
	[tilespmem:$0x1C200] =	vst v63  }
0xc7: {  	_ =	swait.ge @!p0 [sflag:s31], $0x4000  }
0xc8: {  	[sflag:s31] =	ssyncset.done @!p0 $0x0  }
0xc9: {  	s21 =	simm.s32 $0xB;
	s5 =	sadd.s32 @!p0 $0x20, s6;
	[sflag:s31] =	ssyncadd.s32 @!p0 $0xFFFFC000  }
0xca: {  	[tilespmem:s7], [sflag:$0x3] =	stream.linear.gather @!p0 [hbm4b:s5+s12], $0x80, $0x38;
	[tilespmem:$0x1C200] =	vst v63  }
0xcb: {  	_ =	swait.ge [sflag:s21], $0x80  }
0xcc: {  	[sflag:s21] =	ssyncset.done $0x0  }
0xcd: {  	[sflag:s21] =	ssyncadd.s32 $0xFFFFFF80  }
0xce: {  	[spmem:s1] =	stream.indirect.scatter.add.f32 [tilespmem:s20], [sflag:$0xF], $0x80, s8, s22, $0xb8;
	[tilespmem:$0x1C200] =	vst v63  }
0xcf: {  	_ =	swait.ge [sflag:s18], $0x4000  }
0xd0: {  	[sflag:s18] =	ssyncset.done $0x0  }
0xd1: {  	s5 =	simm.s32 @p0 $0x4;
	[sflag:s18] =	ssyncadd.s32 $0xFFFFC000  }
0xd2: {  	_ =	swait.ge @p0 [sflag:s5], $0x80  }
0xd3: {  	[sflag:s5] =	ssyncset.done @p0 $0x0  }
0xd4: {  	[sflag:s5] =	ssyncadd.s32 @p0 $0xFFFFFF80;
	s5 =	simm.s32 @p0 $0x180  }
0xd5: {  	[tilespmem:s0], [sflag:$0xE] =	stream.indirect.gather @p0 [hbm4b:s4+s23], $0x80, s5, s23, $0xb8;
	[tilespmem:$0x1C200] =	vst v63  }
0xd6: {  	_ =	swait.ge @p0 [sflag:s9], $0x4000  }
0xd7: {  	[sflag:s9] =	ssyncset.done @p0 $0x0  }
0xd8: {  	s7 =	simm.s32 @!p0 $0x380;
	s5 =	sadd.s32 @!p0 $0x30, s24;
	[sflag:s9] =	ssyncadd.s32 @p0 $0xFFFFC000  }
0xd9: {  	[tilespmem:s7], [sflag:$0x8] =	stream.linear.gather @!p0 [hbm4b:s5+s12], $0x80, $0x38;
	[tilespmem:$0x1C200] =	vst v63  }
0xda: {  	s5 =	simm.s32 @!p0 $0x4  }
0xdb: {  	_ =	swait.ge @!p0 [sflag:s5], $0x80  }
0xdc: {  	[sflag:s5] =	ssyncset.done @!p0 $0x0  }
0xdd: {  	[sflag:s5] =	ssyncadd.s32 @!p0 $0xFFFFFF80;
	s5 =	simm.s32 @!p0 $0x180  }
0xde: {  	[tilespmem:s17], [sflag:$0xE] =	stream.indirect.gather @!p0 [hbm4b:s4+s30], $0x80, s5, s30, $0xb8;
	[tilespmem:$0x1C200] =	vst v63  }
0xdf: {  	_ =	swait.ge @!p0 [sflag:s13], $0x4000  }
0xe0: {  	[sflag:s13] =	ssyncset.done @!p0 $0x0  }
0xe1: {  	s6 =	sadd.s32 @!p0 $0x30, s6;
	s30 =	simm.s32 $0xC;
	[sflag:s13] =	ssyncadd.s32 @!p0 $0xFFFFC000  }
0xe2: {  	[tilespmem:s5], [sflag:$0x4] =	stream.linear.gather @!p0 [hbm4b:s6+s12], $0x80, $0x38;
	[tilespmem:$0x1C200] =	vst v63  }
0xe3: {  	_ =	swait.ge [sflag:s30], $0x80  }
0xe4: {  	[sflag:s30] =	ssyncset.done $0x0  }
.Ltmp2:
0xe5: {  	s31 =	simm.s32 $0x580;
	[sflag:s30] =	ssyncadd.s32 $0xFFFFFF80;
	(pc) =	sbr.rel @p0 .LBB2_4-.Ltmp2, $4  }
0xe6: {  	[spmem:s1] =	stream.indirect.scatter.add.f32 [tilespmem:s10], [sflag:$0x10], $0x80, s31, s22, $0xb8;
	[tilespmem:$0x1C200] =	vst v63  }
0xe7: {  	_ =	swait.ge [sflag:s14], $0x4000  }
0xe8: {  	[sflag:s14] =	ssyncset.done $0x0  }
0xe9: {  	s25 =	simm.s32 $0x100;
	s26 =	simm.s32 $0x180;
	[sflag:s14] =	ssyncadd.s32 $0xFFFFC000  }
0xea: {  	s5 =	sadd.s32 s19, s16  }
0xeb: {  	s5 =	sadd.s32 $0x40, s5  }
0xec: {  	[tilespmem:s28], [sflag:$0x9] =	stream.linear.gather [hbm4b:s5+s3], $0x80, $0x38;
	[tilespmem:$0x1C200] =	vst v63  }
.Ltmp3:
0xed: {  	s31 =	simm.s32 $0x1;
	(pc) =	sbr.rel .LBB2_2-.Ltmp3, $4  }
0xee: {  	_ =	swait.ge [sflag:s31], $0x80  }
0xef: {  	[sflag:s31] =	ssyncset.done $0x0  }
0xf0: {  	s19 =	sadd.s32 $0x80, s19;
	s13 =	simm.s32 $0x400;
	[sflag:s31] =	ssyncadd.s32 $0xFFFFFF80  }
0xf1: {  	[tilespmem:s20], [sflag:$0xD] =	stream.indirect.gather [hbm4b:s4+s22], $0x80, s3, s22, $0xb8;
	[tilespmem:$0x1C200] =	vst v63  }
.LBB2_5:
0xf2: {  	_ =	sfence.sel $0x180000  }
0xf3: {  	[bflag:$0x0] =	sbarrier.arrive $0xFFFF  }
0xf4: {  	_ =	strace $0x9000004D  }
0xf5: {  	s0 =	stileid.u32;
	[bflag:$0x2] =	sbarrier.arrive $0xFFFF  }
0xf6: {  	p0 =	sne.s32 s0, $0x0;
	s0 =	rddreg [dreg:$0x3]  }
0xf7: {  	s0 =	sadd.s32 @!p0 $0x100000, s0  }
0xf8: {  	[sflag:s0] =	ssyncadd.tile.s32 @!p0 $0x1;
	_ =	shalt  }
.Lfunc_end2:
_tile_overlayer_lowered:
.L_overlay_start_2:
0xf9: {  	(tag) =	ssettag $0x2  }
0xfa: {  	s0 =	rddreg [dreg:$0x0];
	s2 =	stileid.u32  }
0xfb: {  	s1 =	rddreg [dreg:$0x1];
	p0 =	sne.s32 s2, $0x0  }
0xfc: {  	s3 =	rddreg [dreg:$0x2];
	[bflag:$0x3] =	sbarrier.arrive $0xFFFF;
	s2 =	simm.s32 @!p0 $0x1C11  }
0xfd: {  	[timem:s3], [sflag:s2] =	dma.local @!p0 [hbm:s0], s1  }
0xfe: {  	s0 =	simm.s32 @!p0 $0x11  }
0xff: {  	_ =	swait.ge @!p0 [sflag:s0], s1  }
0x100: {  	s1 =	ssub.s32 @!p0 $0x0, s1;
	[sflag:s0] =	ssyncset.done @!p0 $0x0  }
0x101: {  	[sflag:s0] =	ssyncadd.s32 @!p0 s1  }
0x102: {  	[bflag:$0x3] =	sbarrier.arrive $0xFFFF  }
0x103: {  	_ =	shalt  }

</sc_bundles>
